<compile_context>
chip_gen: v7x
topology: tpu7x:2x2x1
jax: 0.10.2.dev20260603
libtpu: 0.0.44.dev20260713+nightly
codegen_flags: <defaults>
</compile_context>

<pallas_src>
import functools

import jax
import jax.numpy as jnp
from jax import lax
from jax.experimental import pallas as pl
from jax.experimental.pallas import tpu as pltpu
from jax.experimental.pallas import tpu_sc as plsc

_SPATIAL = (64, 128, 256)
_TEMPORAL = (32, 64, 128)
_C = 32
_NC, _NS, _L = 2, 16, 16
_NW = _NC * _NS
_P = 16

_BASES = []
_base = 0
for _l in range(3):
    _S, _T = _SPATIAL[_l], _TEMPORAL[_l]
    _BASES.append((_base, _base + 3 * _S * _S))
    _base += 3 * _S * _S + 3 * _T * _S
_R = _base


def _shift_w(a):
    return jnp.concatenate([a[..., 1:], a[..., -1:]], axis=-1)


def _shift_h(a):
    return jnp.concatenate([a[..., 1:, :], a[..., -1:, :]], axis=-2)


def _pack_group(arr):
    p10 = _shift_h(arr)
    st = jnp.stack([arr, _shift_w(arr), p10, _shift_w(p10)], axis=1)
    st = st.transpose(0, 3, 4, 1, 2)
    return st.reshape(-1, 4 * _C)


def _pack_table(sp0, sp1, sp2, tp0, tp1, tp2):
    groups = []
    for sp, tp in ((sp0, tp0), (sp1, tp1), (sp2, tp2)):
        groups.append(_pack_group(sp))
        groups.append(_pack_group(tp))
    return jnp.concatenate(groups, axis=0)


_GATHER_DNUMS = lax.GatherDimensionNumbers(
    offset_dims=(), collapsed_slice_dims=(0,), start_index_map=(0,))


def _bcast_lane(vec, lane_vec):
    return lax.gather(vec, lane_vec[:, None], _GATHER_DNUMS, (1,),
                      mode=lax.GatherScatterMode.PROMISE_IN_BOUNDS)


@functools.lru_cache(maxsize=None)
def _make_sc(N):
    NPW = N // _NW
    NB = NPW // _P
    mesh = plsc.VectorSubcoreMesh(core_axis_name="c", subcore_axis_name="s")

    @functools.partial(
        pl.kernel,
        out_type=jax.ShapeDtypeStruct((N * 96,), jnp.float32),
        mesh=mesh,
        scratch_types=[
            pltpu.VMEM((16,), jnp.float32),
            pltpu.VMEM((_P,), jnp.float32),
            pltpu.VMEM((_P,), jnp.float32),
            pltpu.VMEM((_P,), jnp.float32),
            pltpu.VMEM((_P,), jnp.float32),
            pltpu.VMEM((18, _P), jnp.int32),
            pltpu.VMEM((18 * 4, _P), jnp.float32),
            pltpu.VMEM((18, _P, 4 * _C), jnp.float32),
            pltpu.VMEM((_P * 96,), jnp.float32),
            pltpu.SemaphoreType.DMA,
        ],
    )
    def sc_fn(table, xs, ys, zs, ts, par, out_hbm,
              pbuf, xb, yb, zb, tb, idx_v, w_v, rows_v, ob, sem):
        wid = lax.axis_index("s") * _NC + lax.axis_index("c")
        pltpu.sync_copy(par, pbuf)
        pv = pbuf[pl.ds(0, 16)]
        lox, loy, loz = pv[0], pv[1], pv[2]
        ivx, ivy, ivz = pv[3], pv[4], pv[5]
        base_w = wid * NPW

        @pl.loop(0, NB)
        def _block(b):
            bp = base_w + b * _P
            pltpu.sync_copy(xs.at[pl.ds(bp, _P)], xb)
            pltpu.sync_copy(ys.at[pl.ds(bp, _P)], yb)
            pltpu.sync_copy(zs.at[pl.ds(bp, _P)], zb)
            pltpu.sync_copy(ts.at[pl.ds(bp, _P)], tb)

            sl = pl.ds(0, _L)
            ux = jnp.clip((xb[sl] - lox) * ivx, 0.0, 1.0)
            uy = jnp.clip((yb[sl] - loy) * ivy, 0.0, 1.0)
            uz = jnp.clip((zb[sl] - loz) * ivz, 0.0, 1.0)
            ut = tb[sl]
            for l in range(3):
                S, T = _SPATIAL[l], _TEMPORAL[l]
                spb, tpb = _BASES[l]
                px = ux * (S - 1.0)
                py = uy * (S - 1.0)
                pz = uz * (S - 1.0)
                pt = ut * (T - 1.0)
                ix = px.astype(jnp.int32)
                iy = py.astype(jnp.int32)
                iz = pz.astype(jnp.int32)
                it = pt.astype(jnp.int32)
                fx = px - ix.astype(jnp.float32)
                fy = py - iy.astype(jnp.float32)
                fz = pz - iz.astype(jnp.float32)
                ft = pt - it.astype(jnp.float32)
                gx, gy, gz, gt = 1.0 - fx, 1.0 - fy, 1.0 - fz, 1.0 - ft
                planes = (
                    (iy, ix, gy, fy, gx, fx, spb),
                    (iz, iy, gz, fz, gy, fy, spb + S * S),
                    (iz, ix, gz, fz, gx, fx, spb + 2 * S * S),
                    (it, ix, gt, ft, gx, fx, tpb),
                    (it, iy, gt, ft, gy, fy, tpb + T * S),
                    (it, iz, gt, ft, gz, fz, tpb + 2 * T * S),
                )
                for jj, (ih, iw, wh0, wh1, ww0, ww1, pb) in enumerate(planes):
                    j = l * 6 + jj
                    idx_v[j, sl] = ih * S + iw + pb
                    w_v[j * 4 + 0, sl] = wh0 * ww0
                    w_v[j * 4 + 1, sl] = wh0 * ww1
                    w_v[j * 4 + 2, sl] = wh1 * ww0
                    w_v[j * 4 + 3, sl] = wh1 * ww1

            descs = [
                pltpu.async_copy(table.at[idx_v.at[j]], rows_v.at[j], sem)
                for j in range(18)
            ]
            for d in descs:
                d.wait()

            @pl.loop(0, _P)
            def _pt(p):
                pvec = jnp.full((16,), p, jnp.int32)
                for l in range(3):
                    acc0 = None
                    acc1 = None
                    for jj in range(6):
                        j = l * 6 + jj
                        w00 = _bcast_lane(w_v[j * 4 + 0, sl], pvec)
                        w01 = _bcast_lane(w_v[j * 4 + 1, sl], pvec)
                        w10 = _bcast_lane(w_v[j * 4 + 2, sl], pvec)
                        w11 = _bcast_lane(w_v[j * 4 + 3, sl], pvec)
                        e0 = (rows_v[j, p, pl.ds(0, 16)] * w00
                              + rows_v[j, p, pl.ds(32, 16)] * w01
                              + rows_v[j, p, pl.ds(64, 16)] * w10
                              + rows_v[j, p, pl.ds(96, 16)] * w11)
                        e1 = (rows_v[j, p, pl.ds(16, 16)] * w00
                              + rows_v[j, p, pl.ds(48, 16)] * w01
                              + rows_v[j, p, pl.ds(80, 16)] * w10
                              + rows_v[j, p, pl.ds(112, 16)] * w11)
                        if acc0 is None:
                            acc0, acc1 = e0, e1
                        else:
                            acc0 = acc0 * e0
                            acc1 = acc1 * e1
                    ob[pl.ds(p * 96 + l * 32, 16)] = acc0
                    ob[pl.ds(p * 96 + l * 32 + 16, 16)] = acc1

            pltpu.sync_copy(ob, out_hbm.at[pl.ds(bp * 96, _P * 96)])

    return sc_fn


def kernel(in_tensor, time, bbox, sp0, sp1, sp2, tp0, tp1, tp2):
    sh = in_tensor.shape
    N = sh[0] * sh[1]
    pts = in_tensor.reshape(-1, 3)
    xs = pts[:, 0]
    ys = pts[:, 1]
    zs = pts[:, 2]
    ts = time.reshape(-1)
    lo = bbox[0]
    inv = 1.0 / (bbox[1] - bbox[0])
    par = jnp.concatenate([lo, inv, jnp.zeros(10, jnp.float32)])
    table = _pack_table(sp0, sp1, sp2, tp0, tp1, tp2)
    out = _make_sc(N)(table, xs, ys, zs, ts, par)
    return out.reshape(sh[0], sh[1], 96)

# --- scband reference (transcript-rebuilt; emitter-appended) ---
"""Pipeline reference for scband-kplanes-encoder-14680198218027 (READ-ONLY COPY).

The authoritative reference and input builder live on the scoring server;
editing this copy changes nothing except your own understanding.
"""

import jax, jax.numpy as jnp
import numpy as np

SPATIAL_RES = [64, 128, 256]
TEMPORAL_RES = [32, 64, 128]
NUM_FEAT_CH = 32


def grid_sample_plane(plane, grid):
    # plane: [C, H, W]; grid: [N, 2] in [-1, 1], grid[:,0] -> W (x), grid[:,1] -> H (y)
    # Matches torch F.grid_sample(align_corners=True, mode='bilinear') for in-range coords.
    C, H, W = plane.shape
    x = (grid[:, 0] + 1.0) * 0.5 * (W - 1)
    y = (grid[:, 1] + 1.0) * 0.5 * (H - 1)
    x0 = jnp.floor(x)
    y0 = jnp.floor(y)
    wx1 = x - x0
    wy1 = y - y0
    wx0 = 1.0 - wx1
    wy0 = 1.0 - wy1
    x0i = jnp.clip(x0, 0, W - 1).astype(jnp.int32)
    x1i = jnp.clip(x0 + 1.0, 0, W - 1).astype(jnp.int32)
    y0i = jnp.clip(y0, 0, H - 1).astype(jnp.int32)
    y1i = jnp.clip(y0 + 1.0, 0, H - 1).astype(jnp.int32)
    v00 = plane[:, y0i, x0i]
    v01 = plane[:, y0i, x1i]
    v10 = plane[:, y1i, x0i]
    v11 = plane[:, y1i, x1i]
    out = v00 * (wy0 * wx0) + v01 * (wy0 * wx1) + v10 * (wy1 * wx0) + v11 * (wy1 * wx1)
    return out.T  # [N, C]


def setup_inputs(seed: int = 0) -> dict:
    key = jax.random.key(seed)
    ks = jax.random.split(key, 10)
    in_tensor = jax.random.normal(ks[0], (4096, 128, 3), dtype=jnp.float32)
    time = jax.random.uniform(ks[1], (4096, 128), dtype=jnp.float32)
    bbox = jnp.arange(6, dtype=jnp.float32).reshape(2, 3)
    inp = {"in_tensor": in_tensor, "time": time, "bbox": bbox}
    for i, (sr, tr) in enumerate(zip(SPATIAL_RES, TEMPORAL_RES)):
        inp["sp%d" % i] = jax.random.uniform(ks[2 + i], (3, NUM_FEAT_CH, sr, sr), minval=0.1, maxval=0.15, dtype=jnp.float32)
        inp["tp%d" % i] = jax.random.uniform(ks[5 + i], (3, NUM_FEAT_CH, tr, sr), minval=0.9, maxval=1.1, dtype=jnp.float32)
    return inp


def _forward(in_tensor, time, bbox, sp0, sp1, sp2, tp0, tp1, tp2):
    sh = in_tensor.shape
    xyz = (in_tensor.reshape(-1, 3) - bbox[:1]) / (bbox[1:] - bbox[:1])
    xyz = jnp.clip(xyz, 0.0, 1.0)
    t = time.reshape(-1, 1)
    xy = xyz[:, :2]
    yz = xyz[:, 1:]
    xz = xyz[:, jnp.array([0, 2])]
    spatial_coord = jnp.stack([xy, yz, xz], axis=0) * 2.0 - 1.0  # [3, N, 2]
    xt = jnp.concatenate([xyz[:, :1], t], axis=-1)
    yt = jnp.concatenate([xyz[:, 1:2], t], axis=-1)
    zt = jnp.concatenate([xyz[:, 2:], t], axis=-1)
    temporal_coord = jnp.stack([xt, yt, zt], axis=0) * 2.0 - 1.0  # [3, N, 2]
    outs = []
    for sp, tp in ((sp0, tp0), (sp1, tp1), (sp2, tp2)):
        s_emb = jax.vmap(grid_sample_plane)(sp, spatial_coord)  # [3, N, C]
        t_emb = jax.vmap(grid_sample_plane)(tp, temporal_coord)  # [3, N, C]
        emb = jnp.concatenate([s_emb, t_emb], axis=0)  # [6, N, C]
        emb = jnp.prod(emb, axis=0)  # planes_composite == 'product'
        outs.append(emb)
    out = jnp.concatenate(outs, axis=-1)  # res_composite == 'concat' -> [N, 3*C]
    return out.reshape(sh[:-1] + (out.shape[-1],))


def reference(in_tensor, time, bbox, sp0, sp1, sp2, tp0, tp1, tp2):
    return _forward(in_tensor, time, bbox, sp0, sp1, sp2, tp0, tp1, tp2)

if __name__ == "__main__":
    import jax
    _d = setup_inputs()
    print(jax.jit(kernel)(*tuple(_d.values())))

</pallas_src>

<mosaic_0001>
#map = affine_map<(d0, d1) -> (0, 0)>
#map1 = affine_map<(d0, d1) -> (0)>
module attributes {stable_mosaic.version = 14 : i64} {
  func.func @sc_fn(%arg0: i32, %arg1: i32, %arg2: memref<387072x128xf32, #tpu.memory_space<hbm>>, %arg3: memref<524288xf32, #tpu.memory_space<hbm>>, %arg4: memref<524288xf32, #tpu.memory_space<hbm>>, %arg5: memref<524288xf32, #tpu.memory_space<hbm>>, %arg6: memref<524288xf32, #tpu.memory_space<hbm>>, %arg7: memref<16xf32, #tpu.memory_space<hbm>>, %arg8: memref<50331648xf32, #tpu.memory_space<hbm>>, %arg9: memref<16xf32, #tpu.memory_space<vmem>>, %arg10: memref<16xf32, #tpu.memory_space<vmem>>, %arg11: memref<16xf32, #tpu.memory_space<vmem>>, %arg12: memref<16xf32, #tpu.memory_space<vmem>>, %arg13: memref<16xf32, #tpu.memory_space<vmem>>, %arg14: memref<18x16xi32, #tpu.memory_space<vmem>>, %arg15: memref<72x16xf32, #tpu.memory_space<vmem>>, %arg16: memref<18x16x128xf32, #tpu.memory_space<vmem>>, %arg17: memref<1536xf32, #tpu.memory_space<vmem>>, %arg18: memref<!tpu.dma_semaphore, #tpu.memory_space<semaphore_mem>>) attributes {dimension_semantics = [#tpu.dimension_semantics<core_parallel>, #tpu.dimension_semantics<subcore_parallel>], iteration_bounds = array<i64: 2, 16>, scalar_prefetch = 0 : i64, scratch_operands = 10 : i64, tpu.core_type = #tpu.core_type<sc_vector_subcore>, window_params = [{transform_indices = #map}, {transform_indices = #map1}, {transform_indices = #map1}, {transform_indices = #map1}, {transform_indices = #map1}, {transform_indices = #map1}, {transform_indices = #map1}]} {
    %mul3A = arith.constant 2 : i32
    %mul3A_0 = arith.muli %arg1, %mul3A : i32
    %add3A = arith.addi %mul3A_0, %arg0 : i32
    "tpu.region"() ({
      %run_scoped3A = tpu.sem_alloc : memref<!tpu.dma_semaphore, #tpu.memory_space<semaphore_mem>>
      tpu.enqueue_dma source(%arg7 : memref<16xf32, #tpu.memory_space<hbm>>) target(%arg9 : memref<16xf32, #tpu.memory_space<vmem>>) target_semaphore(%run_scoped3A : memref<!tpu.dma_semaphore, #tpu.memory_space<semaphore_mem>>)
      tpu.wait_dma2 semaphore(%run_scoped3A : memref<!tpu.dma_semaphore, #tpu.memory_space<semaphore_mem>>) src(%arg7 : memref<16xf32, #tpu.memory_space<hbm>>) dst(%arg9 : memref<16xf32, #tpu.memory_space<vmem>>)
      tpu.yield
    }) : () -> ()
    %get3A = arith.constant 0 : index
    %get3A_1 = tpu.vector_load %arg9[%get3A] {strides = array<i32>} : memref<16xf32, #tpu.memory_space<vmem>>, vector<16xf32>,
    %get3A_2 = vector.shape_cast %get3A_1 : vector<16xf32> to vector<16xf32>
    %slice3A = vector.extract_strided_slice %get3A_2 {offsets = [0], sizes = [1], strides = [1]} : vector<16xf32> to vector<1xf32>
    %squeeze3A = vector.extract %slice3A[0] : f32 from vector<1xf32>
    %slice3A_3 = vector.extract_strided_slice %get3A_2 {offsets = [1], sizes = [1], strides = [1]} : vector<16xf32> to vector<1xf32>
    %squeeze3A_4 = vector.extract %slice3A_3[0] : f32 from vector<1xf32>
    %slice3A_5 = vector.extract_strided_slice %get3A_2 {offsets = [2], sizes = [1], strides = [1]} : vector<16xf32> to vector<1xf32>
    %squeeze3A_6 = vector.extract %slice3A_5[0] : f32 from vector<1xf32>
    %slice3A_7 = vector.extract_strided_slice %get3A_2 {offsets = [3], sizes = [1], strides = [1]} : vector<16xf32> to vector<1xf32>
    %squeeze3A_8 = vector.extract %slice3A_7[0] : f32 from vector<1xf32>
    %slice3A_9 = vector.extract_strided_slice %get3A_2 {offsets = [4], sizes = [1], strides = [1]} : vector<16xf32> to vector<1xf32>
    %squeeze3A_10 = vector.extract %slice3A_9[0] : f32 from vector<1xf32>
    %slice3A_11 = vector.extract_strided_slice %get3A_2 {offsets = [5], sizes = [1], strides = [1]} : vector<16xf32> to vector<1xf32>
    %squeeze3A_12 = vector.extract %slice3A_11[0] : f32 from vector<1xf32>
    %mul3A_13 = arith.constant 16384 : i32
    %mul3A_14 = arith.muli %add3A, %mul3A_13 : i32
    %scan3A = arith.constant 0 : i32
    %scan3A_15 = arith.constant 1024 : i32
    %scan3A_16 = arith.addi %scan3A, %scan3A_15 : i32
    %scan3A_17 = arith.constant 1 : i32
    scf.for %scan3A_19 = %scan3A to %scan3A_16 step %scan3A_17  : i32 {
      %mul3A_20 = arith.constant 1 : i32
      %mul3A_21 = arith.muli %scan3A_19, %mul3A_20 : i32
      %add3A_22 = arith.constant 0 : i32
      %add3A_23 = arith.addi %add3A_22, %mul3A_21 : i32
      %mul3A_24 = arith.constant 16 : i32
      %mul3A_25 = arith.muli %add3A_23, %mul3A_24 : i32
      %add3A_26 = arith.addi %mul3A_14, %mul3A_25 : i32
      "tpu.region"() ({
        %run_scoped3A = tpu.sem_alloc : memref<!tpu.dma_semaphore, #tpu.memory_space<semaphore_mem>>
        %dma_start3A_1346 = tpu.memref_slice %arg3[%add3A_26] : memref<524288xf32, #tpu.memory_space<hbm>> -> memref<16xf32, #tpu.memory_space<hbm>>
        %dma_start3A_1347 = tpu.memref_slice %arg3[%add3A_26] : memref<524288xf32, #tpu.memory_space<hbm>> -> memref<16xf32, #tpu.memory_space<hbm>>
        tpu.enqueue_dma source(%dma_start3A_1347 : memref<16xf32, #tpu.memory_space<hbm>>) target(%arg10 : memref<16xf32, #tpu.memory_space<vmem>>) target_semaphore(%run_scoped3A : memref<!tpu.dma_semaphore, #tpu.memory_space<semaphore_mem>>)
        %dma_wait3A_1348 = tpu.memref_slice %arg3[%add3A_26] : memref<524288xf32, #tpu.memory_space<hbm>> -> memref<16xf32, #tpu.memory_space<hbm>>
        %dma_wait3A_1349 = tpu.memref_slice %arg3[%add3A_26] : memref<524288xf32, #tpu.memory_space<hbm>> -> memref<16xf32, #tpu.memory_space<hbm>>
        tpu.wait_dma2 semaphore(%run_scoped3A : memref<!tpu.dma_semaphore, #tpu.memory_space<semaphore_mem>>) src(%dma_wait3A_1349 : memref<16xf32, #tpu.memory_space<hbm>>) dst(%arg10 : memref<16xf32, #tpu.memory_space<vmem>>)
        tpu.yield
      }) : () -> ()
      "tpu.region"() ({
        %run_scoped3A = tpu.sem_alloc : memref<!tpu.dma_semaphore, #tpu.memory_space<semaphore_mem>>
        %dma_start3A_1346 = tpu.memref_slice %arg4[%add3A_26] : memref<524288xf32, #tpu.memory_space<hbm>> -> memref<16xf32, #tpu.memory_space<hbm>>
        %dma_start3A_1347 = tpu.memref_slice %arg4[%add3A_26] : memref<524288xf32, #tpu.memory_space<hbm>> -> memref<16xf32, #tpu.memory_space<hbm>>
        tpu.enqueue_dma source(%dma_start3A_1347 : memref<16xf32, #tpu.memory_space<hbm>>) target(%arg11 : memref<16xf32, #tpu.memory_space<vmem>>) target_semaphore(%run_scoped3A : memref<!tpu.dma_semaphore, #tpu.memory_space<semaphore_mem>>)
        %dma_wait3A_1348 = tpu.memref_slice %arg4[%add3A_26] : memref<524288xf32, #tpu.memory_space<hbm>> -> memref<16xf32, #tpu.memory_space<hbm>>
        %dma_wait3A_1349 = tpu.memref_slice %arg4[%add3A_26] : memref<524288xf32, #tpu.memory_space<hbm>> -> memref<16xf32, #tpu.memory_space<hbm>>
        tpu.wait_dma2 semaphore(%run_scoped3A : memref<!tpu.dma_semaphore, #tpu.memory_space<semaphore_mem>>) src(%dma_wait3A_1349 : memref<16xf32, #tpu.memory_space<hbm>>) dst(%arg11 : memref<16xf32, #tpu.memory_space<vmem>>)
        tpu.yield
      }) : () -> ()
      "tpu.region"() ({
        %run_scoped3A = tpu.sem_alloc : memref<!tpu.dma_semaphore, #tpu.memory_space<semaphore_mem>>
        %dma_start3A_1346 = tpu.memref_slice %arg5[%add3A_26] : memref<524288xf32, #tpu.memory_space<hbm>> -> memref<16xf32, #tpu.memory_space<hbm>>
        %dma_start3A_1347 = tpu.memref_slice %arg5[%add3A_26] : memref<524288xf32, #tpu.memory_space<hbm>> -> memref<16xf32, #tpu.memory_space<hbm>>
        tpu.enqueue_dma source(%dma_start3A_1347 : memref<16xf32, #tpu.memory_space<hbm>>) target(%arg12 : memref<16xf32, #tpu.memory_space<vmem>>) target_semaphore(%run_scoped3A : memref<!tpu.dma_semaphore, #tpu.memory_space<semaphore_mem>>)
        %dma_wait3A_1348 = tpu.memref_slice %arg5[%add3A_26] : memref<524288xf32, #tpu.memory_space<hbm>> -> memref<16xf32, #tpu.memory_space<hbm>>
        %dma_wait3A_1349 = tpu.memref_slice %arg5[%add3A_26] : memref<524288xf32, #tpu.memory_space<hbm>> -> memref<16xf32, #tpu.memory_space<hbm>>
        tpu.wait_dma2 semaphore(%run_scoped3A : memref<!tpu.dma_semaphore, #tpu.memory_space<semaphore_mem>>) src(%dma_wait3A_1349 : memref<16xf32, #tpu.memory_space<hbm>>) dst(%arg12 : memref<16xf32, #tpu.memory_space<vmem>>)
        tpu.yield
      }) : () -> ()
      "tpu.region"() ({
        %run_scoped3A = tpu.sem_alloc : memref<!tpu.dma_semaphore, #tpu.memory_space<semaphore_mem>>
        %dma_start3A_1346 = tpu.memref_slice %arg6[%add3A_26] : memref<524288xf32, #tpu.memory_space<hbm>> -> memref<16xf32, #tpu.memory_space<hbm>>
        %dma_start3A_1347 = tpu.memref_slice %arg6[%add3A_26] : memref<524288xf32, #tpu.memory_space<hbm>> -> memref<16xf32, #tpu.memory_space<hbm>>
        tpu.enqueue_dma source(%dma_start3A_1347 : memref<16xf32, #tpu.memory_space<hbm>>) target(%arg13 : memref<16xf32, #tpu.memory_space<vmem>>) target_semaphore(%run_scoped3A : memref<!tpu.dma_semaphore, #tpu.memory_space<semaphore_mem>>)
        %dma_wait3A_1348 = tpu.memref_slice %arg6[%add3A_26] : memref<524288xf32, #tpu.memory_space<hbm>> -> memref<16xf32, #tpu.memory_space<hbm>>
        %dma_wait3A_1349 = tpu.memref_slice %arg6[%add3A_26] : memref<524288xf32, #tpu.memory_space<hbm>> -> memref<16xf32, #tpu.memory_space<hbm>>
        tpu.wait_dma2 semaphore(%run_scoped3A : memref<!tpu.dma_semaphore, #tpu.memory_space<semaphore_mem>>) src(%dma_wait3A_1349 : memref<16xf32, #tpu.memory_space<hbm>>) dst(%arg13 : memref<16xf32, #tpu.memory_space<vmem>>)
        tpu.yield
      }) : () -> ()
      %get3A_27 = arith.constant 0 : index
      %get3A_28 = tpu.vector_load %arg10[%get3A_27] {strides = array<i32>} : memref<16xf32, #tpu.memory_space<vmem>>, vector<16xf32>,
      %get3A_29 = vector.shape_cast %get3A_28 : vector<16xf32> to vector<16xf32>
      %sub3A = vector.broadcast %squeeze3A : f32 to vector<16xf32>
      %sub3A_30 = arith.subf %get3A_29, %sub3A : vector<16xf32>
      %mul3A_31 = vector.broadcast %squeeze3A_8 : f32 to vector<16xf32>
      %mul3A_32 = arith.mulf %sub3A_30, %mul3A_31 : vector<16xf32>
      %jit3A = arith.constant 0.000000e+00 : f32
      %jit3A_33 = arith.constant 1.000000e+00 : f32
      %max3A = vector.broadcast %jit3A : f32 to vector<16xf32>
      %max3A_34 = arith.maximumf %max3A, %mul3A_32 : vector<16xf32>
      %min3A = vector.broadcast %jit3A_33 : f32 to vector<16xf32>
      %min3A_35 = arith.minimumf %min3A, %max3A_34 : vector<16xf32>
      %get3A_36 = arith.constant 0 : index
      %get3A_37 = tpu.vector_load %arg11[%get3A_36] {strides = array<i32>} : memref<16xf32, #tpu.memory_space<vmem>>, vector<16xf32>,
      %get3A_38 = vector.shape_cast %get3A_37 : vector<16xf32> to vector<16xf32>
      %sub3A_39 = vector.broadcast %squeeze3A_4 : f32 to vector<16xf32>
      %sub3A_40 = arith.subf %get3A_38, %sub3A_39 : vector<16xf32>
      %mul3A_41 = vector.broadcast %squeeze3A_10 : f32 to vector<16xf32>
      %mul3A_42 = arith.mulf %sub3A_40, %mul3A_41 : vector<16xf32>
      %jit3A_43 = arith.constant 0.000000e+00 : f32
      %jit3A_44 = arith.constant 1.000000e+00 : f32
      %max3A_45 = vector.broadcast %jit3A_43 : f32 to vector<16xf32>
      %max3A_46 = arith.maximumf %max3A_45, %mul3A_42 : vector<16xf32>
      %min3A_47 = vector.broadcast %jit3A_44 : f32 to vector<16xf32>
      %min3A_48 = arith.minimumf %min3A_47, %max3A_46 : vector<16xf32>
      %get3A_49 = arith.constant 0 : index
      %get3A_50 = tpu.vector_load %arg12[%get3A_49] {strides = array<i32>} : memref<16xf32, #tpu.memory_space<vmem>>, vector<16xf32>,
      %get3A_51 = vector.shape_cast %get3A_50 : vector<16xf32> to vector<16xf32>
      %sub3A_52 = vector.broadcast %squeeze3A_6 : f32 to vector<16xf32>
      %sub3A_53 = arith.subf %get3A_51, %sub3A_52 : vector<16xf32>
      %mul3A_54 = vector.broadcast %squeeze3A_12 : f32 to vector<16xf32>
      %mul3A_55 = arith.mulf %sub3A_53, %mul3A_54 : vector<16xf32>
      %jit3A_56 = arith.constant 0.000000e+00 : f32
      %jit3A_57 = arith.constant 1.000000e+00 : f32
      %max3A_58 = vector.broadcast %jit3A_56 : f32 to vector<16xf32>
      %max3A_59 = arith.maximumf %max3A_58, %mul3A_55 : vector<16xf32>
      %min3A_60 = vector.broadcast %jit3A_57 : f32 to vector<16xf32>
      %min3A_61 = arith.minimumf %min3A_60, %max3A_59 : vector<16xf32>
      %get3A_62 = arith.constant 0 : index
      %get3A_63 = tpu.vector_load %arg13[%get3A_62] {strides = array<i32>} : memref<16xf32, #tpu.memory_space<vmem>>, vector<16xf32>,
      %get3A_64 = vector.shape_cast %get3A_63 : vector<16xf32> to vector<16xf32>
      %mul3A_65 = arith.constant 6.300000e+01 : f32
      %mul3A_66 = vector.broadcast %mul3A_65 : f32 to vector<16xf32>
      %mul3A_67 = arith.mulf %min3A_35, %mul3A_66 : vector<16xf32>
      %mul3A_68 = arith.constant 6.300000e+01 : f32
      %mul3A_69 = vector.broadcast %mul3A_68 : f32 to vector<16xf32>
      %mul3A_70 = arith.mulf %min3A_48, %mul3A_69 : vector<16xf32>
      %mul3A_71 = arith.constant 6.300000e+01 : f32
      %mul3A_72 = vector.broadcast %mul3A_71 : f32 to vector<16xf32>
      %mul3A_73 = arith.mulf %min3A_61, %mul3A_72 : vector<16xf32>
      %mul3A_74 = arith.constant 3.100000e+01 : f32
      %mul3A_75 = vector.broadcast %mul3A_74 : f32 to vector<16xf32>
      %mul3A_76 = arith.mulf %get3A_64, %mul3A_75 : vector<16xf32>
      %convert_element_type3A = arith.fptosi %mul3A_67 : vector<16xf32> to vector<16xi32>
      %convert_element_type3A_77 = arith.fptosi %mul3A_70 : vector<16xf32> to vector<16xi32>
      %convert_element_type3A_78 = arith.fptosi %mul3A_73 : vector<16xf32> to vector<16xi32>
      %convert_element_type3A_79 = arith.fptosi %mul3A_76 : vector<16xf32> to vector<16xi32>
      %convert_element_type3A_80 = arith.sitofp %convert_element_type3A : vector<16xi32> to vector<16xf32>
      %sub3A_81 = arith.subf %mul3A_67, %convert_element_type3A_80 : vector<16xf32>
      %convert_element_type3A_82 = arith.sitofp %convert_element_type3A_77 : vector<16xi32> to vector<16xf32>
      %sub3A_83 = arith.subf %mul3A_70, %convert_element_type3A_82 : vector<16xf32>
      %convert_element_type3A_84 = arith.sitofp %convert_element_type3A_78 : vector<16xi32> to vector<16xf32>
      %sub3A_85 = arith.subf %mul3A_73, %convert_element_type3A_84 : vector<16xf32>
      %convert_element_type3A_86 = arith.sitofp %convert_element_type3A_79 : vector<16xi32> to vector<16xf32>
      %sub3A_87 = arith.subf %mul3A_76, %convert_element_type3A_86 : vector<16xf32>
      %sub3A_88 = arith.constant 1.000000e+00 : f32
      %sub3A_89 = vector.broadcast %sub3A_88 : f32 to vector<16xf32>
      %sub3A_90 = arith.subf %sub3A_89, %sub3A_81 : vector<16xf32>
      %sub3A_91 = arith.constant 1.000000e+00 : f32
      %sub3A_92 = vector.broadcast %sub3A_91 : f32 to vector<16xf32>
      %sub3A_93 = arith.subf %sub3A_92, %sub3A_83 : vector<16xf32>
      %sub3A_94 = arith.constant 1.000000e+00 : f32
      %sub3A_95 = vector.broadcast %sub3A_94 : f32 to vector<16xf32>
      %sub3A_96 = arith.subf %sub3A_95, %sub3A_85 : vector<16xf32>
      %sub3A_97 = arith.constant 1.000000e+00 : f32
      %sub3A_98 = vector.broadcast %sub3A_97 : f32 to vector<16xf32>
      %sub3A_99 = arith.subf %sub3A_98, %sub3A_87 : vector<16xf32>
      %mul3A_100 = arith.constant 64 : i32
      %mul3A_101 = vector.broadcast %mul3A_100 : i32 to vector<16xi32>
      %mul3A_102 = arith.muli %convert_element_type3A_77, %mul3A_101 : vector<16xi32>
      %add3A_103 = arith.addi %mul3A_102, %convert_element_type3A : vector<16xi32>
      %add3A_104 = arith.constant 0 : i32
      %add3A_105 = vector.broadcast %add3A_104 : i32 to vector<16xi32>
      %add3A_106 = arith.addi %add3A_103, %add3A_105 : vector<16xi32>
      %swap3A = arith.constant 0 : i32
      %swap3A_107 = arith.index_cast %swap3A : i32 to index
      %swap3A_108 = arith.constant 0 : index
      %swap3A_109 = tpu.vector_load %arg14[%swap3A_107, %swap3A_108] {strides = array<i32>} : memref<18x16xi32, #tpu.memory_space<vmem>>, vector<1x16xi32>,
      %swap3A_110 = vector.shape_cast %swap3A_109 : vector<1x16xi32> to vector<16xi32>
      %swap3A_111 = vector.shape_cast %add3A_106 : vector<16xi32> to vector<1x16xi32>
      tpu.vector_store %arg14[%swap3A_107, %swap3A_108], %swap3A_111 {strides = array<i32>} : memref<18x16xi32, #tpu.memory_space<vmem>>, vector<1x16xi32>,
      %mul3A_112 = arith.mulf %sub3A_93, %sub3A_90 : vector<16xf32>
      %swap3A_113 = arith.constant 0 : i32
      %swap3A_114 = arith.index_cast %swap3A_113 : i32 to index
      %swap3A_115 = arith.constant 0 : index
      %swap3A_116 = tpu.vector_load %arg15[%swap3A_114, %swap3A_115] {strides = array<i32>} : memref<72x16xf32, #tpu.memory_space<vmem>>, vector<1x16xf32>,
      %swap3A_117 = vector.shape_cast %swap3A_116 : vector<1x16xf32> to vector<16xf32>
      %swap3A_118 = vector.shape_cast %mul3A_112 : vector<16xf32> to vector<1x16xf32>
      tpu.vector_store %arg15[%swap3A_114, %swap3A_115], %swap3A_118 {strides = array<i32>} : memref<72x16xf32, #tpu.memory_space<vmem>>, vector<1x16xf32>,
      %mul3A_119 = arith.mulf %sub3A_93, %sub3A_81 : vector<16xf32>
      %swap3A_120 = arith.constant 1 : i32
      %swap3A_121 = arith.index_cast %swap3A_120 : i32 to index
      %swap3A_122 = arith.constant 0 : index
      %swap3A_123 = tpu.vector_load %arg15[%swap3A_121, %swap3A_122] {strides = array<i32>} : memref<72x16xf32, #tpu.memory_space<vmem>>, vector<1x16xf32>,
      %swap3A_124 = vector.shape_cast %swap3A_123 : vector<1x16xf32> to vector<16xf32>
      %swap3A_125 = vector.shape_cast %mul3A_119 : vector<16xf32> to vector<1x16xf32>
      tpu.vector_store %arg15[%swap3A_121, %swap3A_122], %swap3A_125 {strides = array<i32>} : memref<72x16xf32, #tpu.memory_space<vmem>>, vector<1x16xf32>,
      %mul3A_126 = arith.mulf %sub3A_83, %sub3A_90 : vector<16xf32>
      %swap3A_127 = arith.constant 2 : i32
      %swap3A_128 = arith.index_cast %swap3A_127 : i32 to index
      %swap3A_129 = arith.constant 0 : index
      %swap3A_130 = tpu.vector_load %arg15[%swap3A_128, %swap3A_129] {strides = array<i32>} : memref<72x16xf32, #tpu.memory_space<vmem>>, vector<1x16xf32>,
      %swap3A_131 = vector.shape_cast %swap3A_130 : vector<1x16xf32> to vector<16xf32>
      %swap3A_132 = vector.shape_cast %mul3A_126 : vector<16xf32> to vector<1x16xf32>
      tpu.vector_store %arg15[%swap3A_128, %swap3A_129], %swap3A_132 {strides = array<i32>} : memref<72x16xf32, #tpu.memory_space<vmem>>, vector<1x16xf32>,
      %mul3A_133 = arith.mulf %sub3A_83, %sub3A_81 : vector<16xf32>
      %swap3A_134 = arith.constant 3 : i32
      %swap3A_135 = arith.index_cast %swap3A_134 : i32 to index
      %swap3A_136 = arith.constant 0 : index
      %swap3A_137 = tpu.vector_load %arg15[%swap3A_135, %swap3A_136] {strides = array<i32>} : memref<72x16xf32, #tpu.memory_space<vmem>>, vector<1x16xf32>,
      %swap3A_138 = vector.shape_cast %swap3A_137 : vector<1x16xf32> to vector<16xf32>
      %swap3A_139 = vector.shape_cast %mul3A_133 : vector<16xf32> to vector<1x16xf32>
      tpu.vector_store %arg15[%swap3A_135, %swap3A_136], %swap3A_139 {strides = array<i32>} : memref<72x16xf32, #tpu.memory_space<vmem>>, vector<1x16xf32>,
      %mul3A_140 = arith.constant 64 : i32
      %mul3A_141 = vector.broadcast %mul3A_140 : i32 to vector<16xi32>
      %mul3A_142 = arith.muli %convert_element_type3A_78, %mul3A_141 : vector<16xi32>
      %add3A_143 = arith.addi %mul3A_142, %convert_element_type3A_77 : vector<16xi32>
      %add3A_144 = arith.constant 4096 : i32
      %add3A_145 = vector.broadcast %add3A_144 : i32 to vector<16xi32>
      %add3A_146 = arith.addi %add3A_143, %add3A_145 : vector<16xi32>
      %swap3A_147 = arith.constant 1 : i32
      %swap3A_148 = arith.index_cast %swap3A_147 : i32 to index
      %swap3A_149 = arith.constant 0 : index
      %swap3A_150 = tpu.vector_load %arg14[%swap3A_148, %swap3A_149] {strides = array<i32>} : memref<18x16xi32, #tpu.memory_space<vmem>>, vector<1x16xi32>,
      %swap3A_151 = vector.shape_cast %swap3A_150 : vector<1x16xi32> to vector<16xi32>
      %swap3A_152 = vector.shape_cast %add3A_146 : vector<16xi32> to vector<1x16xi32>
      tpu.vector_store %arg14[%swap3A_148, %swap3A_149], %swap3A_152 {strides = array<i32>} : memref<18x16xi32, #tpu.memory_space<vmem>>, vector<1x16xi32>,
      %mul3A_153 = arith.mulf %sub3A_96, %sub3A_93 : vector<16xf32>
      %swap3A_154 = arith.constant 4 : i32
      %swap3A_155 = arith.index_cast %swap3A_154 : i32 to index
      %swap3A_156 = arith.constant 0 : index
      %swap3A_157 = tpu.vector_load %arg15[%swap3A_155, %swap3A_156] {strides = array<i32>} : memref<72x16xf32, #tpu.memory_space<vmem>>, vector<1x16xf32>,
      %swap3A_158 = vector.shape_cast %swap3A_157 : vector<1x16xf32> to vector<16xf32>
      %swap3A_159 = vector.shape_cast %mul3A_153 : vector<16xf32> to vector<1x16xf32>
      tpu.vector_store %arg15[%swap3A_155, %swap3A_156], %swap3A_159 {strides = array<i32>} : memref<72x16xf32, #tpu.memory_space<vmem>>, vector<1x16xf32>,
      %mul3A_160 = arith.mulf %sub3A_96, %sub3A_83 : vector<16xf32>
      %swap3A_161 = arith.constant 5 : i32
      %swap3A_162 = arith.index_cast %swap3A_161 : i32 to index
      %swap3A_163 = arith.constant 0 : index
      %swap3A_164 = tpu.vector_load %arg15[%swap3A_162, %swap3A_163] {strides = array<i32>} : memref<72x16xf32, #tpu.memory_space<vmem>>, vector<1x16xf32>,
      %swap3A_165 = vector.shape_cast %swap3A_164 : vector<1x16xf32> to vector<16xf32>
      %swap3A_166 = vector.shape_cast %mul3A_160 : vector<16xf32> to vector<1x16xf32>
      tpu.vector_store %arg15[%swap3A_162, %swap3A_163], %swap3A_166 {strides = array<i32>} : memref<72x16xf32, #tpu.memory_space<vmem>>, vector<1x16xf32>,
      %mul3A_167 = arith.mulf %sub3A_85, %sub3A_93 : vector<16xf32>
      %swap3A_168 = arith.constant 6 : i32
      %swap3A_169 = arith.index_cast %swap3A_168 : i32 to index
      %swap3A_170 = arith.constant 0 : index
      %swap3A_171 = tpu.vector_load %arg15[%swap3A_169, %swap3A_170] {strides = array<i32>} : memref<72x16xf32, #tpu.memory_space<vmem>>, vector<1x16xf32>,
      %swap3A_172 = vector.shape_cast %swap3A_171 : vector<1x16xf32> to vector<16xf32>
      %swap3A_173 = vector.shape_cast %mul3A_167 : vector<16xf32> to vector<1x16xf32>
      tpu.vector_store %arg15[%swap3A_169, %swap3A_170], %swap3A_173 {strides = array<i32>} : memref<72x16xf32, #tpu.memory_space<vmem>>, vector<1x16xf32>,
      %mul3A_174 = arith.mulf %sub3A_85, %sub3A_83 : vector<16xf32>
      %swap3A_175 = arith.constant 7 : i32
      %swap3A_176 = arith.index_cast %swap3A_175 : i32 to index
      %swap3A_177 = arith.constant 0 : index
      %swap3A_178 = tpu.vector_load %arg15[%swap3A_176, %swap3A_177] {strides = array<i32>} : memref<72x16xf32, #tpu.memory_space<vmem>>, vector<1x16xf32>,
      %swap3A_179 = vector.shape_cast %swap3A_178 : vector<1x16xf32> to vector<16xf32>
      %swap3A_180 = vector.shape_cast %mul3A_174 : vector<16xf32> to vector<1x16xf32>
      tpu.vector_store %arg15[%swap3A_176, %swap3A_177], %swap3A_180 {strides = array<i32>} : memref<72x16xf32, #tpu.memory_space<vmem>>, vector<1x16xf32>,
      %mul3A_181 = arith.constant 64 : i32
      %mul3A_182 = vector.broadcast %mul3A_181 : i32 to vector<16xi32>
      %mul3A_183 = arith.muli %convert_element_type3A_78, %mul3A_182 : vector<16xi32>
      %add3A_184 = arith.addi %mul3A_183, %convert_element_type3A : vector<16xi32>
      %add3A_185 = arith.constant 8192 : i32
      %add3A_186 = vector.broadcast %add3A_185 : i32 to vector<16xi32>
      %add3A_187 = arith.addi %add3A_184, %add3A_186 : vector<16xi32>
      %swap3A_188 = arith.constant 2 : i32
      %swap3A_189 = arith.index_cast %swap3A_188 : i32 to index
      %swap3A_190 = arith.constant 0 : index
      %swap3A_191 = tpu.vector_load %arg14[%swap3A_189, %swap3A_190] {strides = array<i32>} : memref<18x16xi32, #tpu.memory_space<vmem>>, vector<1x16xi32>,
      %swap3A_192 = vector.shape_cast %swap3A_191 : vector<1x16xi32> to vector<16xi32>
      %swap3A_193 = vector.shape_cast %add3A_187 : vector<16xi32> to vector<1x16xi32>
      tpu.vector_store %arg14[%swap3A_189, %swap3A_190], %swap3A_193 {strides = array<i32>} : memref<18x16xi32, #tpu.memory_space<vmem>>, vector<1x16xi32>,
      %mul3A_194 = arith.mulf %sub3A_96, %sub3A_90 : vector<16xf32>
      %swap3A_195 = arith.constant 8 : i32
      %swap3A_196 = arith.index_cast %swap3A_195 : i32 to index
      %swap3A_197 = arith.constant 0 : index
      %swap3A_198 = tpu.vector_load %arg15[%swap3A_196, %swap3A_197] {strides = array<i32>} : memref<72x16xf32, #tpu.memory_space<vmem>>, vector<1x16xf32>,
      %swap3A_199 = vector.shape_cast %swap3A_198 : vector<1x16xf32> to vector<16xf32>
      %swap3A_200 = vector.shape_cast %mul3A_194 : vector<16xf32> to vector<1x16xf32>
      tpu.vector_store %arg15[%swap3A_196, %swap3A_197], %swap3A_200 {strides = array<i32>} : memref<72x16xf32, #tpu.memory_space<vmem>>, vector<1x16xf32>,
      %mul3A_201 = arith.mulf %sub3A_96, %sub3A_81 : vector<16xf32>
      %swap3A_202 = arith.constant 9 : i32
      %swap3A_203 = arith.index_cast %swap3A_202 : i32 to index
      %swap3A_204 = arith.constant 0 : index
      %swap3A_205 = tpu.vector_load %arg15[%swap3A_203, %swap3A_204] {strides = array<i32>} : memref<72x16xf32, #tpu.memory_space<vmem>>, vector<1x16xf32>,
      %swap3A_206 = vector.shape_cast %swap3A_205 : vector<1x16xf32> to vector<16xf32>
      %swap3A_207 = vector.shape_cast %mul3A_201 : vector<16xf32> to vector<1x16xf32>
      tpu.vector_store %arg15[%swap3A_203, %swap3A_204], %swap3A_207 {strides = array<i32>} : memref<72x16xf32, #tpu.memory_space<vmem>>, vector<1x16xf32>,
      %mul3A_208 = arith.mulf %sub3A_85, %sub3A_90 : vector<16xf32>
      %swap3A_209 = arith.constant 10 : i32
      %swap3A_210 = arith.index_cast %swap3A_209 : i32 to index
      %swap3A_211 = arith.constant 0 : index
      %swap3A_212 = tpu.vector_load %arg15[%swap3A_210, %swap3A_211] {strides = array<i32>} : memref<72x16xf32, #tpu.memory_space<vmem>>, vector<1x16xf32>,
      %swap3A_213 = vector.shape_cast %swap3A_212 : vector<1x16xf32> to vector<16xf32>
      %swap3A_214 = vector.shape_cast %mul3A_208 : vector<16xf32> to vector<1x16xf32>
      tpu.vector_store %arg15[%swap3A_210, %swap3A_211], %swap3A_214 {strides = array<i32>} : memref<72x16xf32, #tpu.memory_space<vmem>>, vector<1x16xf32>,
      %mul3A_215 = arith.mulf %sub3A_85, %sub3A_81 : vector<16xf32>
      %swap3A_216 = arith.constant 11 : i32
      %swap3A_217 = arith.index_cast %swap3A_216 : i32 to index
      %swap3A_218 = arith.constant 0 : index
      %swap3A_219 = tpu.vector_load %arg15[%swap3A_217, %swap3A_218] {strides = array<i32>} : memref<72x16xf32, #tpu.memory_space<vmem>>, vector<1x16xf32>,
      %swap3A_220 = vector.shape_cast %swap3A_219 : vector<1x16xf32> to vector<16xf32>
      %swap3A_221 = vector.shape_cast %mul3A_215 : vector<16xf32> to vector<1x16xf32>
      tpu.vector_store %arg15[%swap3A_217, %swap3A_218], %swap3A_221 {strides = array<i32>} : memref<72x16xf32, #tpu.memory_space<vmem>>, vector<1x16xf32>,
      %mul3A_222 = arith.constant 64 : i32
      %mul3A_223 = vector.broadcast %mul3A_222 : i32 to vector<16xi32>
      %mul3A_224 = arith.muli %convert_element_type3A_79, %mul3A_223 : vector<16xi32>
      %add3A_225 = arith.addi %mul3A_224, %convert_element_type3A : vector<16xi32>
      %add3A_226 = arith.constant 12288 : i32
      %add3A_227 = vector.broadcast %add3A_226 : i32 to vector<16xi32>
      %add3A_228 = arith.addi %add3A_225, %add3A_227 : vector<16xi32>
      %swap3A_229 = arith.constant 3 : i32
      %swap3A_230 = arith.index_cast %swap3A_229 : i32 to index
      %swap3A_231 = arith.constant 0 : index
      %swap3A_232 = tpu.vector_load %arg14[%swap3A_230, %swap3A_231] {strides = array<i32>} : memref<18x16xi32, #tpu.memory_space<vmem>>, vector<1x16xi32>,
      %swap3A_233 = vector.shape_cast %swap3A_232 : vector<1x16xi32> to vector<16xi32>
      %swap3A_234 = vector.shape_cast %add3A_228 : vector<16xi32> to vector<1x16xi32>
      tpu.vector_store %arg14[%swap3A_230, %swap3A_231], %swap3A_234 {strides = array<i32>} : memref<18x16xi32, #tpu.memory_space<vmem>>, vector<1x16xi32>,
      %mul3A_235 = arith.mulf %sub3A_99, %sub3A_90 : vector<16xf32>
      %swap3A_236 = arith.constant 12 : i32
      %swap3A_237 = arith.index_cast %swap3A_236 : i32 to index
      %swap3A_238 = arith.constant 0 : index
      %swap3A_239 = tpu.vector_load %arg15[%swap3A_237, %swap3A_238] {strides = array<i32>} : memref<72x16xf32, #tpu.memory_space<vmem>>, vector<1x16xf32>,
      %swap3A_240 = vector.shape_cast %swap3A_239 : vector<1x16xf32> to vector<16xf32>
      %swap3A_241 = vector.shape_cast %mul3A_235 : vector<16xf32> to vector<1x16xf32>
      tpu.vector_store %arg15[%swap3A_237, %swap3A_238], %swap3A_241 {strides = array<i32>} : memref<72x16xf32, #tpu.memory_space<vmem>>, vector<1x16xf32>,
      %mul3A_242 = arith.mulf %sub3A_99, %sub3A_81 : vector<16xf32>
      %swap3A_243 = arith.constant 13 : i32
      %swap3A_244 = arith.index_cast %swap3A_243 : i32 to index
      %swap3A_245 = arith.constant 0 : index
      %swap3A_246 = tpu.vector_load %arg15[%swap3A_244, %swap3A_245] {strides = array<i32>} : memref<72x16xf32, #tpu.memory_space<vmem>>, vector<1x16xf32>,
      %swap3A_247 = vector.shape_cast %swap3A_246 : vector<1x16xf32> to vector<16xf32>
      %swap3A_248 = vector.shape_cast %mul3A_242 : vector<16xf32> to vector<1x16xf32>
      tpu.vector_store %arg15[%swap3A_244, %swap3A_245], %swap3A_248 {strides = array<i32>} : memref<72x16xf32, #tpu.memory_space<vmem>>, vector<1x16xf32>,
      %mul3A_249 = arith.mulf %sub3A_87, %sub3A_90 : vector<16xf32>
      %swap3A_250 = arith.constant 14 : i32
      %swap3A_251 = arith.index_cast %swap3A_250 : i32 to index
      %swap3A_252 = arith.constant 0 : index
      %swap3A_253 = tpu.vector_load %arg15[%swap3A_251, %swap3A_252] {strides = array<i32>} : memref<72x16xf32, #tpu.memory_space<vmem>>, vector<1x16xf32>,
      %swap3A_254 = vector.shape_cast %swap3A_253 : vector<1x16xf32> to vector<16xf32>
      %swap3A_255 = vector.shape_cast %mul3A_249 : vector<16xf32> to vector<1x16xf32>
      tpu.vector_store %arg15[%swap3A_251, %swap3A_252], %swap3A_255 {strides = array<i32>} : memref<72x16xf32, #tpu.memory_space<vmem>>, vector<1x16xf32>,
      %mul3A_256 = arith.mulf %sub3A_87, %sub3A_81 : vector<16xf32>
      %swap3A_257 = arith.constant 15 : i32
      %swap3A_258 = arith.index_cast %swap3A_257 : i32 to index
      %swap3A_259 = arith.constant 0 : index
      %swap3A_260 = tpu.vector_load %arg15[%swap3A_258, %swap3A_259] {strides = array<i32>} : memref<72x16xf32, #tpu.memory_space<vmem>>, vector<1x16xf32>,
      %swap3A_261 = vector.shape_cast %swap3A_260 : vector<1x16xf32> to vector<16xf32>
      %swap3A_262 = vector.shape_cast %mul3A_256 : vector<16xf32> to vector<1x16xf32>
      tpu.vector_store %arg15[%swap3A_258, %swap3A_259], %swap3A_262 {strides = array<i32>} : memref<72x16xf32, #tpu.memory_space<vmem>>, vector<1x16xf32>,
      %mul3A_263 = arith.constant 64 : i32
      %mul3A_264 = vector.broadcast %mul3A_263 : i32 to vector<16xi32>
      %mul3A_265 = arith.muli %convert_element_type3A_79, %mul3A_264 : vector<16xi32>
      %add3A_266 = arith.addi %mul3A_265, %convert_element_type3A_77 : vector<16xi32>
      %add3A_267 = arith.constant 14336 : i32
      %add3A_268 = vector.broadcast %add3A_267 : i32 to vector<16xi32>
      %add3A_269 = arith.addi %add3A_266, %add3A_268 : vector<16xi32>
      %swap3A_270 = arith.constant 4 : i32
      %swap3A_271 = arith.index_cast %swap3A_270 : i32 to index
      %swap3A_272 = arith.constant 0 : index
      %swap3A_273 = tpu.vector_load %arg14[%swap3A_271, %swap3A_272] {strides = array<i32>} : memref<18x16xi32, #tpu.memory_space<vmem>>, vector<1x16xi32>,
      %swap3A_274 = vector.shape_cast %swap3A_273 : vector<1x16xi32> to vector<16xi32>
      %swap3A_275 = vector.shape_cast %add3A_269 : vector<16xi32> to vector<1x16xi32>
      tpu.vector_store %arg14[%swap3A_271, %swap3A_272], %swap3A_275 {strides = array<i32>} : memref<18x16xi32, #tpu.memory_space<vmem>>, vector<1x16xi32>,
      %mul3A_276 = arith.mulf %sub3A_99, %sub3A_93 : vector<16xf32>
      %swap3A_277 = arith.constant 16 : i32
      %swap3A_278 = arith.index_cast %swap3A_277 : i32 to index
      %swap3A_279 = arith.constant 0 : index
      %swap3A_280 = tpu.vector_load %arg15[%swap3A_278, %swap3A_279] {strides = array<i32>} : memref<72x16xf32, #tpu.memory_space<vmem>>, vector<1x16xf32>,
      %swap3A_281 = vector.shape_cast %swap3A_280 : vector<1x16xf32> to vector<16xf32>
      %swap3A_282 = vector.shape_cast %mul3A_276 : vector<16xf32> to vector<1x16xf32>
      tpu.vector_store %arg15[%swap3A_278, %swap3A_279], %swap3A_282 {strides = array<i32>} : memref<72x16xf32, #tpu.memory_space<vmem>>, vector<1x16xf32>,
      %mul3A_283 = arith.mulf %sub3A_99, %sub3A_83 : vector<16xf32>
      %swap3A_284 = arith.constant 17 : i32
      %swap3A_285 = arith.index_cast %swap3A_284 : i32 to index
      %swap3A_286 = arith.constant 0 : index
      %swap3A_287 = tpu.vector_load %arg15[%swap3A_285, %swap3A_286] {strides = array<i32>} : memref<72x16xf32, #tpu.memory_space<vmem>>, vector<1x16xf32>,
      %swap3A_288 = vector.shape_cast %swap3A_287 : vector<1x16xf32> to vector<16xf32>
      %swap3A_289 = vector.shape_cast %mul3A_283 : vector<16xf32> to vector<1x16xf32>
      tpu.vector_store %arg15[%swap3A_285, %swap3A_286], %swap3A_289 {strides = array<i32>} : memref<72x16xf32, #tpu.memory_space<vmem>>, vector<1x16xf32>,
      %mul3A_290 = arith.mulf %sub3A_87, %sub3A_93 : vector<16xf32>
      %swap3A_291 = arith.constant 18 : i32
      %swap3A_292 = arith.index_cast %swap3A_291 : i32 to index
      %swap3A_293 = arith.constant 0 : index
      %swap3A_294 = tpu.vector_load %arg15[%swap3A_292, %swap3A_293] {strides = array<i32>} : memref<72x16xf32, #tpu.memory_space<vmem>>, vector<1x16xf32>,
      %swap3A_295 = vector.shape_cast %swap3A_294 : vector<1x16xf32> to vector<16xf32>
      %swap3A_296 = vector.shape_cast %mul3A_290 : vector<16xf32> to vector<1x16xf32>
      tpu.vector_store %arg15[%swap3A_292, %swap3A_293], %swap3A_296 {strides = array<i32>} : memref<72x16xf32, #tpu.memory_space<vmem>>, vector<1x16xf32>,
      %mul3A_297 = arith.mulf %sub3A_87, %sub3A_83 : vector<16xf32>
      %swap3A_298 = arith.constant 19 : i32
      %swap3A_299 = arith.index_cast %swap3A_298 : i32 to index
      %swap3A_300 = arith.constant 0 : index
      %swap3A_301 = tpu.vector_load %arg15[%swap3A_299, %swap3A_300] {strides = array<i32>} : memref<72x16xf32, #tpu.memory_space<vmem>>, vector<1x16xf32>,
      %swap3A_302 = vector.shape_cast %swap3A_301 : vector<1x16xf32> to vector<16xf32>
      %swap3A_303 = vector.shape_cast %mul3A_297 : vector<16xf32> to vector<1x16xf32>
      tpu.vector_store %arg15[%swap3A_299, %swap3A_300], %swap3A_303 {strides = array<i32>} : memref<72x16xf32, #tpu.memory_space<vmem>>, vector<1x16xf32>,
      %mul3A_304 = arith.constant 64 : i32
      %mul3A_305 = vector.broadcast %mul3A_304 : i32 to vector<16xi32>
      %mul3A_306 = arith.muli %convert_element_type3A_79, %mul3A_305 : vector<16xi32>
      %add3A_307 = arith.addi %mul3A_306, %convert_element_type3A_78 : vector<16xi32>
      %add3A_308 = arith.constant 16384 : i32
      %add3A_309 = vector.broadcast %add3A_308 : i32 to vector<16xi32>
      %add3A_310 = arith.addi %add3A_307, %add3A_309 : vector<16xi32>
      %swap3A_311 = arith.constant 5 : i32
      %swap3A_312 = arith.index_cast %swap3A_311 : i32 to index
      %swap3A_313 = arith.constant 0 : index
      %swap3A_314 = tpu.vector_load %arg14[%swap3A_312, %swap3A_313] {strides = array<i32>} : memref<18x16xi32, #tpu.memory_space<vmem>>, vector<1x16xi32>,
      %swap3A_315 = vector.shape_cast %swap3A_314 : vector<1x16xi32> to vector<16xi32>
      %swap3A_316 = vector.shape_cast %add3A_310 : vector<16xi32> to vector<1x16xi32>
      tpu.vector_store %arg14[%swap3A_312, %swap3A_313], %swap3A_316 {strides = array<i32>} : memref<18x16xi32, #tpu.memory_space<vmem>>, vector<1x16xi32>,
      %mul3A_317 = arith.mulf %sub3A_99, %sub3A_96 : vector<16xf32>
      %swap3A_318 = arith.constant 20 : i32
      %swap3A_319 = arith.index_cast %swap3A_318 : i32 to index
      %swap3A_320 = arith.constant 0 : index
      %swap3A_321 = tpu.vector_load %arg15[%swap3A_319, %swap3A_320] {strides = array<i32>} : memref<72x16xf32, #tpu.memory_space<vmem>>, vector<1x16xf32>,
      %swap3A_322 = vector.shape_cast %swap3A_321 : vector<1x16xf32> to vector<16xf32>
      %swap3A_323 = vector.shape_cast %mul3A_317 : vector<16xf32> to vector<1x16xf32>
      tpu.vector_store %arg15[%swap3A_319, %swap3A_320], %swap3A_323 {strides = array<i32>} : memref<72x16xf32, #tpu.memory_space<vmem>>, vector<1x16xf32>,
      %mul3A_324 = arith.mulf %sub3A_99, %sub3A_85 : vector<16xf32>
      %swap3A_325 = arith.constant 21 : i32
      %swap3A_326 = arith.index_cast %swap3A_325 : i32 to index
      %swap3A_327 = arith.constant 0 : index
      %swap3A_328 = tpu.vector_load %arg15[%swap3A_326, %swap3A_327] {strides = array<i32>} : memref<72x16xf32, #tpu.memory_space<vmem>>, vector<1x16xf32>,
      %swap3A_329 = vector.shape_cast %swap3A_328 : vector<1x16xf32> to vector<16xf32>
      %swap3A_330 = vector.shape_cast %mul3A_324 : vector<16xf32> to vector<1x16xf32>
      tpu.vector_store %arg15[%swap3A_326, %swap3A_327], %swap3A_330 {strides = array<i32>} : memref<72x16xf32, #tpu.memory_space<vmem>>, vector<1x16xf32>,
      %mul3A_331 = arith.mulf %sub3A_87, %sub3A_96 : vector<16xf32>
      %swap3A_332 = arith.constant 22 : i32
      %swap3A_333 = arith.index_cast %swap3A_332 : i32 to index
      %swap3A_334 = arith.constant 0 : index
      %swap3A_335 = tpu.vector_load %arg15[%swap3A_333, %swap3A_334] {strides = array<i32>} : memref<72x16xf32, #tpu.memory_space<vmem>>, vector<1x16xf32>,
      %swap3A_336 = vector.shape_cast %swap3A_335 : vector<1x16xf32> to vector<16xf32>
      %swap3A_337 = vector.shape_cast %mul3A_331 : vector<16xf32> to vector<1x16xf32>
      tpu.vector_store %arg15[%swap3A_333, %swap3A_334], %swap3A_337 {strides = array<i32>} : memref<72x16xf32, #tpu.memory_space<vmem>>, vector<1x16xf32>,
      %mul3A_338 = arith.mulf %sub3A_87, %sub3A_85 : vector<16xf32>
      %swap3A_339 = arith.constant 23 : i32
      %swap3A_340 = arith.index_cast %swap3A_339 : i32 to index
      %swap3A_341 = arith.constant 0 : index
      %swap3A_342 = tpu.vector_load %arg15[%swap3A_340, %swap3A_341] {strides = array<i32>} : memref<72x16xf32, #tpu.memory_space<vmem>>, vector<1x16xf32>,
      %swap3A_343 = vector.shape_cast %swap3A_342 : vector<1x16xf32> to vector<16xf32>
      %swap3A_344 = vector.shape_cast %mul3A_338 : vector<16xf32> to vector<1x16xf32>
      tpu.vector_store %arg15[%swap3A_340, %swap3A_341], %swap3A_344 {strides = array<i32>} : memref<72x16xf32, #tpu.memory_space<vmem>>, vector<1x16xf32>,
      %mul3A_345 = arith.constant 1.270000e+02 : f32
      %mul3A_346 = vector.broadcast %mul3A_345 : f32 to vector<16xf32>
      %mul3A_347 = arith.mulf %min3A_35, %mul3A_346 : vector<16xf32>
      %mul3A_348 = arith.constant 1.270000e+02 : f32
      %mul3A_349 = vector.broadcast %mul3A_348 : f32 to vector<16xf32>
      %mul3A_350 = arith.mulf %min3A_48, %mul3A_349 : vector<16xf32>
      %mul3A_351 = arith.constant 1.270000e+02 : f32
      %mul3A_352 = vector.broadcast %mul3A_351 : f32 to vector<16xf32>
      %mul3A_353 = arith.mulf %min3A_61, %mul3A_352 : vector<16xf32>
      %mul3A_354 = arith.constant 6.300000e+01 : f32
      %mul3A_355 = vector.broadcast %mul3A_354 : f32 to vector<16xf32>
      %mul3A_356 = arith.mulf %get3A_64, %mul3A_355 : vector<16xf32>
      %convert_element_type3A_357 = arith.fptosi %mul3A_347 : vector<16xf32> to vector<16xi32>
      %convert_element_type3A_358 = arith.fptosi %mul3A_350 : vector<16xf32> to vector<16xi32>
      %convert_element_type3A_359 = arith.fptosi %mul3A_353 : vector<16xf32> to vector<16xi32>
      %convert_element_type3A_360 = arith.fptosi %mul3A_356 : vector<16xf32> to vector<16xi32>
      %convert_element_type3A_361 = arith.sitofp %convert_element_type3A_357 : vector<16xi32> to vector<16xf32>
      %sub3A_362 = arith.subf %mul3A_347, %convert_element_type3A_361 : vector<16xf32>
      %convert_element_type3A_363 = arith.sitofp %convert_element_type3A_358 : vector<16xi32> to vector<16xf32>
      %sub3A_364 = arith.subf %mul3A_350, %convert_element_type3A_363 : vector<16xf32>
      %convert_element_type3A_365 = arith.sitofp %convert_element_type3A_359 : vector<16xi32> to vector<16xf32>
      %sub3A_366 = arith.subf %mul3A_353, %convert_element_type3A_365 : vector<16xf32>
      %convert_element_type3A_367 = arith.sitofp %convert_element_type3A_360 : vector<16xi32> to vector<16xf32>
      %sub3A_368 = arith.subf %mul3A_356, %convert_element_type3A_367 : vector<16xf32>
      %sub3A_369 = arith.constant 1.000000e+00 : f32
      %sub3A_370 = vector.broadcast %sub3A_369 : f32 to vector<16xf32>
      %sub3A_371 = arith.subf %sub3A_370, %sub3A_362 : vector<16xf32>
      %sub3A_372 = arith.constant 1.000000e+00 : f32
      %sub3A_373 = vector.broadcast %sub3A_372 : f32 to vector<16xf32>
      %sub3A_374 = arith.subf %sub3A_373, %sub3A_364 : vector<16xf32>
      %sub3A_375 = arith.constant 1.000000e+00 : f32
      %sub3A_376 = vector.broadcast %sub3A_375 : f32 to vector<16xf32>
      %sub3A_377 = arith.subf %sub3A_376, %sub3A_366 : vector<16xf32>
      %sub3A_378 = arith.constant 1.000000e+00 : f32
      %sub3A_379 = vector.broadcast %sub3A_378 : f32 to vector<16xf32>
      %sub3A_380 = arith.subf %sub3A_379, %sub3A_368 : vector<16xf32>
      %mul3A_381 = arith.constant 128 : i32
      %mul3A_382 = vector.broadcast %mul3A_381 : i32 to vector<16xi32>
      %mul3A_383 = arith.muli %convert_element_type3A_358, %mul3A_382 : vector<16xi32>
      %add3A_384 = arith.addi %mul3A_383, %convert_element_type3A_357 : vector<16xi32>
      %add3A_385 = arith.constant 18432 : i32
      %add3A_386 = vector.broadcast %add3A_385 : i32 to vector<16xi32>
      %add3A_387 = arith.addi %add3A_384, %add3A_386 : vector<16xi32>
      %swap3A_388 = arith.constant 6 : i32
      %swap3A_389 = arith.index_cast %swap3A_388 : i32 to index
      %swap3A_390 = arith.constant 0 : index
      %swap3A_391 = tpu.vector_load %arg14[%swap3A_389, %swap3A_390] {strides = array<i32>} : memref<18x16xi32, #tpu.memory_space<vmem>>, vector<1x16xi32>,
      %swap3A_392 = vector.shape_cast %swap3A_391 : vector<1x16xi32> to vector<16xi32>
      %swap3A_393 = vector.shape_cast %add3A_387 : vector<16xi32> to vector<1x16xi32>
      tpu.vector_store %arg14[%swap3A_389, %swap3A_390], %swap3A_393 {strides = array<i32>} : memref<18x16xi32, #tpu.memory_space<vmem>>, vector<1x16xi32>,
      %mul3A_394 = arith.mulf %sub3A_374, %sub3A_371 : vector<16xf32>
      %swap3A_395 = arith.constant 24 : i32
      %swap3A_396 = arith.index_cast %swap3A_395 : i32 to index
      %swap3A_397 = arith.constant 0 : index
      %swap3A_398 = tpu.vector_load %arg15[%swap3A_396, %swap3A_397] {strides = array<i32>} : memref<72x16xf32, #tpu.memory_space<vmem>>, vector<1x16xf32>,
      %swap3A_399 = vector.shape_cast %swap3A_398 : vector<1x16xf32> to vector<16xf32>
      %swap3A_400 = vector.shape_cast %mul3A_394 : vector<16xf32> to vector<1x16xf32>
      tpu.vector_store %arg15[%swap3A_396, %swap3A_397], %swap3A_400 {strides = array<i32>} : memref<72x16xf32, #tpu.memory_space<vmem>>, vector<1x16xf32>,
      %mul3A_401 = arith.mulf %sub3A_374, %sub3A_362 : vector<16xf32>
      %swap3A_402 = arith.constant 25 : i32
      %swap3A_403 = arith.index_cast %swap3A_402 : i32 to index
      %swap3A_404 = arith.constant 0 : index
      %swap3A_405 = tpu.vector_load %arg15[%swap3A_403, %swap3A_404] {strides = array<i32>} : memref<72x16xf32, #tpu.memory_space<vmem>>, vector<1x16xf32>,
      %swap3A_406 = vector.shape_cast %swap3A_405 : vector<1x16xf32> to vector<16xf32>
      %swap3A_407 = vector.shape_cast %mul3A_401 : vector<16xf32> to vector<1x16xf32>
      tpu.vector_store %arg15[%swap3A_403, %swap3A_404], %swap3A_407 {strides = array<i32>} : memref<72x16xf32, #tpu.memory_space<vmem>>, vector<1x16xf32>,
      %mul3A_408 = arith.mulf %sub3A_364, %sub3A_371 : vector<16xf32>
      %swap3A_409 = arith.constant 26 : i32
      %swap3A_410 = arith.index_cast %swap3A_409 : i32 to index
      %swap3A_411 = arith.constant 0 : index
      %swap3A_412 = tpu.vector_load %arg15[%swap3A_410, %swap3A_411] {strides = array<i32>} : memref<72x16xf32, #tpu.memory_space<vmem>>, vector<1x16xf32>,
      %swap3A_413 = vector.shape_cast %swap3A_412 : vector<1x16xf32> to vector<16xf32>
      %swap3A_414 = vector.shape_cast %mul3A_408 : vector<16xf32> to vector<1x16xf32>
      tpu.vector_store %arg15[%swap3A_410, %swap3A_411], %swap3A_414 {strides = array<i32>} : memref<72x16xf32, #tpu.memory_space<vmem>>, vector<1x16xf32>,
      %mul3A_415 = arith.mulf %sub3A_364, %sub3A_362 : vector<16xf32>
      %swap3A_416 = arith.constant 27 : i32
      %swap3A_417 = arith.index_cast %swap3A_416 : i32 to index
      %swap3A_418 = arith.constant 0 : index
      %swap3A_419 = tpu.vector_load %arg15[%swap3A_417, %swap3A_418] {strides = array<i32>} : memref<72x16xf32, #tpu.memory_space<vmem>>, vector<1x16xf32>,
      %swap3A_420 = vector.shape_cast %swap3A_419 : vector<1x16xf32> to vector<16xf32>
      %swap3A_421 = vector.shape_cast %mul3A_415 : vector<16xf32> to vector<1x16xf32>
      tpu.vector_store %arg15[%swap3A_417, %swap3A_418], %swap3A_421 {strides = array<i32>} : memref<72x16xf32, #tpu.memory_space<vmem>>, vector<1x16xf32>,
      %mul3A_422 = arith.constant 128 : i32
      %mul3A_423 = vector.broadcast %mul3A_422 : i32 to vector<16xi32>
      %mul3A_424 = arith.muli %convert_element_type3A_359, %mul3A_423 : vector<16xi32>
      %add3A_425 = arith.addi %mul3A_424, %convert_element_type3A_358 : vector<16xi32>
      %add3A_426 = arith.constant 34816 : i32
      %add3A_427 = vector.broadcast %add3A_426 : i32 to vector<16xi32>
      %add3A_428 = arith.addi %add3A_425, %add3A_427 : vector<16xi32>
      %swap3A_429 = arith.constant 7 : i32
      %swap3A_430 = arith.index_cast %swap3A_429 : i32 to index
      %swap3A_431 = arith.constant 0 : index
      %swap3A_432 = tpu.vector_load %arg14[%swap3A_430, %swap3A_431] {strides = array<i32>} : memref<18x16xi32, #tpu.memory_space<vmem>>, vector<1x16xi32>,
      %swap3A_433 = vector.shape_cast %swap3A_432 : vector<1x16xi32> to vector<16xi32>
      %swap3A_434 = vector.shape_cast %add3A_428 : vector<16xi32> to vector<1x16xi32>
      tpu.vector_store %arg14[%swap3A_430, %swap3A_431], %swap3A_434 {strides = array<i32>} : memref<18x16xi32, #tpu.memory_space<vmem>>, vector<1x16xi32>,
      %mul3A_435 = arith.mulf %sub3A_377, %sub3A_374 : vector<16xf32>
      %swap3A_436 = arith.constant 28 : i32
      %swap3A_437 = arith.index_cast %swap3A_436 : i32 to index
      %swap3A_438 = arith.constant 0 : index
      %swap3A_439 = tpu.vector_load %arg15[%swap3A_437, %swap3A_438] {strides = array<i32>} : memref<72x16xf32, #tpu.memory_space<vmem>>, vector<1x16xf32>,
      %swap3A_440 = vector.shape_cast %swap3A_439 : vector<1x16xf32> to vector<16xf32>
      %swap3A_441 = vector.shape_cast %mul3A_435 : vector<16xf32> to vector<1x16xf32>
      tpu.vector_store %arg15[%swap3A_437, %swap3A_438], %swap3A_441 {strides = array<i32>} : memref<72x16xf32, #tpu.memory_space<vmem>>, vector<1x16xf32>,
      %mul3A_442 = arith.mulf %sub3A_377, %sub3A_364 : vector<16xf32>
      %swap3A_443 = arith.constant 29 : i32
      %swap3A_444 = arith.index_cast %swap3A_443 : i32 to index
      %swap3A_445 = arith.constant 0 : index
      %swap3A_446 = tpu.vector_load %arg15[%swap3A_444, %swap3A_445] {strides = array<i32>} : memref<72x16xf32, #tpu.memory_space<vmem>>, vector<1x16xf32>,
      %swap3A_447 = vector.shape_cast %swap3A_446 : vector<1x16xf32> to vector<16xf32>
      %swap3A_448 = vector.shape_cast %mul3A_442 : vector<16xf32> to vector<1x16xf32>
      tpu.vector_store %arg15[%swap3A_444, %swap3A_445], %swap3A_448 {strides = array<i32>} : memref<72x16xf32, #tpu.memory_space<vmem>>, vector<1x16xf32>,
      %mul3A_449 = arith.mulf %sub3A_366, %sub3A_374 : vector<16xf32>
      %swap3A_450 = arith.constant 30 : i32
      %swap3A_451 = arith.index_cast %swap3A_450 : i32 to index
      %swap3A_452 = arith.constant 0 : index
      %swap3A_453 = tpu.vector_load %arg15[%swap3A_451, %swap3A_452] {strides = array<i32>} : memref<72x16xf32, #tpu.memory_space<vmem>>, vector<1x16xf32>,
      %swap3A_454 = vector.shape_cast %swap3A_453 : vector<1x16xf32> to vector<16xf32>
      %swap3A_455 = vector.shape_cast %mul3A_449 : vector<16xf32> to vector<1x16xf32>
      tpu.vector_store %arg15[%swap3A_451, %swap3A_452], %swap3A_455 {strides = array<i32>} : memref<72x16xf32, #tpu.memory_space<vmem>>, vector<1x16xf32>,
      %mul3A_456 = arith.mulf %sub3A_366, %sub3A_364 : vector<16xf32>
      %swap3A_457 = arith.constant 31 : i32
      %swap3A_458 = arith.index_cast %swap3A_457 : i32 to index
      %swap3A_459 = arith.constant 0 : index
      %swap3A_460 = tpu.vector_load %arg15[%swap3A_458, %swap3A_459] {strides = array<i32>} : memref<72x16xf32, #tpu.memory_space<vmem>>, vector<1x16xf32>,
      %swap3A_461 = vector.shape_cast %swap3A_460 : vector<1x16xf32> to vector<16xf32>
      %swap3A_462 = vector.shape_cast %mul3A_456 : vector<16xf32> to vector<1x16xf32>
      tpu.vector_store %arg15[%swap3A_458, %swap3A_459], %swap3A_462 {strides = array<i32>} : memref<72x16xf32, #tpu.memory_space<vmem>>, vector<1x16xf32>,
      %mul3A_463 = arith.constant 128 : i32
      %mul3A_464 = vector.broadcast %mul3A_463 : i32 to vector<16xi32>
      %mul3A_465 = arith.muli %convert_element_type3A_359, %mul3A_464 : vector<16xi32>
      %add3A_466 = arith.addi %mul3A_465, %convert_element_type3A_357 : vector<16xi32>
      %add3A_467 = arith.constant 51200 : i32
      %add3A_468 = vector.broadcast %add3A_467 : i32 to vector<16xi32>
      %add3A_469 = arith.addi %add3A_466, %add3A_468 : vector<16xi32>
      %swap3A_470 = arith.constant 8 : i32
      %swap3A_471 = arith.index_cast %swap3A_470 : i32 to index
      %swap3A_472 = arith.constant 0 : index
      %swap3A_473 = tpu.vector_load %arg14[%swap3A_471, %swap3A_472] {strides = array<i32>} : memref<18x16xi32, #tpu.memory_space<vmem>>, vector<1x16xi32>,
      %swap3A_474 = vector.shape_cast %swap3A_473 : vector<1x16xi32> to vector<16xi32>
      %swap3A_475 = vector.shape_cast %add3A_469 : vector<16xi32> to vector<1x16xi32>
      tpu.vector_store %arg14[%swap3A_471, %swap3A_472], %swap3A_475 {strides = array<i32>} : memref<18x16xi32, #tpu.memory_space<vmem>>, vector<1x16xi32>,
      %mul3A_476 = arith.mulf %sub3A_377, %sub3A_371 : vector<16xf32>
      %swap3A_477 = arith.constant 32 : i32
      %swap3A_478 = arith.index_cast %swap3A_477 : i32 to index
      %swap3A_479 = arith.constant 0 : index
      %swap3A_480 = tpu.vector_load %arg15[%swap3A_478, %swap3A_479] {strides = array<i32>} : memref<72x16xf32, #tpu.memory_space<vmem>>, vector<1x16xf32>,
      %swap3A_481 = vector.shape_cast %swap3A_480 : vector<1x16xf32> to vector<16xf32>
      %swap3A_482 = vector.shape_cast %mul3A_476 : vector<16xf32> to vector<1x16xf32>
      tpu.vector_store %arg15[%swap3A_478, %swap3A_479], %swap3A_482 {strides = array<i32>} : memref<72x16xf32, #tpu.memory_space<vmem>>, vector<1x16xf32>,
      %mul3A_483 = arith.mulf %sub3A_377, %sub3A_362 : vector<16xf32>
      %swap3A_484 = arith.constant 33 : i32
      %swap3A_485 = arith.index_cast %swap3A_484 : i32 to index
      %swap3A_486 = arith.constant 0 : index
      %swap3A_487 = tpu.vector_load %arg15[%swap3A_485, %swap3A_486] {strides = array<i32>} : memref<72x16xf32, #tpu.memory_space<vmem>>, vector<1x16xf32>,
      %swap3A_488 = vector.shape_cast %swap3A_487 : vector<1x16xf32> to vector<16xf32>
      %swap3A_489 = vector.shape_cast %mul3A_483 : vector<16xf32> to vector<1x16xf32>
      tpu.vector_store %arg15[%swap3A_485, %swap3A_486], %swap3A_489 {strides = array<i32>} : memref<72x16xf32, #tpu.memory_space<vmem>>, vector<1x16xf32>,
      %mul3A_490 = arith.mulf %sub3A_366, %sub3A_371 : vector<16xf32>
      %swap3A_491 = arith.constant 34 : i32
      %swap3A_492 = arith.index_cast %swap3A_491 : i32 to index
      %swap3A_493 = arith.constant 0 : index
      %swap3A_494 = tpu.vector_load %arg15[%swap3A_492, %swap3A_493] {strides = array<i32>} : memref<72x16xf32, #tpu.memory_space<vmem>>, vector<1x16xf32>,
      %swap3A_495 = vector.shape_cast %swap3A_494 : vector<1x16xf32> to vector<16xf32>
      %swap3A_496 = vector.shape_cast %mul3A_490 : vector<16xf32> to vector<1x16xf32>
      tpu.vector_store %arg15[%swap3A_492, %swap3A_493], %swap3A_496 {strides = array<i32>} : memref<72x16xf32, #tpu.memory_space<vmem>>, vector<1x16xf32>,
      %mul3A_497 = arith.mulf %sub3A_366, %sub3A_362 : vector<16xf32>
      %swap3A_498 = arith.constant 35 : i32
      %swap3A_499 = arith.index_cast %swap3A_498 : i32 to index
      %swap3A_500 = arith.constant 0 : index
      %swap3A_501 = tpu.vector_load %arg15[%swap3A_499, %swap3A_500] {strides = array<i32>} : memref<72x16xf32, #tpu.memory_space<vmem>>, vector<1x16xf32>,
      %swap3A_502 = vector.shape_cast %swap3A_501 : vector<1x16xf32> to vector<16xf32>
      %swap3A_503 = vector.shape_cast %mul3A_497 : vector<16xf32> to vector<1x16xf32>
      tpu.vector_store %arg15[%swap3A_499, %swap3A_500], %swap3A_503 {strides = array<i32>} : memref<72x16xf32, #tpu.memory_space<vmem>>, vector<1x16xf32>,
      %mul3A_504 = arith.constant 128 : i32
      %mul3A_505 = vector.broadcast %mul3A_504 : i32 to vector<16xi32>
      %mul3A_506 = arith.muli %convert_element_type3A_360, %mul3A_505 : vector<16xi32>
      %add3A_507 = arith.addi %mul3A_506, %convert_element_type3A_357 : vector<16xi32>
      %add3A_508 = arith.constant 67584 : i32
      %add3A_509 = vector.broadcast %add3A_508 : i32 to vector<16xi32>
      %add3A_510 = arith.addi %add3A_507, %add3A_509 : vector<16xi32>
      %swap3A_511 = arith.constant 9 : i32
      %swap3A_512 = arith.index_cast %swap3A_511 : i32 to index
      %swap3A_513 = arith.constant 0 : index
      %swap3A_514 = tpu.vector_load %arg14[%swap3A_512, %swap3A_513] {strides = array<i32>} : memref<18x16xi32, #tpu.memory_space<vmem>>, vector<1x16xi32>,
      %swap3A_515 = vector.shape_cast %swap3A_514 : vector<1x16xi32> to vector<16xi32>
      %swap3A_516 = vector.shape_cast %add3A_510 : vector<16xi32> to vector<1x16xi32>
      tpu.vector_store %arg14[%swap3A_512, %swap3A_513], %swap3A_516 {strides = array<i32>} : memref<18x16xi32, #tpu.memory_space<vmem>>, vector<1x16xi32>,
      %mul3A_517 = arith.mulf %sub3A_380, %sub3A_371 : vector<16xf32>
      %swap3A_518 = arith.constant 36 : i32
      %swap3A_519 = arith.index_cast %swap3A_518 : i32 to index
      %swap3A_520 = arith.constant 0 : index
      %swap3A_521 = tpu.vector_load %arg15[%swap3A_519, %swap3A_520] {strides = array<i32>} : memref<72x16xf32, #tpu.memory_space<vmem>>, vector<1x16xf32>,
      %swap3A_522 = vector.shape_cast %swap3A_521 : vector<1x16xf32> to vector<16xf32>
      %swap3A_523 = vector.shape_cast %mul3A_517 : vector<16xf32> to vector<1x16xf32>
      tpu.vector_store %arg15[%swap3A_519, %swap3A_520], %swap3A_523 {strides = array<i32>} : memref<72x16xf32, #tpu.memory_space<vmem>>, vector<1x16xf32>,
      %mul3A_524 = arith.mulf %sub3A_380, %sub3A_362 : vector<16xf32>
      %swap3A_525 = arith.constant 37 : i32
      %swap3A_526 = arith.index_cast %swap3A_525 : i32 to index
      %swap3A_527 = arith.constant 0 : index
      %swap3A_528 = tpu.vector_load %arg15[%swap3A_526, %swap3A_527] {strides = array<i32>} : memref<72x16xf32, #tpu.memory_space<vmem>>, vector<1x16xf32>,
      %swap3A_529 = vector.shape_cast %swap3A_528 : vector<1x16xf32> to vector<16xf32>
      %swap3A_530 = vector.shape_cast %mul3A_524 : vector<16xf32> to vector<1x16xf32>
      tpu.vector_store %arg15[%swap3A_526, %swap3A_527], %swap3A_530 {strides = array<i32>} : memref<72x16xf32, #tpu.memory_space<vmem>>, vector<1x16xf32>,
      %mul3A_531 = arith.mulf %sub3A_368, %sub3A_371 : vector<16xf32>
      %swap3A_532 = arith.constant 38 : i32
      %swap3A_533 = arith.index_cast %swap3A_532 : i32 to index
      %swap3A_534 = arith.constant 0 : index
      %swap3A_535 = tpu.vector_load %arg15[%swap3A_533, %swap3A_534] {strides = array<i32>} : memref<72x16xf32, #tpu.memory_space<vmem>>, vector<1x16xf32>,
      %swap3A_536 = vector.shape_cast %swap3A_535 : vector<1x16xf32> to vector<16xf32>
      %swap3A_537 = vector.shape_cast %mul3A_531 : vector<16xf32> to vector<1x16xf32>
      tpu.vector_store %arg15[%swap3A_533, %swap3A_534], %swap3A_537 {strides = array<i32>} : memref<72x16xf32, #tpu.memory_space<vmem>>, vector<1x16xf32>,
      %mul3A_538 = arith.mulf %sub3A_368, %sub3A_362 : vector<16xf32>
      %swap3A_539 = arith.constant 39 : i32
      %swap3A_540 = arith.index_cast %swap3A_539 : i32 to index
      %swap3A_541 = arith.constant 0 : index
      %swap3A_542 = tpu.vector_load %arg15[%swap3A_540, %swap3A_541] {strides = array<i32>} : memref<72x16xf32, #tpu.memory_space<vmem>>, vector<1x16xf32>,
      %swap3A_543 = vector.shape_cast %swap3A_542 : vector<1x16xf32> to vector<16xf32>
      %swap3A_544 = vector.shape_cast %mul3A_538 : vector<16xf32> to vector<1x16xf32>
      tpu.vector_store %arg15[%swap3A_540, %swap3A_541], %swap3A_544 {strides = array<i32>} : memref<72x16xf32, #tpu.memory_space<vmem>>, vector<1x16xf32>,
      %mul3A_545 = arith.constant 128 : i32
      %mul3A_546 = vector.broadcast %mul3A_545 : i32 to vector<16xi32>
      %mul3A_547 = arith.muli %convert_element_type3A_360, %mul3A_546 : vector<16xi32>
      %add3A_548 = arith.addi %mul3A_547, %convert_element_type3A_358 : vector<16xi32>
      %add3A_549 = arith.constant 75776 : i32
      %add3A_550 = vector.broadcast %add3A_549 : i32 to vector<16xi32>
      %add3A_551 = arith.addi %add3A_548, %add3A_550 : vector<16xi32>
      %swap3A_552 = arith.constant 10 : i32
      %swap3A_553 = arith.index_cast %swap3A_552 : i32 to index
      %swap3A_554 = arith.constant 0 : index
      %swap3A_555 = tpu.vector_load %arg14[%swap3A_553, %swap3A_554] {strides = array<i32>} : memref<18x16xi32, #tpu.memory_space<vmem>>, vector<1x16xi32>,
      %swap3A_556 = vector.shape_cast %swap3A_555 : vector<1x16xi32> to vector<16xi32>
      %swap3A_557 = vector.shape_cast %add3A_551 : vector<16xi32> to vector<1x16xi32>
      tpu.vector_store %arg14[%swap3A_553, %swap3A_554], %swap3A_557 {strides = array<i32>} : memref<18x16xi32, #tpu.memory_space<vmem>>, vector<1x16xi32>,
      %mul3A_558 = arith.mulf %sub3A_380, %sub3A_374 : vector<16xf32>
      %swap3A_559 = arith.constant 40 : i32
      %swap3A_560 = arith.index_cast %swap3A_559 : i32 to index
      %swap3A_561 = arith.constant 0 : index
      %swap3A_562 = tpu.vector_load %arg15[%swap3A_560, %swap3A_561] {strides = array<i32>} : memref<72x16xf32, #tpu.memory_space<vmem>>, vector<1x16xf32>,
      %swap3A_563 = vector.shape_cast %swap3A_562 : vector<1x16xf32> to vector<16xf32>
      %swap3A_564 = vector.shape_cast %mul3A_558 : vector<16xf32> to vector<1x16xf32>
      tpu.vector_store %arg15[%swap3A_560, %swap3A_561], %swap3A_564 {strides = array<i32>} : memref<72x16xf32, #tpu.memory_space<vmem>>, vector<1x16xf32>,
      %mul3A_565 = arith.mulf %sub3A_380, %sub3A_364 : vector<16xf32>
      %swap3A_566 = arith.constant 41 : i32
      %swap3A_567 = arith.index_cast %swap3A_566 : i32 to index
      %swap3A_568 = arith.constant 0 : index
      %swap3A_569 = tpu.vector_load %arg15[%swap3A_567, %swap3A_568] {strides = array<i32>} : memref<72x16xf32, #tpu.memory_space<vmem>>, vector<1x16xf32>,
      %swap3A_570 = vector.shape_cast %swap3A_569 : vector<1x16xf32> to vector<16xf32>
      %swap3A_571 = vector.shape_cast %mul3A_565 : vector<16xf32> to vector<1x16xf32>
      tpu.vector_store %arg15[%swap3A_567, %swap3A_568], %swap3A_571 {strides = array<i32>} : memref<72x16xf32, #tpu.memory_space<vmem>>, vector<1x16xf32>,
      %mul3A_572 = arith.mulf %sub3A_368, %sub3A_374 : vector<16xf32>
      %swap3A_573 = arith.constant 42 : i32
      %swap3A_574 = arith.index_cast %swap3A_573 : i32 to index
      %swap3A_575 = arith.constant 0 : index
      %swap3A_576 = tpu.vector_load %arg15[%swap3A_574, %swap3A_575] {strides = array<i32>} : memref<72x16xf32, #tpu.memory_space<vmem>>, vector<1x16xf32>,
      %swap3A_577 = vector.shape_cast %swap3A_576 : vector<1x16xf32> to vector<16xf32>
      %swap3A_578 = vector.shape_cast %mul3A_572 : vector<16xf32> to vector<1x16xf32>
      tpu.vector_store %arg15[%swap3A_574, %swap3A_575], %swap3A_578 {strides = array<i32>} : memref<72x16xf32, #tpu.memory_space<vmem>>, vector<1x16xf32>,
      %mul3A_579 = arith.mulf %sub3A_368, %sub3A_364 : vector<16xf32>
      %swap3A_580 = arith.constant 43 : i32
      %swap3A_581 = arith.index_cast %swap3A_580 : i32 to index
      %swap3A_582 = arith.constant 0 : index
      %swap3A_583 = tpu.vector_load %arg15[%swap3A_581, %swap3A_582] {strides = array<i32>} : memref<72x16xf32, #tpu.memory_space<vmem>>, vector<1x16xf32>,
      %swap3A_584 = vector.shape_cast %swap3A_583 : vector<1x16xf32> to vector<16xf32>
      %swap3A_585 = vector.shape_cast %mul3A_579 : vector<16xf32> to vector<1x16xf32>
      tpu.vector_store %arg15[%swap3A_581, %swap3A_582], %swap3A_585 {strides = array<i32>} : memref<72x16xf32, #tpu.memory_space<vmem>>, vector<1x16xf32>,
      %mul3A_586 = arith.constant 128 : i32
      %mul3A_587 = vector.broadcast %mul3A_586 : i32 to vector<16xi32>
      %mul3A_588 = arith.muli %convert_element_type3A_360, %mul3A_587 : vector<16xi32>
      %add3A_589 = arith.addi %mul3A_588, %convert_element_type3A_359 : vector<16xi32>
      %add3A_590 = arith.constant 83968 : i32
      %add3A_591 = vector.broadcast %add3A_590 : i32 to vector<16xi32>
      %add3A_592 = arith.addi %add3A_589, %add3A_591 : vector<16xi32>
      %swap3A_593 = arith.constant 11 : i32
      %swap3A_594 = arith.index_cast %swap3A_593 : i32 to index
      %swap3A_595 = arith.constant 0 : index
      %swap3A_596 = tpu.vector_load %arg14[%swap3A_594, %swap3A_595] {strides = array<i32>} : memref<18x16xi32, #tpu.memory_space<vmem>>, vector<1x16xi32>,
      %swap3A_597 = vector.shape_cast %swap3A_596 : vector<1x16xi32> to vector<16xi32>
      %swap3A_598 = vector.shape_cast %add3A_592 : vector<16xi32> to vector<1x16xi32>
      tpu.vector_store %arg14[%swap3A_594, %swap3A_595], %swap3A_598 {strides = array<i32>} : memref<18x16xi32, #tpu.memory_space<vmem>>, vector<1x16xi32>,
      %mul3A_599 = arith.mulf %sub3A_380, %sub3A_377 : vector<16xf32>
      %swap3A_600 = arith.constant 44 : i32
      %swap3A_601 = arith.index_cast %swap3A_600 : i32 to index
      %swap3A_602 = arith.constant 0 : index
      %swap3A_603 = tpu.vector_load %arg15[%swap3A_601, %swap3A_602] {strides = array<i32>} : memref<72x16xf32, #tpu.memory_space<vmem>>, vector<1x16xf32>,
      %swap3A_604 = vector.shape_cast %swap3A_603 : vector<1x16xf32> to vector<16xf32>
      %swap3A_605 = vector.shape_cast %mul3A_599 : vector<16xf32> to vector<1x16xf32>
      tpu.vector_store %arg15[%swap3A_601, %swap3A_602], %swap3A_605 {strides = array<i32>} : memref<72x16xf32, #tpu.memory_space<vmem>>, vector<1x16xf32>,
      %mul3A_606 = arith.mulf %sub3A_380, %sub3A_366 : vector<16xf32>
      %swap3A_607 = arith.constant 45 : i32
      %swap3A_608 = arith.index_cast %swap3A_607 : i32 to index
      %swap3A_609 = arith.constant 0 : index
      %swap3A_610 = tpu.vector_load %arg15[%swap3A_608, %swap3A_609] {strides = array<i32>} : memref<72x16xf32, #tpu.memory_space<vmem>>, vector<1x16xf32>,
      %swap3A_611 = vector.shape_cast %swap3A_610 : vector<1x16xf32> to vector<16xf32>
      %swap3A_612 = vector.shape_cast %mul3A_606 : vector<16xf32> to vector<1x16xf32>
      tpu.vector_store %arg15[%swap3A_608, %swap3A_609], %swap3A_612 {strides = array<i32>} : memref<72x16xf32, #tpu.memory_space<vmem>>, vector<1x16xf32>,
      %mul3A_613 = arith.mulf %sub3A_368, %sub3A_377 : vector<16xf32>
      %swap3A_614 = arith.constant 46 : i32
      %swap3A_615 = arith.index_cast %swap3A_614 : i32 to index
      %swap3A_616 = arith.constant 0 : index
      %swap3A_617 = tpu.vector_load %arg15[%swap3A_615, %swap3A_616] {strides = array<i32>} : memref<72x16xf32, #tpu.memory_space<vmem>>, vector<1x16xf32>,
      %swap3A_618 = vector.shape_cast %swap3A_617 : vector<1x16xf32> to vector<16xf32>
      %swap3A_619 = vector.shape_cast %mul3A_613 : vector<16xf32> to vector<1x16xf32>
      tpu.vector_store %arg15[%swap3A_615, %swap3A_616], %swap3A_619 {strides = array<i32>} : memref<72x16xf32, #tpu.memory_space<vmem>>, vector<1x16xf32>,
      %mul3A_620 = arith.mulf %sub3A_368, %sub3A_366 : vector<16xf32>
      %swap3A_621 = arith.constant 47 : i32
      %swap3A_622 = arith.index_cast %swap3A_621 : i32 to index
      %swap3A_623 = arith.constant 0 : index
      %swap3A_624 = tpu.vector_load %arg15[%swap3A_622, %swap3A_623] {strides = array<i32>} : memref<72x16xf32, #tpu.memory_space<vmem>>, vector<1x16xf32>,
      %swap3A_625 = vector.shape_cast %swap3A_624 : vector<1x16xf32> to vector<16xf32>
      %swap3A_626 = vector.shape_cast %mul3A_620 : vector<16xf32> to vector<1x16xf32>
      tpu.vector_store %arg15[%swap3A_622, %swap3A_623], %swap3A_626 {strides = array<i32>} : memref<72x16xf32, #tpu.memory_space<vmem>>, vector<1x16xf32>,
      %mul3A_627 = arith.constant 2.550000e+02 : f32
      %mul3A_628 = vector.broadcast %mul3A_627 : f32 to vector<16xf32>
      %mul3A_629 = arith.mulf %min3A_35, %mul3A_628 : vector<16xf32>
      %mul3A_630 = arith.constant 2.550000e+02 : f32
      %mul3A_631 = vector.broadcast %mul3A_630 : f32 to vector<16xf32>
      %mul3A_632 = arith.mulf %min3A_48, %mul3A_631 : vector<16xf32>
      %mul3A_633 = arith.constant 2.550000e+02 : f32
      %mul3A_634 = vector.broadcast %mul3A_633 : f32 to vector<16xf32>
      %mul3A_635 = arith.mulf %min3A_61, %mul3A_634 : vector<16xf32>
      %mul3A_636 = arith.constant 1.270000e+02 : f32
      %mul3A_637 = vector.broadcast %mul3A_636 : f32 to vector<16xf32>
      %mul3A_638 = arith.mulf %get3A_64, %mul3A_637 : vector<16xf32>
      %convert_element_type3A_639 = arith.fptosi %mul3A_629 : vector<16xf32> to vector<16xi32>
      %convert_element_type3A_640 = arith.fptosi %mul3A_632 : vector<16xf32> to vector<16xi32>
      %convert_element_type3A_641 = arith.fptosi %mul3A_635 : vector<16xf32> to vector<16xi32>
      %convert_element_type3A_642 = arith.fptosi %mul3A_638 : vector<16xf32> to vector<16xi32>
      %convert_element_type3A_643 = arith.sitofp %convert_element_type3A_639 : vector<16xi32> to vector<16xf32>
      %sub3A_644 = arith.subf %mul3A_629, %convert_element_type3A_643 : vector<16xf32>
      %convert_element_type3A_645 = arith.sitofp %convert_element_type3A_640 : vector<16xi32> to vector<16xf32>
      %sub3A_646 = arith.subf %mul3A_632, %convert_element_type3A_645 : vector<16xf32>
      %convert_element_type3A_647 = arith.sitofp %convert_element_type3A_641 : vector<16xi32> to vector<16xf32>
      %sub3A_648 = arith.subf %mul3A_635, %convert_element_type3A_647 : vector<16xf32>
      %convert_element_type3A_649 = arith.sitofp %convert_element_type3A_642 : vector<16xi32> to vector<16xf32>
      %sub3A_650 = arith.subf %mul3A_638, %convert_element_type3A_649 : vector<16xf32>
      %sub3A_651 = arith.constant 1.000000e+00 : f32
      %sub3A_652 = vector.broadcast %sub3A_651 : f32 to vector<16xf32>
      %sub3A_653 = arith.subf %sub3A_652, %sub3A_644 : vector<16xf32>
      %sub3A_654 = arith.constant 1.000000e+00 : f32
      %sub3A_655 = vector.broadcast %sub3A_654 : f32 to vector<16xf32>
      %sub3A_656 = arith.subf %sub3A_655, %sub3A_646 : vector<16xf32>
      %sub3A_657 = arith.constant 1.000000e+00 : f32
      %sub3A_658 = vector.broadcast %sub3A_657 : f32 to vector<16xf32>
      %sub3A_659 = arith.subf %sub3A_658, %sub3A_648 : vector<16xf32>
      %sub3A_660 = arith.constant 1.000000e+00 : f32
      %sub3A_661 = vector.broadcast %sub3A_660 : f32 to vector<16xf32>
      %sub3A_662 = arith.subf %sub3A_661, %sub3A_650 : vector<16xf32>
      %mul3A_663 = arith.constant 256 : i32
      %mul3A_664 = vector.broadcast %mul3A_663 : i32 to vector<16xi32>
      %mul3A_665 = arith.muli %convert_element_type3A_640, %mul3A_664 : vector<16xi32>
      %add3A_666 = arith.addi %mul3A_665, %convert_element_type3A_639 : vector<16xi32>
      %add3A_667 = arith.constant 92160 : i32
      %add3A_668 = vector.broadcast %add3A_667 : i32 to vector<16xi32>
      %add3A_669 = arith.addi %add3A_666, %add3A_668 : vector<16xi32>
      %swap3A_670 = arith.constant 12 : i32
      %swap3A_671 = arith.index_cast %swap3A_670 : i32 to index
      %swap3A_672 = arith.constant 0 : index
      %swap3A_673 = tpu.vector_load %arg14[%swap3A_671, %swap3A_672] {strides = array<i32>} : memref<18x16xi32, #tpu.memory_space<vmem>>, vector<1x16xi32>,
      %swap3A_674 = vector.shape_cast %swap3A_673 : vector<1x16xi32> to vector<16xi32>
      %swap3A_675 = vector.shape_cast %add3A_669 : vector<16xi32> to vector<1x16xi32>
      tpu.vector_store %arg14[%swap3A_671, %swap3A_672], %swap3A_675 {strides = array<i32>} : memref<18x16xi32, #tpu.memory_space<vmem>>, vector<1x16xi32>,
      %mul3A_676 = arith.mulf %sub3A_656, %sub3A_653 : vector<16xf32>
      %swap3A_677 = arith.constant 48 : i32
      %swap3A_678 = arith.index_cast %swap3A_677 : i32 to index
      %swap3A_679 = arith.constant 0 : index
      %swap3A_680 = tpu.vector_load %arg15[%swap3A_678, %swap3A_679] {strides = array<i32>} : memref<72x16xf32, #tpu.memory_space<vmem>>, vector<1x16xf32>,
      %swap3A_681 = vector.shape_cast %swap3A_680 : vector<1x16xf32> to vector<16xf32>
      %swap3A_682 = vector.shape_cast %mul3A_676 : vector<16xf32> to vector<1x16xf32>
      tpu.vector_store %arg15[%swap3A_678, %swap3A_679], %swap3A_682 {strides = array<i32>} : memref<72x16xf32, #tpu.memory_space<vmem>>, vector<1x16xf32>,
      %mul3A_683 = arith.mulf %sub3A_656, %sub3A_644 : vector<16xf32>
      %swap3A_684 = arith.constant 49 : i32
      %swap3A_685 = arith.index_cast %swap3A_684 : i32 to index
      %swap3A_686 = arith.constant 0 : index
      %swap3A_687 = tpu.vector_load %arg15[%swap3A_685, %swap3A_686] {strides = array<i32>} : memref<72x16xf32, #tpu.memory_space<vmem>>, vector<1x16xf32>,
      %swap3A_688 = vector.shape_cast %swap3A_687 : vector<1x16xf32> to vector<16xf32>
      %swap3A_689 = vector.shape_cast %mul3A_683 : vector<16xf32> to vector<1x16xf32>
      tpu.vector_store %arg15[%swap3A_685, %swap3A_686], %swap3A_689 {strides = array<i32>} : memref<72x16xf32, #tpu.memory_space<vmem>>, vector<1x16xf32>,
      %mul3A_690 = arith.mulf %sub3A_646, %sub3A_653 : vector<16xf32>
      %swap3A_691 = arith.constant 50 : i32
      %swap3A_692 = arith.index_cast %swap3A_691 : i32 to index
      %swap3A_693 = arith.constant 0 : index
      %swap3A_694 = tpu.vector_load %arg15[%swap3A_692, %swap3A_693] {strides = array<i32>} : memref<72x16xf32, #tpu.memory_space<vmem>>, vector<1x16xf32>,
      %swap3A_695 = vector.shape_cast %swap3A_694 : vector<1x16xf32> to vector<16xf32>
      %swap3A_696 = vector.shape_cast %mul3A_690 : vector<16xf32> to vector<1x16xf32>
      tpu.vector_store %arg15[%swap3A_692, %swap3A_693], %swap3A_696 {strides = array<i32>} : memref<72x16xf32, #tpu.memory_space<vmem>>, vector<1x16xf32>,
      %mul3A_697 = arith.mulf %sub3A_646, %sub3A_644 : vector<16xf32>
      %swap3A_698 = arith.constant 51 : i32
      %swap3A_699 = arith.index_cast %swap3A_698 : i32 to index
      %swap3A_700 = arith.constant 0 : index
      %swap3A_701 = tpu.vector_load %arg15[%swap3A_699, %swap3A_700] {strides = array<i32>} : memref<72x16xf32, #tpu.memory_space<vmem>>, vector<1x16xf32>,
      %swap3A_702 = vector.shape_cast %swap3A_701 : vector<1x16xf32> to vector<16xf32>
      %swap3A_703 = vector.shape_cast %mul3A_697 : vector<16xf32> to vector<1x16xf32>
      tpu.vector_store %arg15[%swap3A_699, %swap3A_700], %swap3A_703 {strides = array<i32>} : memref<72x16xf32, #tpu.memory_space<vmem>>, vector<1x16xf32>,
      %mul3A_704 = arith.constant 256 : i32
      %mul3A_705 = vector.broadcast %mul3A_704 : i32 to vector<16xi32>
      %mul3A_706 = arith.muli %convert_element_type3A_641, %mul3A_705 : vector<16xi32>
      %add3A_707 = arith.addi %mul3A_706, %convert_element_type3A_640 : vector<16xi32>
      %add3A_708 = arith.constant 157696 : i32
      %add3A_709 = vector.broadcast %add3A_708 : i32 to vector<16xi32>
      %add3A_710 = arith.addi %add3A_707, %add3A_709 : vector<16xi32>
      %swap3A_711 = arith.constant 13 : i32
      %swap3A_712 = arith.index_cast %swap3A_711 : i32 to index
      %swap3A_713 = arith.constant 0 : index
      %swap3A_714 = tpu.vector_load %arg14[%swap3A_712, %swap3A_713] {strides = array<i32>} : memref<18x16xi32, #tpu.memory_space<vmem>>, vector<1x16xi32>,
      %swap3A_715 = vector.shape_cast %swap3A_714 : vector<1x16xi32> to vector<16xi32>
      %swap3A_716 = vector.shape_cast %add3A_710 : vector<16xi32> to vector<1x16xi32>
      tpu.vector_store %arg14[%swap3A_712, %swap3A_713], %swap3A_716 {strides = array<i32>} : memref<18x16xi32, #tpu.memory_space<vmem>>, vector<1x16xi32>,
      %mul3A_717 = arith.mulf %sub3A_659, %sub3A_656 : vector<16xf32>
      %swap3A_718 = arith.constant 52 : i32
      %swap3A_719 = arith.index_cast %swap3A_718 : i32 to index
      %swap3A_720 = arith.constant 0 : index
      %swap3A_721 = tpu.vector_load %arg15[%swap3A_719, %swap3A_720] {strides = array<i32>} : memref<72x16xf32, #tpu.memory_space<vmem>>, vector<1x16xf32>,
      %swap3A_722 = vector.shape_cast %swap3A_721 : vector<1x16xf32> to vector<16xf32>
      %swap3A_723 = vector.shape_cast %mul3A_717 : vector<16xf32> to vector<1x16xf32>
      tpu.vector_store %arg15[%swap3A_719, %swap3A_720], %swap3A_723 {strides = array<i32>} : memref<72x16xf32, #tpu.memory_space<vmem>>, vector<1x16xf32>,
      %mul3A_724 = arith.mulf %sub3A_659, %sub3A_646 : vector<16xf32>
      %swap3A_725 = arith.constant 53 : i32
      %swap3A_726 = arith.index_cast %swap3A_725 : i32 to index
      %swap3A_727 = arith.constant 0 : index
      %swap3A_728 = tpu.vector_load %arg15[%swap3A_726, %swap3A_727] {strides = array<i32>} : memref<72x16xf32, #tpu.memory_space<vmem>>, vector<1x16xf32>,
      %swap3A_729 = vector.shape_cast %swap3A_728 : vector<1x16xf32> to vector<16xf32>
      %swap3A_730 = vector.shape_cast %mul3A_724 : vector<16xf32> to vector<1x16xf32>
      tpu.vector_store %arg15[%swap3A_726, %swap3A_727], %swap3A_730 {strides = array<i32>} : memref<72x16xf32, #tpu.memory_space<vmem>>, vector<1x16xf32>,
      %mul3A_731 = arith.mulf %sub3A_648, %sub3A_656 : vector<16xf32>
      %swap3A_732 = arith.constant 54 : i32
      %swap3A_733 = arith.index_cast %swap3A_732 : i32 to index
      %swap3A_734 = arith.constant 0 : index
      %swap3A_735 = tpu.vector_load %arg15[%swap3A_733, %swap3A_734] {strides = array<i32>} : memref<72x16xf32, #tpu.memory_space<vmem>>, vector<1x16xf32>,
      %swap3A_736 = vector.shape_cast %swap3A_735 : vector<1x16xf32> to vector<16xf32>
      %swap3A_737 = vector.shape_cast %mul3A_731 : vector<16xf32> to vector<1x16xf32>
      tpu.vector_store %arg15[%swap3A_733, %swap3A_734], %swap3A_737 {strides = array<i32>} : memref<72x16xf32, #tpu.memory_space<vmem>>, vector<1x16xf32>,
      %mul3A_738 = arith.mulf %sub3A_648, %sub3A_646 : vector<16xf32>
      %swap3A_739 = arith.constant 55 : i32
      %swap3A_740 = arith.index_cast %swap3A_739 : i32 to index
      %swap3A_741 = arith.constant 0 : index
      %swap3A_742 = tpu.vector_load %arg15[%swap3A_740, %swap3A_741] {strides = array<i32>} : memref<72x16xf32, #tpu.memory_space<vmem>>, vector<1x16xf32>,
      %swap3A_743 = vector.shape_cast %swap3A_742 : vector<1x16xf32> to vector<16xf32>
      %swap3A_744 = vector.shape_cast %mul3A_738 : vector<16xf32> to vector<1x16xf32>
      tpu.vector_store %arg15[%swap3A_740, %swap3A_741], %swap3A_744 {strides = array<i32>} : memref<72x16xf32, #tpu.memory_space<vmem>>, vector<1x16xf32>,
      %mul3A_745 = arith.constant 256 : i32
      %mul3A_746 = vector.broadcast %mul3A_745 : i32 to vector<16xi32>
      %mul3A_747 = arith.muli %convert_element_type3A_641, %mul3A_746 : vector<16xi32>
      %add3A_748 = arith.addi %mul3A_747, %convert_element_type3A_639 : vector<16xi32>
      %add3A_749 = arith.constant 223232 : i32
      %add3A_750 = vector.broadcast %add3A_749 : i32 to vector<16xi32>
      %add3A_751 = arith.addi %add3A_748, %add3A_750 : vector<16xi32>
      %swap3A_752 = arith.constant 14 : i32
      %swap3A_753 = arith.index_cast %swap3A_752 : i32 to index
      %swap3A_754 = arith.constant 0 : index
      %swap3A_755 = tpu.vector_load %arg14[%swap3A_753, %swap3A_754] {strides = array<i32>} : memref<18x16xi32, #tpu.memory_space<vmem>>, vector<1x16xi32>,
      %swap3A_756 = vector.shape_cast %swap3A_755 : vector<1x16xi32> to vector<16xi32>
      %swap3A_757 = vector.shape_cast %add3A_751 : vector<16xi32> to vector<1x16xi32>
      tpu.vector_store %arg14[%swap3A_753, %swap3A_754], %swap3A_757 {strides = array<i32>} : memref<18x16xi32, #tpu.memory_space<vmem>>, vector<1x16xi32>,
      %mul3A_758 = arith.mulf %sub3A_659, %sub3A_653 : vector<16xf32>
      %swap3A_759 = arith.constant 56 : i32
      %swap3A_760 = arith.index_cast %swap3A_759 : i32 to index
      %swap3A_761 = arith.constant 0 : index
      %swap3A_762 = tpu.vector_load %arg15[%swap3A_760, %swap3A_761] {strides = array<i32>} : memref<72x16xf32, #tpu.memory_space<vmem>>, vector<1x16xf32>,
      %swap3A_763 = vector.shape_cast %swap3A_762 : vector<1x16xf32> to vector<16xf32>
      %swap3A_764 = vector.shape_cast %mul3A_758 : vector<16xf32> to vector<1x16xf32>
      tpu.vector_store %arg15[%swap3A_760, %swap3A_761], %swap3A_764 {strides = array<i32>} : memref<72x16xf32, #tpu.memory_space<vmem>>, vector<1x16xf32>,
      %mul3A_765 = arith.mulf %sub3A_659, %sub3A_644 : vector<16xf32>
      %swap3A_766 = arith.constant 57 : i32
      %swap3A_767 = arith.index_cast %swap3A_766 : i32 to index
      %swap3A_768 = arith.constant 0 : index
      %swap3A_769 = tpu.vector_load %arg15[%swap3A_767, %swap3A_768] {strides = array<i32>} : memref<72x16xf32, #tpu.memory_space<vmem>>, vector<1x16xf32>,
      %swap3A_770 = vector.shape_cast %swap3A_769 : vector<1x16xf32> to vector<16xf32>
      %swap3A_771 = vector.shape_cast %mul3A_765 : vector<16xf32> to vector<1x16xf32>
      tpu.vector_store %arg15[%swap3A_767, %swap3A_768], %swap3A_771 {strides = array<i32>} : memref<72x16xf32, #tpu.memory_space<vmem>>, vector<1x16xf32>,
      %mul3A_772 = arith.mulf %sub3A_648, %sub3A_653 : vector<16xf32>
      %swap3A_773 = arith.constant 58 : i32
      %swap3A_774 = arith.index_cast %swap3A_773 : i32 to index
      %swap3A_775 = arith.constant 0 : index
      %swap3A_776 = tpu.vector_load %arg15[%swap3A_774, %swap3A_775] {strides = array<i32>} : memref<72x16xf32, #tpu.memory_space<vmem>>, vector<1x16xf32>,
      %swap3A_777 = vector.shape_cast %swap3A_776 : vector<1x16xf32> to vector<16xf32>
      %swap3A_778 = vector.shape_cast %mul3A_772 : vector<16xf32> to vector<1x16xf32>
      tpu.vector_store %arg15[%swap3A_774, %swap3A_775], %swap3A_778 {strides = array<i32>} : memref<72x16xf32, #tpu.memory_space<vmem>>, vector<1x16xf32>,
      %mul3A_779 = arith.mulf %sub3A_648, %sub3A_644 : vector<16xf32>
      %swap3A_780 = arith.constant 59 : i32
      %swap3A_781 = arith.index_cast %swap3A_780 : i32 to index
      %swap3A_782 = arith.constant 0 : index
      %swap3A_783 = tpu.vector_load %arg15[%swap3A_781, %swap3A_782] {strides = array<i32>} : memref<72x16xf32, #tpu.memory_space<vmem>>, vector<1x16xf32>,
      %swap3A_784 = vector.shape_cast %swap3A_783 : vector<1x16xf32> to vector<16xf32>
      %swap3A_785 = vector.shape_cast %mul3A_779 : vector<16xf32> to vector<1x16xf32>
      tpu.vector_store %arg15[%swap3A_781, %swap3A_782], %swap3A_785 {strides = array<i32>} : memref<72x16xf32, #tpu.memory_space<vmem>>, vector<1x16xf32>,
      %mul3A_786 = arith.constant 256 : i32
      %mul3A_787 = vector.broadcast %mul3A_786 : i32 to vector<16xi32>
      %mul3A_788 = arith.muli %convert_element_type3A_642, %mul3A_787 : vector<16xi32>
      %add3A_789 = arith.addi %mul3A_788, %convert_element_type3A_639 : vector<16xi32>
      %add3A_790 = arith.constant 288768 : i32
      %add3A_791 = vector.broadcast %add3A_790 : i32 to vector<16xi32>
      %add3A_792 = arith.addi %add3A_789, %add3A_791 : vector<16xi32>
      %swap3A_793 = arith.constant 15 : i32
      %swap3A_794 = arith.index_cast %swap3A_793 : i32 to index
      %swap3A_795 = arith.constant 0 : index
      %swap3A_796 = tpu.vector_load %arg14[%swap3A_794, %swap3A_795] {strides = array<i32>} : memref<18x16xi32, #tpu.memory_space<vmem>>, vector<1x16xi32>,
      %swap3A_797 = vector.shape_cast %swap3A_796 : vector<1x16xi32> to vector<16xi32>
      %swap3A_798 = vector.shape_cast %add3A_792 : vector<16xi32> to vector<1x16xi32>
      tpu.vector_store %arg14[%swap3A_794, %swap3A_795], %swap3A_798 {strides = array<i32>} : memref<18x16xi32, #tpu.memory_space<vmem>>, vector<1x16xi32>,
      %mul3A_799 = arith.mulf %sub3A_662, %sub3A_653 : vector<16xf32>
      %swap3A_800 = arith.constant 60 : i32
      %swap3A_801 = arith.index_cast %swap3A_800 : i32 to index
      %swap3A_802 = arith.constant 0 : index
      %swap3A_803 = tpu.vector_load %arg15[%swap3A_801, %swap3A_802] {strides = array<i32>} : memref<72x16xf32, #tpu.memory_space<vmem>>, vector<1x16xf32>,
      %swap3A_804 = vector.shape_cast %swap3A_803 : vector<1x16xf32> to vector<16xf32>
      %swap3A_805 = vector.shape_cast %mul3A_799 : vector<16xf32> to vector<1x16xf32>
      tpu.vector_store %arg15[%swap3A_801, %swap3A_802], %swap3A_805 {strides = array<i32>} : memref<72x16xf32, #tpu.memory_space<vmem>>, vector<1x16xf32>,
      %mul3A_806 = arith.mulf %sub3A_662, %sub3A_644 : vector<16xf32>
      %swap3A_807 = arith.constant 61 : i32
      %swap3A_808 = arith.index_cast %swap3A_807 : i32 to index
      %swap3A_809 = arith.constant 0 : index
      %swap3A_810 = tpu.vector_load %arg15[%swap3A_808, %swap3A_809] {strides = array<i32>} : memref<72x16xf32, #tpu.memory_space<vmem>>, vector<1x16xf32>,
      %swap3A_811 = vector.shape_cast %swap3A_810 : vector<1x16xf32> to vector<16xf32>
      %swap3A_812 = vector.shape_cast %mul3A_806 : vector<16xf32> to vector<1x16xf32>
      tpu.vector_store %arg15[%swap3A_808, %swap3A_809], %swap3A_812 {strides = array<i32>} : memref<72x16xf32, #tpu.memory_space<vmem>>, vector<1x16xf32>,
      %mul3A_813 = arith.mulf %sub3A_650, %sub3A_653 : vector<16xf32>
      %swap3A_814 = arith.constant 62 : i32
      %swap3A_815 = arith.index_cast %swap3A_814 : i32 to index
      %swap3A_816 = arith.constant 0 : index
      %swap3A_817 = tpu.vector_load %arg15[%swap3A_815, %swap3A_816] {strides = array<i32>} : memref<72x16xf32, #tpu.memory_space<vmem>>, vector<1x16xf32>,
      %swap3A_818 = vector.shape_cast %swap3A_817 : vector<1x16xf32> to vector<16xf32>
      %swap3A_819 = vector.shape_cast %mul3A_813 : vector<16xf32> to vector<1x16xf32>
      tpu.vector_store %arg15[%swap3A_815, %swap3A_816], %swap3A_819 {strides = array<i32>} : memref<72x16xf32, #tpu.memory_space<vmem>>, vector<1x16xf32>,
      %mul3A_820 = arith.mulf %sub3A_650, %sub3A_644 : vector<16xf32>
      %swap3A_821 = arith.constant 63 : i32
      %swap3A_822 = arith.index_cast %swap3A_821 : i32 to index
      %swap3A_823 = arith.constant 0 : index
      %swap3A_824 = tpu.vector_load %arg15[%swap3A_822, %swap3A_823] {strides = array<i32>} : memref<72x16xf32, #tpu.memory_space<vmem>>, vector<1x16xf32>,
      %swap3A_825 = vector.shape_cast %swap3A_824 : vector<1x16xf32> to vector<16xf32>
      %swap3A_826 = vector.shape_cast %mul3A_820 : vector<16xf32> to vector<1x16xf32>
      tpu.vector_store %arg15[%swap3A_822, %swap3A_823], %swap3A_826 {strides = array<i32>} : memref<72x16xf32, #tpu.memory_space<vmem>>, vector<1x16xf32>,
      %mul3A_827 = arith.constant 256 : i32
      %mul3A_828 = vector.broadcast %mul3A_827 : i32 to vector<16xi32>
      %mul3A_829 = arith.muli %convert_element_type3A_642, %mul3A_828 : vector<16xi32>
      %add3A_830 = arith.addi %mul3A_829, %convert_element_type3A_640 : vector<16xi32>
      %add3A_831 = arith.constant 321536 : i32
      %add3A_832 = vector.broadcast %add3A_831 : i32 to vector<16xi32>
      %add3A_833 = arith.addi %add3A_830, %add3A_832 : vector<16xi32>
      %swap3A_834 = arith.constant 16 : i32
      %swap3A_835 = arith.index_cast %swap3A_834 : i32 to index
      %swap3A_836 = arith.constant 0 : index
      %swap3A_837 = tpu.vector_load %arg14[%swap3A_835, %swap3A_836] {strides = array<i32>} : memref<18x16xi32, #tpu.memory_space<vmem>>, vector<1x16xi32>,
      %swap3A_838 = vector.shape_cast %swap3A_837 : vector<1x16xi32> to vector<16xi32>
      %swap3A_839 = vector.shape_cast %add3A_833 : vector<16xi32> to vector<1x16xi32>
      tpu.vector_store %arg14[%swap3A_835, %swap3A_836], %swap3A_839 {strides = array<i32>} : memref<18x16xi32, #tpu.memory_space<vmem>>, vector<1x16xi32>,
      %mul3A_840 = arith.mulf %sub3A_662, %sub3A_656 : vector<16xf32>
      %swap3A_841 = arith.constant 64 : i32
      %swap3A_842 = arith.index_cast %swap3A_841 : i32 to index
      %swap3A_843 = arith.constant 0 : index
      %swap3A_844 = tpu.vector_load %arg15[%swap3A_842, %swap3A_843] {strides = array<i32>} : memref<72x16xf32, #tpu.memory_space<vmem>>, vector<1x16xf32>,
      %swap3A_845 = vector.shape_cast %swap3A_844 : vector<1x16xf32> to vector<16xf32>
      %swap3A_846 = vector.shape_cast %mul3A_840 : vector<16xf32> to vector<1x16xf32>
      tpu.vector_store %arg15[%swap3A_842, %swap3A_843], %swap3A_846 {strides = array<i32>} : memref<72x16xf32, #tpu.memory_space<vmem>>, vector<1x16xf32>,
      %mul3A_847 = arith.mulf %sub3A_662, %sub3A_646 : vector<16xf32>
      %swap3A_848 = arith.constant 65 : i32
      %swap3A_849 = arith.index_cast %swap3A_848 : i32 to index
      %swap3A_850 = arith.constant 0 : index
      %swap3A_851 = tpu.vector_load %arg15[%swap3A_849, %swap3A_850] {strides = array<i32>} : memref<72x16xf32, #tpu.memory_space<vmem>>, vector<1x16xf32>,
      %swap3A_852 = vector.shape_cast %swap3A_851 : vector<1x16xf32> to vector<16xf32>
      %swap3A_853 = vector.shape_cast %mul3A_847 : vector<16xf32> to vector<1x16xf32>
      tpu.vector_store %arg15[%swap3A_849, %swap3A_850], %swap3A_853 {strides = array<i32>} : memref<72x16xf32, #tpu.memory_space<vmem>>, vector<1x16xf32>,
      %mul3A_854 = arith.mulf %sub3A_650, %sub3A_656 : vector<16xf32>
      %swap3A_855 = arith.constant 66 : i32
      %swap3A_856 = arith.index_cast %swap3A_855 : i32 to index
      %swap3A_857 = arith.constant 0 : index
      %swap3A_858 = tpu.vector_load %arg15[%swap3A_856, %swap3A_857] {strides = array<i32>} : memref<72x16xf32, #tpu.memory_space<vmem>>, vector<1x16xf32>,
      %swap3A_859 = vector.shape_cast %swap3A_858 : vector<1x16xf32> to vector<16xf32>
      %swap3A_860 = vector.shape_cast %mul3A_854 : vector<16xf32> to vector<1x16xf32>
      tpu.vector_store %arg15[%swap3A_856, %swap3A_857], %swap3A_860 {strides = array<i32>} : memref<72x16xf32, #tpu.memory_space<vmem>>, vector<1x16xf32>,
      %mul3A_861 = arith.mulf %sub3A_650, %sub3A_646 : vector<16xf32>
      %swap3A_862 = arith.constant 67 : i32
      %swap3A_863 = arith.index_cast %swap3A_862 : i32 to index
      %swap3A_864 = arith.constant 0 : index
      %swap3A_865 = tpu.vector_load %arg15[%swap3A_863, %swap3A_864] {strides = array<i32>} : memref<72x16xf32, #tpu.memory_space<vmem>>, vector<1x16xf32>,
      %swap3A_866 = vector.shape_cast %swap3A_865 : vector<1x16xf32> to vector<16xf32>
      %swap3A_867 = vector.shape_cast %mul3A_861 : vector<16xf32> to vector<1x16xf32>
      tpu.vector_store %arg15[%swap3A_863, %swap3A_864], %swap3A_867 {strides = array<i32>} : memref<72x16xf32, #tpu.memory_space<vmem>>, vector<1x16xf32>,
      %mul3A_868 = arith.constant 256 : i32
      %mul3A_869 = vector.broadcast %mul3A_868 : i32 to vector<16xi32>
      %mul3A_870 = arith.muli %convert_element_type3A_642, %mul3A_869 : vector<16xi32>
      %add3A_871 = arith.addi %mul3A_870, %convert_element_type3A_641 : vector<16xi32>
      %add3A_872 = arith.constant 354304 : i32
      %add3A_873 = vector.broadcast %add3A_872 : i32 to vector<16xi32>
      %add3A_874 = arith.addi %add3A_871, %add3A_873 : vector<16xi32>
      %swap3A_875 = arith.constant 17 : i32
      %swap3A_876 = arith.index_cast %swap3A_875 : i32 to index
      %swap3A_877 = arith.constant 0 : index
      %swap3A_878 = tpu.vector_load %arg14[%swap3A_876, %swap3A_877] {strides = array<i32>} : memref<18x16xi32, #tpu.memory_space<vmem>>, vector<1x16xi32>,
      %swap3A_879 = vector.shape_cast %swap3A_878 : vector<1x16xi32> to vector<16xi32>
      %swap3A_880 = vector.shape_cast %add3A_874 : vector<16xi32> to vector<1x16xi32>
      tpu.vector_store %arg14[%swap3A_876, %swap3A_877], %swap3A_880 {strides = array<i32>} : memref<18x16xi32, #tpu.memory_space<vmem>>, vector<1x16xi32>,
      %mul3A_881 = arith.mulf %sub3A_662, %sub3A_659 : vector<16xf32>
      %swap3A_882 = arith.constant 68 : i32
      %swap3A_883 = arith.index_cast %swap3A_882 : i32 to index
      %swap3A_884 = arith.constant 0 : index
      %swap3A_885 = tpu.vector_load %arg15[%swap3A_883, %swap3A_884] {strides = array<i32>} : memref<72x16xf32, #tpu.memory_space<vmem>>, vector<1x16xf32>,
      %swap3A_886 = vector.shape_cast %swap3A_885 : vector<1x16xf32> to vector<16xf32>
      %swap3A_887 = vector.shape_cast %mul3A_881 : vector<16xf32> to vector<1x16xf32>
      tpu.vector_store %arg15[%swap3A_883, %swap3A_884], %swap3A_887 {strides = array<i32>} : memref<72x16xf32, #tpu.memory_space<vmem>>, vector<1x16xf32>,
      %mul3A_888 = arith.mulf %sub3A_662, %sub3A_648 : vector<16xf32>
      %swap3A_889 = arith.constant 69 : i32
      %swap3A_890 = arith.index_cast %swap3A_889 : i32 to index
      %swap3A_891 = arith.constant 0 : index
      %swap3A_892 = tpu.vector_load %arg15[%swap3A_890, %swap3A_891] {strides = array<i32>} : memref<72x16xf32, #tpu.memory_space<vmem>>, vector<1x16xf32>,
      %swap3A_893 = vector.shape_cast %swap3A_892 : vector<1x16xf32> to vector<16xf32>
      %swap3A_894 = vector.shape_cast %mul3A_888 : vector<16xf32> to vector<1x16xf32>
      tpu.vector_store %arg15[%swap3A_890, %swap3A_891], %swap3A_894 {strides = array<i32>} : memref<72x16xf32, #tpu.memory_space<vmem>>, vector<1x16xf32>,
      %mul3A_895 = arith.mulf %sub3A_650, %sub3A_659 : vector<16xf32>
      %swap3A_896 = arith.constant 70 : i32
      %swap3A_897 = arith.index_cast %swap3A_896 : i32 to index
      %swap3A_898 = arith.constant 0 : index
      %swap3A_899 = tpu.vector_load %arg15[%swap3A_897, %swap3A_898] {strides = array<i32>} : memref<72x16xf32, #tpu.memory_space<vmem>>, vector<1x16xf32>,
      %swap3A_900 = vector.shape_cast %swap3A_899 : vector<1x16xf32> to vector<16xf32>
      %swap3A_901 = vector.shape_cast %mul3A_895 : vector<16xf32> to vector<1x16xf32>
      tpu.vector_store %arg15[%swap3A_897, %swap3A_898], %swap3A_901 {strides = array<i32>} : memref<72x16xf32, #tpu.memory_space<vmem>>, vector<1x16xf32>,
      %mul3A_902 = arith.mulf %sub3A_650, %sub3A_648 : vector<16xf32>
      %swap3A_903 = arith.constant 71 : i32
      %swap3A_904 = arith.index_cast %swap3A_903 : i32 to index
      %swap3A_905 = arith.constant 0 : index
      %swap3A_906 = tpu.vector_load %arg15[%swap3A_904, %swap3A_905] {strides = array<i32>} : memref<72x16xf32, #tpu.memory_space<vmem>>, vector<1x16xf32>,
      %swap3A_907 = vector.shape_cast %swap3A_906 : vector<1x16xf32> to vector<16xf32>
      %swap3A_908 = vector.shape_cast %mul3A_902 : vector<16xf32> to vector<1x16xf32>
      tpu.vector_store %arg15[%swap3A_904, %swap3A_905], %swap3A_908 {strides = array<i32>} : memref<72x16xf32, #tpu.memory_space<vmem>>, vector<1x16xf32>,
      %dma_start3A = arith.constant 0 : i32
      %dma_start3A_909 = arith.constant 0 : i32
      %dma_start3A_910 = arith.constant 0 : i32
      %dma_start3A_911 = arith.constant 0 : i32
      %dma_start3A_912 = tpu.memref_slice %arg16[%dma_start3A_909, %dma_start3A_910, %dma_start3A_911] : memref<18x16x128xf32, #tpu.memory_space<vmem>> -> memref<1x16x128xf32, #tpu.memory_space<vmem>>
      %dma_start3A_913 = tpu.memref_squeeze %dma_start3A_912 : memref<1x16x128xf32, #tpu.memory_space<vmem>> -> memref<16x128xf32, #tpu.memory_space<vmem>>
      %dma_start3A_914 = arith.constant 0 : i32
      %dma_start3A_915 = tpu.memref_slice %arg14[%dma_start3A, %dma_start3A_914] : memref<18x16xi32, #tpu.memory_space<vmem>> -> memref<1x16xi32, #tpu.memory_space<vmem>>
      %dma_start3A_916 = tpu.memref_squeeze %dma_start3A_915 : memref<1x16xi32, #tpu.memory_space<vmem>> -> memref<16xi32, #tpu.memory_space<vmem>>
      %dma_start3A_917 = arith.constant 0 : i32
      %dma_start3A_918 = arith.constant 0 : i32
      %dma_start3A_919 = tpu.memref_slice %arg2[%dma_start3A_917, %dma_start3A_918] : memref<387072x128xf32, #tpu.memory_space<hbm>> -> memref<387072x128xf32, #tpu.memory_space<hbm>>
      tpu.enqueue_indirect_dma source(%dma_start3A_919 : memref<387072x128xf32, #tpu.memory_space<hbm>>) target(%dma_start3A_913 : memref<16x128xf32, #tpu.memory_space<vmem>>) offsets(%dma_start3A_916 : memref<16xi32, #tpu.memory_space<vmem>>) semaphore(%arg18 : memref<!tpu.dma_semaphore, #tpu.memory_space<semaphore_mem>>)
      %dma_start3A_920 = arith.constant 1 : i32
      %dma_start3A_921 = arith.constant 1 : i32
      %dma_start3A_922 = arith.constant 0 : i32
      %dma_start3A_923 = arith.constant 0 : i32
      %dma_start3A_924 = tpu.memref_slice %arg16[%dma_start3A_921, %dma_start3A_922, %dma_start3A_923] : memref<18x16x128xf32, #tpu.memory_space<vmem>> -> memref<1x16x128xf32, #tpu.memory_space<vmem>>
      %dma_start3A_925 = tpu.memref_squeeze %dma_start3A_924 : memref<1x16x128xf32, #tpu.memory_space<vmem>> -> memref<16x128xf32, #tpu.memory_space<vmem>>
      %dma_start3A_926 = arith.constant 0 : i32
      %dma_start3A_927 = tpu.memref_slice %arg14[%dma_start3A_920, %dma_start3A_926] : memref<18x16xi32, #tpu.memory_space<vmem>> -> memref<1x16xi32, #tpu.memory_space<vmem>>
      %dma_start3A_928 = tpu.memref_squeeze %dma_start3A_927 : memref<1x16xi32, #tpu.memory_space<vmem>> -> memref<16xi32, #tpu.memory_space<vmem>>
      %dma_start3A_929 = arith.constant 0 : i32
      %dma_start3A_930 = arith.constant 0 : i32
      %dma_start3A_931 = tpu.memref_slice %arg2[%dma_start3A_929, %dma_start3A_930] : memref<387072x128xf32, #tpu.memory_space<hbm>> -> memref<387072x128xf32, #tpu.memory_space<hbm>>
      tpu.enqueue_indirect_dma source(%dma_start3A_931 : memref<387072x128xf32, #tpu.memory_space<hbm>>) target(%dma_start3A_925 : memref<16x128xf32, #tpu.memory_space<vmem>>) offsets(%dma_start3A_928 : memref<16xi32, #tpu.memory_space<vmem>>) semaphore(%arg18 : memref<!tpu.dma_semaphore, #tpu.memory_space<semaphore_mem>>)
      %dma_start3A_932 = arith.constant 2 : i32
      %dma_start3A_933 = arith.constant 2 : i32
      %dma_start3A_934 = arith.constant 0 : i32
      %dma_start3A_935 = arith.constant 0 : i32
      %dma_start3A_936 = tpu.memref_slice %arg16[%dma_start3A_933, %dma_start3A_934, %dma_start3A_935] : memref<18x16x128xf32, #tpu.memory_space<vmem>> -> memref<1x16x128xf32, #tpu.memory_space<vmem>>
      %dma_start3A_937 = tpu.memref_squeeze %dma_start3A_936 : memref<1x16x128xf32, #tpu.memory_space<vmem>> -> memref<16x128xf32, #tpu.memory_space<vmem>>
      %dma_start3A_938 = arith.constant 0 : i32
      %dma_start3A_939 = tpu.memref_slice %arg14[%dma_start3A_932, %dma_start3A_938] : memref<18x16xi32, #tpu.memory_space<vmem>> -> memref<1x16xi32, #tpu.memory_space<vmem>>
      %dma_start3A_940 = tpu.memref_squeeze %dma_start3A_939 : memref<1x16xi32, #tpu.memory_space<vmem>> -> memref<16xi32, #tpu.memory_space<vmem>>
      %dma_start3A_941 = arith.constant 0 : i32
      %dma_start3A_942 = arith.constant 0 : i32
      %dma_start3A_943 = tpu.memref_slice %arg2[%dma_start3A_941, %dma_start3A_942] : memref<387072x128xf32, #tpu.memory_space<hbm>> -> memref<387072x128xf32, #tpu.memory_space<hbm>>
      tpu.enqueue_indirect_dma source(%dma_start3A_943 : memref<387072x128xf32, #tpu.memory_space<hbm>>) target(%dma_start3A_937 : memref<16x128xf32, #tpu.memory_space<vmem>>) offsets(%dma_start3A_940 : memref<16xi32, #tpu.memory_space<vmem>>) semaphore(%arg18 : memref<!tpu.dma_semaphore, #tpu.memory_space<semaphore_mem>>)
      %dma_start3A_944 = arith.constant 3 : i32
      %dma_start3A_945 = arith.constant 3 : i32
      %dma_start3A_946 = arith.constant 0 : i32
      %dma_start3A_947 = arith.constant 0 : i32
      %dma_start3A_948 = tpu.memref_slice %arg16[%dma_start3A_945, %dma_start3A_946, %dma_start3A_947] : memref<18x16x128xf32, #tpu.memory_space<vmem>> -> memref<1x16x128xf32, #tpu.memory_space<vmem>>
      %dma_start3A_949 = tpu.memref_squeeze %dma_start3A_948 : memref<1x16x128xf32, #tpu.memory_space<vmem>> -> memref<16x128xf32, #tpu.memory_space<vmem>>
      %dma_start3A_950 = arith.constant 0 : i32
      %dma_start3A_951 = tpu.memref_slice %arg14[%dma_start3A_944, %dma_start3A_950] : memref<18x16xi32, #tpu.memory_space<vmem>> -> memref<1x16xi32, #tpu.memory_space<vmem>>
      %dma_start3A_952 = tpu.memref_squeeze %dma_start3A_951 : memref<1x16xi32, #tpu.memory_space<vmem>> -> memref<16xi32, #tpu.memory_space<vmem>>
      %dma_start3A_953 = arith.constant 0 : i32
      %dma_start3A_954 = arith.constant 0 : i32
      %dma_start3A_955 = tpu.memref_slice %arg2[%dma_start3A_953, %dma_start3A_954] : memref<387072x128xf32, #tpu.memory_space<hbm>> -> memref<387072x128xf32, #tpu.memory_space<hbm>>
      tpu.enqueue_indirect_dma source(%dma_start3A_955 : memref<387072x128xf32, #tpu.memory_space<hbm>>) target(%dma_start3A_949 : memref<16x128xf32, #tpu.memory_space<vmem>>) offsets(%dma_start3A_952 : memref<16xi32, #tpu.memory_space<vmem>>) semaphore(%arg18 : memref<!tpu.dma_semaphore, #tpu.memory_space<semaphore_mem>>)
      %dma_start3A_956 = arith.constant 4 : i32
      %dma_start3A_957 = arith.constant 4 : i32
      %dma_start3A_958 = arith.constant 0 : i32
      %dma_start3A_959 = arith.constant 0 : i32
      %dma_start3A_960 = tpu.memref_slice %arg16[%dma_start3A_957, %dma_start3A_958, %dma_start3A_959] : memref<18x16x128xf32, #tpu.memory_space<vmem>> -> memref<1x16x128xf32, #tpu.memory_space<vmem>>
      %dma_start3A_961 = tpu.memref_squeeze %dma_start3A_960 : memref<1x16x128xf32, #tpu.memory_space<vmem>> -> memref<16x128xf32, #tpu.memory_space<vmem>>
      %dma_start3A_962 = arith.constant 0 : i32
      %dma_start3A_963 = tpu.memref_slice %arg14[%dma_start3A_956, %dma_start3A_962] : memref<18x16xi32, #tpu.memory_space<vmem>> -> memref<1x16xi32, #tpu.memory_space<vmem>>
      %dma_start3A_964 = tpu.memref_squeeze %dma_start3A_963 : memref<1x16xi32, #tpu.memory_space<vmem>> -> memref<16xi32, #tpu.memory_space<vmem>>
      %dma_start3A_965 = arith.constant 0 : i32
      %dma_start3A_966 = arith.constant 0 : i32
      %dma_start3A_967 = tpu.memref_slice %arg2[%dma_start3A_965, %dma_start3A_966] : memref<387072x128xf32, #tpu.memory_space<hbm>> -> memref<387072x128xf32, #tpu.memory_space<hbm>>
      tpu.enqueue_indirect_dma source(%dma_start3A_967 : memref<387072x128xf32, #tpu.memory_space<hbm>>) target(%dma_start3A_961 : memref<16x128xf32, #tpu.memory_space<vmem>>) offsets(%dma_start3A_964 : memref<16xi32, #tpu.memory_space<vmem>>) semaphore(%arg18 : memref<!tpu.dma_semaphore, #tpu.memory_space<semaphore_mem>>)
      %dma_start3A_968 = arith.constant 5 : i32
      %dma_start3A_969 = arith.constant 5 : i32
      %dma_start3A_970 = arith.constant 0 : i32
      %dma_start3A_971 = arith.constant 0 : i32
      %dma_start3A_972 = tpu.memref_slice %arg16[%dma_start3A_969, %dma_start3A_970, %dma_start3A_971] : memref<18x16x128xf32, #tpu.memory_space<vmem>> -> memref<1x16x128xf32, #tpu.memory_space<vmem>>
      %dma_start3A_973 = tpu.memref_squeeze %dma_start3A_972 : memref<1x16x128xf32, #tpu.memory_space<vmem>> -> memref<16x128xf32, #tpu.memory_space<vmem>>
      %dma_start3A_974 = arith.constant 0 : i32
      %dma_start3A_975 = tpu.memref_slice %arg14[%dma_start3A_968, %dma_start3A_974] : memref<18x16xi32, #tpu.memory_space<vmem>> -> memref<1x16xi32, #tpu.memory_space<vmem>>
      %dma_start3A_976 = tpu.memref_squeeze %dma_start3A_975 : memref<1x16xi32, #tpu.memory_space<vmem>> -> memref<16xi32, #tpu.memory_space<vmem>>
      %dma_start3A_977 = arith.constant 0 : i32
      %dma_start3A_978 = arith.constant 0 : i32
      %dma_start3A_979 = tpu.memref_slice %arg2[%dma_start3A_977, %dma_start3A_978] : memref<387072x128xf32, #tpu.memory_space<hbm>> -> memref<387072x128xf32, #tpu.memory_space<hbm>>
      tpu.enqueue_indirect_dma source(%dma_start3A_979 : memref<387072x128xf32, #tpu.memory_space<hbm>>) target(%dma_start3A_973 : memref<16x128xf32, #tpu.memory_space<vmem>>) offsets(%dma_start3A_976 : memref<16xi32, #tpu.memory_space<vmem>>) semaphore(%arg18 : memref<!tpu.dma_semaphore, #tpu.memory_space<semaphore_mem>>)
      %dma_start3A_980 = arith.constant 6 : i32
      %dma_start3A_981 = arith.constant 6 : i32
      %dma_start3A_982 = arith.constant 0 : i32
      %dma_start3A_983 = arith.constant 0 : i32
      %dma_start3A_984 = tpu.memref_slice %arg16[%dma_start3A_981, %dma_start3A_982, %dma_start3A_983] : memref<18x16x128xf32, #tpu.memory_space<vmem>> -> memref<1x16x128xf32, #tpu.memory_space<vmem>>
      %dma_start3A_985 = tpu.memref_squeeze %dma_start3A_984 : memref<1x16x128xf32, #tpu.memory_space<vmem>> -> memref<16x128xf32, #tpu.memory_space<vmem>>
      %dma_start3A_986 = arith.constant 0 : i32
      %dma_start3A_987 = tpu.memref_slice %arg14[%dma_start3A_980, %dma_start3A_986] : memref<18x16xi32, #tpu.memory_space<vmem>> -> memref<1x16xi32, #tpu.memory_space<vmem>>
      %dma_start3A_988 = tpu.memref_squeeze %dma_start3A_987 : memref<1x16xi32, #tpu.memory_space<vmem>> -> memref<16xi32, #tpu.memory_space<vmem>>
      %dma_start3A_989 = arith.constant 0 : i32
      %dma_start3A_990 = arith.constant 0 : i32
      %dma_start3A_991 = tpu.memref_slice %arg2[%dma_start3A_989, %dma_start3A_990] : memref<387072x128xf32, #tpu.memory_space<hbm>> -> memref<387072x128xf32, #tpu.memory_space<hbm>>
      tpu.enqueue_indirect_dma source(%dma_start3A_991 : memref<387072x128xf32, #tpu.memory_space<hbm>>) target(%dma_start3A_985 : memref<16x128xf32, #tpu.memory_space<vmem>>) offsets(%dma_start3A_988 : memref<16xi32, #tpu.memory_space<vmem>>) semaphore(%arg18 : memref<!tpu.dma_semaphore, #tpu.memory_space<semaphore_mem>>)
      %dma_start3A_992 = arith.constant 7 : i32
      %dma_start3A_993 = arith.constant 7 : i32
      %dma_start3A_994 = arith.constant 0 : i32
      %dma_start3A_995 = arith.constant 0 : i32
      %dma_start3A_996 = tpu.memref_slice %arg16[%dma_start3A_993, %dma_start3A_994, %dma_start3A_995] : memref<18x16x128xf32, #tpu.memory_space<vmem>> -> memref<1x16x128xf32, #tpu.memory_space<vmem>>
      %dma_start3A_997 = tpu.memref_squeeze %dma_start3A_996 : memref<1x16x128xf32, #tpu.memory_space<vmem>> -> memref<16x128xf32, #tpu.memory_space<vmem>>
      %dma_start3A_998 = arith.constant 0 : i32
      %dma_start3A_999 = tpu.memref_slice %arg14[%dma_start3A_992, %dma_start3A_998] : memref<18x16xi32, #tpu.memory_space<vmem>> -> memref<1x16xi32, #tpu.memory_space<vmem>>
      %dma_start3A_1000 = tpu.memref_squeeze %dma_start3A_999 : memref<1x16xi32, #tpu.memory_space<vmem>> -> memref<16xi32, #tpu.memory_space<vmem>>
      %dma_start3A_1001 = arith.constant 0 : i32
      %dma_start3A_1002 = arith.constant 0 : i32
      %dma_start3A_1003 = tpu.memref_slice %arg2[%dma_start3A_1001, %dma_start3A_1002] : memref<387072x128xf32, #tpu.memory_space<hbm>> -> memref<387072x128xf32, #tpu.memory_space<hbm>>
      tpu.enqueue_indirect_dma source(%dma_start3A_1003 : memref<387072x128xf32, #tpu.memory_space<hbm>>) target(%dma_start3A_997 : memref<16x128xf32, #tpu.memory_space<vmem>>) offsets(%dma_start3A_1000 : memref<16xi32, #tpu.memory_space<vmem>>) semaphore(%arg18 : memref<!tpu.dma_semaphore, #tpu.memory_space<semaphore_mem>>)
      %dma_start3A_1004 = arith.constant 8 : i32
      %dma_start3A_1005 = arith.constant 8 : i32
      %dma_start3A_1006 = arith.constant 0 : i32
      %dma_start3A_1007 = arith.constant 0 : i32
      %dma_start3A_1008 = tpu.memref_slice %arg16[%dma_start3A_1005, %dma_start3A_1006, %dma_start3A_1007] : memref<18x16x128xf32, #tpu.memory_space<vmem>> -> memref<1x16x128xf32, #tpu.memory_space<vmem>>
      %dma_start3A_1009 = tpu.memref_squeeze %dma_start3A_1008 : memref<1x16x128xf32, #tpu.memory_space<vmem>> -> memref<16x128xf32, #tpu.memory_space<vmem>>
      %dma_start3A_1010 = arith.constant 0 : i32
      %dma_start3A_1011 = tpu.memref_slice %arg14[%dma_start3A_1004, %dma_start3A_1010] : memref<18x16xi32, #tpu.memory_space<vmem>> -> memref<1x16xi32, #tpu.memory_space<vmem>>
      %dma_start3A_1012 = tpu.memref_squeeze %dma_start3A_1011 : memref<1x16xi32, #tpu.memory_space<vmem>> -> memref<16xi32, #tpu.memory_space<vmem>>
      %dma_start3A_1013 = arith.constant 0 : i32
      %dma_start3A_1014 = arith.constant 0 : i32
      %dma_start3A_1015 = tpu.memref_slice %arg2[%dma_start3A_1013, %dma_start3A_1014] : memref<387072x128xf32, #tpu.memory_space<hbm>> -> memref<387072x128xf32, #tpu.memory_space<hbm>>
      tpu.enqueue_indirect_dma source(%dma_start3A_1015 : memref<387072x128xf32, #tpu.memory_space<hbm>>) target(%dma_start3A_1009 : memref<16x128xf32, #tpu.memory_space<vmem>>) offsets(%dma_start3A_1012 : memref<16xi32, #tpu.memory_space<vmem>>) semaphore(%arg18 : memref<!tpu.dma_semaphore, #tpu.memory_space<semaphore_mem>>)
      %dma_start3A_1016 = arith.constant 9 : i32
      %dma_start3A_1017 = arith.constant 9 : i32
      %dma_start3A_1018 = arith.constant 0 : i32
      %dma_start3A_1019 = arith.constant 0 : i32
      %dma_start3A_1020 = tpu.memref_slice %arg16[%dma_start3A_1017, %dma_start3A_1018, %dma_start3A_1019] : memref<18x16x128xf32, #tpu.memory_space<vmem>> -> memref<1x16x128xf32, #tpu.memory_space<vmem>>
      %dma_start3A_1021 = tpu.memref_squeeze %dma_start3A_1020 : memref<1x16x128xf32, #tpu.memory_space<vmem>> -> memref<16x128xf32, #tpu.memory_space<vmem>>
      %dma_start3A_1022 = arith.constant 0 : i32
      %dma_start3A_1023 = tpu.memref_slice %arg14[%dma_start3A_1016, %dma_start3A_1022] : memref<18x16xi32, #tpu.memory_space<vmem>> -> memref<1x16xi32, #tpu.memory_space<vmem>>
      %dma_start3A_1024 = tpu.memref_squeeze %dma_start3A_1023 : memref<1x16xi32, #tpu.memory_space<vmem>> -> memref<16xi32, #tpu.memory_space<vmem>>
      %dma_start3A_1025 = arith.constant 0 : i32
      %dma_start3A_1026 = arith.constant 0 : i32
      %dma_start3A_1027 = tpu.memref_slice %arg2[%dma_start3A_1025, %dma_start3A_1026] : memref<387072x128xf32, #tpu.memory_space<hbm>> -> memref<387072x128xf32, #tpu.memory_space<hbm>>
      tpu.enqueue_indirect_dma source(%dma_start3A_1027 : memref<387072x128xf32, #tpu.memory_space<hbm>>) target(%dma_start3A_1021 : memref<16x128xf32, #tpu.memory_space<vmem>>) offsets(%dma_start3A_1024 : memref<16xi32, #tpu.memory_space<vmem>>) semaphore(%arg18 : memref<!tpu.dma_semaphore, #tpu.memory_space<semaphore_mem>>)
      %dma_start3A_1028 = arith.constant 10 : i32
      %dma_start3A_1029 = arith.constant 10 : i32
      %dma_start3A_1030 = arith.constant 0 : i32
      %dma_start3A_1031 = arith.constant 0 : i32
      %dma_start3A_1032 = tpu.memref_slice %arg16[%dma_start3A_1029, %dma_start3A_1030, %dma_start3A_1031] : memref<18x16x128xf32, #tpu.memory_space<vmem>> -> memref<1x16x128xf32, #tpu.memory_space<vmem>>
      %dma_start3A_1033 = tpu.memref_squeeze %dma_start3A_1032 : memref<1x16x128xf32, #tpu.memory_space<vmem>> -> memref<16x128xf32, #tpu.memory_space<vmem>>
      %dma_start3A_1034 = arith.constant 0 : i32
      %dma_start3A_1035 = tpu.memref_slice %arg14[%dma_start3A_1028, %dma_start3A_1034] : memref<18x16xi32, #tpu.memory_space<vmem>> -> memref<1x16xi32, #tpu.memory_space<vmem>>
      %dma_start3A_1036 = tpu.memref_squeeze %dma_start3A_1035 : memref<1x16xi32, #tpu.memory_space<vmem>> -> memref<16xi32, #tpu.memory_space<vmem>>
      %dma_start3A_1037 = arith.constant 0 : i32
      %dma_start3A_1038 = arith.constant 0 : i32
      %dma_start3A_1039 = tpu.memref_slice %arg2[%dma_start3A_1037, %dma_start3A_1038] : memref<387072x128xf32, #tpu.memory_space<hbm>> -> memref<387072x128xf32, #tpu.memory_space<hbm>>
      tpu.enqueue_indirect_dma source(%dma_start3A_1039 : memref<387072x128xf32, #tpu.memory_space<hbm>>) target(%dma_start3A_1033 : memref<16x128xf32, #tpu.memory_space<vmem>>) offsets(%dma_start3A_1036 : memref<16xi32, #tpu.memory_space<vmem>>) semaphore(%arg18 : memref<!tpu.dma_semaphore, #tpu.memory_space<semaphore_mem>>)
      %dma_start3A_1040 = arith.constant 11 : i32
      %dma_start3A_1041 = arith.constant 11 : i32
      %dma_start3A_1042 = arith.constant 0 : i32
      %dma_start3A_1043 = arith.constant 0 : i32
      %dma_start3A_1044 = tpu.memref_slice %arg16[%dma_start3A_1041, %dma_start3A_1042, %dma_start3A_1043] : memref<18x16x128xf32, #tpu.memory_space<vmem>> -> memref<1x16x128xf32, #tpu.memory_space<vmem>>
      %dma_start3A_1045 = tpu.memref_squeeze %dma_start3A_1044 : memref<1x16x128xf32, #tpu.memory_space<vmem>> -> memref<16x128xf32, #tpu.memory_space<vmem>>
      %dma_start3A_1046 = arith.constant 0 : i32
      %dma_start3A_1047 = tpu.memref_slice %arg14[%dma_start3A_1040, %dma_start3A_1046] : memref<18x16xi32, #tpu.memory_space<vmem>> -> memref<1x16xi32, #tpu.memory_space<vmem>>
      %dma_start3A_1048 = tpu.memref_squeeze %dma_start3A_1047 : memref<1x16xi32, #tpu.memory_space<vmem>> -> memref<16xi32, #tpu.memory_space<vmem>>
      %dma_start3A_1049 = arith.constant 0 : i32
      %dma_start3A_1050 = arith.constant 0 : i32
      %dma_start3A_1051 = tpu.memref_slice %arg2[%dma_start3A_1049, %dma_start3A_1050] : memref<387072x128xf32, #tpu.memory_space<hbm>> -> memref<387072x128xf32, #tpu.memory_space<hbm>>
      tpu.enqueue_indirect_dma source(%dma_start3A_1051 : memref<387072x128xf32, #tpu.memory_space<hbm>>) target(%dma_start3A_1045 : memref<16x128xf32, #tpu.memory_space<vmem>>) offsets(%dma_start3A_1048 : memref<16xi32, #tpu.memory_space<vmem>>) semaphore(%arg18 : memref<!tpu.dma_semaphore, #tpu.memory_space<semaphore_mem>>)
      %dma_start3A_1052 = arith.constant 12 : i32
      %dma_start3A_1053 = arith.constant 12 : i32
      %dma_start3A_1054 = arith.constant 0 : i32
      %dma_start3A_1055 = arith.constant 0 : i32
      %dma_start3A_1056 = tpu.memref_slice %arg16[%dma_start3A_1053, %dma_start3A_1054, %dma_start3A_1055] : memref<18x16x128xf32, #tpu.memory_space<vmem>> -> memref<1x16x128xf32, #tpu.memory_space<vmem>>
      %dma_start3A_1057 = tpu.memref_squeeze %dma_start3A_1056 : memref<1x16x128xf32, #tpu.memory_space<vmem>> -> memref<16x128xf32, #tpu.memory_space<vmem>>
      %dma_start3A_1058 = arith.constant 0 : i32
      %dma_start3A_1059 = tpu.memref_slice %arg14[%dma_start3A_1052, %dma_start3A_1058] : memref<18x16xi32, #tpu.memory_space<vmem>> -> memref<1x16xi32, #tpu.memory_space<vmem>>
      %dma_start3A_1060 = tpu.memref_squeeze %dma_start3A_1059 : memref<1x16xi32, #tpu.memory_space<vmem>> -> memref<16xi32, #tpu.memory_space<vmem>>
      %dma_start3A_1061 = arith.constant 0 : i32
      %dma_start3A_1062 = arith.constant 0 : i32
      %dma_start3A_1063 = tpu.memref_slice %arg2[%dma_start3A_1061, %dma_start3A_1062] : memref<387072x128xf32, #tpu.memory_space<hbm>> -> memref<387072x128xf32, #tpu.memory_space<hbm>>
      tpu.enqueue_indirect_dma source(%dma_start3A_1063 : memref<387072x128xf32, #tpu.memory_space<hbm>>) target(%dma_start3A_1057 : memref<16x128xf32, #tpu.memory_space<vmem>>) offsets(%dma_start3A_1060 : memref<16xi32, #tpu.memory_space<vmem>>) semaphore(%arg18 : memref<!tpu.dma_semaphore, #tpu.memory_space<semaphore_mem>>)
      %dma_start3A_1064 = arith.constant 13 : i32
      %dma_start3A_1065 = arith.constant 13 : i32
      %dma_start3A_1066 = arith.constant 0 : i32
      %dma_start3A_1067 = arith.constant 0 : i32
      %dma_start3A_1068 = tpu.memref_slice %arg16[%dma_start3A_1065, %dma_start3A_1066, %dma_start3A_1067] : memref<18x16x128xf32, #tpu.memory_space<vmem>> -> memref<1x16x128xf32, #tpu.memory_space<vmem>>
      %dma_start3A_1069 = tpu.memref_squeeze %dma_start3A_1068 : memref<1x16x128xf32, #tpu.memory_space<vmem>> -> memref<16x128xf32, #tpu.memory_space<vmem>>
      %dma_start3A_1070 = arith.constant 0 : i32
      %dma_start3A_1071 = tpu.memref_slice %arg14[%dma_start3A_1064, %dma_start3A_1070] : memref<18x16xi32, #tpu.memory_space<vmem>> -> memref<1x16xi32, #tpu.memory_space<vmem>>
      %dma_start3A_1072 = tpu.memref_squeeze %dma_start3A_1071 : memref<1x16xi32, #tpu.memory_space<vmem>> -> memref<16xi32, #tpu.memory_space<vmem>>
      %dma_start3A_1073 = arith.constant 0 : i32
      %dma_start3A_1074 = arith.constant 0 : i32
      %dma_start3A_1075 = tpu.memref_slice %arg2[%dma_start3A_1073, %dma_start3A_1074] : memref<387072x128xf32, #tpu.memory_space<hbm>> -> memref<387072x128xf32, #tpu.memory_space<hbm>>
      tpu.enqueue_indirect_dma source(%dma_start3A_1075 : memref<387072x128xf32, #tpu.memory_space<hbm>>) target(%dma_start3A_1069 : memref<16x128xf32, #tpu.memory_space<vmem>>) offsets(%dma_start3A_1072 : memref<16xi32, #tpu.memory_space<vmem>>) semaphore(%arg18 : memref<!tpu.dma_semaphore, #tpu.memory_space<semaphore_mem>>)
      %dma_start3A_1076 = arith.constant 14 : i32
      %dma_start3A_1077 = arith.constant 14 : i32
      %dma_start3A_1078 = arith.constant 0 : i32
      %dma_start3A_1079 = arith.constant 0 : i32
      %dma_start3A_1080 = tpu.memref_slice %arg16[%dma_start3A_1077, %dma_start3A_1078, %dma_start3A_1079] : memref<18x16x128xf32, #tpu.memory_space<vmem>> -> memref<1x16x128xf32, #tpu.memory_space<vmem>>
      %dma_start3A_1081 = tpu.memref_squeeze %dma_start3A_1080 : memref<1x16x128xf32, #tpu.memory_space<vmem>> -> memref<16x128xf32, #tpu.memory_space<vmem>>
      %dma_start3A_1082 = arith.constant 0 : i32
      %dma_start3A_1083 = tpu.memref_slice %arg14[%dma_start3A_1076, %dma_start3A_1082] : memref<18x16xi32, #tpu.memory_space<vmem>> -> memref<1x16xi32, #tpu.memory_space<vmem>>
      %dma_start3A_1084 = tpu.memref_squeeze %dma_start3A_1083 : memref<1x16xi32, #tpu.memory_space<vmem>> -> memref<16xi32, #tpu.memory_space<vmem>>
      %dma_start3A_1085 = arith.constant 0 : i32
      %dma_start3A_1086 = arith.constant 0 : i32
      %dma_start3A_1087 = tpu.memref_slice %arg2[%dma_start3A_1085, %dma_start3A_1086] : memref<387072x128xf32, #tpu.memory_space<hbm>> -> memref<387072x128xf32, #tpu.memory_space<hbm>>
      tpu.enqueue_indirect_dma source(%dma_start3A_1087 : memref<387072x128xf32, #tpu.memory_space<hbm>>) target(%dma_start3A_1081 : memref<16x128xf32, #tpu.memory_space<vmem>>) offsets(%dma_start3A_1084 : memref<16xi32, #tpu.memory_space<vmem>>) semaphore(%arg18 : memref<!tpu.dma_semaphore, #tpu.memory_space<semaphore_mem>>)
      %dma_start3A_1088 = arith.constant 15 : i32
      %dma_start3A_1089 = arith.constant 15 : i32
      %dma_start3A_1090 = arith.constant 0 : i32
      %dma_start3A_1091 = arith.constant 0 : i32
      %dma_start3A_1092 = tpu.memref_slice %arg16[%dma_start3A_1089, %dma_start3A_1090, %dma_start3A_1091] : memref<18x16x128xf32, #tpu.memory_space<vmem>> -> memref<1x16x128xf32, #tpu.memory_space<vmem>>
      %dma_start3A_1093 = tpu.memref_squeeze %dma_start3A_1092 : memref<1x16x128xf32, #tpu.memory_space<vmem>> -> memref<16x128xf32, #tpu.memory_space<vmem>>
      %dma_start3A_1094 = arith.constant 0 : i32
      %dma_start3A_1095 = tpu.memref_slice %arg14[%dma_start3A_1088, %dma_start3A_1094] : memref<18x16xi32, #tpu.memory_space<vmem>> -> memref<1x16xi32, #tpu.memory_space<vmem>>
      %dma_start3A_1096 = tpu.memref_squeeze %dma_start3A_1095 : memref<1x16xi32, #tpu.memory_space<vmem>> -> memref<16xi32, #tpu.memory_space<vmem>>
      %dma_start3A_1097 = arith.constant 0 : i32
      %dma_start3A_1098 = arith.constant 0 : i32
      %dma_start3A_1099 = tpu.memref_slice %arg2[%dma_start3A_1097, %dma_start3A_1098] : memref<387072x128xf32, #tpu.memory_space<hbm>> -> memref<387072x128xf32, #tpu.memory_space<hbm>>
      tpu.enqueue_indirect_dma source(%dma_start3A_1099 : memref<387072x128xf32, #tpu.memory_space<hbm>>) target(%dma_start3A_1093 : memref<16x128xf32, #tpu.memory_space<vmem>>) offsets(%dma_start3A_1096 : memref<16xi32, #tpu.memory_space<vmem>>) semaphore(%arg18 : memref<!tpu.dma_semaphore, #tpu.memory_space<semaphore_mem>>)
      %dma_start3A_1100 = arith.constant 16 : i32
      %dma_start3A_1101 = arith.constant 16 : i32
      %dma_start3A_1102 = arith.constant 0 : i32
      %dma_start3A_1103 = arith.constant 0 : i32
      %dma_start3A_1104 = tpu.memref_slice %arg16[%dma_start3A_1101, %dma_start3A_1102, %dma_start3A_1103] : memref<18x16x128xf32, #tpu.memory_space<vmem>> -> memref<1x16x128xf32, #tpu.memory_space<vmem>>
      %dma_start3A_1105 = tpu.memref_squeeze %dma_start3A_1104 : memref<1x16x128xf32, #tpu.memory_space<vmem>> -> memref<16x128xf32, #tpu.memory_space<vmem>>
      %dma_start3A_1106 = arith.constant 0 : i32
      %dma_start3A_1107 = tpu.memref_slice %arg14[%dma_start3A_1100, %dma_start3A_1106] : memref<18x16xi32, #tpu.memory_space<vmem>> -> memref<1x16xi32, #tpu.memory_space<vmem>>
      %dma_start3A_1108 = tpu.memref_squeeze %dma_start3A_1107 : memref<1x16xi32, #tpu.memory_space<vmem>> -> memref<16xi32, #tpu.memory_space<vmem>>
      %dma_start3A_1109 = arith.constant 0 : i32
      %dma_start3A_1110 = arith.constant 0 : i32
      %dma_start3A_1111 = tpu.memref_slice %arg2[%dma_start3A_1109, %dma_start3A_1110] : memref<387072x128xf32, #tpu.memory_space<hbm>> -> memref<387072x128xf32, #tpu.memory_space<hbm>>
      tpu.enqueue_indirect_dma source(%dma_start3A_1111 : memref<387072x128xf32, #tpu.memory_space<hbm>>) target(%dma_start3A_1105 : memref<16x128xf32, #tpu.memory_space<vmem>>) offsets(%dma_start3A_1108 : memref<16xi32, #tpu.memory_space<vmem>>) semaphore(%arg18 : memref<!tpu.dma_semaphore, #tpu.memory_space<semaphore_mem>>)
      %dma_start3A_1112 = arith.constant 17 : i32
      %dma_start3A_1113 = arith.constant 17 : i32
      %dma_start3A_1114 = arith.constant 0 : i32
      %dma_start3A_1115 = arith.constant 0 : i32
      %dma_start3A_1116 = tpu.memref_slice %arg16[%dma_start3A_1113, %dma_start3A_1114, %dma_start3A_1115] : memref<18x16x128xf32, #tpu.memory_space<vmem>> -> memref<1x16x128xf32, #tpu.memory_space<vmem>>
      %dma_start3A_1117 = tpu.memref_squeeze %dma_start3A_1116 : memref<1x16x128xf32, #tpu.memory_space<vmem>> -> memref<16x128xf32, #tpu.memory_space<vmem>>
      %dma_start3A_1118 = arith.constant 0 : i32
      %dma_start3A_1119 = tpu.memref_slice %arg14[%dma_start3A_1112, %dma_start3A_1118] : memref<18x16xi32, #tpu.memory_space<vmem>> -> memref<1x16xi32, #tpu.memory_space<vmem>>
      %dma_start3A_1120 = tpu.memref_squeeze %dma_start3A_1119 : memref<1x16xi32, #tpu.memory_space<vmem>> -> memref<16xi32, #tpu.memory_space<vmem>>
      %dma_start3A_1121 = arith.constant 0 : i32
      %dma_start3A_1122 = arith.constant 0 : i32
      %dma_start3A_1123 = tpu.memref_slice %arg2[%dma_start3A_1121, %dma_start3A_1122] : memref<387072x128xf32, #tpu.memory_space<hbm>> -> memref<387072x128xf32, #tpu.memory_space<hbm>>
      tpu.enqueue_indirect_dma source(%dma_start3A_1123 : memref<387072x128xf32, #tpu.memory_space<hbm>>) target(%dma_start3A_1117 : memref<16x128xf32, #tpu.memory_space<vmem>>) offsets(%dma_start3A_1120 : memref<16xi32, #tpu.memory_space<vmem>>) semaphore(%arg18 : memref<!tpu.dma_semaphore, #tpu.memory_space<semaphore_mem>>)
      %dma_wait3A = arith.constant 0 : i32
      %dma_wait3A_1124 = arith.constant 0 : i32
      %dma_wait3A_1125 = arith.constant 0 : i32
      %dma_wait3A_1126 = arith.constant 0 : i32
      %dma_wait3A_1127 = tpu.memref_slice %arg16[%dma_wait3A_1124, %dma_wait3A_1125, %dma_wait3A_1126] : memref<18x16x128xf32, #tpu.memory_space<vmem>> -> memref<1x16x128xf32, #tpu.memory_space<vmem>>
      %dma_wait3A_1128 = tpu.memref_squeeze %dma_wait3A_1127 : memref<1x16x128xf32, #tpu.memory_space<vmem>> -> memref<16x128xf32, #tpu.memory_space<vmem>>
      %dma_wait3A_1129 = arith.constant 0 : i32
      %dma_wait3A_1130 = tpu.memref_slice %arg14[%dma_wait3A, %dma_wait3A_1129] : memref<18x16xi32, #tpu.memory_space<vmem>> -> memref<1x16xi32, #tpu.memory_space<vmem>>
      %dma_wait3A_1131 = tpu.memref_squeeze %dma_wait3A_1130 : memref<1x16xi32, #tpu.memory_space<vmem>> -> memref<16xi32, #tpu.memory_space<vmem>>
      %dma_wait3A_1132 = arith.constant 0 : i32
      %dma_wait3A_1133 = arith.constant 0 : i32
      %dma_wait3A_1134 = tpu.memref_slice %arg2[%dma_wait3A_1132, %dma_wait3A_1133] : memref<387072x128xf32, #tpu.memory_space<hbm>> -> memref<387072x128xf32, #tpu.memory_space<hbm>>
      tpu.wait_indirect_dma semaphore(%arg18 : memref<!tpu.dma_semaphore, #tpu.memory_space<semaphore_mem>>) src(%dma_wait3A_1134 : memref<387072x128xf32, #tpu.memory_space<hbm>>) dst(%dma_wait3A_1128 : memref<16x128xf32, #tpu.memory_space<vmem>>)
      %dma_wait3A_1135 = arith.constant 1 : i32
      %dma_wait3A_1136 = arith.constant 1 : i32
      %dma_wait3A_1137 = arith.constant 0 : i32
      %dma_wait3A_1138 = arith.constant 0 : i32
      %dma_wait3A_1139 = tpu.memref_slice %arg16[%dma_wait3A_1136, %dma_wait3A_1137, %dma_wait3A_1138] : memref<18x16x128xf32, #tpu.memory_space<vmem>> -> memref<1x16x128xf32, #tpu.memory_space<vmem>>
      %dma_wait3A_1140 = tpu.memref_squeeze %dma_wait3A_1139 : memref<1x16x128xf32, #tpu.memory_space<vmem>> -> memref<16x128xf32, #tpu.memory_space<vmem>>
      %dma_wait3A_1141 = arith.constant 0 : i32
      %dma_wait3A_1142 = tpu.memref_slice %arg14[%dma_wait3A_1135, %dma_wait3A_1141] : memref<18x16xi32, #tpu.memory_space<vmem>> -> memref<1x16xi32, #tpu.memory_space<vmem>>
      %dma_wait3A_1143 = tpu.memref_squeeze %dma_wait3A_1142 : memref<1x16xi32, #tpu.memory_space<vmem>> -> memref<16xi32, #tpu.memory_space<vmem>>
      %dma_wait3A_1144 = arith.constant 0 : i32
      %dma_wait3A_1145 = arith.constant 0 : i32
      %dma_wait3A_1146 = tpu.memref_slice %arg2[%dma_wait3A_1144, %dma_wait3A_1145] : memref<387072x128xf32, #tpu.memory_space<hbm>> -> memref<387072x128xf32, #tpu.memory_space<hbm>>
      tpu.wait_indirect_dma semaphore(%arg18 : memref<!tpu.dma_semaphore, #tpu.memory_space<semaphore_mem>>) src(%dma_wait3A_1146 : memref<387072x128xf32, #tpu.memory_space<hbm>>) dst(%dma_wait3A_1140 : memref<16x128xf32, #tpu.memory_space<vmem>>)
      %dma_wait3A_1147 = arith.constant 2 : i32
      %dma_wait3A_1148 = arith.constant 2 : i32
      %dma_wait3A_1149 = arith.constant 0 : i32
      %dma_wait3A_1150 = arith.constant 0 : i32
      %dma_wait3A_1151 = tpu.memref_slice %arg16[%dma_wait3A_1148, %dma_wait3A_1149, %dma_wait3A_1150] : memref<18x16x128xf32, #tpu.memory_space<vmem>> -> memref<1x16x128xf32, #tpu.memory_space<vmem>>
      %dma_wait3A_1152 = tpu.memref_squeeze %dma_wait3A_1151 : memref<1x16x128xf32, #tpu.memory_space<vmem>> -> memref<16x128xf32, #tpu.memory_space<vmem>>
      %dma_wait3A_1153 = arith.constant 0 : i32
      %dma_wait3A_1154 = tpu.memref_slice %arg14[%dma_wait3A_1147, %dma_wait3A_1153] : memref<18x16xi32, #tpu.memory_space<vmem>> -> memref<1x16xi32, #tpu.memory_space<vmem>>
      %dma_wait3A_1155 = tpu.memref_squeeze %dma_wait3A_1154 : memref<1x16xi32, #tpu.memory_space<vmem>> -> memref<16xi32, #tpu.memory_space<vmem>>
      %dma_wait3A_1156 = arith.constant 0 : i32
      %dma_wait3A_1157 = arith.constant 0 : i32
      %dma_wait3A_1158 = tpu.memref_slice %arg2[%dma_wait3A_1156, %dma_wait3A_1157] : memref<387072x128xf32, #tpu.memory_space<hbm>> -> memref<387072x128xf32, #tpu.memory_space<hbm>>
      tpu.wait_indirect_dma semaphore(%arg18 : memref<!tpu.dma_semaphore, #tpu.memory_space<semaphore_mem>>) src(%dma_wait3A_1158 : memref<387072x128xf32, #tpu.memory_space<hbm>>) dst(%dma_wait3A_1152 : memref<16x128xf32, #tpu.memory_space<vmem>>)
      %dma_wait3A_1159 = arith.constant 3 : i32
      %dma_wait3A_1160 = arith.constant 3 : i32
      %dma_wait3A_1161 = arith.constant 0 : i32
      %dma_wait3A_1162 = arith.constant 0 : i32
      %dma_wait3A_1163 = tpu.memref_slice %arg16[%dma_wait3A_1160, %dma_wait3A_1161, %dma_wait3A_1162] : memref<18x16x128xf32, #tpu.memory_space<vmem>> -> memref<1x16x128xf32, #tpu.memory_space<vmem>>
      %dma_wait3A_1164 = tpu.memref_squeeze %dma_wait3A_1163 : memref<1x16x128xf32, #tpu.memory_space<vmem>> -> memref<16x128xf32, #tpu.memory_space<vmem>>
      %dma_wait3A_1165 = arith.constant 0 : i32
      %dma_wait3A_1166 = tpu.memref_slice %arg14[%dma_wait3A_1159, %dma_wait3A_1165] : memref<18x16xi32, #tpu.memory_space<vmem>> -> memref<1x16xi32, #tpu.memory_space<vmem>>
      %dma_wait3A_1167 = tpu.memref_squeeze %dma_wait3A_1166 : memref<1x16xi32, #tpu.memory_space<vmem>> -> memref<16xi32, #tpu.memory_space<vmem>>
      %dma_wait3A_1168 = arith.constant 0 : i32
      %dma_wait3A_1169 = arith.constant 0 : i32
      %dma_wait3A_1170 = tpu.memref_slice %arg2[%dma_wait3A_1168, %dma_wait3A_1169] : memref<387072x128xf32, #tpu.memory_space<hbm>> -> memref<387072x128xf32, #tpu.memory_space<hbm>>
      tpu.wait_indirect_dma semaphore(%arg18 : memref<!tpu.dma_semaphore, #tpu.memory_space<semaphore_mem>>) src(%dma_wait3A_1170 : memref<387072x128xf32, #tpu.memory_space<hbm>>) dst(%dma_wait3A_1164 : memref<16x128xf32, #tpu.memory_space<vmem>>)
      %dma_wait3A_1171 = arith.constant 4 : i32
      %dma_wait3A_1172 = arith.constant 4 : i32
      %dma_wait3A_1173 = arith.constant 0 : i32
      %dma_wait3A_1174 = arith.constant 0 : i32
      %dma_wait3A_1175 = tpu.memref_slice %arg16[%dma_wait3A_1172, %dma_wait3A_1173, %dma_wait3A_1174] : memref<18x16x128xf32, #tpu.memory_space<vmem>> -> memref<1x16x128xf32, #tpu.memory_space<vmem>>
      %dma_wait3A_1176 = tpu.memref_squeeze %dma_wait3A_1175 : memref<1x16x128xf32, #tpu.memory_space<vmem>> -> memref<16x128xf32, #tpu.memory_space<vmem>>
      %dma_wait3A_1177 = arith.constant 0 : i32
      %dma_wait3A_1178 = tpu.memref_slice %arg14[%dma_wait3A_1171, %dma_wait3A_1177] : memref<18x16xi32, #tpu.memory_space<vmem>> -> memref<1x16xi32, #tpu.memory_space<vmem>>
      %dma_wait3A_1179 = tpu.memref_squeeze %dma_wait3A_1178 : memref<1x16xi32, #tpu.memory_space<vmem>> -> memref<16xi32, #tpu.memory_space<vmem>>
      %dma_wait3A_1180 = arith.constant 0 : i32
      %dma_wait3A_1181 = arith.constant 0 : i32
      %dma_wait3A_1182 = tpu.memref_slice %arg2[%dma_wait3A_1180, %dma_wait3A_1181] : memref<387072x128xf32, #tpu.memory_space<hbm>> -> memref<387072x128xf32, #tpu.memory_space<hbm>>
      tpu.wait_indirect_dma semaphore(%arg18 : memref<!tpu.dma_semaphore, #tpu.memory_space<semaphore_mem>>) src(%dma_wait3A_1182 : memref<387072x128xf32, #tpu.memory_space<hbm>>) dst(%dma_wait3A_1176 : memref<16x128xf32, #tpu.memory_space<vmem>>)
      %dma_wait3A_1183 = arith.constant 5 : i32
      %dma_wait3A_1184 = arith.constant 5 : i32
      %dma_wait3A_1185 = arith.constant 0 : i32
      %dma_wait3A_1186 = arith.constant 0 : i32
      %dma_wait3A_1187 = tpu.memref_slice %arg16[%dma_wait3A_1184, %dma_wait3A_1185, %dma_wait3A_1186] : memref<18x16x128xf32, #tpu.memory_space<vmem>> -> memref<1x16x128xf32, #tpu.memory_space<vmem>>
      %dma_wait3A_1188 = tpu.memref_squeeze %dma_wait3A_1187 : memref<1x16x128xf32, #tpu.memory_space<vmem>> -> memref<16x128xf32, #tpu.memory_space<vmem>>
      %dma_wait3A_1189 = arith.constant 0 : i32
      %dma_wait3A_1190 = tpu.memref_slice %arg14[%dma_wait3A_1183, %dma_wait3A_1189] : memref<18x16xi32, #tpu.memory_space<vmem>> -> memref<1x16xi32, #tpu.memory_space<vmem>>
      %dma_wait3A_1191 = tpu.memref_squeeze %dma_wait3A_1190 : memref<1x16xi32, #tpu.memory_space<vmem>> -> memref<16xi32, #tpu.memory_space<vmem>>
      %dma_wait3A_1192 = arith.constant 0 : i32
      %dma_wait3A_1193 = arith.constant 0 : i32
      %dma_wait3A_1194 = tpu.memref_slice %arg2[%dma_wait3A_1192, %dma_wait3A_1193] : memref<387072x128xf32, #tpu.memory_space<hbm>> -> memref<387072x128xf32, #tpu.memory_space<hbm>>
      tpu.wait_indirect_dma semaphore(%arg18 : memref<!tpu.dma_semaphore, #tpu.memory_space<semaphore_mem>>) src(%dma_wait3A_1194 : memref<387072x128xf32, #tpu.memory_space<hbm>>) dst(%dma_wait3A_1188 : memref<16x128xf32, #tpu.memory_space<vmem>>)
      %dma_wait3A_1195 = arith.constant 6 : i32
      %dma_wait3A_1196 = arith.constant 6 : i32
      %dma_wait3A_1197 = arith.constant 0 : i32
      %dma_wait3A_1198 = arith.constant 0 : i32
      %dma_wait3A_1199 = tpu.memref_slice %arg16[%dma_wait3A_1196, %dma_wait3A_1197, %dma_wait3A_1198] : memref<18x16x128xf32, #tpu.memory_space<vmem>> -> memref<1x16x128xf32, #tpu.memory_space<vmem>>
      %dma_wait3A_1200 = tpu.memref_squeeze %dma_wait3A_1199 : memref<1x16x128xf32, #tpu.memory_space<vmem>> -> memref<16x128xf32, #tpu.memory_space<vmem>>
      %dma_wait3A_1201 = arith.constant 0 : i32
      %dma_wait3A_1202 = tpu.memref_slice %arg14[%dma_wait3A_1195, %dma_wait3A_1201] : memref<18x16xi32, #tpu.memory_space<vmem>> -> memref<1x16xi32, #tpu.memory_space<vmem>>
      %dma_wait3A_1203 = tpu.memref_squeeze %dma_wait3A_1202 : memref<1x16xi32, #tpu.memory_space<vmem>> -> memref<16xi32, #tpu.memory_space<vmem>>
      %dma_wait3A_1204 = arith.constant 0 : i32
      %dma_wait3A_1205 = arith.constant 0 : i32
      %dma_wait3A_1206 = tpu.memref_slice %arg2[%dma_wait3A_1204, %dma_wait3A_1205] : memref<387072x128xf32, #tpu.memory_space<hbm>> -> memref<387072x128xf32, #tpu.memory_space<hbm>>
      tpu.wait_indirect_dma semaphore(%arg18 : memref<!tpu.dma_semaphore, #tpu.memory_space<semaphore_mem>>) src(%dma_wait3A_1206 : memref<387072x128xf32, #tpu.memory_space<hbm>>) dst(%dma_wait3A_1200 : memref<16x128xf32, #tpu.memory_space<vmem>>)
      %dma_wait3A_1207 = arith.constant 7 : i32
      %dma_wait3A_1208 = arith.constant 7 : i32
      %dma_wait3A_1209 = arith.constant 0 : i32
      %dma_wait3A_1210 = arith.constant 0 : i32
      %dma_wait3A_1211 = tpu.memref_slice %arg16[%dma_wait3A_1208, %dma_wait3A_1209, %dma_wait3A_1210] : memref<18x16x128xf32, #tpu.memory_space<vmem>> -> memref<1x16x128xf32, #tpu.memory_space<vmem>>
      %dma_wait3A_1212 = tpu.memref_squeeze %dma_wait3A_1211 : memref<1x16x128xf32, #tpu.memory_space<vmem>> -> memref<16x128xf32, #tpu.memory_space<vmem>>
      %dma_wait3A_1213 = arith.constant 0 : i32
      %dma_wait3A_1214 = tpu.memref_slice %arg14[%dma_wait3A_1207, %dma_wait3A_1213] : memref<18x16xi32, #tpu.memory_space<vmem>> -> memref<1x16xi32, #tpu.memory_space<vmem>>
      %dma_wait3A_1215 = tpu.memref_squeeze %dma_wait3A_1214 : memref<1x16xi32, #tpu.memory_space<vmem>> -> memref<16xi32, #tpu.memory_space<vmem>>
      %dma_wait3A_1216 = arith.constant 0 : i32
      %dma_wait3A_1217 = arith.constant 0 : i32
      %dma_wait3A_1218 = tpu.memref_slice %arg2[%dma_wait3A_1216, %dma_wait3A_1217] : memref<387072x128xf32, #tpu.memory_space<hbm>> -> memref<387072x128xf32, #tpu.memory_space<hbm>>
      tpu.wait_indirect_dma semaphore(%arg18 : memref<!tpu.dma_semaphore, #tpu.memory_space<semaphore_mem>>) src(%dma_wait3A_1218 : memref<387072x128xf32, #tpu.memory_space<hbm>>) dst(%dma_wait3A_1212 : memref<16x128xf32, #tpu.memory_space<vmem>>)
      %dma_wait3A_1219 = arith.constant 8 : i32
      %dma_wait3A_1220 = arith.constant 8 : i32
      %dma_wait3A_1221 = arith.constant 0 : i32
      %dma_wait3A_1222 = arith.constant 0 : i32
      %dma_wait3A_1223 = tpu.memref_slice %arg16[%dma_wait3A_1220, %dma_wait3A_1221, %dma_wait3A_1222] : memref<18x16x128xf32, #tpu.memory_space<vmem>> -> memref<1x16x128xf32, #tpu.memory_space<vmem>>
      %dma_wait3A_1224 = tpu.memref_squeeze %dma_wait3A_1223 : memref<1x16x128xf32, #tpu.memory_space<vmem>> -> memref<16x128xf32, #tpu.memory_space<vmem>>
      %dma_wait3A_1225 = arith.constant 0 : i32
      %dma_wait3A_1226 = tpu.memref_slice %arg14[%dma_wait3A_1219, %dma_wait3A_1225] : memref<18x16xi32, #tpu.memory_space<vmem>> -> memref<1x16xi32, #tpu.memory_space<vmem>>
      %dma_wait3A_1227 = tpu.memref_squeeze %dma_wait3A_1226 : memref<1x16xi32, #tpu.memory_space<vmem>> -> memref<16xi32, #tpu.memory_space<vmem>>
      %dma_wait3A_1228 = arith.constant 0 : i32
      %dma_wait3A_1229 = arith.constant 0 : i32
      %dma_wait3A_1230 = tpu.memref_slice %arg2[%dma_wait3A_1228, %dma_wait3A_1229] : memref<387072x128xf32, #tpu.memory_space<hbm>> -> memref<387072x128xf32, #tpu.memory_space<hbm>>
      tpu.wait_indirect_dma semaphore(%arg18 : memref<!tpu.dma_semaphore, #tpu.memory_space<semaphore_mem>>) src(%dma_wait3A_1230 : memref<387072x128xf32, #tpu.memory_space<hbm>>) dst(%dma_wait3A_1224 : memref<16x128xf32, #tpu.memory_space<vmem>>)
      %dma_wait3A_1231 = arith.constant 9 : i32
      %dma_wait3A_1232 = arith.constant 9 : i32
      %dma_wait3A_1233 = arith.constant 0 : i32
      %dma_wait3A_1234 = arith.constant 0 : i32
      %dma_wait3A_1235 = tpu.memref_slice %arg16[%dma_wait3A_1232, %dma_wait3A_1233, %dma_wait3A_1234] : memref<18x16x128xf32, #tpu.memory_space<vmem>> -> memref<1x16x128xf32, #tpu.memory_space<vmem>>
      %dma_wait3A_1236 = tpu.memref_squeeze %dma_wait3A_1235 : memref<1x16x128xf32, #tpu.memory_space<vmem>> -> memref<16x128xf32, #tpu.memory_space<vmem>>
      %dma_wait3A_1237 = arith.constant 0 : i32
      %dma_wait3A_1238 = tpu.memref_slice %arg14[%dma_wait3A_1231, %dma_wait3A_1237] : memref<18x16xi32, #tpu.memory_space<vmem>> -> memref<1x16xi32, #tpu.memory_space<vmem>>
      %dma_wait3A_1239 = tpu.memref_squeeze %dma_wait3A_1238 : memref<1x16xi32, #tpu.memory_space<vmem>> -> memref<16xi32, #tpu.memory_space<vmem>>
      %dma_wait3A_1240 = arith.constant 0 : i32
      %dma_wait3A_1241 = arith.constant 0 : i32
      %dma_wait3A_1242 = tpu.memref_slice %arg2[%dma_wait3A_1240, %dma_wait3A_1241] : memref<387072x128xf32, #tpu.memory_space<hbm>> -> memref<387072x128xf32, #tpu.memory_space<hbm>>
      tpu.wait_indirect_dma semaphore(%arg18 : memref<!tpu.dma_semaphore, #tpu.memory_space<semaphore_mem>>) src(%dma_wait3A_1242 : memref<387072x128xf32, #tpu.memory_space<hbm>>) dst(%dma_wait3A_1236 : memref<16x128xf32, #tpu.memory_space<vmem>>)
      %dma_wait3A_1243 = arith.constant 10 : i32
      %dma_wait3A_1244 = arith.constant 10 : i32
      %dma_wait3A_1245 = arith.constant 0 : i32
      %dma_wait3A_1246 = arith.constant 0 : i32
      %dma_wait3A_1247 = tpu.memref_slice %arg16[%dma_wait3A_1244, %dma_wait3A_1245, %dma_wait3A_1246] : memref<18x16x128xf32, #tpu.memory_space<vmem>> -> memref<1x16x128xf32, #tpu.memory_space<vmem>>
      %dma_wait3A_1248 = tpu.memref_squeeze %dma_wait3A_1247 : memref<1x16x128xf32, #tpu.memory_space<vmem>> -> memref<16x128xf32, #tpu.memory_space<vmem>>
      %dma_wait3A_1249 = arith.constant 0 : i32
      %dma_wait3A_1250 = tpu.memref_slice %arg14[%dma_wait3A_1243, %dma_wait3A_1249] : memref<18x16xi32, #tpu.memory_space<vmem>> -> memref<1x16xi32, #tpu.memory_space<vmem>>
      %dma_wait3A_1251 = tpu.memref_squeeze %dma_wait3A_1250 : memref<1x16xi32, #tpu.memory_space<vmem>> -> memref<16xi32, #tpu.memory_space<vmem>>
      %dma_wait3A_1252 = arith.constant 0 : i32
      %dma_wait3A_1253 = arith.constant 0 : i32
      %dma_wait3A_1254 = tpu.memref_slice %arg2[%dma_wait3A_1252, %dma_wait3A_1253] : memref<387072x128xf32, #tpu.memory_space<hbm>> -> memref<387072x128xf32, #tpu.memory_space<hbm>>
      tpu.wait_indirect_dma semaphore(%arg18 : memref<!tpu.dma_semaphore, #tpu.memory_space<semaphore_mem>>) src(%dma_wait3A_1254 : memref<387072x128xf32, #tpu.memory_space<hbm>>) dst(%dma_wait3A_1248 : memref<16x128xf32, #tpu.memory_space<vmem>>)
      %dma_wait3A_1255 = arith.constant 11 : i32
      %dma_wait3A_1256 = arith.constant 11 : i32
      %dma_wait3A_1257 = arith.constant 0 : i32
      %dma_wait3A_1258 = arith.constant 0 : i32
      %dma_wait3A_1259 = tpu.memref_slice %arg16[%dma_wait3A_1256, %dma_wait3A_1257, %dma_wait3A_1258] : memref<18x16x128xf32, #tpu.memory_space<vmem>> -> memref<1x16x128xf32, #tpu.memory_space<vmem>>
      %dma_wait3A_1260 = tpu.memref_squeeze %dma_wait3A_1259 : memref<1x16x128xf32, #tpu.memory_space<vmem>> -> memref<16x128xf32, #tpu.memory_space<vmem>>
      %dma_wait3A_1261 = arith.constant 0 : i32
      %dma_wait3A_1262 = tpu.memref_slice %arg14[%dma_wait3A_1255, %dma_wait3A_1261] : memref<18x16xi32, #tpu.memory_space<vmem>> -> memref<1x16xi32, #tpu.memory_space<vmem>>
      %dma_wait3A_1263 = tpu.memref_squeeze %dma_wait3A_1262 : memref<1x16xi32, #tpu.memory_space<vmem>> -> memref<16xi32, #tpu.memory_space<vmem>>
      %dma_wait3A_1264 = arith.constant 0 : i32
      %dma_wait3A_1265 = arith.constant 0 : i32
      %dma_wait3A_1266 = tpu.memref_slice %arg2[%dma_wait3A_1264, %dma_wait3A_1265] : memref<387072x128xf32, #tpu.memory_space<hbm>> -> memref<387072x128xf32, #tpu.memory_space<hbm>>
      tpu.wait_indirect_dma semaphore(%arg18 : memref<!tpu.dma_semaphore, #tpu.memory_space<semaphore_mem>>) src(%dma_wait3A_1266 : memref<387072x128xf32, #tpu.memory_space<hbm>>) dst(%dma_wait3A_1260 : memref<16x128xf32, #tpu.memory_space<vmem>>)
      %dma_wait3A_1267 = arith.constant 12 : i32
      %dma_wait3A_1268 = arith.constant 12 : i32
      %dma_wait3A_1269 = arith.constant 0 : i32
      %dma_wait3A_1270 = arith.constant 0 : i32
      %dma_wait3A_1271 = tpu.memref_slice %arg16[%dma_wait3A_1268, %dma_wait3A_1269, %dma_wait3A_1270] : memref<18x16x128xf32, #tpu.memory_space<vmem>> -> memref<1x16x128xf32, #tpu.memory_space<vmem>>
      %dma_wait3A_1272 = tpu.memref_squeeze %dma_wait3A_1271 : memref<1x16x128xf32, #tpu.memory_space<vmem>> -> memref<16x128xf32, #tpu.memory_space<vmem>>
      %dma_wait3A_1273 = arith.constant 0 : i32
      %dma_wait3A_1274 = tpu.memref_slice %arg14[%dma_wait3A_1267, %dma_wait3A_1273] : memref<18x16xi32, #tpu.memory_space<vmem>> -> memref<1x16xi32, #tpu.memory_space<vmem>>
      %dma_wait3A_1275 = tpu.memref_squeeze %dma_wait3A_1274 : memref<1x16xi32, #tpu.memory_space<vmem>> -> memref<16xi32, #tpu.memory_space<vmem>>
      %dma_wait3A_1276 = arith.constant 0 : i32
      %dma_wait3A_1277 = arith.constant 0 : i32
      %dma_wait3A_1278 = tpu.memref_slice %arg2[%dma_wait3A_1276, %dma_wait3A_1277] : memref<387072x128xf32, #tpu.memory_space<hbm>> -> memref<387072x128xf32, #tpu.memory_space<hbm>>
      tpu.wait_indirect_dma semaphore(%arg18 : memref<!tpu.dma_semaphore, #tpu.memory_space<semaphore_mem>>) src(%dma_wait3A_1278 : memref<387072x128xf32, #tpu.memory_space<hbm>>) dst(%dma_wait3A_1272 : memref<16x128xf32, #tpu.memory_space<vmem>>)
      %dma_wait3A_1279 = arith.constant 13 : i32
      %dma_wait3A_1280 = arith.constant 13 : i32
      %dma_wait3A_1281 = arith.constant 0 : i32
      %dma_wait3A_1282 = arith.constant 0 : i32
      %dma_wait3A_1283 = tpu.memref_slice %arg16[%dma_wait3A_1280, %dma_wait3A_1281, %dma_wait3A_1282] : memref<18x16x128xf32, #tpu.memory_space<vmem>> -> memref<1x16x128xf32, #tpu.memory_space<vmem>>
      %dma_wait3A_1284 = tpu.memref_squeeze %dma_wait3A_1283 : memref<1x16x128xf32, #tpu.memory_space<vmem>> -> memref<16x128xf32, #tpu.memory_space<vmem>>
      %dma_wait3A_1285 = arith.constant 0 : i32
      %dma_wait3A_1286 = tpu.memref_slice %arg14[%dma_wait3A_1279, %dma_wait3A_1285] : memref<18x16xi32, #tpu.memory_space<vmem>> -> memref<1x16xi32, #tpu.memory_space<vmem>>
      %dma_wait3A_1287 = tpu.memref_squeeze %dma_wait3A_1286 : memref<1x16xi32, #tpu.memory_space<vmem>> -> memref<16xi32, #tpu.memory_space<vmem>>
      %dma_wait3A_1288 = arith.constant 0 : i32
      %dma_wait3A_1289 = arith.constant 0 : i32
      %dma_wait3A_1290 = tpu.memref_slice %arg2[%dma_wait3A_1288, %dma_wait3A_1289] : memref<387072x128xf32, #tpu.memory_space<hbm>> -> memref<387072x128xf32, #tpu.memory_space<hbm>>
      tpu.wait_indirect_dma semaphore(%arg18 : memref<!tpu.dma_semaphore, #tpu.memory_space<semaphore_mem>>) src(%dma_wait3A_1290 : memref<387072x128xf32, #tpu.memory_space<hbm>>) dst(%dma_wait3A_1284 : memref<16x128xf32, #tpu.memory_space<vmem>>)
      %dma_wait3A_1291 = arith.constant 14 : i32
      %dma_wait3A_1292 = arith.constant 14 : i32
      %dma_wait3A_1293 = arith.constant 0 : i32
      %dma_wait3A_1294 = arith.constant 0 : i32
      %dma_wait3A_1295 = tpu.memref_slice %arg16[%dma_wait3A_1292, %dma_wait3A_1293, %dma_wait3A_1294] : memref<18x16x128xf32, #tpu.memory_space<vmem>> -> memref<1x16x128xf32, #tpu.memory_space<vmem>>
      %dma_wait3A_1296 = tpu.memref_squeeze %dma_wait3A_1295 : memref<1x16x128xf32, #tpu.memory_space<vmem>> -> memref<16x128xf32, #tpu.memory_space<vmem>>
      %dma_wait3A_1297 = arith.constant 0 : i32
      %dma_wait3A_1298 = tpu.memref_slice %arg14[%dma_wait3A_1291, %dma_wait3A_1297] : memref<18x16xi32, #tpu.memory_space<vmem>> -> memref<1x16xi32, #tpu.memory_space<vmem>>
      %dma_wait3A_1299 = tpu.memref_squeeze %dma_wait3A_1298 : memref<1x16xi32, #tpu.memory_space<vmem>> -> memref<16xi32, #tpu.memory_space<vmem>>
      %dma_wait3A_1300 = arith.constant 0 : i32
      %dma_wait3A_1301 = arith.constant 0 : i32
      %dma_wait3A_1302 = tpu.memref_slice %arg2[%dma_wait3A_1300, %dma_wait3A_1301] : memref<387072x128xf32, #tpu.memory_space<hbm>> -> memref<387072x128xf32, #tpu.memory_space<hbm>>
      tpu.wait_indirect_dma semaphore(%arg18 : memref<!tpu.dma_semaphore, #tpu.memory_space<semaphore_mem>>) src(%dma_wait3A_1302 : memref<387072x128xf32, #tpu.memory_space<hbm>>) dst(%dma_wait3A_1296 : memref<16x128xf32, #tpu.memory_space<vmem>>)
      %dma_wait3A_1303 = arith.constant 15 : i32
      %dma_wait3A_1304 = arith.constant 15 : i32
      %dma_wait3A_1305 = arith.constant 0 : i32
      %dma_wait3A_1306 = arith.constant 0 : i32
      %dma_wait3A_1307 = tpu.memref_slice %arg16[%dma_wait3A_1304, %dma_wait3A_1305, %dma_wait3A_1306] : memref<18x16x128xf32, #tpu.memory_space<vmem>> -> memref<1x16x128xf32, #tpu.memory_space<vmem>>
      %dma_wait3A_1308 = tpu.memref_squeeze %dma_wait3A_1307 : memref<1x16x128xf32, #tpu.memory_space<vmem>> -> memref<16x128xf32, #tpu.memory_space<vmem>>
      %dma_wait3A_1309 = arith.constant 0 : i32
      %dma_wait3A_1310 = tpu.memref_slice %arg14[%dma_wait3A_1303, %dma_wait3A_1309] : memref<18x16xi32, #tpu.memory_space<vmem>> -> memref<1x16xi32, #tpu.memory_space<vmem>>
      %dma_wait3A_1311 = tpu.memref_squeeze %dma_wait3A_1310 : memref<1x16xi32, #tpu.memory_space<vmem>> -> memref<16xi32, #tpu.memory_space<vmem>>
      %dma_wait3A_1312 = arith.constant 0 : i32
      %dma_wait3A_1313 = arith.constant 0 : i32
      %dma_wait3A_1314 = tpu.memref_slice %arg2[%dma_wait3A_1312, %dma_wait3A_1313] : memref<387072x128xf32, #tpu.memory_space<hbm>> -> memref<387072x128xf32, #tpu.memory_space<hbm>>
      tpu.wait_indirect_dma semaphore(%arg18 : memref<!tpu.dma_semaphore, #tpu.memory_space<semaphore_mem>>) src(%dma_wait3A_1314 : memref<387072x128xf32, #tpu.memory_space<hbm>>) dst(%dma_wait3A_1308 : memref<16x128xf32, #tpu.memory_space<vmem>>)
      %dma_wait3A_1315 = arith.constant 16 : i32
      %dma_wait3A_1316 = arith.constant 16 : i32
      %dma_wait3A_1317 = arith.constant 0 : i32
      %dma_wait3A_1318 = arith.constant 0 : i32
      %dma_wait3A_1319 = tpu.memref_slice %arg16[%dma_wait3A_1316, %dma_wait3A_1317, %dma_wait3A_1318] : memref<18x16x128xf32, #tpu.memory_space<vmem>> -> memref<1x16x128xf32, #tpu.memory_space<vmem>>
      %dma_wait3A_1320 = tpu.memref_squeeze %dma_wait3A_1319 : memref<1x16x128xf32, #tpu.memory_space<vmem>> -> memref<16x128xf32, #tpu.memory_space<vmem>>
      %dma_wait3A_1321 = arith.constant 0 : i32
      %dma_wait3A_1322 = tpu.memref_slice %arg14[%dma_wait3A_1315, %dma_wait3A_1321] : memref<18x16xi32, #tpu.memory_space<vmem>> -> memref<1x16xi32, #tpu.memory_space<vmem>>
      %dma_wait3A_1323 = tpu.memref_squeeze %dma_wait3A_1322 : memref<1x16xi32, #tpu.memory_space<vmem>> -> memref<16xi32, #tpu.memory_space<vmem>>
      %dma_wait3A_1324 = arith.constant 0 : i32
      %dma_wait3A_1325 = arith.constant 0 : i32
      %dma_wait3A_1326 = tpu.memref_slice %arg2[%dma_wait3A_1324, %dma_wait3A_1325] : memref<387072x128xf32, #tpu.memory_space<hbm>> -> memref<387072x128xf32, #tpu.memory_space<hbm>>
      tpu.wait_indirect_dma semaphore(%arg18 : memref<!tpu.dma_semaphore, #tpu.memory_space<semaphore_mem>>) src(%dma_wait3A_1326 : memref<387072x128xf32, #tpu.memory_space<hbm>>) dst(%dma_wait3A_1320 : memref<16x128xf32, #tpu.memory_space<vmem>>)
      %dma_wait3A_1327 = arith.constant 17 : i32
      %dma_wait3A_1328 = arith.constant 17 : i32
      %dma_wait3A_1329 = arith.constant 0 : i32
      %dma_wait3A_1330 = arith.constant 0 : i32
      %dma_wait3A_1331 = tpu.memref_slice %arg16[%dma_wait3A_1328, %dma_wait3A_1329, %dma_wait3A_1330] : memref<18x16x128xf32, #tpu.memory_space<vmem>> -> memref<1x16x128xf32, #tpu.memory_space<vmem>>
      %dma_wait3A_1332 = tpu.memref_squeeze %dma_wait3A_1331 : memref<1x16x128xf32, #tpu.memory_space<vmem>> -> memref<16x128xf32, #tpu.memory_space<vmem>>
      %dma_wait3A_1333 = arith.constant 0 : i32
      %dma_wait3A_1334 = tpu.memref_slice %arg14[%dma_wait3A_1327, %dma_wait3A_1333] : memref<18x16xi32, #tpu.memory_space<vmem>> -> memref<1x16xi32, #tpu.memory_space<vmem>>
      %dma_wait3A_1335 = tpu.memref_squeeze %dma_wait3A_1334 : memref<1x16xi32, #tpu.memory_space<vmem>> -> memref<16xi32, #tpu.memory_space<vmem>>
      %dma_wait3A_1336 = arith.constant 0 : i32
      %dma_wait3A_1337 = arith.constant 0 : i32
      %dma_wait3A_1338 = tpu.memref_slice %arg2[%dma_wait3A_1336, %dma_wait3A_1337] : memref<387072x128xf32, #tpu.memory_space<hbm>> -> memref<387072x128xf32, #tpu.memory_space<hbm>>
      tpu.wait_indirect_dma semaphore(%arg18 : memref<!tpu.dma_semaphore, #tpu.memory_space<semaphore_mem>>) src(%dma_wait3A_1338 : memref<387072x128xf32, #tpu.memory_space<hbm>>) dst(%dma_wait3A_1332 : memref<16x128xf32, #tpu.memory_space<vmem>>)
      %scan3A_1339 = arith.constant 0 : i32
      %scan3A_1340 = arith.constant 16 : i32
      %scan3A_1341 = arith.addi %scan3A_1339, %scan3A_1340 : i32
      %scan3A_1342 = arith.constant 1 : i32
      scf.for %scan3A_1346 = %scan3A_1339 to %scan3A_1341 step %scan3A_1342  : i32 {
        %mul3A_1347 = arith.constant 1 : i32
        %mul3A_1348 = arith.muli %scan3A_1346, %mul3A_1347 : i32
        %add3A_1349 = arith.constant 0 : i32
        %add3A_1350 = arith.addi %add3A_1349, %mul3A_1348 : i32
        %broadcast_in_dim3A = vector.broadcast %add3A_1350 : i32 to vector<16xi32>
        %get3A_1351 = arith.constant 0 : i32
        %get3A_1352 = arith.index_cast %get3A_1351 : i32 to index
        %get3A_1353 = arith.constant 0 : index
        %get3A_1354 = tpu.vector_load %arg15[%get3A_1352, %get3A_1353] {strides = array<i32>} : memref<72x16xf32, #tpu.memory_space<vmem>>, vector<1x16xf32>,
        %get3A_1355 = vector.shape_cast %get3A_1354 : vector<1x16xf32> to vector<16xf32>
        %broadcast_in_dim3A_1356 = vector.shape_cast %broadcast_in_dim3A : vector<16xi32> to vector<16x1xi32>
        %gather3A = vector.shape_cast %broadcast_in_dim3A_1356 : vector<16x1xi32> to vector<16xi32>
        %gather3A_1357 = tpu.dynamic_gather %get3A_1355[%gather3A] in [0] : vector<16xf32>, vector<16xi32> -> vector<16xf32>
        %get3A_1358 = arith.constant 1 : i32
        %get3A_1359 = arith.index_cast %get3A_1358 : i32 to index
        %get3A_1360 = arith.constant 0 : index
        %get3A_1361 = tpu.vector_load %arg15[%get3A_1359, %get3A_1360] {strides = array<i32>} : memref<72x16xf32, #tpu.memory_space<vmem>>, vector<1x16xf32>,
        %get3A_1362 = vector.shape_cast %get3A_1361 : vector<1x16xf32> to vector<16xf32>
        %broadcast_in_dim3A_1363 = vector.shape_cast %broadcast_in_dim3A : vector<16xi32> to vector<16x1xi32>
        %gather3A_1364 = vector.shape_cast %broadcast_in_dim3A_1363 : vector<16x1xi32> to vector<16xi32>
        %gather3A_1365 = tpu.dynamic_gather %get3A_1362[%gather3A_1364] in [0] : vector<16xf32>, vector<16xi32> -> vector<16xf32>
        %get3A_1366 = arith.constant 2 : i32
        %get3A_1367 = arith.index_cast %get3A_1366 : i32 to index
        %get3A_1368 = arith.constant 0 : index
        %get3A_1369 = tpu.vector_load %arg15[%get3A_1367, %get3A_1368] {strides = array<i32>} : memref<72x16xf32, #tpu.memory_space<vmem>>, vector<1x16xf32>,
        %get3A_1370 = vector.shape_cast %get3A_1369 : vector<1x16xf32> to vector<16xf32>
        %broadcast_in_dim3A_1371 = vector.shape_cast %broadcast_in_dim3A : vector<16xi32> to vector<16x1xi32>
        %gather3A_1372 = vector.shape_cast %broadcast_in_dim3A_1371 : vector<16x1xi32> to vector<16xi32>
        %gather3A_1373 = tpu.dynamic_gather %get3A_1370[%gather3A_1372] in [0] : vector<16xf32>, vector<16xi32> -> vector<16xf32>
        %get3A_1374 = arith.constant 3 : i32
        %get3A_1375 = arith.index_cast %get3A_1374 : i32 to index
        %get3A_1376 = arith.constant 0 : index
        %get3A_1377 = tpu.vector_load %arg15[%get3A_1375, %get3A_1376] {strides = array<i32>} : memref<72x16xf32, #tpu.memory_space<vmem>>, vector<1x16xf32>,
        %get3A_1378 = vector.shape_cast %get3A_1377 : vector<1x16xf32> to vector<16xf32>
        %broadcast_in_dim3A_1379 = vector.shape_cast %broadcast_in_dim3A : vector<16xi32> to vector<16x1xi32>
        %gather3A_1380 = vector.shape_cast %broadcast_in_dim3A_1379 : vector<16x1xi32> to vector<16xi32>
        %gather3A_1381 = tpu.dynamic_gather %get3A_1378[%gather3A_1380] in [0] : vector<16xf32>, vector<16xi32> -> vector<16xf32>
        %get3A_1382 = arith.constant 0 : i32
        %get3A_1383 = arith.index_cast %get3A_1382 : i32 to index
        %get3A_1384 = arith.index_cast %add3A_1350 : i32 to index
        %get3A_1385 = arith.constant 0 : index
        %get3A_1386 = tpu.vector_load %arg16[%get3A_1383, %get3A_1384, %get3A_1385] {strides = array<i32>} : memref<18x16x128xf32, #tpu.memory_space<vmem>>, vector<1x1x16xf32>,
        %get3A_1387 = vector.shape_cast %get3A_1386 : vector<1x1x16xf32> to vector<16xf32>
        %mul3A_1388 = arith.mulf %get3A_1387, %gather3A_1357 : vector<16xf32>
        %get3A_1389 = arith.constant 0 : i32
        %get3A_1390 = arith.index_cast %get3A_1389 : i32 to index
        %get3A_1391 = arith.index_cast %add3A_1350 : i32 to index
        %get3A_1392 = arith.constant 32 : index
        %get3A_1393 = tpu.vector_load %arg16[%get3A_1390, %get3A_1391, %get3A_1392] {strides = array<i32>} : memref<18x16x128xf32, #tpu.memory_space<vmem>>, vector<1x1x16xf32>,
        %get3A_1394 = vector.shape_cast %get3A_1393 : vector<1x1x16xf32> to vector<16xf32>
        %mul3A_1395 = arith.mulf %get3A_1394, %gather3A_1365 : vector<16xf32>
        %add3A_1396 = arith.addf %mul3A_1388, %mul3A_1395 : vector<16xf32>
        %get3A_1397 = arith.constant 0 : i32
        %get3A_1398 = arith.index_cast %get3A_1397 : i32 to index
        %get3A_1399 = arith.index_cast %add3A_1350 : i32 to index
        %get3A_1400 = arith.constant 64 : index
        %get3A_1401 = tpu.vector_load %arg16[%get3A_1398, %get3A_1399, %get3A_1400] {strides = array<i32>} : memref<18x16x128xf32, #tpu.memory_space<vmem>>, vector<1x1x16xf32>,
        %get3A_1402 = vector.shape_cast %get3A_1401 : vector<1x1x16xf32> to vector<16xf32>
        %mul3A_1403 = arith.mulf %get3A_1402, %gather3A_1373 : vector<16xf32>
        %add3A_1404 = arith.addf %add3A_1396, %mul3A_1403 : vector<16xf32>
        %get3A_1405 = arith.constant 0 : i32
        %get3A_1406 = arith.index_cast %get3A_1405 : i32 to index
        %get3A_1407 = arith.index_cast %add3A_1350 : i32 to index
        %get3A_1408 = arith.constant 96 : index
        %get3A_1409 = tpu.vector_load %arg16[%get3A_1406, %get3A_1407, %get3A_1408] {strides = array<i32>} : memref<18x16x128xf32, #tpu.memory_space<vmem>>, vector<1x1x16xf32>,
        %get3A_1410 = vector.shape_cast %get3A_1409 : vector<1x1x16xf32> to vector<16xf32>
        %mul3A_1411 = arith.mulf %get3A_1410, %gather3A_1381 : vector<16xf32>
        %add3A_1412 = arith.addf %add3A_1404, %mul3A_1411 : vector<16xf32>
        %get3A_1413 = arith.constant 0 : i32
        %get3A_1414 = arith.index_cast %get3A_1413 : i32 to index
        %get3A_1415 = arith.index_cast %add3A_1350 : i32 to index
        %get3A_1416 = arith.constant 16 : index
        %get3A_1417 = tpu.vector_load %arg16[%get3A_1414, %get3A_1415, %get3A_1416] {strides = array<i32>} : memref<18x16x128xf32, #tpu.memory_space<vmem>>, vector<1x1x16xf32>,
        %get3A_1418 = vector.shape_cast %get3A_1417 : vector<1x1x16xf32> to vector<16xf32>
        %mul3A_1419 = arith.mulf %get3A_1418, %gather3A_1357 : vector<16xf32>
        %get3A_1420 = arith.constant 0 : i32
        %get3A_1421 = arith.index_cast %get3A_1420 : i32 to index
        %get3A_1422 = arith.index_cast %add3A_1350 : i32 to index
        %get3A_1423 = arith.constant 48 : index
        %get3A_1424 = tpu.vector_load %arg16[%get3A_1421, %get3A_1422, %get3A_1423] {strides = array<i32>} : memref<18x16x128xf32, #tpu.memory_space<vmem>>, vector<1x1x16xf32>,
        %get3A_1425 = vector.shape_cast %get3A_1424 : vector<1x1x16xf32> to vector<16xf32>
        %mul3A_1426 = arith.mulf %get3A_1425, %gather3A_1365 : vector<16xf32>
        %add3A_1427 = arith.addf %mul3A_1419, %mul3A_1426 : vector<16xf32>
        %get3A_1428 = arith.constant 0 : i32
        %get3A_1429 = arith.index_cast %get3A_1428 : i32 to index
        %get3A_1430 = arith.index_cast %add3A_1350 : i32 to index
        %get3A_1431 = arith.constant 80 : index
        %get3A_1432 = tpu.vector_load %arg16[%get3A_1429, %get3A_1430, %get3A_1431] {strides = array<i32>} : memref<18x16x128xf32, #tpu.memory_space<vmem>>, vector<1x1x16xf32>,
        %get3A_1433 = vector.shape_cast %get3A_1432 : vector<1x1x16xf32> to vector<16xf32>
        %mul3A_1434 = arith.mulf %get3A_1433, %gather3A_1373 : vector<16xf32>
        %add3A_1435 = arith.addf %add3A_1427, %mul3A_1434 : vector<16xf32>
        %get3A_1436 = arith.constant 0 : i32
        %get3A_1437 = arith.index_cast %get3A_1436 : i32 to index
        %get3A_1438 = arith.index_cast %add3A_1350 : i32 to index
        %get3A_1439 = arith.constant 112 : index
        %get3A_1440 = tpu.vector_load %arg16[%get3A_1437, %get3A_1438, %get3A_1439] {strides = array<i32>} : memref<18x16x128xf32, #tpu.memory_space<vmem>>, vector<1x1x16xf32>,
        %get3A_1441 = vector.shape_cast %get3A_1440 : vector<1x1x16xf32> to vector<16xf32>
        %mul3A_1442 = arith.mulf %get3A_1441, %gather3A_1381 : vector<16xf32>
        %add3A_1443 = arith.addf %add3A_1435, %mul3A_1442 : vector<16xf32>
        %get3A_1444 = arith.constant 4 : i32
        %get3A_1445 = arith.index_cast %get3A_1444 : i32 to index
        %get3A_1446 = arith.constant 0 : index
        %get3A_1447 = tpu.vector_load %arg15[%get3A_1445, %get3A_1446] {strides = array<i32>} : memref<72x16xf32, #tpu.memory_space<vmem>>, vector<1x16xf32>,
        %get3A_1448 = vector.shape_cast %get3A_1447 : vector<1x16xf32> to vector<16xf32>
        %broadcast_in_dim3A_1449 = vector.shape_cast %broadcast_in_dim3A : vector<16xi32> to vector<16x1xi32>
        %gather3A_1450 = vector.shape_cast %broadcast_in_dim3A_1449 : vector<16x1xi32> to vector<16xi32>
        %gather3A_1451 = tpu.dynamic_gather %get3A_1448[%gather3A_1450] in [0] : vector<16xf32>, vector<16xi32> -> vector<16xf32>
        %get3A_1452 = arith.constant 5 : i32
        %get3A_1453 = arith.index_cast %get3A_1452 : i32 to index
        %get3A_1454 = arith.constant 0 : index
        %get3A_1455 = tpu.vector_load %arg15[%get3A_1453, %get3A_1454] {strides = array<i32>} : memref<72x16xf32, #tpu.memory_space<vmem>>, vector<1x16xf32>,
        %get3A_1456 = vector.shape_cast %get3A_1455 : vector<1x16xf32> to vector<16xf32>
        %broadcast_in_dim3A_1457 = vector.shape_cast %broadcast_in_dim3A : vector<16xi32> to vector<16x1xi32>
        %gather3A_1458 = vector.shape_cast %broadcast_in_dim3A_1457 : vector<16x1xi32> to vector<16xi32>
        %gather3A_1459 = tpu.dynamic_gather %get3A_1456[%gather3A_1458] in [0] : vector<16xf32>, vector<16xi32> -> vector<16xf32>
        %get3A_1460 = arith.constant 6 : i32
        %get3A_1461 = arith.index_cast %get3A_1460 : i32 to index
        %get3A_1462 = arith.constant 0 : index
        %get3A_1463 = tpu.vector_load %arg15[%get3A_1461, %get3A_1462] {strides = array<i32>} : memref<72x16xf32, #tpu.memory_space<vmem>>, vector<1x16xf32>,
        %get3A_1464 = vector.shape_cast %get3A_1463 : vector<1x16xf32> to vector<16xf32>
        %broadcast_in_dim3A_1465 = vector.shape_cast %broadcast_in_dim3A : vector<16xi32> to vector<16x1xi32>
        %gather3A_1466 = vector.shape_cast %broadcast_in_dim3A_1465 : vector<16x1xi32> to vector<16xi32>
        %gather3A_1467 = tpu.dynamic_gather %get3A_1464[%gather3A_1466] in [0] : vector<16xf32>, vector<16xi32> -> vector<16xf32>
        %get3A_1468 = arith.constant 7 : i32
        %get3A_1469 = arith.index_cast %get3A_1468 : i32 to index
        %get3A_1470 = arith.constant 0 : index
        %get3A_1471 = tpu.vector_load %arg15[%get3A_1469, %get3A_1470] {strides = array<i32>} : memref<72x16xf32, #tpu.memory_space<vmem>>, vector<1x16xf32>,
        %get3A_1472 = vector.shape_cast %get3A_1471 : vector<1x16xf32> to vector<16xf32>
        %broadcast_in_dim3A_1473 = vector.shape_cast %broadcast_in_dim3A : vector<16xi32> to vector<16x1xi32>
        %gather3A_1474 = vector.shape_cast %broadcast_in_dim3A_1473 : vector<16x1xi32> to vector<16xi32>
        %gather3A_1475 = tpu.dynamic_gather %get3A_1472[%gather3A_1474] in [0] : vector<16xf32>, vector<16xi32> -> vector<16xf32>
        %get3A_1476 = arith.constant 1 : i32
        %get3A_1477 = arith.index_cast %get3A_1476 : i32 to index
        %get3A_1478 = arith.index_cast %add3A_1350 : i32 to index
        %get3A_1479 = arith.constant 0 : index
        %get3A_1480 = tpu.vector_load %arg16[%get3A_1477, %get3A_1478, %get3A_1479] {strides = array<i32>} : memref<18x16x128xf32, #tpu.memory_space<vmem>>, vector<1x1x16xf32>,
        %get3A_1481 = vector.shape_cast %get3A_1480 : vector<1x1x16xf32> to vector<16xf32>
        %mul3A_1482 = arith.mulf %get3A_1481, %gather3A_1451 : vector<16xf32>
        %get3A_1483 = arith.constant 1 : i32
        %get3A_1484 = arith.index_cast %get3A_1483 : i32 to index
        %get3A_1485 = arith.index_cast %add3A_1350 : i32 to index
        %get3A_1486 = arith.constant 32 : index
        %get3A_1487 = tpu.vector_load %arg16[%get3A_1484, %get3A_1485, %get3A_1486] {strides = array<i32>} : memref<18x16x128xf32, #tpu.memory_space<vmem>>, vector<1x1x16xf32>,
        %get3A_1488 = vector.shape_cast %get3A_1487 : vector<1x1x16xf32> to vector<16xf32>
        %mul3A_1489 = arith.mulf %get3A_1488, %gather3A_1459 : vector<16xf32>
        %add3A_1490 = arith.addf %mul3A_1482, %mul3A_1489 : vector<16xf32>
        %get3A_1491 = arith.constant 1 : i32
        %get3A_1492 = arith.index_cast %get3A_1491 : i32 to index
        %get3A_1493 = arith.index_cast %add3A_1350 : i32 to index
        %get3A_1494 = arith.constant 64 : index
        %get3A_1495 = tpu.vector_load %arg16[%get3A_1492, %get3A_1493, %get3A_1494] {strides = array<i32>} : memref<18x16x128xf32, #tpu.memory_space<vmem>>, vector<1x1x16xf32>,
        %get3A_1496 = vector.shape_cast %get3A_1495 : vector<1x1x16xf32> to vector<16xf32>
        %mul3A_1497 = arith.mulf %get3A_1496, %gather3A_1467 : vector<16xf32>
        %add3A_1498 = arith.addf %add3A_1490, %mul3A_1497 : vector<16xf32>
        %get3A_1499 = arith.constant 1 : i32
        %get3A_1500 = arith.index_cast %get3A_1499 : i32 to index
        %get3A_1501 = arith.index_cast %add3A_1350 : i32 to index
        %get3A_1502 = arith.constant 96 : index
        %get3A_1503 = tpu.vector_load %arg16[%get3A_1500, %get3A_1501, %get3A_1502] {strides = array<i32>} : memref<18x16x128xf32, #tpu.memory_space<vmem>>, vector<1x1x16xf32>,
        %get3A_1504 = vector.shape_cast %get3A_1503 : vector<1x1x16xf32> to vector<16xf32>
        %mul3A_1505 = arith.mulf %get3A_1504, %gather3A_1475 : vector<16xf32>
        %add3A_1506 = arith.addf %add3A_1498, %mul3A_1505 : vector<16xf32>
        %get3A_1507 = arith.constant 1 : i32
        %get3A_1508 = arith.index_cast %get3A_1507 : i32 to index
        %get3A_1509 = arith.index_cast %add3A_1350 : i32 to index
        %get3A_1510 = arith.constant 16 : index
        %get3A_1511 = tpu.vector_load %arg16[%get3A_1508, %get3A_1509, %get3A_1510] {strides = array<i32>} : memref<18x16x128xf32, #tpu.memory_space<vmem>>, vector<1x1x16xf32>,
        %get3A_1512 = vector.shape_cast %get3A_1511 : vector<1x1x16xf32> to vector<16xf32>
        %mul3A_1513 = arith.mulf %get3A_1512, %gather3A_1451 : vector<16xf32>
        %get3A_1514 = arith.constant 1 : i32
        %get3A_1515 = arith.index_cast %get3A_1514 : i32 to index
        %get3A_1516 = arith.index_cast %add3A_1350 : i32 to index
        %get3A_1517 = arith.constant 48 : index
        %get3A_1518 = tpu.vector_load %arg16[%get3A_1515, %get3A_1516, %get3A_1517] {strides = array<i32>} : memref<18x16x128xf32, #tpu.memory_space<vmem>>, vector<1x1x16xf32>,
        %get3A_1519 = vector.shape_cast %get3A_1518 : vector<1x1x16xf32> to vector<16xf32>
        %mul3A_1520 = arith.mulf %get3A_1519, %gather3A_1459 : vector<16xf32>
        %add3A_1521 = arith.addf %mul3A_1513, %mul3A_1520 : vector<16xf32>
        %get3A_1522 = arith.constant 1 : i32
        %get3A_1523 = arith.index_cast %get3A_1522 : i32 to index
        %get3A_1524 = arith.index_cast %add3A_1350 : i32 to index
        %get3A_1525 = arith.constant 80 : index
        %get3A_1526 = tpu.vector_load %arg16[%get3A_1523, %get3A_1524, %get3A_1525] {strides = array<i32>} : memref<18x16x128xf32, #tpu.memory_space<vmem>>, vector<1x1x16xf32>,
        %get3A_1527 = vector.shape_cast %get3A_1526 : vector<1x1x16xf32> to vector<16xf32>
        %mul3A_1528 = arith.mulf %get3A_1527, %gather3A_1467 : vector<16xf32>
        %add3A_1529 = arith.addf %add3A_1521, %mul3A_1528 : vector<16xf32>
        %get3A_1530 = arith.constant 1 : i32
        %get3A_1531 = arith.index_cast %get3A_1530 : i32 to index
        %get3A_1532 = arith.index_cast %add3A_1350 : i32 to index
        %get3A_1533 = arith.constant 112 : index
        %get3A_1534 = tpu.vector_load %arg16[%get3A_1531, %get3A_1532, %get3A_1533] {strides = array<i32>} : memref<18x16x128xf32, #tpu.memory_space<vmem>>, vector<1x1x16xf32>,
        %get3A_1535 = vector.shape_cast %get3A_1534 : vector<1x1x16xf32> to vector<16xf32>
        %mul3A_1536 = arith.mulf %get3A_1535, %gather3A_1475 : vector<16xf32>
        %add3A_1537 = arith.addf %add3A_1529, %mul3A_1536 : vector<16xf32>
        %mul3A_1538 = arith.mulf %add3A_1412, %add3A_1506 : vector<16xf32>
        %mul3A_1539 = arith.mulf %add3A_1443, %add3A_1537 : vector<16xf32>
        %get3A_1540 = arith.constant 8 : i32
        %get3A_1541 = arith.index_cast %get3A_1540 : i32 to index
        %get3A_1542 = arith.constant 0 : index
        %get3A_1543 = tpu.vector_load %arg15[%get3A_1541, %get3A_1542] {strides = array<i32>} : memref<72x16xf32, #tpu.memory_space<vmem>>, vector<1x16xf32>,
        %get3A_1544 = vector.shape_cast %get3A_1543 : vector<1x16xf32> to vector<16xf32>
        %broadcast_in_dim3A_1545 = vector.shape_cast %broadcast_in_dim3A : vector<16xi32> to vector<16x1xi32>
        %gather3A_1546 = vector.shape_cast %broadcast_in_dim3A_1545 : vector<16x1xi32> to vector<16xi32>
        %gather3A_1547 = tpu.dynamic_gather %get3A_1544[%gather3A_1546] in [0] : vector<16xf32>, vector<16xi32> -> vector<16xf32>
        %get3A_1548 = arith.constant 9 : i32
        %get3A_1549 = arith.index_cast %get3A_1548 : i32 to index
        %get3A_1550 = arith.constant 0 : index
        %get3A_1551 = tpu.vector_load %arg15[%get3A_1549, %get3A_1550] {strides = array<i32>} : memref<72x16xf32, #tpu.memory_space<vmem>>, vector<1x16xf32>,
        %get3A_1552 = vector.shape_cast %get3A_1551 : vector<1x16xf32> to vector<16xf32>
        %broadcast_in_dim3A_1553 = vector.shape_cast %broadcast_in_dim3A : vector<16xi32> to vector<16x1xi32>
        %gather3A_1554 = vector.shape_cast %broadcast_in_dim3A_1553 : vector<16x1xi32> to vector<16xi32>
        %gather3A_1555 = tpu.dynamic_gather %get3A_1552[%gather3A_1554] in [0] : vector<16xf32>, vector<16xi32> -> vector<16xf32>
        %get3A_1556 = arith.constant 10 : i32
        %get3A_1557 = arith.index_cast %get3A_1556 : i32 to index
        %get3A_1558 = arith.constant 0 : index
        %get3A_1559 = tpu.vector_load %arg15[%get3A_1557, %get3A_1558] {strides = array<i32>} : memref<72x16xf32, #tpu.memory_space<vmem>>, vector<1x16xf32>,
        %get3A_1560 = vector.shape_cast %get3A_1559 : vector<1x16xf32> to vector<16xf32>
        %broadcast_in_dim3A_1561 = vector.shape_cast %broadcast_in_dim3A : vector<16xi32> to vector<16x1xi32>
        %gather3A_1562 = vector.shape_cast %broadcast_in_dim3A_1561 : vector<16x1xi32> to vector<16xi32>
        %gather3A_1563 = tpu.dynamic_gather %get3A_1560[%gather3A_1562] in [0] : vector<16xf32>, vector<16xi32> -> vector<16xf32>
        %get3A_1564 = arith.constant 11 : i32
        %get3A_1565 = arith.index_cast %get3A_1564 : i32 to index
        %get3A_1566 = arith.constant 0 : index
        %get3A_1567 = tpu.vector_load %arg15[%get3A_1565, %get3A_1566] {strides = array<i32>} : memref<72x16xf32, #tpu.memory_space<vmem>>, vector<1x16xf32>,
        %get3A_1568 = vector.shape_cast %get3A_1567 : vector<1x16xf32> to vector<16xf32>
        %broadcast_in_dim3A_1569 = vector.shape_cast %broadcast_in_dim3A : vector<16xi32> to vector<16x1xi32>
        %gather3A_1570 = vector.shape_cast %broadcast_in_dim3A_1569 : vector<16x1xi32> to vector<16xi32>
        %gather3A_1571 = tpu.dynamic_gather %get3A_1568[%gather3A_1570] in [0] : vector<16xf32>, vector<16xi32> -> vector<16xf32>
        %get3A_1572 = arith.constant 2 : i32
        %get3A_1573 = arith.index_cast %get3A_1572 : i32 to index
        %get3A_1574 = arith.index_cast %add3A_1350 : i32 to index
        %get3A_1575 = arith.constant 0 : index
        %get3A_1576 = tpu.vector_load %arg16[%get3A_1573, %get3A_1574, %get3A_1575] {strides = array<i32>} : memref<18x16x128xf32, #tpu.memory_space<vmem>>, vector<1x1x16xf32>,
        %get3A_1577 = vector.shape_cast %get3A_1576 : vector<1x1x16xf32> to vector<16xf32>
        %mul3A_1578 = arith.mulf %get3A_1577, %gather3A_1547 : vector<16xf32>
        %get3A_1579 = arith.constant 2 : i32
        %get3A_1580 = arith.index_cast %get3A_1579 : i32 to index
        %get3A_1581 = arith.index_cast %add3A_1350 : i32 to index
        %get3A_1582 = arith.constant 32 : index
        %get3A_1583 = tpu.vector_load %arg16[%get3A_1580, %get3A_1581, %get3A_1582] {strides = array<i32>} : memref<18x16x128xf32, #tpu.memory_space<vmem>>, vector<1x1x16xf32>,
        %get3A_1584 = vector.shape_cast %get3A_1583 : vector<1x1x16xf32> to vector<16xf32>
        %mul3A_1585 = arith.mulf %get3A_1584, %gather3A_1555 : vector<16xf32>
        %add3A_1586 = arith.addf %mul3A_1578, %mul3A_1585 : vector<16xf32>
        %get3A_1587 = arith.constant 2 : i32
        %get3A_1588 = arith.index_cast %get3A_1587 : i32 to index
        %get3A_1589 = arith.index_cast %add3A_1350 : i32 to index
        %get3A_1590 = arith.constant 64 : index
        %get3A_1591 = tpu.vector_load %arg16[%get3A_1588, %get3A_1589, %get3A_1590] {strides = array<i32>} : memref<18x16x128xf32, #tpu.memory_space<vmem>>, vector<1x1x16xf32>,
        %get3A_1592 = vector.shape_cast %get3A_1591 : vector<1x1x16xf32> to vector<16xf32>
        %mul3A_1593 = arith.mulf %get3A_1592, %gather3A_1563 : vector<16xf32>
        %add3A_1594 = arith.addf %add3A_1586, %mul3A_1593 : vector<16xf32>
        %get3A_1595 = arith.constant 2 : i32
        %get3A_1596 = arith.index_cast %get3A_1595 : i32 to index
        %get3A_1597 = arith.index_cast %add3A_1350 : i32 to index
        %get3A_1598 = arith.constant 96 : index
        %get3A_1599 = tpu.vector_load %arg16[%get3A_1596, %get3A_1597, %get3A_1598] {strides = array<i32>} : memref<18x16x128xf32, #tpu.memory_space<vmem>>, vector<1x1x16xf32>,
        %get3A_1600 = vector.shape_cast %get3A_1599 : vector<1x1x16xf32> to vector<16xf32>
        %mul3A_1601 = arith.mulf %get3A_1600, %gather3A_1571 : vector<16xf32>
        %add3A_1602 = arith.addf %add3A_1594, %mul3A_1601 : vector<16xf32>
        %get3A_1603 = arith.constant 2 : i32
        %get3A_1604 = arith.index_cast %get3A_1603 : i32 to index
        %get3A_1605 = arith.index_cast %add3A_1350 : i32 to index
        %get3A_1606 = arith.constant 16 : index
        %get3A_1607 = tpu.vector_load %arg16[%get3A_1604, %get3A_1605, %get3A_1606] {strides = array<i32>} : memref<18x16x128xf32, #tpu.memory_space<vmem>>, vector<1x1x16xf32>,
        %get3A_1608 = vector.shape_cast %get3A_1607 : vector<1x1x16xf32> to vector<16xf32>
        %mul3A_1609 = arith.mulf %get3A_1608, %gather3A_1547 : vector<16xf32>
        %get3A_1610 = arith.constant 2 : i32
        %get3A_1611 = arith.index_cast %get3A_1610 : i32 to index
        %get3A_1612 = arith.index_cast %add3A_1350 : i32 to index
        %get3A_1613 = arith.constant 48 : index
        %get3A_1614 = tpu.vector_load %arg16[%get3A_1611, %get3A_1612, %get3A_1613] {strides = array<i32>} : memref<18x16x128xf32, #tpu.memory_space<vmem>>, vector<1x1x16xf32>,
        %get3A_1615 = vector.shape_cast %get3A_1614 : vector<1x1x16xf32> to vector<16xf32>
        %mul3A_1616 = arith.mulf %get3A_1615, %gather3A_1555 : vector<16xf32>
        %add3A_1617 = arith.addf %mul3A_1609, %mul3A_1616 : vector<16xf32>
        %get3A_1618 = arith.constant 2 : i32
        %get3A_1619 = arith.index_cast %get3A_1618 : i32 to index
        %get3A_1620 = arith.index_cast %add3A_1350 : i32 to index
        %get3A_1621 = arith.constant 80 : index
        %get3A_1622 = tpu.vector_load %arg16[%get3A_1619, %get3A_1620, %get3A_1621] {strides = array<i32>} : memref<18x16x128xf32, #tpu.memory_space<vmem>>, vector<1x1x16xf32>,
        %get3A_1623 = vector.shape_cast %get3A_1622 : vector<1x1x16xf32> to vector<16xf32>
        %mul3A_1624 = arith.mulf %get3A_1623, %gather3A_1563 : vector<16xf32>
        %add3A_1625 = arith.addf %add3A_1617, %mul3A_1624 : vector<16xf32>
        %get3A_1626 = arith.constant 2 : i32
        %get3A_1627 = arith.index_cast %get3A_1626 : i32 to index
        %get3A_1628 = arith.index_cast %add3A_1350 : i32 to index
        %get3A_1629 = arith.constant 112 : index
        %get3A_1630 = tpu.vector_load %arg16[%get3A_1627, %get3A_1628, %get3A_1629] {strides = array<i32>} : memref<18x16x128xf32, #tpu.memory_space<vmem>>, vector<1x1x16xf32>,
        %get3A_1631 = vector.shape_cast %get3A_1630 : vector<1x1x16xf32> to vector<16xf32>
        %mul3A_1632 = arith.mulf %get3A_1631, %gather3A_1571 : vector<16xf32>
        %add3A_1633 = arith.addf %add3A_1625, %mul3A_1632 : vector<16xf32>
        %mul3A_1634 = arith.mulf %mul3A_1538, %add3A_1602 : vector<16xf32>
        %mul3A_1635 = arith.mulf %mul3A_1539, %add3A_1633 : vector<16xf32>
        %get3A_1636 = arith.constant 12 : i32
        %get3A_1637 = arith.index_cast %get3A_1636 : i32 to index
        %get3A_1638 = arith.constant 0 : index
        %get3A_1639 = tpu.vector_load %arg15[%get3A_1637, %get3A_1638] {strides = array<i32>} : memref<72x16xf32, #tpu.memory_space<vmem>>, vector<1x16xf32>,
        %get3A_1640 = vector.shape_cast %get3A_1639 : vector<1x16xf32> to vector<16xf32>
        %broadcast_in_dim3A_1641 = vector.shape_cast %broadcast_in_dim3A : vector<16xi32> to vector<16x1xi32>
        %gather3A_1642 = vector.shape_cast %broadcast_in_dim3A_1641 : vector<16x1xi32> to vector<16xi32>
        %gather3A_1643 = tpu.dynamic_gather %get3A_1640[%gather3A_1642] in [0] : vector<16xf32>, vector<16xi32> -> vector<16xf32>
        %get3A_1644 = arith.constant 13 : i32
        %get3A_1645 = arith.index_cast %get3A_1644 : i32 to index
        %get3A_1646 = arith.constant 0 : index
        %get3A_1647 = tpu.vector_load %arg15[%get3A_1645, %get3A_1646] {strides = array<i32>} : memref<72x16xf32, #tpu.memory_space<vmem>>, vector<1x16xf32>,
        %get3A_1648 = vector.shape_cast %get3A_1647 : vector<1x16xf32> to vector<16xf32>
        %broadcast_in_dim3A_1649 = vector.shape_cast %broadcast_in_dim3A : vector<16xi32> to vector<16x1xi32>
        %gather3A_1650 = vector.shape_cast %broadcast_in_dim3A_1649 : vector<16x1xi32> to vector<16xi32>
        %gather3A_1651 = tpu.dynamic_gather %get3A_1648[%gather3A_1650] in [0] : vector<16xf32>, vector<16xi32> -> vector<16xf32>
        %get3A_1652 = arith.constant 14 : i32
        %get3A_1653 = arith.index_cast %get3A_1652 : i32 to index
        %get3A_1654 = arith.constant 0 : index
        %get3A_1655 = tpu.vector_load %arg15[%get3A_1653, %get3A_1654] {strides = array<i32>} : memref<72x16xf32, #tpu.memory_space<vmem>>, vector<1x16xf32>,
        %get3A_1656 = vector.shape_cast %get3A_1655 : vector<1x16xf32> to vector<16xf32>
        %broadcast_in_dim3A_1657 = vector.shape_cast %broadcast_in_dim3A : vector<16xi32> to vector<16x1xi32>
        %gather3A_1658 = vector.shape_cast %broadcast_in_dim3A_1657 : vector<16x1xi32> to vector<16xi32>
        %gather3A_1659 = tpu.dynamic_gather %get3A_1656[%gather3A_1658] in [0] : vector<16xf32>, vector<16xi32> -> vector<16xf32>
        %get3A_1660 = arith.constant 15 : i32
        %get3A_1661 = arith.index_cast %get3A_1660 : i32 to index
        %get3A_1662 = arith.constant 0 : index
        %get3A_1663 = tpu.vector_load %arg15[%get3A_1661, %get3A_1662] {strides = array<i32>} : memref<72x16xf32, #tpu.memory_space<vmem>>, vector<1x16xf32>,
        %get3A_1664 = vector.shape_cast %get3A_1663 : vector<1x16xf32> to vector<16xf32>
        %broadcast_in_dim3A_1665 = vector.shape_cast %broadcast_in_dim3A : vector<16xi32> to vector<16x1xi32>
        %gather3A_1666 = vector.shape_cast %broadcast_in_dim3A_1665 : vector<16x1xi32> to vector<16xi32>
        %gather3A_1667 = tpu.dynamic_gather %get3A_1664[%gather3A_1666] in [0] : vector<16xf32>, vector<16xi32> -> vector<16xf32>
        %get3A_1668 = arith.constant 3 : i32
        %get3A_1669 = arith.index_cast %get3A_1668 : i32 to index
        %get3A_1670 = arith.index_cast %add3A_1350 : i32 to index
        %get3A_1671 = arith.constant 0 : index
        %get3A_1672 = tpu.vector_load %arg16[%get3A_1669, %get3A_1670, %get3A_1671] {strides = array<i32>} : memref<18x16x128xf32, #tpu.memory_space<vmem>>, vector<1x1x16xf32>,
        %get3A_1673 = vector.shape_cast %get3A_1672 : vector<1x1x16xf32> to vector<16xf32>
        %mul3A_1674 = arith.mulf %get3A_1673, %gather3A_1643 : vector<16xf32>
        %get3A_1675 = arith.constant 3 : i32
        %get3A_1676 = arith.index_cast %get3A_1675 : i32 to index
        %get3A_1677 = arith.index_cast %add3A_1350 : i32 to index
        %get3A_1678 = arith.constant 32 : index
        %get3A_1679 = tpu.vector_load %arg16[%get3A_1676, %get3A_1677, %get3A_1678] {strides = array<i32>} : memref<18x16x128xf32, #tpu.memory_space<vmem>>, vector<1x1x16xf32>,
        %get3A_1680 = vector.shape_cast %get3A_1679 : vector<1x1x16xf32> to vector<16xf32>
        %mul3A_1681 = arith.mulf %get3A_1680, %gather3A_1651 : vector<16xf32>
        %add3A_1682 = arith.addf %mul3A_1674, %mul3A_1681 : vector<16xf32>
        %get3A_1683 = arith.constant 3 : i32
        %get3A_1684 = arith.index_cast %get3A_1683 : i32 to index
        %get3A_1685 = arith.index_cast %add3A_1350 : i32 to index
        %get3A_1686 = arith.constant 64 : index
        %get3A_1687 = tpu.vector_load %arg16[%get3A_1684, %get3A_1685, %get3A_1686] {strides = array<i32>} : memref<18x16x128xf32, #tpu.memory_space<vmem>>, vector<1x1x16xf32>,
        %get3A_1688 = vector.shape_cast %get3A_1687 : vector<1x1x16xf32> to vector<16xf32>
        %mul3A_1689 = arith.mulf %get3A_1688, %gather3A_1659 : vector<16xf32>
        %add3A_1690 = arith.addf %add3A_1682, %mul3A_1689 : vector<16xf32>
        %get3A_1691 = arith.constant 3 : i32
        %get3A_1692 = arith.index_cast %get3A_1691 : i32 to index
        %get3A_1693 = arith.index_cast %add3A_1350 : i32 to index
        %get3A_1694 = arith.constant 96 : index
        %get3A_1695 = tpu.vector_load %arg16[%get3A_1692, %get3A_1693, %get3A_1694] {strides = array<i32>} : memref<18x16x128xf32, #tpu.memory_space<vmem>>, vector<1x1x16xf32>,
        %get3A_1696 = vector.shape_cast %get3A_1695 : vector<1x1x16xf32> to vector<16xf32>
        %mul3A_1697 = arith.mulf %get3A_1696, %gather3A_1667 : vector<16xf32>
        %add3A_1698 = arith.addf %add3A_1690, %mul3A_1697 : vector<16xf32>
        %get3A_1699 = arith.constant 3 : i32
        %get3A_1700 = arith.index_cast %get3A_1699 : i32 to index
        %get3A_1701 = arith.index_cast %add3A_1350 : i32 to index
        %get3A_1702 = arith.constant 16 : index
        %get3A_1703 = tpu.vector_load %arg16[%get3A_1700, %get3A_1701, %get3A_1702] {strides = array<i32>} : memref<18x16x128xf32, #tpu.memory_space<vmem>>, vector<1x1x16xf32>,
        %get3A_1704 = vector.shape_cast %get3A_1703 : vector<1x1x16xf32> to vector<16xf32>
        %mul3A_1705 = arith.mulf %get3A_1704, %gather3A_1643 : vector<16xf32>
        %get3A_1706 = arith.constant 3 : i32
        %get3A_1707 = arith.index_cast %get3A_1706 : i32 to index
        %get3A_1708 = arith.index_cast %add3A_1350 : i32 to index
        %get3A_1709 = arith.constant 48 : index
        %get3A_1710 = tpu.vector_load %arg16[%get3A_1707, %get3A_1708, %get3A_1709] {strides = array<i32>} : memref<18x16x128xf32, #tpu.memory_space<vmem>>, vector<1x1x16xf32>,
        %get3A_1711 = vector.shape_cast %get3A_1710 : vector<1x1x16xf32> to vector<16xf32>
        %mul3A_1712 = arith.mulf %get3A_1711, %gather3A_1651 : vector<16xf32>
        %add3A_1713 = arith.addf %mul3A_1705, %mul3A_1712 : vector<16xf32>
        %get3A_1714 = arith.constant 3 : i32
        %get3A_1715 = arith.index_cast %get3A_1714 : i32 to index
        %get3A_1716 = arith.index_cast %add3A_1350 : i32 to index
        %get3A_1717 = arith.constant 80 : index
        %get3A_1718 = tpu.vector_load %arg16[%get3A_1715, %get3A_1716, %get3A_1717] {strides = array<i32>} : memref<18x16x128xf32, #tpu.memory_space<vmem>>, vector<1x1x16xf32>,
        %get3A_1719 = vector.shape_cast %get3A_1718 : vector<1x1x16xf32> to vector<16xf32>
        %mul3A_1720 = arith.mulf %get3A_1719, %gather3A_1659 : vector<16xf32>
        %add3A_1721 = arith.addf %add3A_1713, %mul3A_1720 : vector<16xf32>
        %get3A_1722 = arith.constant 3 : i32
        %get3A_1723 = arith.index_cast %get3A_1722 : i32 to index
        %get3A_1724 = arith.index_cast %add3A_1350 : i32 to index
        %get3A_1725 = arith.constant 112 : index
        %get3A_1726 = tpu.vector_load %arg16[%get3A_1723, %get3A_1724, %get3A_1725] {strides = array<i32>} : memref<18x16x128xf32, #tpu.memory_space<vmem>>, vector<1x1x16xf32>,
        %get3A_1727 = vector.shape_cast %get3A_1726 : vector<1x1x16xf32> to vector<16xf32>
        %mul3A_1728 = arith.mulf %get3A_1727, %gather3A_1667 : vector<16xf32>
        %add3A_1729 = arith.addf %add3A_1721, %mul3A_1728 : vector<16xf32>
        %mul3A_1730 = arith.mulf %mul3A_1634, %add3A_1698 : vector<16xf32>
        %mul3A_1731 = arith.mulf %mul3A_1635, %add3A_1729 : vector<16xf32>
        %get3A_1732 = arith.constant 16 : i32
        %get3A_1733 = arith.index_cast %get3A_1732 : i32 to index
        %get3A_1734 = arith.constant 0 : index
        %get3A_1735 = tpu.vector_load %arg15[%get3A_1733, %get3A_1734] {strides = array<i32>} : memref<72x16xf32, #tpu.memory_space<vmem>>, vector<1x16xf32>,
        %get3A_1736 = vector.shape_cast %get3A_1735 : vector<1x16xf32> to vector<16xf32>
        %broadcast_in_dim3A_1737 = vector.shape_cast %broadcast_in_dim3A : vector<16xi32> to vector<16x1xi32>
        %gather3A_1738 = vector.shape_cast %broadcast_in_dim3A_1737 : vector<16x1xi32> to vector<16xi32>
        %gather3A_1739 = tpu.dynamic_gather %get3A_1736[%gather3A_1738] in [0] : vector<16xf32>, vector<16xi32> -> vector<16xf32>
        %get3A_1740 = arith.constant 17 : i32
        %get3A_1741 = arith.index_cast %get3A_1740 : i32 to index
        %get3A_1742 = arith.constant 0 : index
        %get3A_1743 = tpu.vector_load %arg15[%get3A_1741, %get3A_1742] {strides = array<i32>} : memref<72x16xf32, #tpu.memory_space<vmem>>, vector<1x16xf32>,
        %get3A_1744 = vector.shape_cast %get3A_1743 : vector<1x16xf32> to vector<16xf32>
        %broadcast_in_dim3A_1745 = vector.shape_cast %broadcast_in_dim3A : vector<16xi32> to vector<16x1xi32>
        %gather3A_1746 = vector.shape_cast %broadcast_in_dim3A_1745 : vector<16x1xi32> to vector<16xi32>
        %gather3A_1747 = tpu.dynamic_gather %get3A_1744[%gather3A_1746] in [0] : vector<16xf32>, vector<16xi32> -> vector<16xf32>
        %get3A_1748 = arith.constant 18 : i32
        %get3A_1749 = arith.index_cast %get3A_1748 : i32 to index
        %get3A_1750 = arith.constant 0 : index
        %get3A_1751 = tpu.vector_load %arg15[%get3A_1749, %get3A_1750] {strides = array<i32>} : memref<72x16xf32, #tpu.memory_space<vmem>>, vector<1x16xf32>,
        %get3A_1752 = vector.shape_cast %get3A_1751 : vector<1x16xf32> to vector<16xf32>
        %broadcast_in_dim3A_1753 = vector.shape_cast %broadcast_in_dim3A : vector<16xi32> to vector<16x1xi32>
        %gather3A_1754 = vector.shape_cast %broadcast_in_dim3A_1753 : vector<16x1xi32> to vector<16xi32>
        %gather3A_1755 = tpu.dynamic_gather %get3A_1752[%gather3A_1754] in [0] : vector<16xf32>, vector<16xi32> -> vector<16xf32>
        %get3A_1756 = arith.constant 19 : i32
        %get3A_1757 = arith.index_cast %get3A_1756 : i32 to index
        %get3A_1758 = arith.constant 0 : index
        %get3A_1759 = tpu.vector_load %arg15[%get3A_1757, %get3A_1758] {strides = array<i32>} : memref<72x16xf32, #tpu.memory_space<vmem>>, vector<1x16xf32>,
        %get3A_1760 = vector.shape_cast %get3A_1759 : vector<1x16xf32> to vector<16xf32>
        %broadcast_in_dim3A_1761 = vector.shape_cast %broadcast_in_dim3A : vector<16xi32> to vector<16x1xi32>
        %gather3A_1762 = vector.shape_cast %broadcast_in_dim3A_1761 : vector<16x1xi32> to vector<16xi32>
        %gather3A_1763 = tpu.dynamic_gather %get3A_1760[%gather3A_1762] in [0] : vector<16xf32>, vector<16xi32> -> vector<16xf32>
        %get3A_1764 = arith.constant 4 : i32
        %get3A_1765 = arith.index_cast %get3A_1764 : i32 to index
        %get3A_1766 = arith.index_cast %add3A_1350 : i32 to index
        %get3A_1767 = arith.constant 0 : index
        %get3A_1768 = tpu.vector_load %arg16[%get3A_1765, %get3A_1766, %get3A_1767] {strides = array<i32>} : memref<18x16x128xf32, #tpu.memory_space<vmem>>, vector<1x1x16xf32>,
        %get3A_1769 = vector.shape_cast %get3A_1768 : vector<1x1x16xf32> to vector<16xf32>
        %mul3A_1770 = arith.mulf %get3A_1769, %gather3A_1739 : vector<16xf32>
        %get3A_1771 = arith.constant 4 : i32
        %get3A_1772 = arith.index_cast %get3A_1771 : i32 to index
        %get3A_1773 = arith.index_cast %add3A_1350 : i32 to index
        %get3A_1774 = arith.constant 32 : index
        %get3A_1775 = tpu.vector_load %arg16[%get3A_1772, %get3A_1773, %get3A_1774] {strides = array<i32>} : memref<18x16x128xf32, #tpu.memory_space<vmem>>, vector<1x1x16xf32>,
        %get3A_1776 = vector.shape_cast %get3A_1775 : vector<1x1x16xf32> to vector<16xf32>
        %mul3A_1777 = arith.mulf %get3A_1776, %gather3A_1747 : vector<16xf32>
        %add3A_1778 = arith.addf %mul3A_1770, %mul3A_1777 : vector<16xf32>
        %get3A_1779 = arith.constant 4 : i32
        %get3A_1780 = arith.index_cast %get3A_1779 : i32 to index
        %get3A_1781 = arith.index_cast %add3A_1350 : i32 to index
        %get3A_1782 = arith.constant 64 : index
        %get3A_1783 = tpu.vector_load %arg16[%get3A_1780, %get3A_1781, %get3A_1782] {strides = array<i32>} : memref<18x16x128xf32, #tpu.memory_space<vmem>>, vector<1x1x16xf32>,
        %get3A_1784 = vector.shape_cast %get3A_1783 : vector<1x1x16xf32> to vector<16xf32>
        %mul3A_1785 = arith.mulf %get3A_1784, %gather3A_1755 : vector<16xf32>
        %add3A_1786 = arith.addf %add3A_1778, %mul3A_1785 : vector<16xf32>
        %get3A_1787 = arith.constant 4 : i32
        %get3A_1788 = arith.index_cast %get3A_1787 : i32 to index
        %get3A_1789 = arith.index_cast %add3A_1350 : i32 to index
        %get3A_1790 = arith.constant 96 : index
        %get3A_1791 = tpu.vector_load %arg16[%get3A_1788, %get3A_1789, %get3A_1790] {strides = array<i32>} : memref<18x16x128xf32, #tpu.memory_space<vmem>>, vector<1x1x16xf32>,
        %get3A_1792 = vector.shape_cast %get3A_1791 : vector<1x1x16xf32> to vector<16xf32>
        %mul3A_1793 = arith.mulf %get3A_1792, %gather3A_1763 : vector<16xf32>
        %add3A_1794 = arith.addf %add3A_1786, %mul3A_1793 : vector<16xf32>
        %get3A_1795 = arith.constant 4 : i32
        %get3A_1796 = arith.index_cast %get3A_1795 : i32 to index
        %get3A_1797 = arith.index_cast %add3A_1350 : i32 to index
        %get3A_1798 = arith.constant 16 : index
        %get3A_1799 = tpu.vector_load %arg16[%get3A_1796, %get3A_1797, %get3A_1798] {strides = array<i32>} : memref<18x16x128xf32, #tpu.memory_space<vmem>>, vector<1x1x16xf32>,
        %get3A_1800 = vector.shape_cast %get3A_1799 : vector<1x1x16xf32> to vector<16xf32>
        %mul3A_1801 = arith.mulf %get3A_1800, %gather3A_1739 : vector<16xf32>
        %get3A_1802 = arith.constant 4 : i32
        %get3A_1803 = arith.index_cast %get3A_1802 : i32 to index
        %get3A_1804 = arith.index_cast %add3A_1350 : i32 to index
        %get3A_1805 = arith.constant 48 : index
        %get3A_1806 = tpu.vector_load %arg16[%get3A_1803, %get3A_1804, %get3A_1805] {strides = array<i32>} : memref<18x16x128xf32, #tpu.memory_space<vmem>>, vector<1x1x16xf32>,
        %get3A_1807 = vector.shape_cast %get3A_1806 : vector<1x1x16xf32> to vector<16xf32>
        %mul3A_1808 = arith.mulf %get3A_1807, %gather3A_1747 : vector<16xf32>
        %add3A_1809 = arith.addf %mul3A_1801, %mul3A_1808 : vector<16xf32>
        %get3A_1810 = arith.constant 4 : i32
        %get3A_1811 = arith.index_cast %get3A_1810 : i32 to index
        %get3A_1812 = arith.index_cast %add3A_1350 : i32 to index
        %get3A_1813 = arith.constant 80 : index
        %get3A_1814 = tpu.vector_load %arg16[%get3A_1811, %get3A_1812, %get3A_1813] {strides = array<i32>} : memref<18x16x128xf32, #tpu.memory_space<vmem>>, vector<1x1x16xf32>,
        %get3A_1815 = vector.shape_cast %get3A_1814 : vector<1x1x16xf32> to vector<16xf32>
        %mul3A_1816 = arith.mulf %get3A_1815, %gather3A_1755 : vector<16xf32>
        %add3A_1817 = arith.addf %add3A_1809, %mul3A_1816 : vector<16xf32>
        %get3A_1818 = arith.constant 4 : i32
        %get3A_1819 = arith.index_cast %get3A_1818 : i32 to index
        %get3A_1820 = arith.index_cast %add3A_1350 : i32 to index
        %get3A_1821 = arith.constant 112 : index
        %get3A_1822 = tpu.vector_load %arg16[%get3A_1819, %get3A_1820, %get3A_1821] {strides = array<i32>} : memref<18x16x128xf32, #tpu.memory_space<vmem>>, vector<1x1x16xf32>,
        %get3A_1823 = vector.shape_cast %get3A_1822 : vector<1x1x16xf32> to vector<16xf32>
        %mul3A_1824 = arith.mulf %get3A_1823, %gather3A_1763 : vector<16xf32>
        %add3A_1825 = arith.addf %add3A_1817, %mul3A_1824 : vector<16xf32>
        %mul3A_1826 = arith.mulf %mul3A_1730, %add3A_1794 : vector<16xf32>
        %mul3A_1827 = arith.mulf %mul3A_1731, %add3A_1825 : vector<16xf32>
        %get3A_1828 = arith.constant 20 : i32
        %get3A_1829 = arith.index_cast %get3A_1828 : i32 to index
        %get3A_1830 = arith.constant 0 : index
        %get3A_1831 = tpu.vector_load %arg15[%get3A_1829, %get3A_1830] {strides = array<i32>} : memref<72x16xf32, #tpu.memory_space<vmem>>, vector<1x16xf32>,
        %get3A_1832 = vector.shape_cast %get3A_1831 : vector<1x16xf32> to vector<16xf32>
        %broadcast_in_dim3A_1833 = vector.shape_cast %broadcast_in_dim3A : vector<16xi32> to vector<16x1xi32>
        %gather3A_1834 = vector.shape_cast %broadcast_in_dim3A_1833 : vector<16x1xi32> to vector<16xi32>
        %gather3A_1835 = tpu.dynamic_gather %get3A_1832[%gather3A_1834] in [0] : vector<16xf32>, vector<16xi32> -> vector<16xf32>
        %get3A_1836 = arith.constant 21 : i32
        %get3A_1837 = arith.index_cast %get3A_1836 : i32 to index
        %get3A_1838 = arith.constant 0 : index
        %get3A_1839 = tpu.vector_load %arg15[%get3A_1837, %get3A_1838] {strides = array<i32>} : memref<72x16xf32, #tpu.memory_space<vmem>>, vector<1x16xf32>,
        %get3A_1840 = vector.shape_cast %get3A_1839 : vector<1x16xf32> to vector<16xf32>
        %broadcast_in_dim3A_1841 = vector.shape_cast %broadcast_in_dim3A : vector<16xi32> to vector<16x1xi32>
        %gather3A_1842 = vector.shape_cast %broadcast_in_dim3A_1841 : vector<16x1xi32> to vector<16xi32>
        %gather3A_1843 = tpu.dynamic_gather %get3A_1840[%gather3A_1842] in [0] : vector<16xf32>, vector<16xi32> -> vector<16xf32>
        %get3A_1844 = arith.constant 22 : i32
        %get3A_1845 = arith.index_cast %get3A_1844 : i32 to index
        %get3A_1846 = arith.constant 0 : index
        %get3A_1847 = tpu.vector_load %arg15[%get3A_1845, %get3A_1846] {strides = array<i32>} : memref<72x16xf32, #tpu.memory_space<vmem>>, vector<1x16xf32>,
        %get3A_1848 = vector.shape_cast %get3A_1847 : vector<1x16xf32> to vector<16xf32>
        %broadcast_in_dim3A_1849 = vector.shape_cast %broadcast_in_dim3A : vector<16xi32> to vector<16x1xi32>
        %gather3A_1850 = vector.shape_cast %broadcast_in_dim3A_1849 : vector<16x1xi32> to vector<16xi32>
        %gather3A_1851 = tpu.dynamic_gather %get3A_1848[%gather3A_1850] in [0] : vector<16xf32>, vector<16xi32> -> vector<16xf32>
        %get3A_1852 = arith.constant 23 : i32
        %get3A_1853 = arith.index_cast %get3A_1852 : i32 to index
        %get3A_1854 = arith.constant 0 : index
        %get3A_1855 = tpu.vector_load %arg15[%get3A_1853, %get3A_1854] {strides = array<i32>} : memref<72x16xf32, #tpu.memory_space<vmem>>, vector<1x16xf32>,
        %get3A_1856 = vector.shape_cast %get3A_1855 : vector<1x16xf32> to vector<16xf32>
        %broadcast_in_dim3A_1857 = vector.shape_cast %broadcast_in_dim3A : vector<16xi32> to vector<16x1xi32>
        %gather3A_1858 = vector.shape_cast %broadcast_in_dim3A_1857 : vector<16x1xi32> to vector<16xi32>
        %gather3A_1859 = tpu.dynamic_gather %get3A_1856[%gather3A_1858] in [0] : vector<16xf32>, vector<16xi32> -> vector<16xf32>
        %get3A_1860 = arith.constant 5 : i32
        %get3A_1861 = arith.index_cast %get3A_1860 : i32 to index
        %get3A_1862 = arith.index_cast %add3A_1350 : i32 to index
        %get3A_1863 = arith.constant 0 : index
        %get3A_1864 = tpu.vector_load %arg16[%get3A_1861, %get3A_1862, %get3A_1863] {strides = array<i32>} : memref<18x16x128xf32, #tpu.memory_space<vmem>>, vector<1x1x16xf32>,
        %get3A_1865 = vector.shape_cast %get3A_1864 : vector<1x1x16xf32> to vector<16xf32>
        %mul3A_1866 = arith.mulf %get3A_1865, %gather3A_1835 : vector<16xf32>
        %get3A_1867 = arith.constant 5 : i32
        %get3A_1868 = arith.index_cast %get3A_1867 : i32 to index
        %get3A_1869 = arith.index_cast %add3A_1350 : i32 to index
        %get3A_1870 = arith.constant 32 : index
        %get3A_1871 = tpu.vector_load %arg16[%get3A_1868, %get3A_1869, %get3A_1870] {strides = array<i32>} : memref<18x16x128xf32, #tpu.memory_space<vmem>>, vector<1x1x16xf32>,
        %get3A_1872 = vector.shape_cast %get3A_1871 : vector<1x1x16xf32> to vector<16xf32>
        %mul3A_1873 = arith.mulf %get3A_1872, %gather3A_1843 : vector<16xf32>
        %add3A_1874 = arith.addf %mul3A_1866, %mul3A_1873 : vector<16xf32>
        %get3A_1875 = arith.constant 5 : i32
        %get3A_1876 = arith.index_cast %get3A_1875 : i32 to index
        %get3A_1877 = arith.index_cast %add3A_1350 : i32 to index
        %get3A_1878 = arith.constant 64 : index
        %get3A_1879 = tpu.vector_load %arg16[%get3A_1876, %get3A_1877, %get3A_1878] {strides = array<i32>} : memref<18x16x128xf32, #tpu.memory_space<vmem>>, vector<1x1x16xf32>,
        %get3A_1880 = vector.shape_cast %get3A_1879 : vector<1x1x16xf32> to vector<16xf32>
        %mul3A_1881 = arith.mulf %get3A_1880, %gather3A_1851 : vector<16xf32>
        %add3A_1882 = arith.addf %add3A_1874, %mul3A_1881 : vector<16xf32>
        %get3A_1883 = arith.constant 5 : i32
        %get3A_1884 = arith.index_cast %get3A_1883 : i32 to index
        %get3A_1885 = arith.index_cast %add3A_1350 : i32 to index
        %get3A_1886 = arith.constant 96 : index
        %get3A_1887 = tpu.vector_load %arg16[%get3A_1884, %get3A_1885, %get3A_1886] {strides = array<i32>} : memref<18x16x128xf32, #tpu.memory_space<vmem>>, vector<1x1x16xf32>,
        %get3A_1888 = vector.shape_cast %get3A_1887 : vector<1x1x16xf32> to vector<16xf32>
        %mul3A_1889 = arith.mulf %get3A_1888, %gather3A_1859 : vector<16xf32>
        %add3A_1890 = arith.addf %add3A_1882, %mul3A_1889 : vector<16xf32>
        %get3A_1891 = arith.constant 5 : i32
        %get3A_1892 = arith.index_cast %get3A_1891 : i32 to index
        %get3A_1893 = arith.index_cast %add3A_1350 : i32 to index
        %get3A_1894 = arith.constant 16 : index
        %get3A_1895 = tpu.vector_load %arg16[%get3A_1892, %get3A_1893, %get3A_1894] {strides = array<i32>} : memref<18x16x128xf32, #tpu.memory_space<vmem>>, vector<1x1x16xf32>,
        %get3A_1896 = vector.shape_cast %get3A_1895 : vector<1x1x16xf32> to vector<16xf32>
        %mul3A_1897 = arith.mulf %get3A_1896, %gather3A_1835 : vector<16xf32>
        %get3A_1898 = arith.constant 5 : i32
        %get3A_1899 = arith.index_cast %get3A_1898 : i32 to index
        %get3A_1900 = arith.index_cast %add3A_1350 : i32 to index
        %get3A_1901 = arith.constant 48 : index
        %get3A_1902 = tpu.vector_load %arg16[%get3A_1899, %get3A_1900, %get3A_1901] {strides = array<i32>} : memref<18x16x128xf32, #tpu.memory_space<vmem>>, vector<1x1x16xf32>,
        %get3A_1903 = vector.shape_cast %get3A_1902 : vector<1x1x16xf32> to vector<16xf32>
        %mul3A_1904 = arith.mulf %get3A_1903, %gather3A_1843 : vector<16xf32>
        %add3A_1905 = arith.addf %mul3A_1897, %mul3A_1904 : vector<16xf32>
        %get3A_1906 = arith.constant 5 : i32
        %get3A_1907 = arith.index_cast %get3A_1906 : i32 to index
        %get3A_1908 = arith.index_cast %add3A_1350 : i32 to index
        %get3A_1909 = arith.constant 80 : index
        %get3A_1910 = tpu.vector_load %arg16[%get3A_1907, %get3A_1908, %get3A_1909] {strides = array<i32>} : memref<18x16x128xf32, #tpu.memory_space<vmem>>, vector<1x1x16xf32>,
        %get3A_1911 = vector.shape_cast %get3A_1910 : vector<1x1x16xf32> to vector<16xf32>
        %mul3A_1912 = arith.mulf %get3A_1911, %gather3A_1851 : vector<16xf32>
        %add3A_1913 = arith.addf %add3A_1905, %mul3A_1912 : vector<16xf32>
        %get3A_1914 = arith.constant 5 : i32
        %get3A_1915 = arith.index_cast %get3A_1914 : i32 to index
        %get3A_1916 = arith.index_cast %add3A_1350 : i32 to index
        %get3A_1917 = arith.constant 112 : index
        %get3A_1918 = tpu.vector_load %arg16[%get3A_1915, %get3A_1916, %get3A_1917] {strides = array<i32>} : memref<18x16x128xf32, #tpu.memory_space<vmem>>, vector<1x1x16xf32>,
        %get3A_1919 = vector.shape_cast %get3A_1918 : vector<1x1x16xf32> to vector<16xf32>
        %mul3A_1920 = arith.mulf %get3A_1919, %gather3A_1859 : vector<16xf32>
        %add3A_1921 = arith.addf %add3A_1913, %mul3A_1920 : vector<16xf32>
        %mul3A_1922 = arith.mulf %mul3A_1826, %add3A_1890 : vector<16xf32>
        %mul3A_1923 = arith.mulf %mul3A_1827, %add3A_1921 : vector<16xf32>
        %mul3A_1924 = arith.constant 96 : i32
        %mul3A_1925 = arith.muli %add3A_1350, %mul3A_1924 : i32
        %add3A_1926 = arith.constant 0 : i32
        %add3A_1927 = arith.addi %mul3A_1925, %add3A_1926 : i32
        %swap3A_1928 = arith.index_cast %add3A_1927 : i32 to index
        %swap3A_1929 = tpu.vector_load %arg17[%swap3A_1928] {strides = array<i32>} : memref<1536xf32, #tpu.memory_space<vmem>>, vector<16xf32>,
        %swap3A_1930 = vector.shape_cast %swap3A_1929 : vector<16xf32> to vector<16xf32>
        %swap3A_1931 = vector.shape_cast %mul3A_1922 : vector<16xf32> to vector<16xf32>
        tpu.vector_store %arg17[%swap3A_1928], %swap3A_1931 {strides = array<i32>} : memref<1536xf32, #tpu.memory_space<vmem>>, vector<16xf32>,
        %mul3A_1932 = arith.constant 96 : i32
        %mul3A_1933 = arith.muli %add3A_1350, %mul3A_1932 : i32
        %add3A_1934 = arith.constant 0 : i32
        %add3A_1935 = arith.addi %mul3A_1933, %add3A_1934 : i32
        %add3A_1936 = arith.constant 16 : i32
        %add3A_1937 = arith.addi %add3A_1935, %add3A_1936 : i32
        %swap3A_1938 = arith.index_cast %add3A_1937 : i32 to index
        %swap3A_1939 = tpu.vector_load %arg17[%swap3A_1938] {strides = array<i32>} : memref<1536xf32, #tpu.memory_space<vmem>>, vector<16xf32>,
        %swap3A_1940 = vector.shape_cast %swap3A_1939 : vector<16xf32> to vector<16xf32>
        %swap3A_1941 = vector.shape_cast %mul3A_1923 : vector<16xf32> to vector<16xf32>
        tpu.vector_store %arg17[%swap3A_1938], %swap3A_1941 {strides = array<i32>} : memref<1536xf32, #tpu.memory_space<vmem>>, vector<16xf32>,
        %get3A_1942 = arith.constant 24 : i32
        %get3A_1943 = arith.index_cast %get3A_1942 : i32 to index
        %get3A_1944 = arith.constant 0 : index
        %get3A_1945 = tpu.vector_load %arg15[%get3A_1943, %get3A_1944] {strides = array<i32>} : memref<72x16xf32, #tpu.memory_space<vmem>>, vector<1x16xf32>,
        %get3A_1946 = vector.shape_cast %get3A_1945 : vector<1x16xf32> to vector<16xf32>
        %broadcast_in_dim3A_1947 = vector.shape_cast %broadcast_in_dim3A : vector<16xi32> to vector<16x1xi32>
        %gather3A_1948 = vector.shape_cast %broadcast_in_dim3A_1947 : vector<16x1xi32> to vector<16xi32>
        %gather3A_1949 = tpu.dynamic_gather %get3A_1946[%gather3A_1948] in [0] : vector<16xf32>, vector<16xi32> -> vector<16xf32>
        %get3A_1950 = arith.constant 25 : i32
        %get3A_1951 = arith.index_cast %get3A_1950 : i32 to index
        %get3A_1952 = arith.constant 0 : index
        %get3A_1953 = tpu.vector_load %arg15[%get3A_1951, %get3A_1952] {strides = array<i32>} : memref<72x16xf32, #tpu.memory_space<vmem>>, vector<1x16xf32>,
        %get3A_1954 = vector.shape_cast %get3A_1953 : vector<1x16xf32> to vector<16xf32>
        %broadcast_in_dim3A_1955 = vector.shape_cast %broadcast_in_dim3A : vector<16xi32> to vector<16x1xi32>
        %gather3A_1956 = vector.shape_cast %broadcast_in_dim3A_1955 : vector<16x1xi32> to vector<16xi32>
        %gather3A_1957 = tpu.dynamic_gather %get3A_1954[%gather3A_1956] in [0] : vector<16xf32>, vector<16xi32> -> vector<16xf32>
        %get3A_1958 = arith.constant 26 : i32
        %get3A_1959 = arith.index_cast %get3A_1958 : i32 to index
        %get3A_1960 = arith.constant 0 : index
        %get3A_1961 = tpu.vector_load %arg15[%get3A_1959, %get3A_1960] {strides = array<i32>} : memref<72x16xf32, #tpu.memory_space<vmem>>, vector<1x16xf32>,
        %get3A_1962 = vector.shape_cast %get3A_1961 : vector<1x16xf32> to vector<16xf32>
        %broadcast_in_dim3A_1963 = vector.shape_cast %broadcast_in_dim3A : vector<16xi32> to vector<16x1xi32>
        %gather3A_1964 = vector.shape_cast %broadcast_in_dim3A_1963 : vector<16x1xi32> to vector<16xi32>
        %gather3A_1965 = tpu.dynamic_gather %get3A_1962[%gather3A_1964] in [0] : vector<16xf32>, vector<16xi32> -> vector<16xf32>
        %get3A_1966 = arith.constant 27 : i32
        %get3A_1967 = arith.index_cast %get3A_1966 : i32 to index
        %get3A_1968 = arith.constant 0 : index
        %get3A_1969 = tpu.vector_load %arg15[%get3A_1967, %get3A_1968] {strides = array<i32>} : memref<72x16xf32, #tpu.memory_space<vmem>>, vector<1x16xf32>,
        %get3A_1970 = vector.shape_cast %get3A_1969 : vector<1x16xf32> to vector<16xf32>
        %broadcast_in_dim3A_1971 = vector.shape_cast %broadcast_in_dim3A : vector<16xi32> to vector<16x1xi32>
        %gather3A_1972 = vector.shape_cast %broadcast_in_dim3A_1971 : vector<16x1xi32> to vector<16xi32>
        %gather3A_1973 = tpu.dynamic_gather %get3A_1970[%gather3A_1972] in [0] : vector<16xf32>, vector<16xi32> -> vector<16xf32>
        %get3A_1974 = arith.constant 6 : i32
        %get3A_1975 = arith.index_cast %get3A_1974 : i32 to index
        %get3A_1976 = arith.index_cast %add3A_1350 : i32 to index
        %get3A_1977 = arith.constant 0 : index
        %get3A_1978 = tpu.vector_load %arg16[%get3A_1975, %get3A_1976, %get3A_1977] {strides = array<i32>} : memref<18x16x128xf32, #tpu.memory_space<vmem>>, vector<1x1x16xf32>,
        %get3A_1979 = vector.shape_cast %get3A_1978 : vector<1x1x16xf32> to vector<16xf32>
        %mul3A_1980 = arith.mulf %get3A_1979, %gather3A_1949 : vector<16xf32>
        %get3A_1981 = arith.constant 6 : i32
        %get3A_1982 = arith.index_cast %get3A_1981 : i32 to index
        %get3A_1983 = arith.index_cast %add3A_1350 : i32 to index
        %get3A_1984 = arith.constant 32 : index
        %get3A_1985 = tpu.vector_load %arg16[%get3A_1982, %get3A_1983, %get3A_1984] {strides = array<i32>} : memref<18x16x128xf32, #tpu.memory_space<vmem>>, vector<1x1x16xf32>,
        %get3A_1986 = vector.shape_cast %get3A_1985 : vector<1x1x16xf32> to vector<16xf32>
        %mul3A_1987 = arith.mulf %get3A_1986, %gather3A_1957 : vector<16xf32>
        %add3A_1988 = arith.addf %mul3A_1980, %mul3A_1987 : vector<16xf32>
        %get3A_1989 = arith.constant 6 : i32
        %get3A_1990 = arith.index_cast %get3A_1989 : i32 to index
        %get3A_1991 = arith.index_cast %add3A_1350 : i32 to index
        %get3A_1992 = arith.constant 64 : index
        %get3A_1993 = tpu.vector_load %arg16[%get3A_1990, %get3A_1991, %get3A_1992] {strides = array<i32>} : memref<18x16x128xf32, #tpu.memory_space<vmem>>, vector<1x1x16xf32>,
        %get3A_1994 = vector.shape_cast %get3A_1993 : vector<1x1x16xf32> to vector<16xf32>
        %mul3A_1995 = arith.mulf %get3A_1994, %gather3A_1965 : vector<16xf32>
        %add3A_1996 = arith.addf %add3A_1988, %mul3A_1995 : vector<16xf32>
        %get3A_1997 = arith.constant 6 : i32
        %get3A_1998 = arith.index_cast %get3A_1997 : i32 to index
        %get3A_1999 = arith.index_cast %add3A_1350 : i32 to index
        %get3A_2000 = arith.constant 96 : index
        %get3A_2001 = tpu.vector_load %arg16[%get3A_1998, %get3A_1999, %get3A_2000] {strides = array<i32>} : memref<18x16x128xf32, #tpu.memory_space<vmem>>, vector<1x1x16xf32>,
        %get3A_2002 = vector.shape_cast %get3A_2001 : vector<1x1x16xf32> to vector<16xf32>
        %mul3A_2003 = arith.mulf %get3A_2002, %gather3A_1973 : vector<16xf32>
        %add3A_2004 = arith.addf %add3A_1996, %mul3A_2003 : vector<16xf32>
        %get3A_2005 = arith.constant 6 : i32
        %get3A_2006 = arith.index_cast %get3A_2005 : i32 to index
        %get3A_2007 = arith.index_cast %add3A_1350 : i32 to index
        %get3A_2008 = arith.constant 16 : index
        %get3A_2009 = tpu.vector_load %arg16[%get3A_2006, %get3A_2007, %get3A_2008] {strides = array<i32>} : memref<18x16x128xf32, #tpu.memory_space<vmem>>, vector<1x1x16xf32>,
        %get3A_2010 = vector.shape_cast %get3A_2009 : vector<1x1x16xf32> to vector<16xf32>
        %mul3A_2011 = arith.mulf %get3A_2010, %gather3A_1949 : vector<16xf32>
        %get3A_2012 = arith.constant 6 : i32
        %get3A_2013 = arith.index_cast %get3A_2012 : i32 to index
        %get3A_2014 = arith.index_cast %add3A_1350 : i32 to index
        %get3A_2015 = arith.constant 48 : index
        %get3A_2016 = tpu.vector_load %arg16[%get3A_2013, %get3A_2014, %get3A_2015] {strides = array<i32>} : memref<18x16x128xf32, #tpu.memory_space<vmem>>, vector<1x1x16xf32>,
        %get3A_2017 = vector.shape_cast %get3A_2016 : vector<1x1x16xf32> to vector<16xf32>
        %mul3A_2018 = arith.mulf %get3A_2017, %gather3A_1957 : vector<16xf32>
        %add3A_2019 = arith.addf %mul3A_2011, %mul3A_2018 : vector<16xf32>
        %get3A_2020 = arith.constant 6 : i32
        %get3A_2021 = arith.index_cast %get3A_2020 : i32 to index
        %get3A_2022 = arith.index_cast %add3A_1350 : i32 to index
        %get3A_2023 = arith.constant 80 : index
        %get3A_2024 = tpu.vector_load %arg16[%get3A_2021, %get3A_2022, %get3A_2023] {strides = array<i32>} : memref<18x16x128xf32, #tpu.memory_space<vmem>>, vector<1x1x16xf32>,
        %get3A_2025 = vector.shape_cast %get3A_2024 : vector<1x1x16xf32> to vector<16xf32>
        %mul3A_2026 = arith.mulf %get3A_2025, %gather3A_1965 : vector<16xf32>
        %add3A_2027 = arith.addf %add3A_2019, %mul3A_2026 : vector<16xf32>
        %get3A_2028 = arith.constant 6 : i32
        %get3A_2029 = arith.index_cast %get3A_2028 : i32 to index
        %get3A_2030 = arith.index_cast %add3A_1350 : i32 to index
        %get3A_2031 = arith.constant 112 : index
        %get3A_2032 = tpu.vector_load %arg16[%get3A_2029, %get3A_2030, %get3A_2031] {strides = array<i32>} : memref<18x16x128xf32, #tpu.memory_space<vmem>>, vector<1x1x16xf32>,
        %get3A_2033 = vector.shape_cast %get3A_2032 : vector<1x1x16xf32> to vector<16xf32>
        %mul3A_2034 = arith.mulf %get3A_2033, %gather3A_1973 : vector<16xf32>
        %add3A_2035 = arith.addf %add3A_2027, %mul3A_2034 : vector<16xf32>
        %get3A_2036 = arith.constant 28 : i32
        %get3A_2037 = arith.index_cast %get3A_2036 : i32 to index
        %get3A_2038 = arith.constant 0 : index
        %get3A_2039 = tpu.vector_load %arg15[%get3A_2037, %get3A_2038] {strides = array<i32>} : memref<72x16xf32, #tpu.memory_space<vmem>>, vector<1x16xf32>,
        %get3A_2040 = vector.shape_cast %get3A_2039 : vector<1x16xf32> to vector<16xf32>
        %broadcast_in_dim3A_2041 = vector.shape_cast %broadcast_in_dim3A : vector<16xi32> to vector<16x1xi32>
        %gather3A_2042 = vector.shape_cast %broadcast_in_dim3A_2041 : vector<16x1xi32> to vector<16xi32>
        %gather3A_2043 = tpu.dynamic_gather %get3A_2040[%gather3A_2042] in [0] : vector<16xf32>, vector<16xi32> -> vector<16xf32>
        %get3A_2044 = arith.constant 29 : i32
        %get3A_2045 = arith.index_cast %get3A_2044 : i32 to index
        %get3A_2046 = arith.constant 0 : index
        %get3A_2047 = tpu.vector_load %arg15[%get3A_2045, %get3A_2046] {strides = array<i32>} : memref<72x16xf32, #tpu.memory_space<vmem>>, vector<1x16xf32>,
        %get3A_2048 = vector.shape_cast %get3A_2047 : vector<1x16xf32> to vector<16xf32>
        %broadcast_in_dim3A_2049 = vector.shape_cast %broadcast_in_dim3A : vector<16xi32> to vector<16x1xi32>
        %gather3A_2050 = vector.shape_cast %broadcast_in_dim3A_2049 : vector<16x1xi32> to vector<16xi32>
        %gather3A_2051 = tpu.dynamic_gather %get3A_2048[%gather3A_2050] in [0] : vector<16xf32>, vector<16xi32> -> vector<16xf32>
        %get3A_2052 = arith.constant 30 : i32
        %get3A_2053 = arith.index_cast %get3A_2052 : i32 to index
        %get3A_2054 = arith.constant 0 : index
        %get3A_2055 = tpu.vector_load %arg15[%get3A_2053, %get3A_2054] {strides = array<i32>} : memref<72x16xf32, #tpu.memory_space<vmem>>, vector<1x16xf32>,
        %get3A_2056 = vector.shape_cast %get3A_2055 : vector<1x16xf32> to vector<16xf32>
        %broadcast_in_dim3A_2057 = vector.shape_cast %broadcast_in_dim3A : vector<16xi32> to vector<16x1xi32>
        %gather3A_2058 = vector.shape_cast %broadcast_in_dim3A_2057 : vector<16x1xi32> to vector<16xi32>
        %gather3A_2059 = tpu.dynamic_gather %get3A_2056[%gather3A_2058] in [0] : vector<16xf32>, vector<16xi32> -> vector<16xf32>
        %get3A_2060 = arith.constant 31 : i32
        %get3A_2061 = arith.index_cast %get3A_2060 : i32 to index
        %get3A_2062 = arith.constant 0 : index
        %get3A_2063 = tpu.vector_load %arg15[%get3A_2061, %get3A_2062] {strides = array<i32>} : memref<72x16xf32, #tpu.memory_space<vmem>>, vector<1x16xf32>,
        %get3A_2064 = vector.shape_cast %get3A_2063 : vector<1x16xf32> to vector<16xf32>
        %broadcast_in_dim3A_2065 = vector.shape_cast %broadcast_in_dim3A : vector<16xi32> to vector<16x1xi32>
        %gather3A_2066 = vector.shape_cast %broadcast_in_dim3A_2065 : vector<16x1xi32> to vector<16xi32>
        %gather3A_2067 = tpu.dynamic_gather %get3A_2064[%gather3A_2066] in [0] : vector<16xf32>, vector<16xi32> -> vector<16xf32>
        %get3A_2068 = arith.constant 7 : i32
        %get3A_2069 = arith.index_cast %get3A_2068 : i32 to index
        %get3A_2070 = arith.index_cast %add3A_1350 : i32 to index
        %get3A_2071 = arith.constant 0 : index
        %get3A_2072 = tpu.vector_load %arg16[%get3A_2069, %get3A_2070, %get3A_2071] {strides = array<i32>} : memref<18x16x128xf32, #tpu.memory_space<vmem>>, vector<1x1x16xf32>,
        %get3A_2073 = vector.shape_cast %get3A_2072 : vector<1x1x16xf32> to vector<16xf32>
        %mul3A_2074 = arith.mulf %get3A_2073, %gather3A_2043 : vector<16xf32>
        %get3A_2075 = arith.constant 7 : i32
        %get3A_2076 = arith.index_cast %get3A_2075 : i32 to index
        %get3A_2077 = arith.index_cast %add3A_1350 : i32 to index
        %get3A_2078 = arith.constant 32 : index
        %get3A_2079 = tpu.vector_load %arg16[%get3A_2076, %get3A_2077, %get3A_2078] {strides = array<i32>} : memref<18x16x128xf32, #tpu.memory_space<vmem>>, vector<1x1x16xf32>,
        %get3A_2080 = vector.shape_cast %get3A_2079 : vector<1x1x16xf32> to vector<16xf32>
        %mul3A_2081 = arith.mulf %get3A_2080, %gather3A_2051 : vector<16xf32>
        %add3A_2082 = arith.addf %mul3A_2074, %mul3A_2081 : vector<16xf32>
        %get3A_2083 = arith.constant 7 : i32
        %get3A_2084 = arith.index_cast %get3A_2083 : i32 to index
        %get3A_2085 = arith.index_cast %add3A_1350 : i32 to index
        %get3A_2086 = arith.constant 64 : index
        %get3A_2087 = tpu.vector_load %arg16[%get3A_2084, %get3A_2085, %get3A_2086] {strides = array<i32>} : memref<18x16x128xf32, #tpu.memory_space<vmem>>, vector<1x1x16xf32>,
        %get3A_2088 = vector.shape_cast %get3A_2087 : vector<1x1x16xf32> to vector<16xf32>
        %mul3A_2089 = arith.mulf %get3A_2088, %gather3A_2059 : vector<16xf32>
        %add3A_2090 = arith.addf %add3A_2082, %mul3A_2089 : vector<16xf32>
        %get3A_2091 = arith.constant 7 : i32
        %get3A_2092 = arith.index_cast %get3A_2091 : i32 to index
        %get3A_2093 = arith.index_cast %add3A_1350 : i32 to index
        %get3A_2094 = arith.constant 96 : index
        %get3A_2095 = tpu.vector_load %arg16[%get3A_2092, %get3A_2093, %get3A_2094] {strides = array<i32>} : memref<18x16x128xf32, #tpu.memory_space<vmem>>, vector<1x1x16xf32>,
        %get3A_2096 = vector.shape_cast %get3A_2095 : vector<1x1x16xf32> to vector<16xf32>
        %mul3A_2097 = arith.mulf %get3A_2096, %gather3A_2067 : vector<16xf32>
        %add3A_2098 = arith.addf %add3A_2090, %mul3A_2097 : vector<16xf32>
        %get3A_2099 = arith.constant 7 : i32
        %get3A_2100 = arith.index_cast %get3A_2099 : i32 to index
        %get3A_2101 = arith.index_cast %add3A_1350 : i32 to index
        %get3A_2102 = arith.constant 16 : index
        %get3A_2103 = tpu.vector_load %arg16[%get3A_2100, %get3A_2101, %get3A_2102] {strides = array<i32>} : memref<18x16x128xf32, #tpu.memory_space<vmem>>, vector<1x1x16xf32>,
        %get3A_2104 = vector.shape_cast %get3A_2103 : vector<1x1x16xf32> to vector<16xf32>
        %mul3A_2105 = arith.mulf %get3A_2104, %gather3A_2043 : vector<16xf32>
        %get3A_2106 = arith.constant 7 : i32
        %get3A_2107 = arith.index_cast %get3A_2106 : i32 to index
        %get3A_2108 = arith.index_cast %add3A_1350 : i32 to index
        %get3A_2109 = arith.constant 48 : index
        %get3A_2110 = tpu.vector_load %arg16[%get3A_2107, %get3A_2108, %get3A_2109] {strides = array<i32>} : memref<18x16x128xf32, #tpu.memory_space<vmem>>, vector<1x1x16xf32>,
        %get3A_2111 = vector.shape_cast %get3A_2110 : vector<1x1x16xf32> to vector<16xf32>
        %mul3A_2112 = arith.mulf %get3A_2111, %gather3A_2051 : vector<16xf32>
        %add3A_2113 = arith.addf %mul3A_2105, %mul3A_2112 : vector<16xf32>
        %get3A_2114 = arith.constant 7 : i32
        %get3A_2115 = arith.index_cast %get3A_2114 : i32 to index
        %get3A_2116 = arith.index_cast %add3A_1350 : i32 to index
        %get3A_2117 = arith.constant 80 : index
        %get3A_2118 = tpu.vector_load %arg16[%get3A_2115, %get3A_2116, %get3A_2117] {strides = array<i32>} : memref<18x16x128xf32, #tpu.memory_space<vmem>>, vector<1x1x16xf32>,
        %get3A_2119 = vector.shape_cast %get3A_2118 : vector<1x1x16xf32> to vector<16xf32>
        %mul3A_2120 = arith.mulf %get3A_2119, %gather3A_2059 : vector<16xf32>
        %add3A_2121 = arith.addf %add3A_2113, %mul3A_2120 : vector<16xf32>
        %get3A_2122 = arith.constant 7 : i32
        %get3A_2123 = arith.index_cast %get3A_2122 : i32 to index
        %get3A_2124 = arith.index_cast %add3A_1350 : i32 to index
        %get3A_2125 = arith.constant 112 : index
        %get3A_2126 = tpu.vector_load %arg16[%get3A_2123, %get3A_2124, %get3A_2125] {strides = array<i32>} : memref<18x16x128xf32, #tpu.memory_space<vmem>>, vector<1x1x16xf32>,
        %get3A_2127 = vector.shape_cast %get3A_2126 : vector<1x1x16xf32> to vector<16xf32>
        %mul3A_2128 = arith.mulf %get3A_2127, %gather3A_2067 : vector<16xf32>
        %add3A_2129 = arith.addf %add3A_2121, %mul3A_2128 : vector<16xf32>
        %mul3A_2130 = arith.mulf %add3A_2004, %add3A_2098 : vector<16xf32>
        %mul3A_2131 = arith.mulf %add3A_2035, %add3A_2129 : vector<16xf32>
        %get3A_2132 = arith.constant 32 : i32
        %get3A_2133 = arith.index_cast %get3A_2132 : i32 to index
        %get3A_2134 = arith.constant 0 : index
        %get3A_2135 = tpu.vector_load %arg15[%get3A_2133, %get3A_2134] {strides = array<i32>} : memref<72x16xf32, #tpu.memory_space<vmem>>, vector<1x16xf32>,
        %get3A_2136 = vector.shape_cast %get3A_2135 : vector<1x16xf32> to vector<16xf32>
        %broadcast_in_dim3A_2137 = vector.shape_cast %broadcast_in_dim3A : vector<16xi32> to vector<16x1xi32>
        %gather3A_2138 = vector.shape_cast %broadcast_in_dim3A_2137 : vector<16x1xi32> to vector<16xi32>
        %gather3A_2139 = tpu.dynamic_gather %get3A_2136[%gather3A_2138] in [0] : vector<16xf32>, vector<16xi32> -> vector<16xf32>
        %get3A_2140 = arith.constant 33 : i32
        %get3A_2141 = arith.index_cast %get3A_2140 : i32 to index
        %get3A_2142 = arith.constant 0 : index
        %get3A_2143 = tpu.vector_load %arg15[%get3A_2141, %get3A_2142] {strides = array<i32>} : memref<72x16xf32, #tpu.memory_space<vmem>>, vector<1x16xf32>,
        %get3A_2144 = vector.shape_cast %get3A_2143 : vector<1x16xf32> to vector<16xf32>
        %broadcast_in_dim3A_2145 = vector.shape_cast %broadcast_in_dim3A : vector<16xi32> to vector<16x1xi32>
        %gather3A_2146 = vector.shape_cast %broadcast_in_dim3A_2145 : vector<16x1xi32> to vector<16xi32>
        %gather3A_2147 = tpu.dynamic_gather %get3A_2144[%gather3A_2146] in [0] : vector<16xf32>, vector<16xi32> -> vector<16xf32>
        %get3A_2148 = arith.constant 34 : i32
        %get3A_2149 = arith.index_cast %get3A_2148 : i32 to index
        %get3A_2150 = arith.constant 0 : index
        %get3A_2151 = tpu.vector_load %arg15[%get3A_2149, %get3A_2150] {strides = array<i32>} : memref<72x16xf32, #tpu.memory_space<vmem>>, vector<1x16xf32>,
        %get3A_2152 = vector.shape_cast %get3A_2151 : vector<1x16xf32> to vector<16xf32>
        %broadcast_in_dim3A_2153 = vector.shape_cast %broadcast_in_dim3A : vector<16xi32> to vector<16x1xi32>
        %gather3A_2154 = vector.shape_cast %broadcast_in_dim3A_2153 : vector<16x1xi32> to vector<16xi32>
        %gather3A_2155 = tpu.dynamic_gather %get3A_2152[%gather3A_2154] in [0] : vector<16xf32>, vector<16xi32> -> vector<16xf32>
        %get3A_2156 = arith.constant 35 : i32
        %get3A_2157 = arith.index_cast %get3A_2156 : i32 to index
        %get3A_2158 = arith.constant 0 : index
        %get3A_2159 = tpu.vector_load %arg15[%get3A_2157, %get3A_2158] {strides = array<i32>} : memref<72x16xf32, #tpu.memory_space<vmem>>, vector<1x16xf32>,
        %get3A_2160 = vector.shape_cast %get3A_2159 : vector<1x16xf32> to vector<16xf32>
        %broadcast_in_dim3A_2161 = vector.shape_cast %broadcast_in_dim3A : vector<16xi32> to vector<16x1xi32>
        %gather3A_2162 = vector.shape_cast %broadcast_in_dim3A_2161 : vector<16x1xi32> to vector<16xi32>
        %gather3A_2163 = tpu.dynamic_gather %get3A_2160[%gather3A_2162] in [0] : vector<16xf32>, vector<16xi32> -> vector<16xf32>
        %get3A_2164 = arith.constant 8 : i32
        %get3A_2165 = arith.index_cast %get3A_2164 : i32 to index
        %get3A_2166 = arith.index_cast %add3A_1350 : i32 to index
        %get3A_2167 = arith.constant 0 : index
        %get3A_2168 = tpu.vector_load %arg16[%get3A_2165, %get3A_2166, %get3A_2167] {strides = array<i32>} : memref<18x16x128xf32, #tpu.memory_space<vmem>>, vector<1x1x16xf32>,
        %get3A_2169 = vector.shape_cast %get3A_2168 : vector<1x1x16xf32> to vector<16xf32>
        %mul3A_2170 = arith.mulf %get3A_2169, %gather3A_2139 : vector<16xf32>
        %get3A_2171 = arith.constant 8 : i32
        %get3A_2172 = arith.index_cast %get3A_2171 : i32 to index
        %get3A_2173 = arith.index_cast %add3A_1350 : i32 to index
        %get3A_2174 = arith.constant 32 : index
        %get3A_2175 = tpu.vector_load %arg16[%get3A_2172, %get3A_2173, %get3A_2174] {strides = array<i32>} : memref<18x16x128xf32, #tpu.memory_space<vmem>>, vector<1x1x16xf32>,
        %get3A_2176 = vector.shape_cast %get3A_2175 : vector<1x1x16xf32> to vector<16xf32>
        %mul3A_2177 = arith.mulf %get3A_2176, %gather3A_2147 : vector<16xf32>
        %add3A_2178 = arith.addf %mul3A_2170, %mul3A_2177 : vector<16xf32>
        %get3A_2179 = arith.constant 8 : i32
        %get3A_2180 = arith.index_cast %get3A_2179 : i32 to index
        %get3A_2181 = arith.index_cast %add3A_1350 : i32 to index
        %get3A_2182 = arith.constant 64 : index
        %get3A_2183 = tpu.vector_load %arg16[%get3A_2180, %get3A_2181, %get3A_2182] {strides = array<i32>} : memref<18x16x128xf32, #tpu.memory_space<vmem>>, vector<1x1x16xf32>,
        %get3A_2184 = vector.shape_cast %get3A_2183 : vector<1x1x16xf32> to vector<16xf32>
        %mul3A_2185 = arith.mulf %get3A_2184, %gather3A_2155 : vector<16xf32>
        %add3A_2186 = arith.addf %add3A_2178, %mul3A_2185 : vector<16xf32>
        %get3A_2187 = arith.constant 8 : i32
        %get3A_2188 = arith.index_cast %get3A_2187 : i32 to index
        %get3A_2189 = arith.index_cast %add3A_1350 : i32 to index
        %get3A_2190 = arith.constant 96 : index
        %get3A_2191 = tpu.vector_load %arg16[%get3A_2188, %get3A_2189, %get3A_2190] {strides = array<i32>} : memref<18x16x128xf32, #tpu.memory_space<vmem>>, vector<1x1x16xf32>,
        %get3A_2192 = vector.shape_cast %get3A_2191 : vector<1x1x16xf32> to vector<16xf32>
        %mul3A_2193 = arith.mulf %get3A_2192, %gather3A_2163 : vector<16xf32>
        %add3A_2194 = arith.addf %add3A_2186, %mul3A_2193 : vector<16xf32>
        %get3A_2195 = arith.constant 8 : i32
        %get3A_2196 = arith.index_cast %get3A_2195 : i32 to index
        %get3A_2197 = arith.index_cast %add3A_1350 : i32 to index
        %get3A_2198 = arith.constant 16 : index
        %get3A_2199 = tpu.vector_load %arg16[%get3A_2196, %get3A_2197, %get3A_2198] {strides = array<i32>} : memref<18x16x128xf32, #tpu.memory_space<vmem>>, vector<1x1x16xf32>,
        %get3A_2200 = vector.shape_cast %get3A_2199 : vector<1x1x16xf32> to vector<16xf32>
        %mul3A_2201 = arith.mulf %get3A_2200, %gather3A_2139 : vector<16xf32>
        %get3A_2202 = arith.constant 8 : i32
        %get3A_2203 = arith.index_cast %get3A_2202 : i32 to index
        %get3A_2204 = arith.index_cast %add3A_1350 : i32 to index
        %get3A_2205 = arith.constant 48 : index
        %get3A_2206 = tpu.vector_load %arg16[%get3A_2203, %get3A_2204, %get3A_2205] {strides = array<i32>} : memref<18x16x128xf32, #tpu.memory_space<vmem>>, vector<1x1x16xf32>,
        %get3A_2207 = vector.shape_cast %get3A_2206 : vector<1x1x16xf32> to vector<16xf32>
        %mul3A_2208 = arith.mulf %get3A_2207, %gather3A_2147 : vector<16xf32>
        %add3A_2209 = arith.addf %mul3A_2201, %mul3A_2208 : vector<16xf32>
        %get3A_2210 = arith.constant 8 : i32
        %get3A_2211 = arith.index_cast %get3A_2210 : i32 to index
        %get3A_2212 = arith.index_cast %add3A_1350 : i32 to index
        %get3A_2213 = arith.constant 80 : index
        %get3A_2214 = tpu.vector_load %arg16[%get3A_2211, %get3A_2212, %get3A_2213] {strides = array<i32>} : memref<18x16x128xf32, #tpu.memory_space<vmem>>, vector<1x1x16xf32>,
        %get3A_2215 = vector.shape_cast %get3A_2214 : vector<1x1x16xf32> to vector<16xf32>
        %mul3A_2216 = arith.mulf %get3A_2215, %gather3A_2155 : vector<16xf32>
        %add3A_2217 = arith.addf %add3A_2209, %mul3A_2216 : vector<16xf32>
        %get3A_2218 = arith.constant 8 : i32
        %get3A_2219 = arith.index_cast %get3A_2218 : i32 to index
        %get3A_2220 = arith.index_cast %add3A_1350 : i32 to index
        %get3A_2221 = arith.constant 112 : index
        %get3A_2222 = tpu.vector_load %arg16[%get3A_2219, %get3A_2220, %get3A_2221] {strides = array<i32>} : memref<18x16x128xf32, #tpu.memory_space<vmem>>, vector<1x1x16xf32>,
        %get3A_2223 = vector.shape_cast %get3A_2222 : vector<1x1x16xf32> to vector<16xf32>
        %mul3A_2224 = arith.mulf %get3A_2223, %gather3A_2163 : vector<16xf32>
        %add3A_2225 = arith.addf %add3A_2217, %mul3A_2224 : vector<16xf32>
        %mul3A_2226 = arith.mulf %mul3A_2130, %add3A_2194 : vector<16xf32>
        %mul3A_2227 = arith.mulf %mul3A_2131, %add3A_2225 : vector<16xf32>
        %get3A_2228 = arith.constant 36 : i32
        %get3A_2229 = arith.index_cast %get3A_2228 : i32 to index
        %get3A_2230 = arith.constant 0 : index
        %get3A_2231 = tpu.vector_load %arg15[%get3A_2229, %get3A_2230] {strides = array<i32>} : memref<72x16xf32, #tpu.memory_space<vmem>>, vector<1x16xf32>,
        %get3A_2232 = vector.shape_cast %get3A_2231 : vector<1x16xf32> to vector<16xf32>
        %broadcast_in_dim3A_2233 = vector.shape_cast %broadcast_in_dim3A : vector<16xi32> to vector<16x1xi32>
        %gather3A_2234 = vector.shape_cast %broadcast_in_dim3A_2233 : vector<16x1xi32> to vector<16xi32>
        %gather3A_2235 = tpu.dynamic_gather %get3A_2232[%gather3A_2234] in [0] : vector<16xf32>, vector<16xi32> -> vector<16xf32>
        %get3A_2236 = arith.constant 37 : i32
        %get3A_2237 = arith.index_cast %get3A_2236 : i32 to index
        %get3A_2238 = arith.constant 0 : index
        %get3A_2239 = tpu.vector_load %arg15[%get3A_2237, %get3A_2238] {strides = array<i32>} : memref<72x16xf32, #tpu.memory_space<vmem>>, vector<1x16xf32>,
        %get3A_2240 = vector.shape_cast %get3A_2239 : vector<1x16xf32> to vector<16xf32>
        %broadcast_in_dim3A_2241 = vector.shape_cast %broadcast_in_dim3A : vector<16xi32> to vector<16x1xi32>
        %gather3A_2242 = vector.shape_cast %broadcast_in_dim3A_2241 : vector<16x1xi32> to vector<16xi32>
        %gather3A_2243 = tpu.dynamic_gather %get3A_2240[%gather3A_2242] in [0] : vector<16xf32>, vector<16xi32> -> vector<16xf32>
        %get3A_2244 = arith.constant 38 : i32
        %get3A_2245 = arith.index_cast %get3A_2244 : i32 to index
        %get3A_2246 = arith.constant 0 : index
        %get3A_2247 = tpu.vector_load %arg15[%get3A_2245, %get3A_2246] {strides = array<i32>} : memref<72x16xf32, #tpu.memory_space<vmem>>, vector<1x16xf32>,
        %get3A_2248 = vector.shape_cast %get3A_2247 : vector<1x16xf32> to vector<16xf32>
        %broadcast_in_dim3A_2249 = vector.shape_cast %broadcast_in_dim3A : vector<16xi32> to vector<16x1xi32>
        %gather3A_2250 = vector.shape_cast %broadcast_in_dim3A_2249 : vector<16x1xi32> to vector<16xi32>
        %gather3A_2251 = tpu.dynamic_gather %get3A_2248[%gather3A_2250] in [0] : vector<16xf32>, vector<16xi32> -> vector<16xf32>
        %get3A_2252 = arith.constant 39 : i32
        %get3A_2253 = arith.index_cast %get3A_2252 : i32 to index
        %get3A_2254 = arith.constant 0 : index
        %get3A_2255 = tpu.vector_load %arg15[%get3A_2253, %get3A_2254] {strides = array<i32>} : memref<72x16xf32, #tpu.memory_space<vmem>>, vector<1x16xf32>,
        %get3A_2256 = vector.shape_cast %get3A_2255 : vector<1x16xf32> to vector<16xf32>
        %broadcast_in_dim3A_2257 = vector.shape_cast %broadcast_in_dim3A : vector<16xi32> to vector<16x1xi32>
        %gather3A_2258 = vector.shape_cast %broadcast_in_dim3A_2257 : vector<16x1xi32> to vector<16xi32>
        %gather3A_2259 = tpu.dynamic_gather %get3A_2256[%gather3A_2258] in [0] : vector<16xf32>, vector<16xi32> -> vector<16xf32>
        %get3A_2260 = arith.constant 9 : i32
        %get3A_2261 = arith.index_cast %get3A_2260 : i32 to index
        %get3A_2262 = arith.index_cast %add3A_1350 : i32 to index
        %get3A_2263 = arith.constant 0 : index
        %get3A_2264 = tpu.vector_load %arg16[%get3A_2261, %get3A_2262, %get3A_2263] {strides = array<i32>} : memref<18x16x128xf32, #tpu.memory_space<vmem>>, vector<1x1x16xf32>,
        %get3A_2265 = vector.shape_cast %get3A_2264 : vector<1x1x16xf32> to vector<16xf32>
        %mul3A_2266 = arith.mulf %get3A_2265, %gather3A_2235 : vector<16xf32>
        %get3A_2267 = arith.constant 9 : i32
        %get3A_2268 = arith.index_cast %get3A_2267 : i32 to index
        %get3A_2269 = arith.index_cast %add3A_1350 : i32 to index
        %get3A_2270 = arith.constant 32 : index
        %get3A_2271 = tpu.vector_load %arg16[%get3A_2268, %get3A_2269, %get3A_2270] {strides = array<i32>} : memref<18x16x128xf32, #tpu.memory_space<vmem>>, vector<1x1x16xf32>,
        %get3A_2272 = vector.shape_cast %get3A_2271 : vector<1x1x16xf32> to vector<16xf32>
        %mul3A_2273 = arith.mulf %get3A_2272, %gather3A_2243 : vector<16xf32>
        %add3A_2274 = arith.addf %mul3A_2266, %mul3A_2273 : vector<16xf32>
        %get3A_2275 = arith.constant 9 : i32
        %get3A_2276 = arith.index_cast %get3A_2275 : i32 to index
        %get3A_2277 = arith.index_cast %add3A_1350 : i32 to index
        %get3A_2278 = arith.constant 64 : index
        %get3A_2279 = tpu.vector_load %arg16[%get3A_2276, %get3A_2277, %get3A_2278] {strides = array<i32>} : memref<18x16x128xf32, #tpu.memory_space<vmem>>, vector<1x1x16xf32>,
        %get3A_2280 = vector.shape_cast %get3A_2279 : vector<1x1x16xf32> to vector<16xf32>
        %mul3A_2281 = arith.mulf %get3A_2280, %gather3A_2251 : vector<16xf32>
        %add3A_2282 = arith.addf %add3A_2274, %mul3A_2281 : vector<16xf32>
        %get3A_2283 = arith.constant 9 : i32
        %get3A_2284 = arith.index_cast %get3A_2283 : i32 to index
        %get3A_2285 = arith.index_cast %add3A_1350 : i32 to index
        %get3A_2286 = arith.constant 96 : index
        %get3A_2287 = tpu.vector_load %arg16[%get3A_2284, %get3A_2285, %get3A_2286] {strides = array<i32>} : memref<18x16x128xf32, #tpu.memory_space<vmem>>, vector<1x1x16xf32>,
        %get3A_2288 = vector.shape_cast %get3A_2287 : vector<1x1x16xf32> to vector<16xf32>
        %mul3A_2289 = arith.mulf %get3A_2288, %gather3A_2259 : vector<16xf32>
        %add3A_2290 = arith.addf %add3A_2282, %mul3A_2289 : vector<16xf32>
        %get3A_2291 = arith.constant 9 : i32
        %get3A_2292 = arith.index_cast %get3A_2291 : i32 to index
        %get3A_2293 = arith.index_cast %add3A_1350 : i32 to index
        %get3A_2294 = arith.constant 16 : index
        %get3A_2295 = tpu.vector_load %arg16[%get3A_2292, %get3A_2293, %get3A_2294] {strides = array<i32>} : memref<18x16x128xf32, #tpu.memory_space<vmem>>, vector<1x1x16xf32>,
        %get3A_2296 = vector.shape_cast %get3A_2295 : vector<1x1x16xf32> to vector<16xf32>
        %mul3A_2297 = arith.mulf %get3A_2296, %gather3A_2235 : vector<16xf32>
        %get3A_2298 = arith.constant 9 : i32
        %get3A_2299 = arith.index_cast %get3A_2298 : i32 to index
        %get3A_2300 = arith.index_cast %add3A_1350 : i32 to index
        %get3A_2301 = arith.constant 48 : index
        %get3A_2302 = tpu.vector_load %arg16[%get3A_2299, %get3A_2300, %get3A_2301] {strides = array<i32>} : memref<18x16x128xf32, #tpu.memory_space<vmem>>, vector<1x1x16xf32>,
        %get3A_2303 = vector.shape_cast %get3A_2302 : vector<1x1x16xf32> to vector<16xf32>
        %mul3A_2304 = arith.mulf %get3A_2303, %gather3A_2243 : vector<16xf32>
        %add3A_2305 = arith.addf %mul3A_2297, %mul3A_2304 : vector<16xf32>
        %get3A_2306 = arith.constant 9 : i32
        %get3A_2307 = arith.index_cast %get3A_2306 : i32 to index
        %get3A_2308 = arith.index_cast %add3A_1350 : i32 to index
        %get3A_2309 = arith.constant 80 : index
        %get3A_2310 = tpu.vector_load %arg16[%get3A_2307, %get3A_2308, %get3A_2309] {strides = array<i32>} : memref<18x16x128xf32, #tpu.memory_space<vmem>>, vector<1x1x16xf32>,
        %get3A_2311 = vector.shape_cast %get3A_2310 : vector<1x1x16xf32> to vector<16xf32>
        %mul3A_2312 = arith.mulf %get3A_2311, %gather3A_2251 : vector<16xf32>
        %add3A_2313 = arith.addf %add3A_2305, %mul3A_2312 : vector<16xf32>
        %get3A_2314 = arith.constant 9 : i32
        %get3A_2315 = arith.index_cast %get3A_2314 : i32 to index
        %get3A_2316 = arith.index_cast %add3A_1350 : i32 to index
        %get3A_2317 = arith.constant 112 : index
        %get3A_2318 = tpu.vector_load %arg16[%get3A_2315, %get3A_2316, %get3A_2317] {strides = array<i32>} : memref<18x16x128xf32, #tpu.memory_space<vmem>>, vector<1x1x16xf32>,
        %get3A_2319 = vector.shape_cast %get3A_2318 : vector<1x1x16xf32> to vector<16xf32>
        %mul3A_2320 = arith.mulf %get3A_2319, %gather3A_2259 : vector<16xf32>
        %add3A_2321 = arith.addf %add3A_2313, %mul3A_2320 : vector<16xf32>
        %mul3A_2322 = arith.mulf %mul3A_2226, %add3A_2290 : vector<16xf32>
        %mul3A_2323 = arith.mulf %mul3A_2227, %add3A_2321 : vector<16xf32>
        %get3A_2324 = arith.constant 40 : i32
        %get3A_2325 = arith.index_cast %get3A_2324 : i32 to index
        %get3A_2326 = arith.constant 0 : index
        %get3A_2327 = tpu.vector_load %arg15[%get3A_2325, %get3A_2326] {strides = array<i32>} : memref<72x16xf32, #tpu.memory_space<vmem>>, vector<1x16xf32>,
        %get3A_2328 = vector.shape_cast %get3A_2327 : vector<1x16xf32> to vector<16xf32>
        %broadcast_in_dim3A_2329 = vector.shape_cast %broadcast_in_dim3A : vector<16xi32> to vector<16x1xi32>
        %gather3A_2330 = vector.shape_cast %broadcast_in_dim3A_2329 : vector<16x1xi32> to vector<16xi32>
        %gather3A_2331 = tpu.dynamic_gather %get3A_2328[%gather3A_2330] in [0] : vector<16xf32>, vector<16xi32> -> vector<16xf32>
        %get3A_2332 = arith.constant 41 : i32
        %get3A_2333 = arith.index_cast %get3A_2332 : i32 to index
        %get3A_2334 = arith.constant 0 : index
        %get3A_2335 = tpu.vector_load %arg15[%get3A_2333, %get3A_2334] {strides = array<i32>} : memref<72x16xf32, #tpu.memory_space<vmem>>, vector<1x16xf32>,
        %get3A_2336 = vector.shape_cast %get3A_2335 : vector<1x16xf32> to vector<16xf32>
        %broadcast_in_dim3A_2337 = vector.shape_cast %broadcast_in_dim3A : vector<16xi32> to vector<16x1xi32>
        %gather3A_2338 = vector.shape_cast %broadcast_in_dim3A_2337 : vector<16x1xi32> to vector<16xi32>
        %gather3A_2339 = tpu.dynamic_gather %get3A_2336[%gather3A_2338] in [0] : vector<16xf32>, vector<16xi32> -> vector<16xf32>
        %get3A_2340 = arith.constant 42 : i32
        %get3A_2341 = arith.index_cast %get3A_2340 : i32 to index
        %get3A_2342 = arith.constant 0 : index
        %get3A_2343 = tpu.vector_load %arg15[%get3A_2341, %get3A_2342] {strides = array<i32>} : memref<72x16xf32, #tpu.memory_space<vmem>>, vector<1x16xf32>,
        %get3A_2344 = vector.shape_cast %get3A_2343 : vector<1x16xf32> to vector<16xf32>
        %broadcast_in_dim3A_2345 = vector.shape_cast %broadcast_in_dim3A : vector<16xi32> to vector<16x1xi32>
        %gather3A_2346 = vector.shape_cast %broadcast_in_dim3A_2345 : vector<16x1xi32> to vector<16xi32>
        %gather3A_2347 = tpu.dynamic_gather %get3A_2344[%gather3A_2346] in [0] : vector<16xf32>, vector<16xi32> -> vector<16xf32>
        %get3A_2348 = arith.constant 43 : i32
        %get3A_2349 = arith.index_cast %get3A_2348 : i32 to index
        %get3A_2350 = arith.constant 0 : index
        %get3A_2351 = tpu.vector_load %arg15[%get3A_2349, %get3A_2350] {strides = array<i32>} : memref<72x16xf32, #tpu.memory_space<vmem>>, vector<1x16xf32>,
        %get3A_2352 = vector.shape_cast %get3A_2351 : vector<1x16xf32> to vector<16xf32>
        %broadcast_in_dim3A_2353 = vector.shape_cast %broadcast_in_dim3A : vector<16xi32> to vector<16x1xi32>
        %gather3A_2354 = vector.shape_cast %broadcast_in_dim3A_2353 : vector<16x1xi32> to vector<16xi32>
        %gather3A_2355 = tpu.dynamic_gather %get3A_2352[%gather3A_2354] in [0] : vector<16xf32>, vector<16xi32> -> vector<16xf32>
        %get3A_2356 = arith.constant 10 : i32
        %get3A_2357 = arith.index_cast %get3A_2356 : i32 to index
        %get3A_2358 = arith.index_cast %add3A_1350 : i32 to index
        %get3A_2359 = arith.constant 0 : index
        %get3A_2360 = tpu.vector_load %arg16[%get3A_2357, %get3A_2358, %get3A_2359] {strides = array<i32>} : memref<18x16x128xf32, #tpu.memory_space<vmem>>, vector<1x1x16xf32>,
        %get3A_2361 = vector.shape_cast %get3A_2360 : vector<1x1x16xf32> to vector<16xf32>
        %mul3A_2362 = arith.mulf %get3A_2361, %gather3A_2331 : vector<16xf32>
        %get3A_2363 = arith.constant 10 : i32
        %get3A_2364 = arith.index_cast %get3A_2363 : i32 to index
        %get3A_2365 = arith.index_cast %add3A_1350 : i32 to index
        %get3A_2366 = arith.constant 32 : index
        %get3A_2367 = tpu.vector_load %arg16[%get3A_2364, %get3A_2365, %get3A_2366] {strides = array<i32>} : memref<18x16x128xf32, #tpu.memory_space<vmem>>, vector<1x1x16xf32>,
        %get3A_2368 = vector.shape_cast %get3A_2367 : vector<1x1x16xf32> to vector<16xf32>
        %mul3A_2369 = arith.mulf %get3A_2368, %gather3A_2339 : vector<16xf32>
        %add3A_2370 = arith.addf %mul3A_2362, %mul3A_2369 : vector<16xf32>
        %get3A_2371 = arith.constant 10 : i32
        %get3A_2372 = arith.index_cast %get3A_2371 : i32 to index
        %get3A_2373 = arith.index_cast %add3A_1350 : i32 to index
        %get3A_2374 = arith.constant 64 : index
        %get3A_2375 = tpu.vector_load %arg16[%get3A_2372, %get3A_2373, %get3A_2374] {strides = array<i32>} : memref<18x16x128xf32, #tpu.memory_space<vmem>>, vector<1x1x16xf32>,
        %get3A_2376 = vector.shape_cast %get3A_2375 : vector<1x1x16xf32> to vector<16xf32>
        %mul3A_2377 = arith.mulf %get3A_2376, %gather3A_2347 : vector<16xf32>
        %add3A_2378 = arith.addf %add3A_2370, %mul3A_2377 : vector<16xf32>
        %get3A_2379 = arith.constant 10 : i32
        %get3A_2380 = arith.index_cast %get3A_2379 : i32 to index
        %get3A_2381 = arith.index_cast %add3A_1350 : i32 to index
        %get3A_2382 = arith.constant 96 : index
        %get3A_2383 = tpu.vector_load %arg16[%get3A_2380, %get3A_2381, %get3A_2382] {strides = array<i32>} : memref<18x16x128xf32, #tpu.memory_space<vmem>>, vector<1x1x16xf32>,
        %get3A_2384 = vector.shape_cast %get3A_2383 : vector<1x1x16xf32> to vector<16xf32>
        %mul3A_2385 = arith.mulf %get3A_2384, %gather3A_2355 : vector<16xf32>
        %add3A_2386 = arith.addf %add3A_2378, %mul3A_2385 : vector<16xf32>
        %get3A_2387 = arith.constant 10 : i32
        %get3A_2388 = arith.index_cast %get3A_2387 : i32 to index
        %get3A_2389 = arith.index_cast %add3A_1350 : i32 to index
        %get3A_2390 = arith.constant 16 : index
        %get3A_2391 = tpu.vector_load %arg16[%get3A_2388, %get3A_2389, %get3A_2390] {strides = array<i32>} : memref<18x16x128xf32, #tpu.memory_space<vmem>>, vector<1x1x16xf32>,
        %get3A_2392 = vector.shape_cast %get3A_2391 : vector<1x1x16xf32> to vector<16xf32>
        %mul3A_2393 = arith.mulf %get3A_2392, %gather3A_2331 : vector<16xf32>
        %get3A_2394 = arith.constant 10 : i32
        %get3A_2395 = arith.index_cast %get3A_2394 : i32 to index
        %get3A_2396 = arith.index_cast %add3A_1350 : i32 to index
        %get3A_2397 = arith.constant 48 : index
        %get3A_2398 = tpu.vector_load %arg16[%get3A_2395, %get3A_2396, %get3A_2397] {strides = array<i32>} : memref<18x16x128xf32, #tpu.memory_space<vmem>>, vector<1x1x16xf32>,
        %get3A_2399 = vector.shape_cast %get3A_2398 : vector<1x1x16xf32> to vector<16xf32>
        %mul3A_2400 = arith.mulf %get3A_2399, %gather3A_2339 : vector<16xf32>
        %add3A_2401 = arith.addf %mul3A_2393, %mul3A_2400 : vector<16xf32>
        %get3A_2402 = arith.constant 10 : i32
        %get3A_2403 = arith.index_cast %get3A_2402 : i32 to index
        %get3A_2404 = arith.index_cast %add3A_1350 : i32 to index
        %get3A_2405 = arith.constant 80 : index
        %get3A_2406 = tpu.vector_load %arg16[%get3A_2403, %get3A_2404, %get3A_2405] {strides = array<i32>} : memref<18x16x128xf32, #tpu.memory_space<vmem>>, vector<1x1x16xf32>,
        %get3A_2407 = vector.shape_cast %get3A_2406 : vector<1x1x16xf32> to vector<16xf32>
        %mul3A_2408 = arith.mulf %get3A_2407, %gather3A_2347 : vector<16xf32>
        %add3A_2409 = arith.addf %add3A_2401, %mul3A_2408 : vector<16xf32>
        %get3A_2410 = arith.constant 10 : i32
        %get3A_2411 = arith.index_cast %get3A_2410 : i32 to index
        %get3A_2412 = arith.index_cast %add3A_1350 : i32 to index
        %get3A_2413 = arith.constant 112 : index
        %get3A_2414 = tpu.vector_load %arg16[%get3A_2411, %get3A_2412, %get3A_2413] {strides = array<i32>} : memref<18x16x128xf32, #tpu.memory_space<vmem>>, vector<1x1x16xf32>,
        %get3A_2415 = vector.shape_cast %get3A_2414 : vector<1x1x16xf32> to vector<16xf32>
        %mul3A_2416 = arith.mulf %get3A_2415, %gather3A_2355 : vector<16xf32>
        %add3A_2417 = arith.addf %add3A_2409, %mul3A_2416 : vector<16xf32>
        %mul3A_2418 = arith.mulf %mul3A_2322, %add3A_2386 : vector<16xf32>
        %mul3A_2419 = arith.mulf %mul3A_2323, %add3A_2417 : vector<16xf32>
        %get3A_2420 = arith.constant 44 : i32
        %get3A_2421 = arith.index_cast %get3A_2420 : i32 to index
        %get3A_2422 = arith.constant 0 : index
        %get3A_2423 = tpu.vector_load %arg15[%get3A_2421, %get3A_2422] {strides = array<i32>} : memref<72x16xf32, #tpu.memory_space<vmem>>, vector<1x16xf32>,
        %get3A_2424 = vector.shape_cast %get3A_2423 : vector<1x16xf32> to vector<16xf32>
        %broadcast_in_dim3A_2425 = vector.shape_cast %broadcast_in_dim3A : vector<16xi32> to vector<16x1xi32>
        %gather3A_2426 = vector.shape_cast %broadcast_in_dim3A_2425 : vector<16x1xi32> to vector<16xi32>
        %gather3A_2427 = tpu.dynamic_gather %get3A_2424[%gather3A_2426] in [0] : vector<16xf32>, vector<16xi32> -> vector<16xf32>
        %get3A_2428 = arith.constant 45 : i32
        %get3A_2429 = arith.index_cast %get3A_2428 : i32 to index
        %get3A_2430 = arith.constant 0 : index
        %get3A_2431 = tpu.vector_load %arg15[%get3A_2429, %get3A_2430] {strides = array<i32>} : memref<72x16xf32, #tpu.memory_space<vmem>>, vector<1x16xf32>,
        %get3A_2432 = vector.shape_cast %get3A_2431 : vector<1x16xf32> to vector<16xf32>
        %broadcast_in_dim3A_2433 = vector.shape_cast %broadcast_in_dim3A : vector<16xi32> to vector<16x1xi32>
        %gather3A_2434 = vector.shape_cast %broadcast_in_dim3A_2433 : vector<16x1xi32> to vector<16xi32>
        %gather3A_2435 = tpu.dynamic_gather %get3A_2432[%gather3A_2434] in [0] : vector<16xf32>, vector<16xi32> -> vector<16xf32>
        %get3A_2436 = arith.constant 46 : i32
        %get3A_2437 = arith.index_cast %get3A_2436 : i32 to index
        %get3A_2438 = arith.constant 0 : index
        %get3A_2439 = tpu.vector_load %arg15[%get3A_2437, %get3A_2438] {strides = array<i32>} : memref<72x16xf32, #tpu.memory_space<vmem>>, vector<1x16xf32>,
        %get3A_2440 = vector.shape_cast %get3A_2439 : vector<1x16xf32> to vector<16xf32>
        %broadcast_in_dim3A_2441 = vector.shape_cast %broadcast_in_dim3A : vector<16xi32> to vector<16x1xi32>
        %gather3A_2442 = vector.shape_cast %broadcast_in_dim3A_2441 : vector<16x1xi32> to vector<16xi32>
        %gather3A_2443 = tpu.dynamic_gather %get3A_2440[%gather3A_2442] in [0] : vector<16xf32>, vector<16xi32> -> vector<16xf32>
        %get3A_2444 = arith.constant 47 : i32
        %get3A_2445 = arith.index_cast %get3A_2444 : i32 to index
        %get3A_2446 = arith.constant 0 : index
        %get3A_2447 = tpu.vector_load %arg15[%get3A_2445, %get3A_2446] {strides = array<i32>} : memref<72x16xf32, #tpu.memory_space<vmem>>, vector<1x16xf32>,
        %get3A_2448 = vector.shape_cast %get3A_2447 : vector<1x16xf32> to vector<16xf32>
        %broadcast_in_dim3A_2449 = vector.shape_cast %broadcast_in_dim3A : vector<16xi32> to vector<16x1xi32>
        %gather3A_2450 = vector.shape_cast %broadcast_in_dim3A_2449 : vector<16x1xi32> to vector<16xi32>
        %gather3A_2451 = tpu.dynamic_gather %get3A_2448[%gather3A_2450] in [0] : vector<16xf32>, vector<16xi32> -> vector<16xf32>
        %get3A_2452 = arith.constant 11 : i32
        %get3A_2453 = arith.index_cast %get3A_2452 : i32 to index
        %get3A_2454 = arith.index_cast %add3A_1350 : i32 to index
        %get3A_2455 = arith.constant 0 : index
        %get3A_2456 = tpu.vector_load %arg16[%get3A_2453, %get3A_2454, %get3A_2455] {strides = array<i32>} : memref<18x16x128xf32, #tpu.memory_space<vmem>>, vector<1x1x16xf32>,
        %get3A_2457 = vector.shape_cast %get3A_2456 : vector<1x1x16xf32> to vector<16xf32>
        %mul3A_2458 = arith.mulf %get3A_2457, %gather3A_2427 : vector<16xf32>
        %get3A_2459 = arith.constant 11 : i32
        %get3A_2460 = arith.index_cast %get3A_2459 : i32 to index
        %get3A_2461 = arith.index_cast %add3A_1350 : i32 to index
        %get3A_2462 = arith.constant 32 : index
        %get3A_2463 = tpu.vector_load %arg16[%get3A_2460, %get3A_2461, %get3A_2462] {strides = array<i32>} : memref<18x16x128xf32, #tpu.memory_space<vmem>>, vector<1x1x16xf32>,
        %get3A_2464 = vector.shape_cast %get3A_2463 : vector<1x1x16xf32> to vector<16xf32>
        %mul3A_2465 = arith.mulf %get3A_2464, %gather3A_2435 : vector<16xf32>
        %add3A_2466 = arith.addf %mul3A_2458, %mul3A_2465 : vector<16xf32>
        %get3A_2467 = arith.constant 11 : i32
        %get3A_2468 = arith.index_cast %get3A_2467 : i32 to index
        %get3A_2469 = arith.index_cast %add3A_1350 : i32 to index
        %get3A_2470 = arith.constant 64 : index
        %get3A_2471 = tpu.vector_load %arg16[%get3A_2468, %get3A_2469, %get3A_2470] {strides = array<i32>} : memref<18x16x128xf32, #tpu.memory_space<vmem>>, vector<1x1x16xf32>,
        %get3A_2472 = vector.shape_cast %get3A_2471 : vector<1x1x16xf32> to vector<16xf32>
        %mul3A_2473 = arith.mulf %get3A_2472, %gather3A_2443 : vector<16xf32>
        %add3A_2474 = arith.addf %add3A_2466, %mul3A_2473 : vector<16xf32>
        %get3A_2475 = arith.constant 11 : i32
        %get3A_2476 = arith.index_cast %get3A_2475 : i32 to index
        %get3A_2477 = arith.index_cast %add3A_1350 : i32 to index
        %get3A_2478 = arith.constant 96 : index
        %get3A_2479 = tpu.vector_load %arg16[%get3A_2476, %get3A_2477, %get3A_2478] {strides = array<i32>} : memref<18x16x128xf32, #tpu.memory_space<vmem>>, vector<1x1x16xf32>,
        %get3A_2480 = vector.shape_cast %get3A_2479 : vector<1x1x16xf32> to vector<16xf32>
        %mul3A_2481 = arith.mulf %get3A_2480, %gather3A_2451 : vector<16xf32>
        %add3A_2482 = arith.addf %add3A_2474, %mul3A_2481 : vector<16xf32>
        %get3A_2483 = arith.constant 11 : i32
        %get3A_2484 = arith.index_cast %get3A_2483 : i32 to index
        %get3A_2485 = arith.index_cast %add3A_1350 : i32 to index
        %get3A_2486 = arith.constant 16 : index
        %get3A_2487 = tpu.vector_load %arg16[%get3A_2484, %get3A_2485, %get3A_2486] {strides = array<i32>} : memref<18x16x128xf32, #tpu.memory_space<vmem>>, vector<1x1x16xf32>,
        %get3A_2488 = vector.shape_cast %get3A_2487 : vector<1x1x16xf32> to vector<16xf32>
        %mul3A_2489 = arith.mulf %get3A_2488, %gather3A_2427 : vector<16xf32>
        %get3A_2490 = arith.constant 11 : i32
        %get3A_2491 = arith.index_cast %get3A_2490 : i32 to index
        %get3A_2492 = arith.index_cast %add3A_1350 : i32 to index
        %get3A_2493 = arith.constant 48 : index
        %get3A_2494 = tpu.vector_load %arg16[%get3A_2491, %get3A_2492, %get3A_2493] {strides = array<i32>} : memref<18x16x128xf32, #tpu.memory_space<vmem>>, vector<1x1x16xf32>,
        %get3A_2495 = vector.shape_cast %get3A_2494 : vector<1x1x16xf32> to vector<16xf32>
        %mul3A_2496 = arith.mulf %get3A_2495, %gather3A_2435 : vector<16xf32>
        %add3A_2497 = arith.addf %mul3A_2489, %mul3A_2496 : vector<16xf32>
        %get3A_2498 = arith.constant 11 : i32
        %get3A_2499 = arith.index_cast %get3A_2498 : i32 to index
        %get3A_2500 = arith.index_cast %add3A_1350 : i32 to index
        %get3A_2501 = arith.constant 80 : index
        %get3A_2502 = tpu.vector_load %arg16[%get3A_2499, %get3A_2500, %get3A_2501] {strides = array<i32>} : memref<18x16x128xf32, #tpu.memory_space<vmem>>, vector<1x1x16xf32>,
        %get3A_2503 = vector.shape_cast %get3A_2502 : vector<1x1x16xf32> to vector<16xf32>
        %mul3A_2504 = arith.mulf %get3A_2503, %gather3A_2443 : vector<16xf32>
        %add3A_2505 = arith.addf %add3A_2497, %mul3A_2504 : vector<16xf32>
        %get3A_2506 = arith.constant 11 : i32
        %get3A_2507 = arith.index_cast %get3A_2506 : i32 to index
        %get3A_2508 = arith.index_cast %add3A_1350 : i32 to index
        %get3A_2509 = arith.constant 112 : index
        %get3A_2510 = tpu.vector_load %arg16[%get3A_2507, %get3A_2508, %get3A_2509] {strides = array<i32>} : memref<18x16x128xf32, #tpu.memory_space<vmem>>, vector<1x1x16xf32>,
        %get3A_2511 = vector.shape_cast %get3A_2510 : vector<1x1x16xf32> to vector<16xf32>
        %mul3A_2512 = arith.mulf %get3A_2511, %gather3A_2451 : vector<16xf32>
        %add3A_2513 = arith.addf %add3A_2505, %mul3A_2512 : vector<16xf32>
        %mul3A_2514 = arith.mulf %mul3A_2418, %add3A_2482 : vector<16xf32>
        %mul3A_2515 = arith.mulf %mul3A_2419, %add3A_2513 : vector<16xf32>
        %mul3A_2516 = arith.constant 96 : i32
        %mul3A_2517 = arith.muli %add3A_1350, %mul3A_2516 : i32
        %add3A_2518 = arith.constant 32 : i32
        %add3A_2519 = arith.addi %mul3A_2517, %add3A_2518 : i32
        %swap3A_2520 = arith.index_cast %add3A_2519 : i32 to index
        %swap3A_2521 = tpu.vector_load %arg17[%swap3A_2520] {strides = array<i32>} : memref<1536xf32, #tpu.memory_space<vmem>>, vector<16xf32>,
        %swap3A_2522 = vector.shape_cast %swap3A_2521 : vector<16xf32> to vector<16xf32>
        %swap3A_2523 = vector.shape_cast %mul3A_2514 : vector<16xf32> to vector<16xf32>
        tpu.vector_store %arg17[%swap3A_2520], %swap3A_2523 {strides = array<i32>} : memref<1536xf32, #tpu.memory_space<vmem>>, vector<16xf32>,
        %mul3A_2524 = arith.constant 96 : i32
        %mul3A_2525 = arith.muli %add3A_1350, %mul3A_2524 : i32
        %add3A_2526 = arith.constant 32 : i32
        %add3A_2527 = arith.addi %mul3A_2525, %add3A_2526 : i32
        %add3A_2528 = arith.constant 16 : i32
        %add3A_2529 = arith.addi %add3A_2527, %add3A_2528 : i32
        %swap3A_2530 = arith.index_cast %add3A_2529 : i32 to index
        %swap3A_2531 = tpu.vector_load %arg17[%swap3A_2530] {strides = array<i32>} : memref<1536xf32, #tpu.memory_space<vmem>>, vector<16xf32>,
        %swap3A_2532 = vector.shape_cast %swap3A_2531 : vector<16xf32> to vector<16xf32>
        %swap3A_2533 = vector.shape_cast %mul3A_2515 : vector<16xf32> to vector<16xf32>
        tpu.vector_store %arg17[%swap3A_2530], %swap3A_2533 {strides = array<i32>} : memref<1536xf32, #tpu.memory_space<vmem>>, vector<16xf32>,
        %get3A_2534 = arith.constant 48 : i32
        %get3A_2535 = arith.index_cast %get3A_2534 : i32 to index
        %get3A_2536 = arith.constant 0 : index
        %get3A_2537 = tpu.vector_load %arg15[%get3A_2535, %get3A_2536] {strides = array<i32>} : memref<72x16xf32, #tpu.memory_space<vmem>>, vector<1x16xf32>,
        %get3A_2538 = vector.shape_cast %get3A_2537 : vector<1x16xf32> to vector<16xf32>
        %broadcast_in_dim3A_2539 = vector.shape_cast %broadcast_in_dim3A : vector<16xi32> to vector<16x1xi32>
        %gather3A_2540 = vector.shape_cast %broadcast_in_dim3A_2539 : vector<16x1xi32> to vector<16xi32>
        %gather3A_2541 = tpu.dynamic_gather %get3A_2538[%gather3A_2540] in [0] : vector<16xf32>, vector<16xi32> -> vector<16xf32>
        %get3A_2542 = arith.constant 49 : i32
        %get3A_2543 = arith.index_cast %get3A_2542 : i32 to index
        %get3A_2544 = arith.constant 0 : index
        %get3A_2545 = tpu.vector_load %arg15[%get3A_2543, %get3A_2544] {strides = array<i32>} : memref<72x16xf32, #tpu.memory_space<vmem>>, vector<1x16xf32>,
        %get3A_2546 = vector.shape_cast %get3A_2545 : vector<1x16xf32> to vector<16xf32>
        %broadcast_in_dim3A_2547 = vector.shape_cast %broadcast_in_dim3A : vector<16xi32> to vector<16x1xi32>
        %gather3A_2548 = vector.shape_cast %broadcast_in_dim3A_2547 : vector<16x1xi32> to vector<16xi32>
        %gather3A_2549 = tpu.dynamic_gather %get3A_2546[%gather3A_2548] in [0] : vector<16xf32>, vector<16xi32> -> vector<16xf32>
        %get3A_2550 = arith.constant 50 : i32
        %get3A_2551 = arith.index_cast %get3A_2550 : i32 to index
        %get3A_2552 = arith.constant 0 : index
        %get3A_2553 = tpu.vector_load %arg15[%get3A_2551, %get3A_2552] {strides = array<i32>} : memref<72x16xf32, #tpu.memory_space<vmem>>, vector<1x16xf32>,
        %get3A_2554 = vector.shape_cast %get3A_2553 : vector<1x16xf32> to vector<16xf32>
        %broadcast_in_dim3A_2555 = vector.shape_cast %broadcast_in_dim3A : vector<16xi32> to vector<16x1xi32>
        %gather3A_2556 = vector.shape_cast %broadcast_in_dim3A_2555 : vector<16x1xi32> to vector<16xi32>
        %gather3A_2557 = tpu.dynamic_gather %get3A_2554[%gather3A_2556] in [0] : vector<16xf32>, vector<16xi32> -> vector<16xf32>
        %get3A_2558 = arith.constant 51 : i32
        %get3A_2559 = arith.index_cast %get3A_2558 : i32 to index
        %get3A_2560 = arith.constant 0 : index
        %get3A_2561 = tpu.vector_load %arg15[%get3A_2559, %get3A_2560] {strides = array<i32>} : memref<72x16xf32, #tpu.memory_space<vmem>>, vector<1x16xf32>,
        %get3A_2562 = vector.shape_cast %get3A_2561 : vector<1x16xf32> to vector<16xf32>
        %broadcast_in_dim3A_2563 = vector.shape_cast %broadcast_in_dim3A : vector<16xi32> to vector<16x1xi32>
        %gather3A_2564 = vector.shape_cast %broadcast_in_dim3A_2563 : vector<16x1xi32> to vector<16xi32>
        %gather3A_2565 = tpu.dynamic_gather %get3A_2562[%gather3A_2564] in [0] : vector<16xf32>, vector<16xi32> -> vector<16xf32>
        %get3A_2566 = arith.constant 12 : i32
        %get3A_2567 = arith.index_cast %get3A_2566 : i32 to index
        %get3A_2568 = arith.index_cast %add3A_1350 : i32 to index
        %get3A_2569 = arith.constant 0 : index
        %get3A_2570 = tpu.vector_load %arg16[%get3A_2567, %get3A_2568, %get3A_2569] {strides = array<i32>} : memref<18x16x128xf32, #tpu.memory_space<vmem>>, vector<1x1x16xf32>,
        %get3A_2571 = vector.shape_cast %get3A_2570 : vector<1x1x16xf32> to vector<16xf32>
        %mul3A_2572 = arith.mulf %get3A_2571, %gather3A_2541 : vector<16xf32>
        %get3A_2573 = arith.constant 12 : i32
        %get3A_2574 = arith.index_cast %get3A_2573 : i32 to index
        %get3A_2575 = arith.index_cast %add3A_1350 : i32 to index
        %get3A_2576 = arith.constant 32 : index
        %get3A_2577 = tpu.vector_load %arg16[%get3A_2574, %get3A_2575, %get3A_2576] {strides = array<i32>} : memref<18x16x128xf32, #tpu.memory_space<vmem>>, vector<1x1x16xf32>,
        %get3A_2578 = vector.shape_cast %get3A_2577 : vector<1x1x16xf32> to vector<16xf32>
        %mul3A_2579 = arith.mulf %get3A_2578, %gather3A_2549 : vector<16xf32>
        %add3A_2580 = arith.addf %mul3A_2572, %mul3A_2579 : vector<16xf32>
        %get3A_2581 = arith.constant 12 : i32
        %get3A_2582 = arith.index_cast %get3A_2581 : i32 to index
        %get3A_2583 = arith.index_cast %add3A_1350 : i32 to index
        %get3A_2584 = arith.constant 64 : index
        %get3A_2585 = tpu.vector_load %arg16[%get3A_2582, %get3A_2583, %get3A_2584] {strides = array<i32>} : memref<18x16x128xf32, #tpu.memory_space<vmem>>, vector<1x1x16xf32>,
        %get3A_2586 = vector.shape_cast %get3A_2585 : vector<1x1x16xf32> to vector<16xf32>
        %mul3A_2587 = arith.mulf %get3A_2586, %gather3A_2557 : vector<16xf32>
        %add3A_2588 = arith.addf %add3A_2580, %mul3A_2587 : vector<16xf32>
        %get3A_2589 = arith.constant 12 : i32
        %get3A_2590 = arith.index_cast %get3A_2589 : i32 to index
        %get3A_2591 = arith.index_cast %add3A_1350 : i32 to index
        %get3A_2592 = arith.constant 96 : index
        %get3A_2593 = tpu.vector_load %arg16[%get3A_2590, %get3A_2591, %get3A_2592] {strides = array<i32>} : memref<18x16x128xf32, #tpu.memory_space<vmem>>, vector<1x1x16xf32>,
        %get3A_2594 = vector.shape_cast %get3A_2593 : vector<1x1x16xf32> to vector<16xf32>
        %mul3A_2595 = arith.mulf %get3A_2594, %gather3A_2565 : vector<16xf32>
        %add3A_2596 = arith.addf %add3A_2588, %mul3A_2595 : vector<16xf32>
        %get3A_2597 = arith.constant 12 : i32
        %get3A_2598 = arith.index_cast %get3A_2597 : i32 to index
        %get3A_2599 = arith.index_cast %add3A_1350 : i32 to index
        %get3A_2600 = arith.constant 16 : index
        %get3A_2601 = tpu.vector_load %arg16[%get3A_2598, %get3A_2599, %get3A_2600] {strides = array<i32>} : memref<18x16x128xf32, #tpu.memory_space<vmem>>, vector<1x1x16xf32>,
        %get3A_2602 = vector.shape_cast %get3A_2601 : vector<1x1x16xf32> to vector<16xf32>
        %mul3A_2603 = arith.mulf %get3A_2602, %gather3A_2541 : vector<16xf32>
        %get3A_2604 = arith.constant 12 : i32
        %get3A_2605 = arith.index_cast %get3A_2604 : i32 to index
        %get3A_2606 = arith.index_cast %add3A_1350 : i32 to index
        %get3A_2607 = arith.constant 48 : index
        %get3A_2608 = tpu.vector_load %arg16[%get3A_2605, %get3A_2606, %get3A_2607] {strides = array<i32>} : memref<18x16x128xf32, #tpu.memory_space<vmem>>, vector<1x1x16xf32>,
        %get3A_2609 = vector.shape_cast %get3A_2608 : vector<1x1x16xf32> to vector<16xf32>
        %mul3A_2610 = arith.mulf %get3A_2609, %gather3A_2549 : vector<16xf32>
        %add3A_2611 = arith.addf %mul3A_2603, %mul3A_2610 : vector<16xf32>
        %get3A_2612 = arith.constant 12 : i32
        %get3A_2613 = arith.index_cast %get3A_2612 : i32 to index
        %get3A_2614 = arith.index_cast %add3A_1350 : i32 to index
        %get3A_2615 = arith.constant 80 : index
        %get3A_2616 = tpu.vector_load %arg16[%get3A_2613, %get3A_2614, %get3A_2615] {strides = array<i32>} : memref<18x16x128xf32, #tpu.memory_space<vmem>>, vector<1x1x16xf32>,
        %get3A_2617 = vector.shape_cast %get3A_2616 : vector<1x1x16xf32> to vector<16xf32>
        %mul3A_2618 = arith.mulf %get3A_2617, %gather3A_2557 : vector<16xf32>
        %add3A_2619 = arith.addf %add3A_2611, %mul3A_2618 : vector<16xf32>
        %get3A_2620 = arith.constant 12 : i32
        %get3A_2621 = arith.index_cast %get3A_2620 : i32 to index
        %get3A_2622 = arith.index_cast %add3A_1350 : i32 to index
        %get3A_2623 = arith.constant 112 : index
        %get3A_2624 = tpu.vector_load %arg16[%get3A_2621, %get3A_2622, %get3A_2623] {strides = array<i32>} : memref<18x16x128xf32, #tpu.memory_space<vmem>>, vector<1x1x16xf32>,
        %get3A_2625 = vector.shape_cast %get3A_2624 : vector<1x1x16xf32> to vector<16xf32>
        %mul3A_2626 = arith.mulf %get3A_2625, %gather3A_2565 : vector<16xf32>
        %add3A_2627 = arith.addf %add3A_2619, %mul3A_2626 : vector<16xf32>
        %get3A_2628 = arith.constant 52 : i32
        %get3A_2629 = arith.index_cast %get3A_2628 : i32 to index
        %get3A_2630 = arith.constant 0 : index
        %get3A_2631 = tpu.vector_load %arg15[%get3A_2629, %get3A_2630] {strides = array<i32>} : memref<72x16xf32, #tpu.memory_space<vmem>>, vector<1x16xf32>,
        %get3A_2632 = vector.shape_cast %get3A_2631 : vector<1x16xf32> to vector<16xf32>
        %broadcast_in_dim3A_2633 = vector.shape_cast %broadcast_in_dim3A : vector<16xi32> to vector<16x1xi32>
        %gather3A_2634 = vector.shape_cast %broadcast_in_dim3A_2633 : vector<16x1xi32> to vector<16xi32>
        %gather3A_2635 = tpu.dynamic_gather %get3A_2632[%gather3A_2634] in [0] : vector<16xf32>, vector<16xi32> -> vector<16xf32>
        %get3A_2636 = arith.constant 53 : i32
        %get3A_2637 = arith.index_cast %get3A_2636 : i32 to index
        %get3A_2638 = arith.constant 0 : index
        %get3A_2639 = tpu.vector_load %arg15[%get3A_2637, %get3A_2638] {strides = array<i32>} : memref<72x16xf32, #tpu.memory_space<vmem>>, vector<1x16xf32>,
        %get3A_2640 = vector.shape_cast %get3A_2639 : vector<1x16xf32> to vector<16xf32>
        %broadcast_in_dim3A_2641 = vector.shape_cast %broadcast_in_dim3A : vector<16xi32> to vector<16x1xi32>
        %gather3A_2642 = vector.shape_cast %broadcast_in_dim3A_2641 : vector<16x1xi32> to vector<16xi32>
        %gather3A_2643 = tpu.dynamic_gather %get3A_2640[%gather3A_2642] in [0] : vector<16xf32>, vector<16xi32> -> vector<16xf32>
        %get3A_2644 = arith.constant 54 : i32
        %get3A_2645 = arith.index_cast %get3A_2644 : i32 to index
        %get3A_2646 = arith.constant 0 : index
        %get3A_2647 = tpu.vector_load %arg15[%get3A_2645, %get3A_2646] {strides = array<i32>} : memref<72x16xf32, #tpu.memory_space<vmem>>, vector<1x16xf32>,
        %get3A_2648 = vector.shape_cast %get3A_2647 : vector<1x16xf32> to vector<16xf32>
        %broadcast_in_dim3A_2649 = vector.shape_cast %broadcast_in_dim3A : vector<16xi32> to vector<16x1xi32>
        %gather3A_2650 = vector.shape_cast %broadcast_in_dim3A_2649 : vector<16x1xi32> to vector<16xi32>
        %gather3A_2651 = tpu.dynamic_gather %get3A_2648[%gather3A_2650] in [0] : vector<16xf32>, vector<16xi32> -> vector<16xf32>
        %get3A_2652 = arith.constant 55 : i32
        %get3A_2653 = arith.index_cast %get3A_2652 : i32 to index
        %get3A_2654 = arith.constant 0 : index
        %get3A_2655 = tpu.vector_load %arg15[%get3A_2653, %get3A_2654] {strides = array<i32>} : memref<72x16xf32, #tpu.memory_space<vmem>>, vector<1x16xf32>,
        %get3A_2656 = vector.shape_cast %get3A_2655 : vector<1x16xf32> to vector<16xf32>
        %broadcast_in_dim3A_2657 = vector.shape_cast %broadcast_in_dim3A : vector<16xi32> to vector<16x1xi32>
        %gather3A_2658 = vector.shape_cast %broadcast_in_dim3A_2657 : vector<16x1xi32> to vector<16xi32>
        %gather3A_2659 = tpu.dynamic_gather %get3A_2656[%gather3A_2658] in [0] : vector<16xf32>, vector<16xi32> -> vector<16xf32>
        %get3A_2660 = arith.constant 13 : i32
        %get3A_2661 = arith.index_cast %get3A_2660 : i32 to index
        %get3A_2662 = arith.index_cast %add3A_1350 : i32 to index
        %get3A_2663 = arith.constant 0 : index
        %get3A_2664 = tpu.vector_load %arg16[%get3A_2661, %get3A_2662, %get3A_2663] {strides = array<i32>} : memref<18x16x128xf32, #tpu.memory_space<vmem>>, vector<1x1x16xf32>,
        %get3A_2665 = vector.shape_cast %get3A_2664 : vector<1x1x16xf32> to vector<16xf32>
        %mul3A_2666 = arith.mulf %get3A_2665, %gather3A_2635 : vector<16xf32>
        %get3A_2667 = arith.constant 13 : i32
        %get3A_2668 = arith.index_cast %get3A_2667 : i32 to index
        %get3A_2669 = arith.index_cast %add3A_1350 : i32 to index
        %get3A_2670 = arith.constant 32 : index
        %get3A_2671 = tpu.vector_load %arg16[%get3A_2668, %get3A_2669, %get3A_2670] {strides = array<i32>} : memref<18x16x128xf32, #tpu.memory_space<vmem>>, vector<1x1x16xf32>,
        %get3A_2672 = vector.shape_cast %get3A_2671 : vector<1x1x16xf32> to vector<16xf32>
        %mul3A_2673 = arith.mulf %get3A_2672, %gather3A_2643 : vector<16xf32>
        %add3A_2674 = arith.addf %mul3A_2666, %mul3A_2673 : vector<16xf32>
        %get3A_2675 = arith.constant 13 : i32
        %get3A_2676 = arith.index_cast %get3A_2675 : i32 to index
        %get3A_2677 = arith.index_cast %add3A_1350 : i32 to index
        %get3A_2678 = arith.constant 64 : index
        %get3A_2679 = tpu.vector_load %arg16[%get3A_2676, %get3A_2677, %get3A_2678] {strides = array<i32>} : memref<18x16x128xf32, #tpu.memory_space<vmem>>, vector<1x1x16xf32>,
        %get3A_2680 = vector.shape_cast %get3A_2679 : vector<1x1x16xf32> to vector<16xf32>
        %mul3A_2681 = arith.mulf %get3A_2680, %gather3A_2651 : vector<16xf32>
        %add3A_2682 = arith.addf %add3A_2674, %mul3A_2681 : vector<16xf32>
        %get3A_2683 = arith.constant 13 : i32
        %get3A_2684 = arith.index_cast %get3A_2683 : i32 to index
        %get3A_2685 = arith.index_cast %add3A_1350 : i32 to index
        %get3A_2686 = arith.constant 96 : index
        %get3A_2687 = tpu.vector_load %arg16[%get3A_2684, %get3A_2685, %get3A_2686] {strides = array<i32>} : memref<18x16x128xf32, #tpu.memory_space<vmem>>, vector<1x1x16xf32>,
        %get3A_2688 = vector.shape_cast %get3A_2687 : vector<1x1x16xf32> to vector<16xf32>
        %mul3A_2689 = arith.mulf %get3A_2688, %gather3A_2659 : vector<16xf32>
        %add3A_2690 = arith.addf %add3A_2682, %mul3A_2689 : vector<16xf32>
        %get3A_2691 = arith.constant 13 : i32
        %get3A_2692 = arith.index_cast %get3A_2691 : i32 to index
        %get3A_2693 = arith.index_cast %add3A_1350 : i32 to index
        %get3A_2694 = arith.constant 16 : index
        %get3A_2695 = tpu.vector_load %arg16[%get3A_2692, %get3A_2693, %get3A_2694] {strides = array<i32>} : memref<18x16x128xf32, #tpu.memory_space<vmem>>, vector<1x1x16xf32>,
        %get3A_2696 = vector.shape_cast %get3A_2695 : vector<1x1x16xf32> to vector<16xf32>
        %mul3A_2697 = arith.mulf %get3A_2696, %gather3A_2635 : vector<16xf32>
        %get3A_2698 = arith.constant 13 : i32
        %get3A_2699 = arith.index_cast %get3A_2698 : i32 to index
        %get3A_2700 = arith.index_cast %add3A_1350 : i32 to index
        %get3A_2701 = arith.constant 48 : index
        %get3A_2702 = tpu.vector_load %arg16[%get3A_2699, %get3A_2700, %get3A_2701] {strides = array<i32>} : memref<18x16x128xf32, #tpu.memory_space<vmem>>, vector<1x1x16xf32>,
        %get3A_2703 = vector.shape_cast %get3A_2702 : vector<1x1x16xf32> to vector<16xf32>
        %mul3A_2704 = arith.mulf %get3A_2703, %gather3A_2643 : vector<16xf32>
        %add3A_2705 = arith.addf %mul3A_2697, %mul3A_2704 : vector<16xf32>
        %get3A_2706 = arith.constant 13 : i32
        %get3A_2707 = arith.index_cast %get3A_2706 : i32 to index
        %get3A_2708 = arith.index_cast %add3A_1350 : i32 to index
        %get3A_2709 = arith.constant 80 : index
        %get3A_2710 = tpu.vector_load %arg16[%get3A_2707, %get3A_2708, %get3A_2709] {strides = array<i32>} : memref<18x16x128xf32, #tpu.memory_space<vmem>>, vector<1x1x16xf32>,
        %get3A_2711 = vector.shape_cast %get3A_2710 : vector<1x1x16xf32> to vector<16xf32>
        %mul3A_2712 = arith.mulf %get3A_2711, %gather3A_2651 : vector<16xf32>
        %add3A_2713 = arith.addf %add3A_2705, %mul3A_2712 : vector<16xf32>
        %get3A_2714 = arith.constant 13 : i32
        %get3A_2715 = arith.index_cast %get3A_2714 : i32 to index
        %get3A_2716 = arith.index_cast %add3A_1350 : i32 to index
        %get3A_2717 = arith.constant 112 : index
        %get3A_2718 = tpu.vector_load %arg16[%get3A_2715, %get3A_2716, %get3A_2717] {strides = array<i32>} : memref<18x16x128xf32, #tpu.memory_space<vmem>>, vector<1x1x16xf32>,
        %get3A_2719 = vector.shape_cast %get3A_2718 : vector<1x1x16xf32> to vector<16xf32>
        %mul3A_2720 = arith.mulf %get3A_2719, %gather3A_2659 : vector<16xf32>
        %add3A_2721 = arith.addf %add3A_2713, %mul3A_2720 : vector<16xf32>
        %mul3A_2722 = arith.mulf %add3A_2596, %add3A_2690 : vector<16xf32>
        %mul3A_2723 = arith.mulf %add3A_2627, %add3A_2721 : vector<16xf32>
        %get3A_2724 = arith.constant 56 : i32
        %get3A_2725 = arith.index_cast %get3A_2724 : i32 to index
        %get3A_2726 = arith.constant 0 : index
        %get3A_2727 = tpu.vector_load %arg15[%get3A_2725, %get3A_2726] {strides = array<i32>} : memref<72x16xf32, #tpu.memory_space<vmem>>, vector<1x16xf32>,
        %get3A_2728 = vector.shape_cast %get3A_2727 : vector<1x16xf32> to vector<16xf32>
        %broadcast_in_dim3A_2729 = vector.shape_cast %broadcast_in_dim3A : vector<16xi32> to vector<16x1xi32>
        %gather3A_2730 = vector.shape_cast %broadcast_in_dim3A_2729 : vector<16x1xi32> to vector<16xi32>
        %gather3A_2731 = tpu.dynamic_gather %get3A_2728[%gather3A_2730] in [0] : vector<16xf32>, vector<16xi32> -> vector<16xf32>
        %get3A_2732 = arith.constant 57 : i32
        %get3A_2733 = arith.index_cast %get3A_2732 : i32 to index
        %get3A_2734 = arith.constant 0 : index
        %get3A_2735 = tpu.vector_load %arg15[%get3A_2733, %get3A_2734] {strides = array<i32>} : memref<72x16xf32, #tpu.memory_space<vmem>>, vector<1x16xf32>,
        %get3A_2736 = vector.shape_cast %get3A_2735 : vector<1x16xf32> to vector<16xf32>
        %broadcast_in_dim3A_2737 = vector.shape_cast %broadcast_in_dim3A : vector<16xi32> to vector<16x1xi32>
        %gather3A_2738 = vector.shape_cast %broadcast_in_dim3A_2737 : vector<16x1xi32> to vector<16xi32>
        %gather3A_2739 = tpu.dynamic_gather %get3A_2736[%gather3A_2738] in [0] : vector<16xf32>, vector<16xi32> -> vector<16xf32>
        %get3A_2740 = arith.constant 58 : i32
        %get3A_2741 = arith.index_cast %get3A_2740 : i32 to index
        %get3A_2742 = arith.constant 0 : index
        %get3A_2743 = tpu.vector_load %arg15[%get3A_2741, %get3A_2742] {strides = array<i32>} : memref<72x16xf32, #tpu.memory_space<vmem>>, vector<1x16xf32>,
        %get3A_2744 = vector.shape_cast %get3A_2743 : vector<1x16xf32> to vector<16xf32>
        %broadcast_in_dim3A_2745 = vector.shape_cast %broadcast_in_dim3A : vector<16xi32> to vector<16x1xi32>
        %gather3A_2746 = vector.shape_cast %broadcast_in_dim3A_2745 : vector<16x1xi32> to vector<16xi32>
        %gather3A_2747 = tpu.dynamic_gather %get3A_2744[%gather3A_2746] in [0] : vector<16xf32>, vector<16xi32> -> vector<16xf32>
        %get3A_2748 = arith.constant 59 : i32
        %get3A_2749 = arith.index_cast %get3A_2748 : i32 to index
        %get3A_2750 = arith.constant 0 : index
        %get3A_2751 = tpu.vector_load %arg15[%get3A_2749, %get3A_2750] {strides = array<i32>} : memref<72x16xf32, #tpu.memory_space<vmem>>, vector<1x16xf32>,
        %get3A_2752 = vector.shape_cast %get3A_2751 : vector<1x16xf32> to vector<16xf32>
        %broadcast_in_dim3A_2753 = vector.shape_cast %broadcast_in_dim3A : vector<16xi32> to vector<16x1xi32>
        %gather3A_2754 = vector.shape_cast %broadcast_in_dim3A_2753 : vector<16x1xi32> to vector<16xi32>
        %gather3A_2755 = tpu.dynamic_gather %get3A_2752[%gather3A_2754] in [0] : vector<16xf32>, vector<16xi32> -> vector<16xf32>
        %get3A_2756 = arith.constant 14 : i32
        %get3A_2757 = arith.index_cast %get3A_2756 : i32 to index
        %get3A_2758 = arith.index_cast %add3A_1350 : i32 to index
        %get3A_2759 = arith.constant 0 : index
        %get3A_2760 = tpu.vector_load %arg16[%get3A_2757, %get3A_2758, %get3A_2759] {strides = array<i32>} : memref<18x16x128xf32, #tpu.memory_space<vmem>>, vector<1x1x16xf32>,
        %get3A_2761 = vector.shape_cast %get3A_2760 : vector<1x1x16xf32> to vector<16xf32>
        %mul3A_2762 = arith.mulf %get3A_2761, %gather3A_2731 : vector<16xf32>
        %get3A_2763 = arith.constant 14 : i32
        %get3A_2764 = arith.index_cast %get3A_2763 : i32 to index
        %get3A_2765 = arith.index_cast %add3A_1350 : i32 to index
        %get3A_2766 = arith.constant 32 : index
        %get3A_2767 = tpu.vector_load %arg16[%get3A_2764, %get3A_2765, %get3A_2766] {strides = array<i32>} : memref<18x16x128xf32, #tpu.memory_space<vmem>>, vector<1x1x16xf32>,
        %get3A_2768 = vector.shape_cast %get3A_2767 : vector<1x1x16xf32> to vector<16xf32>
        %mul3A_2769 = arith.mulf %get3A_2768, %gather3A_2739 : vector<16xf32>
        %add3A_2770 = arith.addf %mul3A_2762, %mul3A_2769 : vector<16xf32>
        %get3A_2771 = arith.constant 14 : i32
        %get3A_2772 = arith.index_cast %get3A_2771 : i32 to index
        %get3A_2773 = arith.index_cast %add3A_1350 : i32 to index
        %get3A_2774 = arith.constant 64 : index
        %get3A_2775 = tpu.vector_load %arg16[%get3A_2772, %get3A_2773, %get3A_2774] {strides = array<i32>} : memref<18x16x128xf32, #tpu.memory_space<vmem>>, vector<1x1x16xf32>,
        %get3A_2776 = vector.shape_cast %get3A_2775 : vector<1x1x16xf32> to vector<16xf32>
        %mul3A_2777 = arith.mulf %get3A_2776, %gather3A_2747 : vector<16xf32>
        %add3A_2778 = arith.addf %add3A_2770, %mul3A_2777 : vector<16xf32>
        %get3A_2779 = arith.constant 14 : i32
        %get3A_2780 = arith.index_cast %get3A_2779 : i32 to index
        %get3A_2781 = arith.index_cast %add3A_1350 : i32 to index
        %get3A_2782 = arith.constant 96 : index
        %get3A_2783 = tpu.vector_load %arg16[%get3A_2780, %get3A_2781, %get3A_2782] {strides = array<i32>} : memref<18x16x128xf32, #tpu.memory_space<vmem>>, vector<1x1x16xf32>,
        %get3A_2784 = vector.shape_cast %get3A_2783 : vector<1x1x16xf32> to vector<16xf32>
        %mul3A_2785 = arith.mulf %get3A_2784, %gather3A_2755 : vector<16xf32>
        %add3A_2786 = arith.addf %add3A_2778, %mul3A_2785 : vector<16xf32>
        %get3A_2787 = arith.constant 14 : i32
        %get3A_2788 = arith.index_cast %get3A_2787 : i32 to index
        %get3A_2789 = arith.index_cast %add3A_1350 : i32 to index
        %get3A_2790 = arith.constant 16 : index
        %get3A_2791 = tpu.vector_load %arg16[%get3A_2788, %get3A_2789, %get3A_2790] {strides = array<i32>} : memref<18x16x128xf32, #tpu.memory_space<vmem>>, vector<1x1x16xf32>,
        %get3A_2792 = vector.shape_cast %get3A_2791 : vector<1x1x16xf32> to vector<16xf32>
        %mul3A_2793 = arith.mulf %get3A_2792, %gather3A_2731 : vector<16xf32>
        %get3A_2794 = arith.constant 14 : i32
        %get3A_2795 = arith.index_cast %get3A_2794 : i32 to index
        %get3A_2796 = arith.index_cast %add3A_1350 : i32 to index
        %get3A_2797 = arith.constant 48 : index
        %get3A_2798 = tpu.vector_load %arg16[%get3A_2795, %get3A_2796, %get3A_2797] {strides = array<i32>} : memref<18x16x128xf32, #tpu.memory_space<vmem>>, vector<1x1x16xf32>,
        %get3A_2799 = vector.shape_cast %get3A_2798 : vector<1x1x16xf32> to vector<16xf32>
        %mul3A_2800 = arith.mulf %get3A_2799, %gather3A_2739 : vector<16xf32>
        %add3A_2801 = arith.addf %mul3A_2793, %mul3A_2800 : vector<16xf32>
        %get3A_2802 = arith.constant 14 : i32
        %get3A_2803 = arith.index_cast %get3A_2802 : i32 to index
        %get3A_2804 = arith.index_cast %add3A_1350 : i32 to index
        %get3A_2805 = arith.constant 80 : index
        %get3A_2806 = tpu.vector_load %arg16[%get3A_2803, %get3A_2804, %get3A_2805] {strides = array<i32>} : memref<18x16x128xf32, #tpu.memory_space<vmem>>, vector<1x1x16xf32>,
        %get3A_2807 = vector.shape_cast %get3A_2806 : vector<1x1x16xf32> to vector<16xf32>
        %mul3A_2808 = arith.mulf %get3A_2807, %gather3A_2747 : vector<16xf32>
        %add3A_2809 = arith.addf %add3A_2801, %mul3A_2808 : vector<16xf32>
        %get3A_2810 = arith.constant 14 : i32
        %get3A_2811 = arith.index_cast %get3A_2810 : i32 to index
        %get3A_2812 = arith.index_cast %add3A_1350 : i32 to index
        %get3A_2813 = arith.constant 112 : index
        %get3A_2814 = tpu.vector_load %arg16[%get3A_2811, %get3A_2812, %get3A_2813] {strides = array<i32>} : memref<18x16x128xf32, #tpu.memory_space<vmem>>, vector<1x1x16xf32>,
        %get3A_2815 = vector.shape_cast %get3A_2814 : vector<1x1x16xf32> to vector<16xf32>
        %mul3A_2816 = arith.mulf %get3A_2815, %gather3A_2755 : vector<16xf32>
        %add3A_2817 = arith.addf %add3A_2809, %mul3A_2816 : vector<16xf32>
        %mul3A_2818 = arith.mulf %mul3A_2722, %add3A_2786 : vector<16xf32>
        %mul3A_2819 = arith.mulf %mul3A_2723, %add3A_2817 : vector<16xf32>
        %get3A_2820 = arith.constant 60 : i32
        %get3A_2821 = arith.index_cast %get3A_2820 : i32 to index
        %get3A_2822 = arith.constant 0 : index
        %get3A_2823 = tpu.vector_load %arg15[%get3A_2821, %get3A_2822] {strides = array<i32>} : memref<72x16xf32, #tpu.memory_space<vmem>>, vector<1x16xf32>,
        %get3A_2824 = vector.shape_cast %get3A_2823 : vector<1x16xf32> to vector<16xf32>
        %broadcast_in_dim3A_2825 = vector.shape_cast %broadcast_in_dim3A : vector<16xi32> to vector<16x1xi32>
        %gather3A_2826 = vector.shape_cast %broadcast_in_dim3A_2825 : vector<16x1xi32> to vector<16xi32>
        %gather3A_2827 = tpu.dynamic_gather %get3A_2824[%gather3A_2826] in [0] : vector<16xf32>, vector<16xi32> -> vector<16xf32>
        %get3A_2828 = arith.constant 61 : i32
        %get3A_2829 = arith.index_cast %get3A_2828 : i32 to index
        %get3A_2830 = arith.constant 0 : index
        %get3A_2831 = tpu.vector_load %arg15[%get3A_2829, %get3A_2830] {strides = array<i32>} : memref<72x16xf32, #tpu.memory_space<vmem>>, vector<1x16xf32>,
        %get3A_2832 = vector.shape_cast %get3A_2831 : vector<1x16xf32> to vector<16xf32>
        %broadcast_in_dim3A_2833 = vector.shape_cast %broadcast_in_dim3A : vector<16xi32> to vector<16x1xi32>
        %gather3A_2834 = vector.shape_cast %broadcast_in_dim3A_2833 : vector<16x1xi32> to vector<16xi32>
        %gather3A_2835 = tpu.dynamic_gather %get3A_2832[%gather3A_2834] in [0] : vector<16xf32>, vector<16xi32> -> vector<16xf32>
        %get3A_2836 = arith.constant 62 : i32
        %get3A_2837 = arith.index_cast %get3A_2836 : i32 to index
        %get3A_2838 = arith.constant 0 : index
        %get3A_2839 = tpu.vector_load %arg15[%get3A_2837, %get3A_2838] {strides = array<i32>} : memref<72x16xf32, #tpu.memory_space<vmem>>, vector<1x16xf32>,
        %get3A_2840 = vector.shape_cast %get3A_2839 : vector<1x16xf32> to vector<16xf32>
        %broadcast_in_dim3A_2841 = vector.shape_cast %broadcast_in_dim3A : vector<16xi32> to vector<16x1xi32>
        %gather3A_2842 = vector.shape_cast %broadcast_in_dim3A_2841 : vector<16x1xi32> to vector<16xi32>
        %gather3A_2843 = tpu.dynamic_gather %get3A_2840[%gather3A_2842] in [0] : vector<16xf32>, vector<16xi32> -> vector<16xf32>
        %get3A_2844 = arith.constant 63 : i32
        %get3A_2845 = arith.index_cast %get3A_2844 : i32 to index
        %get3A_2846 = arith.constant 0 : index
        %get3A_2847 = tpu.vector_load %arg15[%get3A_2845, %get3A_2846] {strides = array<i32>} : memref<72x16xf32, #tpu.memory_space<vmem>>, vector<1x16xf32>,
        %get3A_2848 = vector.shape_cast %get3A_2847 : vector<1x16xf32> to vector<16xf32>
        %broadcast_in_dim3A_2849 = vector.shape_cast %broadcast_in_dim3A : vector<16xi32> to vector<16x1xi32>
        %gather3A_2850 = vector.shape_cast %broadcast_in_dim3A_2849 : vector<16x1xi32> to vector<16xi32>
        %gather3A_2851 = tpu.dynamic_gather %get3A_2848[%gather3A_2850] in [0] : vector<16xf32>, vector<16xi32> -> vector<16xf32>
        %get3A_2852 = arith.constant 15 : i32
        %get3A_2853 = arith.index_cast %get3A_2852 : i32 to index
        %get3A_2854 = arith.index_cast %add3A_1350 : i32 to index
        %get3A_2855 = arith.constant 0 : index
        %get3A_2856 = tpu.vector_load %arg16[%get3A_2853, %get3A_2854, %get3A_2855] {strides = array<i32>} : memref<18x16x128xf32, #tpu.memory_space<vmem>>, vector<1x1x16xf32>,
        %get3A_2857 = vector.shape_cast %get3A_2856 : vector<1x1x16xf32> to vector<16xf32>
        %mul3A_2858 = arith.mulf %get3A_2857, %gather3A_2827 : vector<16xf32>
        %get3A_2859 = arith.constant 15 : i32
        %get3A_2860 = arith.index_cast %get3A_2859 : i32 to index
        %get3A_2861 = arith.index_cast %add3A_1350 : i32 to index
        %get3A_2862 = arith.constant 32 : index
        %get3A_2863 = tpu.vector_load %arg16[%get3A_2860, %get3A_2861, %get3A_2862] {strides = array<i32>} : memref<18x16x128xf32, #tpu.memory_space<vmem>>, vector<1x1x16xf32>,
        %get3A_2864 = vector.shape_cast %get3A_2863 : vector<1x1x16xf32> to vector<16xf32>
        %mul3A_2865 = arith.mulf %get3A_2864, %gather3A_2835 : vector<16xf32>
        %add3A_2866 = arith.addf %mul3A_2858, %mul3A_2865 : vector<16xf32>
        %get3A_2867 = arith.constant 15 : i32
        %get3A_2868 = arith.index_cast %get3A_2867 : i32 to index
        %get3A_2869 = arith.index_cast %add3A_1350 : i32 to index
        %get3A_2870 = arith.constant 64 : index
        %get3A_2871 = tpu.vector_load %arg16[%get3A_2868, %get3A_2869, %get3A_2870] {strides = array<i32>} : memref<18x16x128xf32, #tpu.memory_space<vmem>>, vector<1x1x16xf32>,
        %get3A_2872 = vector.shape_cast %get3A_2871 : vector<1x1x16xf32> to vector<16xf32>
        %mul3A_2873 = arith.mulf %get3A_2872, %gather3A_2843 : vector<16xf32>
        %add3A_2874 = arith.addf %add3A_2866, %mul3A_2873 : vector<16xf32>
        %get3A_2875 = arith.constant 15 : i32
        %get3A_2876 = arith.index_cast %get3A_2875 : i32 to index
        %get3A_2877 = arith.index_cast %add3A_1350 : i32 to index
        %get3A_2878 = arith.constant 96 : index
        %get3A_2879 = tpu.vector_load %arg16[%get3A_2876, %get3A_2877, %get3A_2878] {strides = array<i32>} : memref<18x16x128xf32, #tpu.memory_space<vmem>>, vector<1x1x16xf32>,
        %get3A_2880 = vector.shape_cast %get3A_2879 : vector<1x1x16xf32> to vector<16xf32>
        %mul3A_2881 = arith.mulf %get3A_2880, %gather3A_2851 : vector<16xf32>
        %add3A_2882 = arith.addf %add3A_2874, %mul3A_2881 : vector<16xf32>
        %get3A_2883 = arith.constant 15 : i32
        %get3A_2884 = arith.index_cast %get3A_2883 : i32 to index
        %get3A_2885 = arith.index_cast %add3A_1350 : i32 to index
        %get3A_2886 = arith.constant 16 : index
        %get3A_2887 = tpu.vector_load %arg16[%get3A_2884, %get3A_2885, %get3A_2886] {strides = array<i32>} : memref<18x16x128xf32, #tpu.memory_space<vmem>>, vector<1x1x16xf32>,
        %get3A_2888 = vector.shape_cast %get3A_2887 : vector<1x1x16xf32> to vector<16xf32>
        %mul3A_2889 = arith.mulf %get3A_2888, %gather3A_2827 : vector<16xf32>
        %get3A_2890 = arith.constant 15 : i32
        %get3A_2891 = arith.index_cast %get3A_2890 : i32 to index
        %get3A_2892 = arith.index_cast %add3A_1350 : i32 to index
        %get3A_2893 = arith.constant 48 : index
        %get3A_2894 = tpu.vector_load %arg16[%get3A_2891, %get3A_2892, %get3A_2893] {strides = array<i32>} : memref<18x16x128xf32, #tpu.memory_space<vmem>>, vector<1x1x16xf32>,
        %get3A_2895 = vector.shape_cast %get3A_2894 : vector<1x1x16xf32> to vector<16xf32>
        %mul3A_2896 = arith.mulf %get3A_2895, %gather3A_2835 : vector<16xf32>
        %add3A_2897 = arith.addf %mul3A_2889, %mul3A_2896 : vector<16xf32>
        %get3A_2898 = arith.constant 15 : i32
        %get3A_2899 = arith.index_cast %get3A_2898 : i32 to index
        %get3A_2900 = arith.index_cast %add3A_1350 : i32 to index
        %get3A_2901 = arith.constant 80 : index
        %get3A_2902 = tpu.vector_load %arg16[%get3A_2899, %get3A_2900, %get3A_2901] {strides = array<i32>} : memref<18x16x128xf32, #tpu.memory_space<vmem>>, vector<1x1x16xf32>,
        %get3A_2903 = vector.shape_cast %get3A_2902 : vector<1x1x16xf32> to vector<16xf32>
        %mul3A_2904 = arith.mulf %get3A_2903, %gather3A_2843 : vector<16xf32>
        %add3A_2905 = arith.addf %add3A_2897, %mul3A_2904 : vector<16xf32>
        %get3A_2906 = arith.constant 15 : i32
        %get3A_2907 = arith.index_cast %get3A_2906 : i32 to index
        %get3A_2908 = arith.index_cast %add3A_1350 : i32 to index
        %get3A_2909 = arith.constant 112 : index
        %get3A_2910 = tpu.vector_load %arg16[%get3A_2907, %get3A_2908, %get3A_2909] {strides = array<i32>} : memref<18x16x128xf32, #tpu.memory_space<vmem>>, vector<1x1x16xf32>,
        %get3A_2911 = vector.shape_cast %get3A_2910 : vector<1x1x16xf32> to vector<16xf32>
        %mul3A_2912 = arith.mulf %get3A_2911, %gather3A_2851 : vector<16xf32>
        %add3A_2913 = arith.addf %add3A_2905, %mul3A_2912 : vector<16xf32>
        %mul3A_2914 = arith.mulf %mul3A_2818, %add3A_2882 : vector<16xf32>
        %mul3A_2915 = arith.mulf %mul3A_2819, %add3A_2913 : vector<16xf32>
        %get3A_2916 = arith.constant 64 : i32
        %get3A_2917 = arith.index_cast %get3A_2916 : i32 to index
        %get3A_2918 = arith.constant 0 : index
        %get3A_2919 = tpu.vector_load %arg15[%get3A_2917, %get3A_2918] {strides = array<i32>} : memref<72x16xf32, #tpu.memory_space<vmem>>, vector<1x16xf32>,
        %get3A_2920 = vector.shape_cast %get3A_2919 : vector<1x16xf32> to vector<16xf32>
        %broadcast_in_dim3A_2921 = vector.shape_cast %broadcast_in_dim3A : vector<16xi32> to vector<16x1xi32>
        %gather3A_2922 = vector.shape_cast %broadcast_in_dim3A_2921 : vector<16x1xi32> to vector<16xi32>
        %gather3A_2923 = tpu.dynamic_gather %get3A_2920[%gather3A_2922] in [0] : vector<16xf32>, vector<16xi32> -> vector<16xf32>
        %get3A_2924 = arith.constant 65 : i32
        %get3A_2925 = arith.index_cast %get3A_2924 : i32 to index
        %get3A_2926 = arith.constant 0 : index
        %get3A_2927 = tpu.vector_load %arg15[%get3A_2925, %get3A_2926] {strides = array<i32>} : memref<72x16xf32, #tpu.memory_space<vmem>>, vector<1x16xf32>,
        %get3A_2928 = vector.shape_cast %get3A_2927 : vector<1x16xf32> to vector<16xf32>
        %broadcast_in_dim3A_2929 = vector.shape_cast %broadcast_in_dim3A : vector<16xi32> to vector<16x1xi32>
        %gather3A_2930 = vector.shape_cast %broadcast_in_dim3A_2929 : vector<16x1xi32> to vector<16xi32>
        %gather3A_2931 = tpu.dynamic_gather %get3A_2928[%gather3A_2930] in [0] : vector<16xf32>, vector<16xi32> -> vector<16xf32>
        %get3A_2932 = arith.constant 66 : i32
        %get3A_2933 = arith.index_cast %get3A_2932 : i32 to index
        %get3A_2934 = arith.constant 0 : index
        %get3A_2935 = tpu.vector_load %arg15[%get3A_2933, %get3A_2934] {strides = array<i32>} : memref<72x16xf32, #tpu.memory_space<vmem>>, vector<1x16xf32>,
        %get3A_2936 = vector.shape_cast %get3A_2935 : vector<1x16xf32> to vector<16xf32>
        %broadcast_in_dim3A_2937 = vector.shape_cast %broadcast_in_dim3A : vector<16xi32> to vector<16x1xi32>
        %gather3A_2938 = vector.shape_cast %broadcast_in_dim3A_2937 : vector<16x1xi32> to vector<16xi32>
        %gather3A_2939 = tpu.dynamic_gather %get3A_2936[%gather3A_2938] in [0] : vector<16xf32>, vector<16xi32> -> vector<16xf32>
        %get3A_2940 = arith.constant 67 : i32
        %get3A_2941 = arith.index_cast %get3A_2940 : i32 to index
        %get3A_2942 = arith.constant 0 : index
        %get3A_2943 = tpu.vector_load %arg15[%get3A_2941, %get3A_2942] {strides = array<i32>} : memref<72x16xf32, #tpu.memory_space<vmem>>, vector<1x16xf32>,
        %get3A_2944 = vector.shape_cast %get3A_2943 : vector<1x16xf32> to vector<16xf32>
        %broadcast_in_dim3A_2945 = vector.shape_cast %broadcast_in_dim3A : vector<16xi32> to vector<16x1xi32>
        %gather3A_2946 = vector.shape_cast %broadcast_in_dim3A_2945 : vector<16x1xi32> to vector<16xi32>
        %gather3A_2947 = tpu.dynamic_gather %get3A_2944[%gather3A_2946] in [0] : vector<16xf32>, vector<16xi32> -> vector<16xf32>
        %get3A_2948 = arith.constant 16 : i32
        %get3A_2949 = arith.index_cast %get3A_2948 : i32 to index
        %get3A_2950 = arith.index_cast %add3A_1350 : i32 to index
        %get3A_2951 = arith.constant 0 : index
        %get3A_2952 = tpu.vector_load %arg16[%get3A_2949, %get3A_2950, %get3A_2951] {strides = array<i32>} : memref<18x16x128xf32, #tpu.memory_space<vmem>>, vector<1x1x16xf32>,
        %get3A_2953 = vector.shape_cast %get3A_2952 : vector<1x1x16xf32> to vector<16xf32>
        %mul3A_2954 = arith.mulf %get3A_2953, %gather3A_2923 : vector<16xf32>
        %get3A_2955 = arith.constant 16 : i32
        %get3A_2956 = arith.index_cast %get3A_2955 : i32 to index
        %get3A_2957 = arith.index_cast %add3A_1350 : i32 to index
        %get3A_2958 = arith.constant 32 : index
        %get3A_2959 = tpu.vector_load %arg16[%get3A_2956, %get3A_2957, %get3A_2958] {strides = array<i32>} : memref<18x16x128xf32, #tpu.memory_space<vmem>>, vector<1x1x16xf32>,
        %get3A_2960 = vector.shape_cast %get3A_2959 : vector<1x1x16xf32> to vector<16xf32>
        %mul3A_2961 = arith.mulf %get3A_2960, %gather3A_2931 : vector<16xf32>
        %add3A_2962 = arith.addf %mul3A_2954, %mul3A_2961 : vector<16xf32>
        %get3A_2963 = arith.constant 16 : i32
        %get3A_2964 = arith.index_cast %get3A_2963 : i32 to index
        %get3A_2965 = arith.index_cast %add3A_1350 : i32 to index
        %get3A_2966 = arith.constant 64 : index
        %get3A_2967 = tpu.vector_load %arg16[%get3A_2964, %get3A_2965, %get3A_2966] {strides = array<i32>} : memref<18x16x128xf32, #tpu.memory_space<vmem>>, vector<1x1x16xf32>,
        %get3A_2968 = vector.shape_cast %get3A_2967 : vector<1x1x16xf32> to vector<16xf32>
        %mul3A_2969 = arith.mulf %get3A_2968, %gather3A_2939 : vector<16xf32>
        %add3A_2970 = arith.addf %add3A_2962, %mul3A_2969 : vector<16xf32>
        %get3A_2971 = arith.constant 16 : i32
        %get3A_2972 = arith.index_cast %get3A_2971 : i32 to index
        %get3A_2973 = arith.index_cast %add3A_1350 : i32 to index
        %get3A_2974 = arith.constant 96 : index
        %get3A_2975 = tpu.vector_load %arg16[%get3A_2972, %get3A_2973, %get3A_2974] {strides = array<i32>} : memref<18x16x128xf32, #tpu.memory_space<vmem>>, vector<1x1x16xf32>,
        %get3A_2976 = vector.shape_cast %get3A_2975 : vector<1x1x16xf32> to vector<16xf32>
        %mul3A_2977 = arith.mulf %get3A_2976, %gather3A_2947 : vector<16xf32>
        %add3A_2978 = arith.addf %add3A_2970, %mul3A_2977 : vector<16xf32>
        %get3A_2979 = arith.constant 16 : i32
        %get3A_2980 = arith.index_cast %get3A_2979 : i32 to index
        %get3A_2981 = arith.index_cast %add3A_1350 : i32 to index
        %get3A_2982 = arith.constant 16 : index
        %get3A_2983 = tpu.vector_load %arg16[%get3A_2980, %get3A_2981, %get3A_2982] {strides = array<i32>} : memref<18x16x128xf32, #tpu.memory_space<vmem>>, vector<1x1x16xf32>,
        %get3A_2984 = vector.shape_cast %get3A_2983 : vector<1x1x16xf32> to vector<16xf32>
        %mul3A_2985 = arith.mulf %get3A_2984, %gather3A_2923 : vector<16xf32>
        %get3A_2986 = arith.constant 16 : i32
        %get3A_2987 = arith.index_cast %get3A_2986 : i32 to index
        %get3A_2988 = arith.index_cast %add3A_1350 : i32 to index
        %get3A_2989 = arith.constant 48 : index
        %get3A_2990 = tpu.vector_load %arg16[%get3A_2987, %get3A_2988, %get3A_2989] {strides = array<i32>} : memref<18x16x128xf32, #tpu.memory_space<vmem>>, vector<1x1x16xf32>,
        %get3A_2991 = vector.shape_cast %get3A_2990 : vector<1x1x16xf32> to vector<16xf32>
        %mul3A_2992 = arith.mulf %get3A_2991, %gather3A_2931 : vector<16xf32>
        %add3A_2993 = arith.addf %mul3A_2985, %mul3A_2992 : vector<16xf32>
        %get3A_2994 = arith.constant 16 : i32
        %get3A_2995 = arith.index_cast %get3A_2994 : i32 to index
        %get3A_2996 = arith.index_cast %add3A_1350 : i32 to index
        %get3A_2997 = arith.constant 80 : index
        %get3A_2998 = tpu.vector_load %arg16[%get3A_2995, %get3A_2996, %get3A_2997] {strides = array<i32>} : memref<18x16x128xf32, #tpu.memory_space<vmem>>, vector<1x1x16xf32>,
        %get3A_2999 = vector.shape_cast %get3A_2998 : vector<1x1x16xf32> to vector<16xf32>
        %mul3A_3000 = arith.mulf %get3A_2999, %gather3A_2939 : vector<16xf32>
        %add3A_3001 = arith.addf %add3A_2993, %mul3A_3000 : vector<16xf32>
        %get3A_3002 = arith.constant 16 : i32
        %get3A_3003 = arith.index_cast %get3A_3002 : i32 to index
        %get3A_3004 = arith.index_cast %add3A_1350 : i32 to index
        %get3A_3005 = arith.constant 112 : index
        %get3A_3006 = tpu.vector_load %arg16[%get3A_3003, %get3A_3004, %get3A_3005] {strides = array<i32>} : memref<18x16x128xf32, #tpu.memory_space<vmem>>, vector<1x1x16xf32>,
        %get3A_3007 = vector.shape_cast %get3A_3006 : vector<1x1x16xf32> to vector<16xf32>
        %mul3A_3008 = arith.mulf %get3A_3007, %gather3A_2947 : vector<16xf32>
        %add3A_3009 = arith.addf %add3A_3001, %mul3A_3008 : vector<16xf32>
        %mul3A_3010 = arith.mulf %mul3A_2914, %add3A_2978 : vector<16xf32>
        %mul3A_3011 = arith.mulf %mul3A_2915, %add3A_3009 : vector<16xf32>
        %get3A_3012 = arith.constant 68 : i32
        %get3A_3013 = arith.index_cast %get3A_3012 : i32 to index
        %get3A_3014 = arith.constant 0 : index
        %get3A_3015 = tpu.vector_load %arg15[%get3A_3013, %get3A_3014] {strides = array<i32>} : memref<72x16xf32, #tpu.memory_space<vmem>>, vector<1x16xf32>,
        %get3A_3016 = vector.shape_cast %get3A_3015 : vector<1x16xf32> to vector<16xf32>
        %broadcast_in_dim3A_3017 = vector.shape_cast %broadcast_in_dim3A : vector<16xi32> to vector<16x1xi32>
        %gather3A_3018 = vector.shape_cast %broadcast_in_dim3A_3017 : vector<16x1xi32> to vector<16xi32>
        %gather3A_3019 = tpu.dynamic_gather %get3A_3016[%gather3A_3018] in [0] : vector<16xf32>, vector<16xi32> -> vector<16xf32>
        %get3A_3020 = arith.constant 69 : i32
        %get3A_3021 = arith.index_cast %get3A_3020 : i32 to index
        %get3A_3022 = arith.constant 0 : index
        %get3A_3023 = tpu.vector_load %arg15[%get3A_3021, %get3A_3022] {strides = array<i32>} : memref<72x16xf32, #tpu.memory_space<vmem>>, vector<1x16xf32>,
        %get3A_3024 = vector.shape_cast %get3A_3023 : vector<1x16xf32> to vector<16xf32>
        %broadcast_in_dim3A_3025 = vector.shape_cast %broadcast_in_dim3A : vector<16xi32> to vector<16x1xi32>
        %gather3A_3026 = vector.shape_cast %broadcast_in_dim3A_3025 : vector<16x1xi32> to vector<16xi32>
        %gather3A_3027 = tpu.dynamic_gather %get3A_3024[%gather3A_3026] in [0] : vector<16xf32>, vector<16xi32> -> vector<16xf32>
        %get3A_3028 = arith.constant 70 : i32
        %get3A_3029 = arith.index_cast %get3A_3028 : i32 to index
        %get3A_3030 = arith.constant 0 : index
        %get3A_3031 = tpu.vector_load %arg15[%get3A_3029, %get3A_3030] {strides = array<i32>} : memref<72x16xf32, #tpu.memory_space<vmem>>, vector<1x16xf32>,
        %get3A_3032 = vector.shape_cast %get3A_3031 : vector<1x16xf32> to vector<16xf32>
        %broadcast_in_dim3A_3033 = vector.shape_cast %broadcast_in_dim3A : vector<16xi32> to vector<16x1xi32>
        %gather3A_3034 = vector.shape_cast %broadcast_in_dim3A_3033 : vector<16x1xi32> to vector<16xi32>
        %gather3A_3035 = tpu.dynamic_gather %get3A_3032[%gather3A_3034] in [0] : vector<16xf32>, vector<16xi32> -> vector<16xf32>
        %get3A_3036 = arith.constant 71 : i32
        %get3A_3037 = arith.index_cast %get3A_3036 : i32 to index
        %get3A_3038 = arith.constant 0 : index
        %get3A_3039 = tpu.vector_load %arg15[%get3A_3037, %get3A_3038] {strides = array<i32>} : memref<72x16xf32, #tpu.memory_space<vmem>>, vector<1x16xf32>,
        %get3A_3040 = vector.shape_cast %get3A_3039 : vector<1x16xf32> to vector<16xf32>
        %broadcast_in_dim3A_3041 = vector.shape_cast %broadcast_in_dim3A : vector<16xi32> to vector<16x1xi32>
        %gather3A_3042 = vector.shape_cast %broadcast_in_dim3A_3041 : vector<16x1xi32> to vector<16xi32>
        %gather3A_3043 = tpu.dynamic_gather %get3A_3040[%gather3A_3042] in [0] : vector<16xf32>, vector<16xi32> -> vector<16xf32>
        %get3A_3044 = arith.constant 17 : i32
        %get3A_3045 = arith.index_cast %get3A_3044 : i32 to index
        %get3A_3046 = arith.index_cast %add3A_1350 : i32 to index
        %get3A_3047 = arith.constant 0 : index
        %get3A_3048 = tpu.vector_load %arg16[%get3A_3045, %get3A_3046, %get3A_3047] {strides = array<i32>} : memref<18x16x128xf32, #tpu.memory_space<vmem>>, vector<1x1x16xf32>,
        %get3A_3049 = vector.shape_cast %get3A_3048 : vector<1x1x16xf32> to vector<16xf32>
        %mul3A_3050 = arith.mulf %get3A_3049, %gather3A_3019 : vector<16xf32>
        %get3A_3051 = arith.constant 17 : i32
        %get3A_3052 = arith.index_cast %get3A_3051 : i32 to index
        %get3A_3053 = arith.index_cast %add3A_1350 : i32 to index
        %get3A_3054 = arith.constant 32 : index
        %get3A_3055 = tpu.vector_load %arg16[%get3A_3052, %get3A_3053, %get3A_3054] {strides = array<i32>} : memref<18x16x128xf32, #tpu.memory_space<vmem>>, vector<1x1x16xf32>,
        %get3A_3056 = vector.shape_cast %get3A_3055 : vector<1x1x16xf32> to vector<16xf32>
        %mul3A_3057 = arith.mulf %get3A_3056, %gather3A_3027 : vector<16xf32>
        %add3A_3058 = arith.addf %mul3A_3050, %mul3A_3057 : vector<16xf32>
        %get3A_3059 = arith.constant 17 : i32
        %get3A_3060 = arith.index_cast %get3A_3059 : i32 to index
        %get3A_3061 = arith.index_cast %add3A_1350 : i32 to index
        %get3A_3062 = arith.constant 64 : index
        %get3A_3063 = tpu.vector_load %arg16[%get3A_3060, %get3A_3061, %get3A_3062] {strides = array<i32>} : memref<18x16x128xf32, #tpu.memory_space<vmem>>, vector<1x1x16xf32>,
        %get3A_3064 = vector.shape_cast %get3A_3063 : vector<1x1x16xf32> to vector<16xf32>
        %mul3A_3065 = arith.mulf %get3A_3064, %gather3A_3035 : vector<16xf32>
        %add3A_3066 = arith.addf %add3A_3058, %mul3A_3065 : vector<16xf32>
        %get3A_3067 = arith.constant 17 : i32
        %get3A_3068 = arith.index_cast %get3A_3067 : i32 to index
        %get3A_3069 = arith.index_cast %add3A_1350 : i32 to index
        %get3A_3070 = arith.constant 96 : index
        %get3A_3071 = tpu.vector_load %arg16[%get3A_3068, %get3A_3069, %get3A_3070] {strides = array<i32>} : memref<18x16x128xf32, #tpu.memory_space<vmem>>, vector<1x1x16xf32>,
        %get3A_3072 = vector.shape_cast %get3A_3071 : vector<1x1x16xf32> to vector<16xf32>
        %mul3A_3073 = arith.mulf %get3A_3072, %gather3A_3043 : vector<16xf32>
        %add3A_3074 = arith.addf %add3A_3066, %mul3A_3073 : vector<16xf32>
        %get3A_3075 = arith.constant 17 : i32
        %get3A_3076 = arith.index_cast %get3A_3075 : i32 to index
        %get3A_3077 = arith.index_cast %add3A_1350 : i32 to index
        %get3A_3078 = arith.constant 16 : index
        %get3A_3079 = tpu.vector_load %arg16[%get3A_3076, %get3A_3077, %get3A_3078] {strides = array<i32>} : memref<18x16x128xf32, #tpu.memory_space<vmem>>, vector<1x1x16xf32>,
        %get3A_3080 = vector.shape_cast %get3A_3079 : vector<1x1x16xf32> to vector<16xf32>
        %mul3A_3081 = arith.mulf %get3A_3080, %gather3A_3019 : vector<16xf32>
        %get3A_3082 = arith.constant 17 : i32
        %get3A_3083 = arith.index_cast %get3A_3082 : i32 to index
        %get3A_3084 = arith.index_cast %add3A_1350 : i32 to index
        %get3A_3085 = arith.constant 48 : index
        %get3A_3086 = tpu.vector_load %arg16[%get3A_3083, %get3A_3084, %get3A_3085] {strides = array<i32>} : memref<18x16x128xf32, #tpu.memory_space<vmem>>, vector<1x1x16xf32>,
        %get3A_3087 = vector.shape_cast %get3A_3086 : vector<1x1x16xf32> to vector<16xf32>
        %mul3A_3088 = arith.mulf %get3A_3087, %gather3A_3027 : vector<16xf32>
        %add3A_3089 = arith.addf %mul3A_3081, %mul3A_3088 : vector<16xf32>
        %get3A_3090 = arith.constant 17 : i32
        %get3A_3091 = arith.index_cast %get3A_3090 : i32 to index
        %get3A_3092 = arith.index_cast %add3A_1350 : i32 to index
        %get3A_3093 = arith.constant 80 : index
        %get3A_3094 = tpu.vector_load %arg16[%get3A_3091, %get3A_3092, %get3A_3093] {strides = array<i32>} : memref<18x16x128xf32, #tpu.memory_space<vmem>>, vector<1x1x16xf32>,
        %get3A_3095 = vector.shape_cast %get3A_3094 : vector<1x1x16xf32> to vector<16xf32>
        %mul3A_3096 = arith.mulf %get3A_3095, %gather3A_3035 : vector<16xf32>
        %add3A_3097 = arith.addf %add3A_3089, %mul3A_3096 : vector<16xf32>
        %get3A_3098 = arith.constant 17 : i32
        %get3A_3099 = arith.index_cast %get3A_3098 : i32 to index
        %get3A_3100 = arith.index_cast %add3A_1350 : i32 to index
        %get3A_3101 = arith.constant 112 : index
        %get3A_3102 = tpu.vector_load %arg16[%get3A_3099, %get3A_3100, %get3A_3101] {strides = array<i32>} : memref<18x16x128xf32, #tpu.memory_space<vmem>>, vector<1x1x16xf32>,
        %get3A_3103 = vector.shape_cast %get3A_3102 : vector<1x1x16xf32> to vector<16xf32>
        %mul3A_3104 = arith.mulf %get3A_3103, %gather3A_3043 : vector<16xf32>
        %add3A_3105 = arith.addf %add3A_3097, %mul3A_3104 : vector<16xf32>
        %mul3A_3106 = arith.mulf %mul3A_3010, %add3A_3074 : vector<16xf32>
        %mul3A_3107 = arith.mulf %mul3A_3011, %add3A_3105 : vector<16xf32>
        %mul3A_3108 = arith.constant 96 : i32
        %mul3A_3109 = arith.muli %add3A_1350, %mul3A_3108 : i32
        %add3A_3110 = arith.constant 64 : i32
        %add3A_3111 = arith.addi %mul3A_3109, %add3A_3110 : i32
        %swap3A_3112 = arith.index_cast %add3A_3111 : i32 to index
        %swap3A_3113 = tpu.vector_load %arg17[%swap3A_3112] {strides = array<i32>} : memref<1536xf32, #tpu.memory_space<vmem>>, vector<16xf32>,
        %swap3A_3114 = vector.shape_cast %swap3A_3113 : vector<16xf32> to vector<16xf32>
        %swap3A_3115 = vector.shape_cast %mul3A_3106 : vector<16xf32> to vector<16xf32>
        tpu.vector_store %arg17[%swap3A_3112], %swap3A_3115 {strides = array<i32>} : memref<1536xf32, #tpu.memory_space<vmem>>, vector<16xf32>,
        %mul3A_3116 = arith.constant 96 : i32
        %mul3A_3117 = arith.muli %add3A_1350, %mul3A_3116 : i32
        %add3A_3118 = arith.constant 64 : i32
        %add3A_3119 = arith.addi %mul3A_3117, %add3A_3118 : i32
        %add3A_3120 = arith.constant 16 : i32
        %add3A_3121 = arith.addi %add3A_3119, %add3A_3120 : i32
        %swap3A_3122 = arith.index_cast %add3A_3121 : i32 to index
        %swap3A_3123 = tpu.vector_load %arg17[%swap3A_3122] {strides = array<i32>} : memref<1536xf32, #tpu.memory_space<vmem>>, vector<16xf32>,
        %swap3A_3124 = vector.shape_cast %swap3A_3123 : vector<16xf32> to vector<16xf32>
        %swap3A_3125 = vector.shape_cast %mul3A_3107 : vector<16xf32> to vector<16xf32>
        tpu.vector_store %arg17[%swap3A_3122], %swap3A_3125 {strides = array<i32>} : memref<1536xf32, #tpu.memory_space<vmem>>, vector<16xf32>,
      }
      %scan3A_1343 = arith.constant 16 : i32
      %mul3A_1344 = arith.constant 96 : i32
      %mul3A_1345 = arith.muli %add3A_26, %mul3A_1344 : i32
      "tpu.region"() ({
        %run_scoped3A = tpu.sem_alloc : memref<!tpu.dma_semaphore, #tpu.memory_space<semaphore_mem>>
        %dma_start3A_1346 = tpu.memref_slice %arg8[%mul3A_1345] : memref<50331648xf32, #tpu.memory_space<hbm>> -> memref<1536xf32, #tpu.memory_space<hbm>>
        %dma_start3A_1347 = tpu.memref_slice %arg8[%mul3A_1345] : memref<50331648xf32, #tpu.memory_space<hbm>> -> memref<1536xf32, #tpu.memory_space<hbm>>
        tpu.enqueue_dma source(%arg17 : memref<1536xf32, #tpu.memory_space<vmem>>) target(%dma_start3A_1347 : memref<1536xf32, #tpu.memory_space<hbm>>) target_semaphore(%run_scoped3A : memref<!tpu.dma_semaphore, #tpu.memory_space<semaphore_mem>>)
        %dma_wait3A_1348 = tpu.memref_slice %arg8[%mul3A_1345] : memref<50331648xf32, #tpu.memory_space<hbm>> -> memref<1536xf32, #tpu.memory_space<hbm>>
        %dma_wait3A_1349 = tpu.memref_slice %arg8[%mul3A_1345] : memref<50331648xf32, #tpu.memory_space<hbm>> -> memref<1536xf32, #tpu.memory_space<hbm>>
        tpu.wait_dma2 semaphore(%run_scoped3A : memref<!tpu.dma_semaphore, #tpu.memory_space<semaphore_mem>>) src(%arg17 : memref<1536xf32, #tpu.memory_space<vmem>>) dst(%dma_wait3A_1349 : memref<1536xf32, #tpu.memory_space<hbm>>)
        tpu.yield
      }) : () -> ()
    }
    %scan3A_18 = arith.constant 1024 : i32
    return
  }
}

</mosaic_0001>

<sc_bundles>
// kernel: kernel.3.cloned.1.call-start
scs
__scs_entry_jumppad:
0x0: {  	(pc) =	sbr.rel $0x88, $3  }
0x1: {  	(tag) =	ssettag $0x0;
	lr =	simm.s32 $0x1  }
0x2: {  	[smem:$0x3F98] =	sst lr;
	_ =	strace $0xD0000000  }
0x3: {  	_ = 	snop  }
0x4: {  	_ = 	snop  }
0x5: {  	_ = 	snop  }
0x6: {  	_ = 	snop  }
0x7: {  	_ = 	snop  }
__scs_overlays_trampoline_lowered:
0x8: {  	[smem:$0x3FA7] =	sst s0  }
0x9: {  	[smem:$0x3FA8] =	sst s1  }
0xa: {  	[smem:$0x3FA9] =	sst s2  }
0xb: {  	[smem:$0x3FAA] =	sst s3  }
0xc: {  	[smem:$0x3FAB] =	sst s4  }
0xd: {  	[smem:$0x3FAC] =	sst s5  }
0xe: {  	[smem:$0x3FAD] =	sst s6  }
0xf: {  	[smem:$0x3FAE] =	sst s7  }
0x10: {  	[smem:$0x3FAF] =	sst s8  }
0x11: {  	[smem:$0x3FB0] =	sst s9;
	s0 =	simm.s32 @!p0 $0x0  }
0x12: {  	s1 =	sld [smem:$0x3F96];
	s0 =	simm.s32 @p0 $0x1  }
0x13: {  	[smem:$0x3FB1] =	sst s0;
	s0 =	simm.s32 @!p1 $0x0  }
0x14: {  	s2 =	sld [smem:$0x3F95];
	s0 =	simm.s32 @p1 $0x1  }
0x15: {  	[smem:$0x3FB2] =	sst s0;
	s0 =	simm.s32 @!p2 $0x0  }
0x16: {  	s3 =	sld [smem:$0x3FDB];
	s0 =	simm.s32 @p2 $0x1  }
0x17: {  	s4 =	simm.s32 $0x1BF5;
	[smem:$0x3FB4] =	sst s0  }
0x18: {  	s0 =	sld [smem:$0x3F97];
	_ =	swait.ge [sflag:s4], $0x0  }
0x19: {  	s7 =	sld [smem:$0x3F98]  }
0x1a: {  	s8 =	sadd.s32 $0xFFFFE003, lr  }
0x1b: {  	s9 =	sadd.s32 $0xFFFFFEF7, lr;
	s5 =	simm.s32 $0xFFFFFFFF;
	p2 =	slt.u32 s8, $0xFFFFF086  }
0x1c: {  	p1 =	slt.u32 s9, $0xF7A;
	s5 =	simm.s32 @!p2 $0x0  }
0x1d: {  	s5 =	simm.s32 @p1 $0x1;
	p0 =	seq.s32 s7, s2  }
0x1e: {  	s7 =	smul.u32 @!p0 $0xF7A, s2;
	p2 =	seq.s32 @!p0 s5, $0x0  }
0x1f: {  	s9 =	smul.u32 $0xF7A, s1;
	s8 =	simm.s32 @!p0 $0x1BF5;
	p2 =	por !p2, p0  }
0x20: {  	[sflag:s8] =	ssyncset.s32 @!p0 $0xFFFFF086;
	s6 =	sadd.s32 @!p0 s3, s7;
	s7 =	simm.s32 @!p0 $0x108  }
0x21: {  	s3 =	sadd.s32 s3, s9;
	s6 =	sadd.s32 @!p0 $0x88, s6;
	s7 =	simm.s32 @p2 $0x1082  }
0x22: {  	[simem:s7], [sflag:s8] =	dma.local @!p0 [hbm:s6], $0xF7A  }
0x23: {  	s9 =	sor.u32 $0xD0000000, s2;
	s6 =	simm.s32 $0x108;
	_ =	swait.ge @!p0 [sflag:s8], $0x0  }
0x24: {  	s3 =	sadd.s32 $0x88, s3;
	s6 =	simm.s32 @!p1 $0x1082;
	[sflag:s4] =	ssyncset.s32 $0xFFFFF086  }
0x25: {  	[simem:s6], [sflag:s4] =	dma.local [hbm:s3], $0xF7A  }
0x26: {  	[smem:$0x3F98] =	sst s1;
	(tag) =	ssettag s2;
	_ =	strace s9  }
0x27: {  	s1 =	sld [smem:$0x3FA8]  }
0x28: {  	s2 =	sld [smem:$0x3FA9]  }
0x29: {  	s4 =	sld [smem:$0x3FAB]  }
0x2a: {  	p0 =	seq.s32 s5, $0x0;
	s5 =	sld [smem:$0x3FAC]  }
0x2b: {  	s6 =	sld [smem:$0x3FAD]  }
0x2c: {  	s7 =	sld [smem:$0x3FAE]  }
0x2d: {  	s3 =	simm.s32 $0x108;
	s8 =	sld [smem:$0x3FAF]  }
0x2e: {  	s3 =	simm.s32 @!p0 $0x1082;
	s9 =	sld [smem:$0x3FB0]  }
0x2f: {  	lr =	sadd.s32 s0, s3;
	s0 =	sld [smem:$0x3FA7]  }
0x30: {  	s3 =	sld [smem:$0x3FAA]  }
0x31: {  	[smem:$0x3FB3] =	sst s10  }
0x32: {  	s10 =	sld [smem:$0x3FB1];
	_ =	sdelay $0x3  }
0x33: {  	p0 =	seq.s32 s10, $0x1;
	s10 =	sld [smem:$0x3FB3];
	_ =	sdelay $0x3  }
0x34: {  	[smem:$0x3FB3] =	sst s10  }
0x35: {  	s10 =	sld [smem:$0x3FB2];
	_ =	sdelay $0x3  }
0x36: {  	p1 =	seq.s32 s10, $0x1;
	s10 =	sld [smem:$0x3FB3];
	_ =	sdelay $0x3  }
0x37: {  	[smem:$0x3FB3] =	sst s10  }
0x38: {  	s10 =	sld [smem:$0x3FB4]  }
0x39: {  	_ = 	snop;
	(pc) =	sbr.ind lr, $3  }
0x3a: {  	_ = 	snop  }
0x3b: {  	_ = 	snop  }
0x3c: {  	p2 =	seq.s32 s10, $0x1;
	s10 =	sld [smem:$0x3FB3]  }
0x3d: {  	_ =	shalt  }
0x3e: {  	_ =	shalt  }
0x3f: {  	_ =	shalt  }
0x40: {  	_ =	shalt  }
0x41: {  	_ =	shalt  }
0x42: {  	_ =	shalt  }
0x43: {  	_ =	shalt  }
0x44: {  	_ =	shalt  }
0x45: {  	_ =	shalt  }
0x46: {  	_ =	shalt  }
0x47: {  	_ =	shalt  }
0x48: {  	_ =	shalt  }
0x49: {  	_ =	shalt  }
0x4a: {  	_ =	shalt  }
0x4b: {  	_ =	shalt  }
0x4c: {  	_ =	shalt  }
0x4d: {  	_ =	shalt  }
0x4e: {  	_ =	shalt  }
0x4f: {  	_ =	shalt  }
0x50: {  	_ =	shalt  }
0x51: {  	_ =	shalt  }
0x52: {  	_ =	shalt  }
0x53: {  	_ =	shalt  }
0x54: {  	_ =	shalt  }
0x55: {  	_ =	shalt  }
0x56: {  	_ =	shalt  }
0x57: {  	_ =	shalt  }
0x58: {  	_ =	shalt  }
0x59: {  	_ =	shalt  }
0x5a: {  	_ =	shalt  }
0x5b: {  	_ =	shalt  }
0x5c: {  	_ =	shalt  }
0x5d: {  	_ =	shalt  }
0x5e: {  	_ =	shalt  }
0x5f: {  	_ =	shalt  }
0x60: {  	_ =	shalt  }
0x61: {  	_ =	shalt  }
0x62: {  	_ =	shalt  }
0x63: {  	_ =	shalt  }
0x64: {  	_ =	shalt  }
0x65: {  	_ =	shalt  }
0x66: {  	_ =	shalt  }
0x67: {  	_ =	shalt  }
0x68: {  	_ =	shalt  }
0x69: {  	_ =	shalt  }
0x6a: {  	_ =	shalt  }
0x6b: {  	_ =	shalt  }
0x6c: {  	_ =	shalt  }
0x6d: {  	_ =	shalt  }
0x6e: {  	_ =	shalt  }
0x6f: {  	_ =	shalt  }
0x70: {  	_ =	shalt  }
0x71: {  	_ =	shalt  }
0x72: {  	_ =	shalt  }
0x73: {  	_ =	shalt  }
0x74: {  	_ =	shalt  }
0x75: {  	_ =	shalt  }
0x76: {  	_ =	shalt  }
0x77: {  	_ =	shalt  }
0x78: {  	_ =	shalt  }
0x79: {  	_ =	shalt  }
0x7a: {  	_ =	shalt  }
0x7b: {  	_ =	shalt  }
0x7c: {  	_ =	shalt  }
0x7d: {  	_ =	shalt  }
0x7e: {  	_ =	shalt  }
0x7f: {  	_ =	shalt  }
0x80: {  	_ =	shalt  }
0x81: {  	_ =	shalt  }
0x82: {  	_ =	shalt  }
0x83: {  	_ =	shalt  }
0x84: {  	_ =	shalt  }
0x85: {  	_ =	shalt  }
0x86: {  	_ =	shalt  }
0x87: {  	_ =	shalt  }
.Lfunc_end0:
.L_simem_size_0:
called_computation.5_lowered:
.L_overlay_start_0:
0x88: {  	s2 =	sld [smem:$0x3FD9]  }
0x89: {  	s3 =	sld [smem:$0x3FFE];
	_ =	sdelay $0x1  }
0x8a: {  	s1 =	srdreg.scid  }
0x8b: {  	s0 =	sand.u32 $0x1, s1  }
0x8c: {  	s17 =	sshll.u32 s0, $0xA;
	s2 =	sadd.s32 s3, s2  }
0x8d: {  	s2 =	sadd.s32 s2, s17  }
0x8e: {  	[smem:$0x3FBF] =	sst s2  }
0x8f: {  	_ = 	snop  }
0x90: {  	s2 =	sld [smem:$0x3FC8]  }
0x91: {  	s18 =	sld [smem:$0x3FD0];
	(tm) =	ssettm $0x1  }
0x92: {  	s4 =	sld [smem:$0x3FFB];
	_ =	sdelay $0x3  }
0x93: {  	_ =	strace s4  }
0x94: {  	s4 =	sld [smem:$0x3FFC];
	_ =	sdelay $0x3  }
0x95: {  	_ =	strace s4  }
0x96: {  	s4 =	sld [smem:$0x3FFD];
	_ =	sdelay $0x3  }
0x97: {  	_ =	strace s4  }
0x98: {  	_ =	strace $0x8FFFFFFF  }
0x99: {  	s19 =	sld [smem:$0x3FDB];
	_ =	sdelay $0x1  }
0x9a: {  	s5 =	simm.s32 $_scs_section_size  }
0x9b: {  	s6 =	simm.s32 $_size__tile_overlayer_lowered;
	s7 =	simm.s32 $_tile_overlayer_lowered  }
0x9c: {  	s22 =	simm.s32 $0x1BFF;
	s21 =	sshll.u32 s7, $0x1;
	s4 =	sadd.s32 s5, s19  }
0x9d: {  	s8 =	simm.s32 $0x0;
	s20 =	sshll.u32 s6, $0x1;
	s6 =	sadd.s32 s21, s4  }
0x9e: {  	[timem:s8], [sflag:s22] =	dma.local [hbm:s6], s20  }
0x9f: {  	_ =	swait.ge [sflag:s22], s20  }
0xa0: {  	s5 =	ssub.s32 $0x0, s20;
	[sflag:s22] =	ssyncset.done $0x0  }
0xa1: {  	[sflag:s22] =	ssyncadd.s32 s5;
	_ =	sdelay $0x1  }
0xa2: {  	s23 =	simm.s32 $0x1B8B  }
0xa3: {  	_ =	swait.ge [sflag:s23], $0x1  }
0xa4: {  	[sflag:s23] =	ssyncset.done $0x0  }
0xa5: {  	s25 =	simm.s32 $0x1B8E;
	s24 =	sld [smem:$0x3FFE];
	[sflag:s23] =	ssyncadd.s32 $0xFFFFFFFF  }
0xa6: {  	s26 =	simm.s32 $execute0_lowered;
	[smem:$0x3FD2] =	sst s25  }
0xa7: {  	s6 =	sshll.u32 s26, $0x1;
	_ =	strace $0x80000052;
	[dreg:$0x1] =	wrdreg $0xFFFFFFFF  }
0xa8: {  	s28 =	simm.s32 $_size_execute0_lowered;
	s4 =	sadd.s32 s4, s6;
	[dreg:$0x0] =	wrdreg $0x0  }
0xa9: {  	s6 =	sshll.u32 s28, $0x1;
	[dreg:$0x2] =	wrdreg s4  }
0xaa: {  	[dreg:$0x3] =	wrdreg s6  }
0xab: {  	[dreg:$0x4] =	wrdreg $0xC0  }
0xac: {  	_ =	task [dreg:s8], $0x5FFFF  }
0xad: {  	[dreg:$0x1] =	wrdreg $0xFFFFFFFF  }
0xae: {  	[dreg:$0x0] =	wrdreg $0x60  }
0xaf: {  	[dreg:$0x2] =	wrdreg s24  }
0xb0: {  	[dreg:$0x3] =	wrdreg s2  }
0xb1: {  	[dreg:$0x4] =	wrdreg s18  }
0xb2: {  	[dreg:$0x5] =	wrdreg $0x9  }
0xb3: {  	_ =	task.clear_ibuf [dreg:s8], $0x6FFFF;
	_ =	strace $0x90000052  }
0xb4: {  	s29 =	simm.s32 $0x9;
	_ =	strace $0x80000054  }
0xb5: {  	_ =	swait.ge [sflag:s29], $0x1  }
0xb6: {  	[sflag:s29] =	ssyncadd.s32 $0xFFFFFFFF  }
0xb7: {  	_ =	strace $0x90000054  }
0xb8: {  	_ =	sfence  }
0xb9: {  	s30 =	sld [smem:$0x0];
	_ =	sdelay $0x2  }
0xba: {  	s31 =	sshll.u32 s1, $0xD;
	s1 =	sshrl.u32 s1, $0x2  }
0xbb: {  	s3 =	sand.u32 $0x4000, s31;
	s1 =	sadd.s32 s1, s30  }
0xbc: {  	s0 =	sor.u32 s3, s0;
	s1 =	sshll.u32 s1, $0x11  }
0xbd: {  	s0 =	sor.u32 s1, s0  }
0xbe: {  	s0 =	sadd.s32 $0x8F2B, s0  }
0xbf: {  	[sflag:s0] =	ssyncadd.remote.s32 $0x1  }
0xc0: {  	_ =	sfence.sel $0xFFFF  }
0xc1: {  	[dreg:$0x0] =	wrdreg $0xFFFFFFFF;
	(pc) =	sbr.abs _section_cstart, $3  }
0xc2: {  	[dreg:$0x1] =	wrdreg $0xFFFFFFFF  }
0xc3: {  	_ =	task.clear_ibuf [dreg:s8], $0x2FFFF;
	_ =	strace $0x9FFFFFFF  }
0xc4: {  	(tm) =	ssettm $0x7FFFFFFF  }
0xc5: {  	_ =	shalt  }
tec
execute0_lowered:
.L_overlay_start_1:
0x0: {  	(tag) =	ssettag $0x1  }
0x1: {  	s0 =	rddreg [dreg:$0x0];
	s1 =	simm.s32 $0x0;
	s24 =	srdreg.scid  }
0x2: {  	s5 =	stileid.u32;
	s12 =	simm.s32 $0x2;
	s14 =	simm.s32 $0x780  }
0x3: {  	s15 =	simm.s32 $0x8280;
	s16 =	simm.s32 $0x800;
	s18 =	simm.s32 $0x8A80  }
0x4: {  	s19 =	simm.s32 $0x880;
	s20 =	simm.s32 $0x9280;
	s21 =	simm.s32 $0x900  }
0x5: {  	s22 =	simm.s32 $0x9A80;
	s23 =	simm.s32 $0x980;
	s28 =	simm.s32 $0xA80  }
0x6: {  	s29 =	simm.s32 $0xB280;
	s30 =	simm.s32 $0xBA80;
	[smem:$0x7FF] =	sst s1  }
0x7: {  	s17 =	simm.s32 $0x10;
	s4 =	sadd.s32 $0x776600, s0;
	s6 =	sadd.s32 $0x6A6600, s0  }
0x8: {  	s31 =	simm.s32 $0x1;
	s7 =	sadd.s32 $0x696600, s0;
	s8 =	sadd.s32 $0x49E600, s0  }
0x9: {  	s1 =	sand.u32 $0x1, s24;
	s25 =	sshll.u32 s5, $0xF;
	s0 =	sadd.s32 $0x4AE600, s0  }
0xa: {  	s24 =	simm.s32 $0xA280;
	_ =	strace $0x80000053;
	s2 =	ssub.s32 $0x2, s1  }
0xb: {  	s1 =	sshll.u32 s1, $0xE;
	[dreg:$0x4] =	wrdreg s0;
	s3 =	sshrl.u32 s2, $0x1  }
0xc: {  	s0 =	simm.s32 $0xC280;
	s10 =	sor.u32 s1, s25;
	s2 =	ssub.s32 s2, s3  }
0xd: {  	s25 =	simm.s32 $0xA00;
	s3 =	simm.s32 $0xB00;
	s26 =	smax.u32 s2, $0x1  }
0xe: {  	s2 =	simm.s32 $0x0;
	[dreg:$0x5] =	wrdreg s26;
	s26 =	simm.s32 $0xAA80  }
.LBB2_1:
0xf: {  	[dreg:$0x6] =	wrdreg s2  }
0x10: {  	s1 =	simm.s32 $0x0;
	s13 =	rddreg [dreg:$0x4]  }
0x11: {  	[tilespmem:s1], [sflag:$0x2] =	stream.linear.gather [hbm4b:s13+s1], $0x80, $0x38;
	[tilespmem:$0xC880] =	vst v63  }
0x12: {  	_ =	swait.ge [sflag:s12], $0x80  }
0x13: {  	[sflag:s12] =	ssyncset.done $0x0  }
0x14: {  	[sflag:s12] =	ssyncadd.s32 $0xFFFFFF80  }
0x15: {  	v5 =	vld [tilespmem:$0x0];
	_ =	sdelay $0x4  }
0x16: {  	v0 =	vbroadcast v5, $0x0;
	v1 =	vbroadcast v5, $0x3  }
0x17: {  	v2 =	vbroadcast v5, $0x1;
	v3 =	vbroadcast v5, $0x4  }
0x18: {  	s5 =	simm.s32 $0x0;
	v4 =	vbroadcast v5, $0x2;
	v5 =	vbroadcast v5, $0x5  }
.LBB2_2:
0x19: {  	s1 =	sshll.u32 s5, $0x4  }
0x1a: {  	s9 =	sadd.s32 s10, s1  }
0x1b: {  	s1 =	sshrl.u32 s9, $0x3  }
0x1c: {  	s11 =	simm.s32 $0x0;
	s13 =	simm.s32 $0x80;
	s2 =	sadd.s32 s6, s1  }
0x1d: {  	[tilespmem:s13], [sflag:$0x2] =	stream.linear.gather [hbm4b:s2+s11], $0x10, $0x38;
	[tilespmem:$0xC880] =	vst v63  }
0x1e: {  	_ =	swait.ge [sflag:s12], $0x10  }
0x1f: {  	[sflag:s12] =	ssyncset.done $0x0  }
0x20: {  	s2 =	sadd.s32 s7, s1;
	s13 =	simm.s32 $0x100;
	[sflag:s12] =	ssyncadd.s32 $0xFFFFFFF0  }
0x21: {  	[tilespmem:s13], [sflag:$0x2] =	stream.linear.gather [hbm4b:s2+s11], $0x10, $0x38;
	[tilespmem:$0xC880] =	vst v63  }
0x22: {  	_ =	swait.ge [sflag:s12], $0x10  }
0x23: {  	[sflag:s12] =	ssyncset.done $0x0  }
0x24: {  	s2 =	sadd.s32 s8, s1;
	s13 =	simm.s32 $0x180;
	[sflag:s12] =	ssyncadd.s32 $0xFFFFFFF0  }
0x25: {  	[tilespmem:s13], [sflag:$0x2] =	stream.linear.gather [hbm4b:s2+s11], $0x10, $0x38;
	[tilespmem:$0xC880] =	vst v63  }
0x26: {  	_ =	swait.ge [sflag:s12], $0x10  }
0x27: {  	[sflag:s12] =	ssyncset.done $0x0  }
0x28: {  	[sflag:s12] =	ssyncadd.s32 $0xFFFFFFF0  }
0x29: {  	s13 =	rddreg [dreg:$0x1]  }
0x2a: {  	s1 =	sadd.s32 s13, s1;
	s13 =	simm.s32 $0x200  }
0x2b: {  	[tilespmem:s13], [sflag:$0x2] =	stream.linear.gather [hbm4b:s1+s11], $0x10, $0x38;
	[tilespmem:$0xC880] =	vst v63  }
0x2c: {  	_ =	swait.ge [sflag:s12], $0x10  }
0x2d: {  	[sflag:s12] =	ssyncset.done $0x0  }
0x2e: {  	[sflag:s12] =	ssyncadd.s32 $0xFFFFFFF0  }
0x2f: {  	v6 =	vld [tilespmem:$0x80]  }
0x30: {  	v7 =	vld [tilespmem:$0x100];
	_ =	sdelay $0x2  }
0x31: {  	v8 =	vld [tilespmem:$0x180];
	_ =	sdelay $0x1  }
0x32: {  	v6 =	vsub.f32 v6, v0;
	v7 =	vsub.f32 v7, v2;
	_ =	sdelay $0x1  }
0x33: {  	v6 =	vmul.f32 v6, v1;
	v7 =	vmul.f32 v7, v3  }
0x34: {  	v10 =	vsub.f32 v8, v4  }
0x35: {  	v6 =	vmax.f32 v6, $0.0e+00;
	v7 =	vmax.f32 v7, $0.0e+00  }
0x36: {  	v8 =	vmin.f32 v6, $1.000000000e+00;
	v9 =	vmin.f32 v7, $1.000000000e+00;
	v6 =	vmul.f32 v10, v5  }
0x37: {  	v28 =	vmul.f32 $6.300000000e+01, v8;
	v11 =	vmul.f32 $6.300000000e+01, v9;
	_ =	sdelay $0x1  }
0x38: {  	v6 =	vmax.f32 v6, $0.0e+00;
	v12 =	vtrunc.f32 v28;
	v13 =	vtrunc.f32 v11  }
0x39: {  	v7 =	vmin.f32 v6, $1.000000000e+00;
	v12 =	vcvt.f32.s32 v12;
	v13 =	vcvt.f32.s32 v13  }
0x3a: {  	v14 =	vmul.f32 $6.300000000e+01, v7  }
0x3b: {  	v6 =	vcvt.s32.f32 v12;
	v15 =	vcvt.s32.f32 v13  }
0x3c: {  	v16 =	vtrunc.f32 v14  }
0x3d: {  	v29 =	vcvt.f32.s32 v16;
	v10 =	vsub.f32 v28, v6;
	v11 =	vsub.f32 v11, v15  }
0x3e: {  	v19 =	vshll.u32 v13, $0x6  }
0x3f: {  	v19 =	vadd.s32 v12, v19;
	v21 =	vshll.u32 v29, $0x6;
	v34 =	vmul.f32 v11, v10  }
0x40: {  	[tilespmem:$0x280] =	vst v19;
	v30 =	vsub.f32 $1.000000000e+00, v10;
	v17 =	vsub.f32 $1.000000000e+00, v11;
	v35 =	vadd.s32 v21, v13  }
0x41: {  	v18 =	vcvt.s32.f32 v29;
	v21 =	vadd.s32 v21, v12;
	v36 =	vadd.s32 $0x1000, v35;
	[tilespmem:$0x1000] =	vst v34  }
0x42: {  	v6 =	vld [tilespmem:$0x200];
	v42 =	vadd.s32 $0x2000, v21;
	v20 =	vmul.f32 v17, v30;
	[tilespmem:$0x300] =	vst v36  }
0x43: {  	v14 =	vsub.f32 v14, v18;
	v31 =	vmul.f32 v17, v10;
	[tilespmem:$0x380] =	vst v42  }
0x44: {  	v32 =	vmul.f32 v30, v11;
	[tilespmem:$0xE80] =	vst v20  }
0x45: {  	v39 =	vmul.f32 v17, v14;
	[tilespmem:$0xF00] =	vst v31  }
0x46: {  	v40 =	vmul.f32 v14, v11;
	[tilespmem:$0xF80] =	vst v32  }
0x47: {  	v33 =	vsub.f32 $1.000000000e+00, v14;
	v22 =	vmul.f32 $3.100000000e+01, v6;
	v45 =	vmul.f32 v14, v30;
	[tilespmem:$0x1180] =	vst v39  }
0x48: {  	v46 =	vmul.f32 v14, v10;
	[tilespmem:$0x1200] =	vst v40  }
0x49: {  	v37 =	vmul.f32 v33, v17;
	v23 =	vtrunc.f32 v22;
	[tilespmem:$0x1380] =	vst v45  }
0x4a: {  	v38 =	vmul.f32 v33, v11;
	[tilespmem:$0x1400] =	vst v46;
	v23 =	vcvt.f32.s32 v23  }
0x4b: {  	v43 =	vmul.f32 v33, v30;
	[tilespmem:$0x1080] =	vst v37  }
0x4c: {  	v44 =	vmul.f32 v33, v10;
	[tilespmem:$0x1100] =	vst v38;
	v41 =	vcvt.s32.f32 v23;
	v23 =	vshll.u32 v23, $0x6  }
0x4d: {  	v51 =	vmul.f32 $1.270000000e+02, v8;
	[tilespmem:$0x1280] =	vst v43;
	v12 =	vadd.s32 v23, v12  }
0x4e: {  	[tilespmem:$0x1300] =	vst v44;
	v13 =	vadd.s32 v13, v23;
	v19 =	vsub.f32 v22, v41;
	v12 =	vadd.s32 $0x3000, v12  }
0x4f: {  	v52 =	vmul.f32 $1.270000000e+02, v9;
	v60 =	vadd.s32 v29, v23;
	v53 =	vadd.s32 $0x3800, v13;
	[tilespmem:$0x400] =	vst v12  }
0x50: {  	v55 =	vtrunc.f32 v51;
	v63 =	vadd.s32 $0x4000, v60;
	[tilespmem:$0x480] =	vst v53;
	v16 =	vmul.f32 v30, v19  }
0x51: {  	v56 =	vtrunc.f32 v52;
	[tilespmem:$0x500] =	vst v63;
	v22 =	vsub.f32 $1.000000000e+00, v19;
	v54 =	vmul.f32 v17, v19  }
0x52: {  	v57 =	vcvt.f32.s32 v56;
	v20 =	vmul.f32 v33, v19;
	[tilespmem:$0x1580] =	vst v16  }
0x53: {  	v59 =	vmul.f32 $1.270000000e+02, v7;
	v47 =	vmul.f32 v30, v22;
	[tilespmem:$0x1780] =	vst v54  }
0x54: {  	v37 =	vmul.f32 $6.300000000e+01, v6;
	v48 =	vmul.f32 v10, v22;
	[tilespmem:$0x1980] =	vst v20  }
0x55: {  	v62 =	vcvt.s32.f32 v57;
	v10 =	vmul.f32 v10, v19;
	[tilespmem:$0x1480] =	vst v47  }
0x56: {  	v41 =	vtrunc.f32 v37;
	v49 =	vmul.f32 v17, v22;
	[tilespmem:$0x1500] =	vst v48  }
0x57: {  	v23 =	vcvt.f32.s32 v41;
	v50 =	vmul.f32 v11, v22;
	[tilespmem:$0x1600] =	vst v10  }
0x58: {  	v25 =	vtrunc.f32 v59;
	v11 =	vmul.f32 v11, v19;
	[tilespmem:$0x1680] =	vst v49  }
0x59: {  	v45 =	vcvt.s32.f32 v23;
	v58 =	vmul.f32 v33, v22;
	[tilespmem:$0x1700] =	vst v50  }
0x5a: {  	v26 =	vsub.f32 v52, v62;
	v24 =	vmul.f32 v14, v22;
	v14 =	vmul.f32 v14, v19;
	[tilespmem:$0x1800] =	vst v11  }
0x5b: {  	v23 =	vshll.u32 v23, $0x7;
	v10 =	vcvt.f32.s32 v55;
	[tilespmem:$0x1880] =	vst v58;
	v11 =	vcvt.f32.s32 v25  }
0x5c: {  	v28 =	vsub.f32 $1.000000000e+00, v26;
	v29 =	vshll.u32 v57, $0x7;
	v12 =	vadd.s32 v57, v23;
	[tilespmem:$0x1900] =	vst v24  }
0x5d: {  	v12 =	vadd.s32 $0x12800, v12;
	[tilespmem:$0x1A00] =	vst v14;
	v30 =	vcvt.s32.f32 v11;
	v19 =	vadd.s32 v29, v10  }
0x5e: {  	[tilespmem:$0x780] =	vst v12;
	v36 =	vshll.u32 v11, $0x7;
	v11 =	vadd.s32 v11, v23;
	v31 =	vadd.s32 $0x4800, v19  }
0x5f: {  	v61 =	vcvt.s32.f32 v10;
	v38 =	vadd.s32 v36, v57;
	v11 =	vadd.s32 $0x14800, v11;
	[tilespmem:$0x580] =	vst v31  }
0x60: {  	v21 =	vadd.s32 v36, v10;
	v19 =	vsub.f32 v37, v45;
	v39 =	vadd.s32 $0x8800, v38;
	[tilespmem:$0x800] =	vst v11  }
0x61: {  	v10 =	vadd.s32 v23, v10;
	v46 =	vadd.s32 $0xC800, v21;
	[tilespmem:$0x600] =	vst v39  }
0x62: {  	v15 =	vsub.f32 v51, v61;
	v10 =	vadd.s32 $0x10800, v10;
	[tilespmem:$0x680] =	vst v46;
	v56 =	vmul.f32 v28, v19  }
0x63: {  	[tilespmem:$0x700] =	vst v10;
	v57 =	vmul.f32 v26, v19  }
0x64: {  	v18 =	vsub.f32 v59, v30;
	v33 =	vmul.f32 v28, v15;
	[tilespmem:$0x2380] =	vst v56  }
0x65: {  	v35 =	vmul.f32 v26, v15;
	[tilespmem:$0x2400] =	vst v57  }
0x66: {  	v43 =	vmul.f32 v28, v18;
	[tilespmem:$0x1B00] =	vst v33  }
0x67: {  	v44 =	vmul.f32 v18, v26;
	[tilespmem:$0x1C00] =	vst v35  }
0x68: {  	v50 =	vmul.f32 v18, v15;
	[tilespmem:$0x1D80] =	vst v43  }
0x69: {  	v22 =	vsub.f32 $1.000000000e+00, v19;
	v53 =	vmul.f32 v15, v19;
	[tilespmem:$0x1E00] =	vst v44  }
0x6a: {  	v24 =	vmul.f32 v18, v19;
	[tilespmem:$0x2000] =	vst v50  }
0x6b: {  	v52 =	vmul.f32 v15, v22;
	[tilespmem:$0x2200] =	vst v53  }
0x6c: {  	v54 =	vmul.f32 v28, v22;
	[tilespmem:$0x2600] =	vst v24  }
0x6d: {  	v27 =	vsub.f32 $1.000000000e+00, v15;
	v55 =	vmul.f32 v26, v22;
	[tilespmem:$0x2100] =	vst v52  }
0x6e: {  	v8 =	vmul.f32 $2.550000000e+02, v8;
	v21 =	vmul.f32 v18, v22;
	[tilespmem:$0x2280] =	vst v54  }
0x6f: {  	v9 =	vmul.f32 $2.550000000e+02, v9;
	v20 =	vsub.f32 $1.000000000e+00, v18;
	v32 =	vmul.f32 v28, v27;
	[tilespmem:$0x2300] =	vst v55  }
0x70: {  	v58 =	vtrunc.f32 v8;
	v34 =	vmul.f32 v27, v26;
	[tilespmem:$0x2500] =	vst v21  }
0x71: {  	v60 =	vcvt.f32.s32 v58;
	v40 =	vmul.f32 v20, v28;
	[tilespmem:$0x1A80] =	vst v32  }
0x72: {  	v7 =	vmul.f32 $2.550000000e+02, v7;
	v42 =	vmul.f32 v20, v26;
	[tilespmem:$0x1B80] =	vst v34  }
0x73: {  	v63 =	vcvt.s32.f32 v60;
	v47 =	vmul.f32 v20, v27;
	[tilespmem:$0x1C80] =	vst v40  }
0x74: {  	v59 =	vtrunc.f32 v9;
	v48 =	vmul.f32 v20, v15;
	[tilespmem:$0x1D00] =	vst v42  }
0x75: {  	v61 =	vcvt.f32.s32 v59;
	v49 =	vmul.f32 v18, v27;
	[tilespmem:$0x1E80] =	vst v47  }
0x76: {  	v6 =	vmul.f32 $1.270000000e+02, v6;
	v8 =	vsub.f32 v8, v63;
	v51 =	vmul.f32 v27, v22;
	[tilespmem:$0x1F00] =	vst v48  }
0x77: {  	v16 =	vcvt.s32.f32 v61;
	v13 =	vmul.f32 v27, v19;
	[tilespmem:$0x1F80] =	vst v49  }
0x78: {  	v23 =	vtrunc.f32 v7;
	v25 =	vsub.f32 $1.000000000e+00, v8;
	v62 =	vmul.f32 v20, v22;
	[tilespmem:$0x2080] =	vst v51  }
0x79: {  	v22 =	vmul.f32 v20, v19;
	v27 =	vshll.u32 v61, $0x8;
	v9 =	vsub.f32 v9, v16;
	[tilespmem:$0x2180] =	vst v13  }
0x7a: {  	v11 =	vcvt.f32.s32 v23;
	v38 =	vtrunc.f32 v6;
	v16 =	vadd.s32 v27, v60;
	[tilespmem:$0x2480] =	vst v62  }
0x7b: {  	v19 =	vcvt.f32.s32 v38;
	[tilespmem:$0x2580] =	vst v22;
	v29 =	vadd.s32 $0x16800, v16;
	v32 =	vmul.f32 v25, v9  }
0x7c: {  	v34 =	vshll.u32 v11, $0x8;
	[tilespmem:$0x880] =	vst v29;
	v33 =	vmul.f32 v9, v8  }
0x7d: {  	v28 =	vcvt.s32.f32 v11;
	v42 =	vcvt.s32.f32 v19;
	v35 =	vadd.s32 v34, v61;
	[tilespmem:$0x2780] =	vst v32  }
0x7e: {  	v19 =	vshll.u32 v19, $0x8;
	v43 =	vadd.s32 v34, v60;
	v36 =	vadd.s32 $0x26800, v35;
	[tilespmem:$0x2800] =	vst v33  }
0x7f: {  	v10 =	vadd.s32 v19, v60;
	v44 =	vadd.s32 $0x36800, v43;
	[tilespmem:$0x900] =	vst v36  }
0x80: {  	v7 =	vsub.f32 v7, v28;
	v53 =	vadd.s32 v61, v19;
	v10 =	vadd.s32 $0x46800, v10;
	[tilespmem:$0x980] =	vst v44  }
0x81: {  	v59 =	vadd.s32 v11, v19;
	v54 =	vadd.s32 $0x4E800, v53;
	[tilespmem:$0xA00] =	vst v10  }
0x82: {  	v41 =	vmul.f32 v7, v9;
	v60 =	vadd.s32 $0x56800, v59;
	[tilespmem:$0xA80] =	vst v54  }
0x83: {  	v26 =	vsub.f32 $1.000000000e+00, v9;
	v47 =	vmul.f32 v7, v25;
	[tilespmem:$0xB00] =	vst v60  }
0x84: {  	v49 =	vmul.f32 v7, v8;
	[tilespmem:$0x2A00] =	vst v41  }
0x85: {  	v30 =	vmul.f32 v26, v25;
	[tilespmem:$0x2B80] =	vst v47  }
0x86: {  	v17 =	vsub.f32 $1.000000000e+00, v7;
	v31 =	vmul.f32 v26, v8;
	[tilespmem:$0x2C00] =	vst v49  }
0x87: {  	v40 =	vmul.f32 v26, v7;
	[tilespmem:$0x2680] =	vst v30  }
0x88: {  	v37 =	vmul.f32 v17, v26;
	[tilespmem:$0x2700] =	vst v31  }
0x89: {  	v39 =	vmul.f32 v17, v9;
	[tilespmem:$0x2980] =	vst v40  }
0x8a: {  	v6 =	vsub.f32 v6, v42;
	v45 =	vmul.f32 v17, v25;
	[tilespmem:$0x2880] =	vst v37  }
0x8b: {  	v46 =	vmul.f32 v17, v8;
	[tilespmem:$0x2900] =	vst v39  }
0x8c: {  	v52 =	vmul.f32 v25, v6;
	[tilespmem:$0x2A80] =	vst v45  }
0x8d: {  	v57 =	vmul.f32 v26, v6;
	[tilespmem:$0x2B00] =	vst v46  }
0x8e: {  	v48 =	vsub.f32 $1.000000000e+00, v6;
	v58 =	vmul.f32 v9, v6;
	[tilespmem:$0x2D80] =	vst v52  }
0x8f: {  	v63 =	vmul.f32 v17, v6;
	[tilespmem:$0x2F80] =	vst v57  }
0x90: {  	v50 =	vmul.f32 v25, v48;
	[tilespmem:$0x3000] =	vst v58  }
0x91: {  	v51 =	vmul.f32 v8, v48;
	[tilespmem:$0x3180] =	vst v63  }
0x92: {  	v8 =	vmul.f32 v8, v6;
	[tilespmem:$0x2C80] =	vst v50  }
0x93: {  	v55 =	vmul.f32 v26, v48;
	[tilespmem:$0x2D00] =	vst v51  }
0x94: {  	v56 =	vmul.f32 v9, v48;
	[tilespmem:$0x2E00] =	vst v8  }
0x95: {  	v61 =	vmul.f32 v17, v48;
	[tilespmem:$0x2E80] =	vst v55  }
0x96: {  	v62 =	vmul.f32 v7, v48;
	[tilespmem:$0x2F00] =	vst v56  }
0x97: {  	v6 =	vmul.f32 v7, v6;
	[tilespmem:$0x3080] =	vst v61  }
0x98: {  	[tilespmem:$0x3100] =	vst v62  }
0x99: {  	s2 =	simm.s32 $0x280;
	s13 =	simm.s32 $0x3280;
	[tilespmem:$0x3200] =	vst v6  }
0x9a: {  	[tilespmem:s13], [sflag:$0x1] =	stream.indirect.gather [hbm4b:s4+s17], $0x80, s2, s17, $0xb8;
	[tilespmem:$0xC880] =	vst v63  }
0x9b: {  	s2 =	simm.s32 $0x300;
	s13 =	simm.s32 $0x3A80  }
0x9c: {  	[tilespmem:s13], [sflag:$0x1] =	stream.indirect.gather [hbm4b:s4+s17], $0x80, s2, s17, $0xb8;
	[tilespmem:$0xC880] =	vst v63  }
0x9d: {  	s2 =	simm.s32 $0x380;
	s13 =	simm.s32 $0x4280  }
0x9e: {  	[tilespmem:s13], [sflag:$0x1] =	stream.indirect.gather [hbm4b:s4+s17], $0x80, s2, s17, $0xb8;
	[tilespmem:$0xC880] =	vst v63  }
0x9f: {  	s2 =	simm.s32 $0x400;
	s13 =	simm.s32 $0x4A80  }
0xa0: {  	[tilespmem:s13], [sflag:$0x1] =	stream.indirect.gather [hbm4b:s4+s17], $0x80, s2, s17, $0xb8;
	[tilespmem:$0xC880] =	vst v63  }
0xa1: {  	s2 =	simm.s32 $0x480;
	s13 =	simm.s32 $0x5280  }
0xa2: {  	[tilespmem:s13], [sflag:$0x1] =	stream.indirect.gather [hbm4b:s4+s17], $0x80, s2, s17, $0xb8;
	[tilespmem:$0xC880] =	vst v63  }
0xa3: {  	s2 =	simm.s32 $0x500;
	s13 =	simm.s32 $0x5A80  }
0xa4: {  	[tilespmem:s13], [sflag:$0x1] =	stream.indirect.gather [hbm4b:s4+s17], $0x80, s2, s17, $0xb8;
	[tilespmem:$0xC880] =	vst v63  }
0xa5: {  	s2 =	simm.s32 $0x580;
	s13 =	simm.s32 $0x6280  }
0xa6: {  	[tilespmem:s13], [sflag:$0x1] =	stream.indirect.gather [hbm4b:s4+s17], $0x80, s2, s17, $0xb8;
	[tilespmem:$0xC880] =	vst v63  }
0xa7: {  	s2 =	simm.s32 $0x600;
	s13 =	simm.s32 $0x6A80  }
0xa8: {  	[tilespmem:s13], [sflag:$0x1] =	stream.indirect.gather [hbm4b:s4+s17], $0x80, s2, s17, $0xb8;
	[tilespmem:$0xC880] =	vst v63  }
0xa9: {  	s2 =	simm.s32 $0x680;
	s13 =	simm.s32 $0x7280  }
0xaa: {  	[tilespmem:s13], [sflag:$0x1] =	stream.indirect.gather [hbm4b:s4+s17], $0x80, s2, s17, $0xb8;
	[tilespmem:$0xC880] =	vst v63  }
0xab: {  	s2 =	simm.s32 $0x700;
	s13 =	simm.s32 $0x7A80  }
0xac: {  	[tilespmem:s13], [sflag:$0x1] =	stream.indirect.gather [hbm4b:s4+s17], $0x80, s2, s17, $0xb8;
	[tilespmem:$0xC880] =	vst v63  }
0xad: {  	_ = 	snop  }
0xae: {  	[tilespmem:s15], [sflag:$0x1] =	stream.indirect.gather [hbm4b:s4+s17], $0x80, s14, s17, $0xb8;
	[tilespmem:$0xC880] =	vst v63  }
0xaf: {  	_ = 	snop  }
0xb0: {  	[tilespmem:s18], [sflag:$0x1] =	stream.indirect.gather [hbm4b:s4+s17], $0x80, s16, s17, $0xb8;
	[tilespmem:$0xC880] =	vst v63  }
0xb1: {  	_ = 	snop  }
0xb2: {  	[tilespmem:s20], [sflag:$0x1] =	stream.indirect.gather [hbm4b:s4+s17], $0x80, s19, s17, $0xb8;
	[tilespmem:$0xC880] =	vst v63  }
0xb3: {  	_ = 	snop  }
0xb4: {  	[tilespmem:s22], [sflag:$0x1] =	stream.indirect.gather [hbm4b:s4+s17], $0x80, s21, s17, $0xb8;
	[tilespmem:$0xC880] =	vst v63  }
0xb5: {  	_ = 	snop  }
0xb6: {  	[tilespmem:s24], [sflag:$0x1] =	stream.indirect.gather [hbm4b:s4+s17], $0x80, s23, s17, $0xb8;
	[tilespmem:$0xC880] =	vst v63  }
0xb7: {  	_ = 	snop  }
0xb8: {  	[tilespmem:s26], [sflag:$0x1] =	stream.indirect.gather [hbm4b:s4+s17], $0x80, s25, s17, $0xb8;
	[tilespmem:$0xC880] =	vst v63  }
0xb9: {  	_ = 	snop  }
0xba: {  	[tilespmem:s29], [sflag:$0x1] =	stream.indirect.gather [hbm4b:s4+s17], $0x80, s28, s17, $0xb8;
	[tilespmem:$0xC880] =	vst v63  }
0xbb: {  	_ = 	snop  }
0xbc: {  	[tilespmem:s30], [sflag:$0x1] =	stream.indirect.gather [hbm4b:s4+s17], $0x80, s3, s17, $0xb8;
	[tilespmem:$0xC880] =	vst v63  }
0xbd: {  	_ =	swait.ge [sflag:s31], $0x800  }
0xbe: {  	[sflag:s31] =	ssyncset.done $0x0  }
0xbf: {  	[sflag:s31] =	ssyncadd.s32 $0xFFFFF800  }
0xc0: {  	_ =	swait.ge [sflag:s31], $0x800  }
0xc1: {  	[sflag:s31] =	ssyncset.done $0x0  }
0xc2: {  	[sflag:s31] =	ssyncadd.s32 $0xFFFFF800  }
0xc3: {  	_ =	swait.ge [sflag:s31], $0x800  }
0xc4: {  	[sflag:s31] =	ssyncset.done $0x0  }
0xc5: {  	[sflag:s31] =	ssyncadd.s32 $0xFFFFF800  }
0xc6: {  	_ =	swait.ge [sflag:s31], $0x800  }
0xc7: {  	[sflag:s31] =	ssyncset.done $0x0  }
0xc8: {  	[sflag:s31] =	ssyncadd.s32 $0xFFFFF800  }
0xc9: {  	_ =	swait.ge [sflag:s31], $0x800  }
0xca: {  	[sflag:s31] =	ssyncset.done $0x0  }
0xcb: {  	[sflag:s31] =	ssyncadd.s32 $0xFFFFF800  }
0xcc: {  	_ =	swait.ge [sflag:s31], $0x800  }
0xcd: {  	[sflag:s31] =	ssyncset.done $0x0  }
0xce: {  	[sflag:s31] =	ssyncadd.s32 $0xFFFFF800  }
0xcf: {  	_ =	swait.ge [sflag:s31], $0x800  }
0xd0: {  	[sflag:s31] =	ssyncset.done $0x0  }
0xd1: {  	[sflag:s31] =	ssyncadd.s32 $0xFFFFF800  }
0xd2: {  	_ =	swait.ge [sflag:s31], $0x800  }
0xd3: {  	[sflag:s31] =	ssyncset.done $0x0  }
0xd4: {  	[sflag:s31] =	ssyncadd.s32 $0xFFFFF800  }
0xd5: {  	_ =	swait.ge [sflag:s31], $0x800  }
0xd6: {  	[sflag:s31] =	ssyncset.done $0x0  }
0xd7: {  	[sflag:s31] =	ssyncadd.s32 $0xFFFFF800  }
0xd8: {  	_ =	swait.ge [sflag:s31], $0x800  }
0xd9: {  	[sflag:s31] =	ssyncset.done $0x0  }
0xda: {  	[sflag:s31] =	ssyncadd.s32 $0xFFFFF800  }
0xdb: {  	_ =	swait.ge [sflag:s31], $0x800  }
0xdc: {  	[sflag:s31] =	ssyncset.done $0x0  }
0xdd: {  	[sflag:s31] =	ssyncadd.s32 $0xFFFFF800  }
0xde: {  	_ =	swait.ge [sflag:s31], $0x800  }
0xdf: {  	[sflag:s31] =	ssyncset.done $0x0  }
0xe0: {  	[sflag:s31] =	ssyncadd.s32 $0xFFFFF800  }
0xe1: {  	_ =	swait.ge [sflag:s31], $0x800  }
0xe2: {  	[sflag:s31] =	ssyncset.done $0x0  }
0xe3: {  	[sflag:s31] =	ssyncadd.s32 $0xFFFFF800  }
0xe4: {  	_ =	swait.ge [sflag:s31], $0x800  }
0xe5: {  	[sflag:s31] =	ssyncset.done $0x0  }
0xe6: {  	[sflag:s31] =	ssyncadd.s32 $0xFFFFF800  }
0xe7: {  	_ =	swait.ge [sflag:s31], $0x800  }
0xe8: {  	[sflag:s31] =	ssyncset.done $0x0  }
0xe9: {  	[sflag:s31] =	ssyncadd.s32 $0xFFFFF800  }
0xea: {  	_ =	swait.ge [sflag:s31], $0x800  }
0xeb: {  	[sflag:s31] =	ssyncset.done $0x0  }
0xec: {  	[sflag:s31] =	ssyncadd.s32 $0xFFFFF800  }
0xed: {  	_ =	swait.ge [sflag:s31], $0x800  }
0xee: {  	[sflag:s31] =	ssyncset.done $0x0  }
0xef: {  	[sflag:s31] =	ssyncadd.s32 $0xFFFFF800  }
0xf0: {  	_ =	swait.ge [sflag:s31], $0x800  }
0xf1: {  	[sflag:s31] =	ssyncset.done $0x0  }
0xf2: {  	s1 =	simm.s32 $0xC2B0;
	s2 =	simm.s32 $0x0;
	[sflag:s31] =	ssyncadd.s32 $0xFFFFF800  }
.LBB2_3:
0xf3: {  	v7 =	vld [tilespmem:$0xE80]  }
0xf4: {  	v8 =	vld [tilespmem:$0xF00]  }
0xf5: {  	v9 =	vld [tilespmem:$0xF80]  }
0xf6: {  	v10 =	vld [tilespmem:$0x1000]  }
0xf7: {  	v19 =	vld [tilespmem:$0x1080]  }
0xf8: {  	v20 =	vld [tilespmem:$0x1100]  }
0xf9: {  	v21 =	vld [tilespmem:$0x1180]  }
0xfa: {  	v22 =	vld [tilespmem:$0x1200]  }
0xfb: {  	v31 =	vld [tilespmem:$0x1280]  }
0xfc: {  	v32 =	vld [tilespmem:$0x1300]  }
0xfd: {  	v33 =	vld [tilespmem:$0x1380]  }
0xfe: {  	v34 =	vld [tilespmem:$0x1400]  }
0xff: {  	v43 =	vld [tilespmem:$0x1480]  }
0x100: {  	s13 =	sshra.s32 s11, $0x2;
	v44 =	vld [tilespmem:$0x1580]  }
0x101: {  	v11 =	vld [tilespmem:s13+$0x3280]  }
0x102: {  	v12 =	vld [tilespmem:s13+$0x32A0]  }
0x103: {  	v13 =	vld [tilespmem:s13+$0x32C0]  }
0x104: {  	v14 =	vld [tilespmem:s13+$0x32E0]  }
0x105: {  	v15 =	vld [tilespmem:s13+$0x3290]  }
0x106: {  	v16 =	vld [tilespmem:s13+$0x32B0]  }
0x107: {  	v17 =	vld [tilespmem:s13+$0x32D0]  }
0x108: {  	v18 =	vld [tilespmem:s13+$0x32F0]  }
0x109: {  	v23 =	vld [tilespmem:s13+$0x3A80]  }
0x10a: {  	v24 =	vld [tilespmem:s13+$0x3AA0]  }
0x10b: {  	v25 =	vld [tilespmem:s13+$0x3AC0]  }
0x10c: {  	v26 =	vld [tilespmem:s13+$0x3AE0]  }
0x10d: {  	v27 =	vld [tilespmem:s13+$0x3A90]  }
0x10e: {  	v28 =	vld [tilespmem:s13+$0x3AB0]  }
0x10f: {  	v29 =	vld [tilespmem:s13+$0x3AD0]  }
0x110: {  	v30 =	vld [tilespmem:s13+$0x3AF0]  }
0x111: {  	v6 =	vmov s2;
	v35 =	vld [tilespmem:s13+$0x4280]  }
0x112: {  	v36 =	vld [tilespmem:s13+$0x42A0];
	v6 =	vand.u32 $0xF, v6  }
0x113: {  	v37 =	vld [tilespmem:s13+$0x42C0];
	v6 =	vbroadcast v6, $0x0  }
0x114: {  	v38 =	vld [tilespmem:s13+$0x42E0]  }
0x115: {  	v39 =	vld [tilespmem:s13+$0x4290];
	v7 =	vperm.xlane v7, v6;
	v8 =	vperm.xlane v8, v6  }
0x116: {  	v40 =	vld [tilespmem:s13+$0x42B0];
	v9 =	vperm.xlane v9, v6;
	v10 =	vperm.xlane v10, v6  }
0x117: {  	v41 =	vld [tilespmem:s13+$0x42D0];
	v19 =	vperm.xlane v19, v6;
	v20 =	vperm.xlane v20, v6  }
0x118: {  	v42 =	vld [tilespmem:s13+$0x42F0];
	v54 =	vperm.xlane v21, v6;
	v55 =	vperm.xlane v22, v6  }
0x119: {  	v45 =	vld [tilespmem:s13+$0x4A80];
	v63 =	vperm.xlane v31, v6;
	v46 =	vperm.xlane v32, v6  }
0x11a: {  	v47 =	vld [tilespmem:s13+$0x4AD0];
	v48 =	vperm.xlane v33, v6;
	v49 =	vperm.xlane v34, v6  }
0x11b: {  	v50 =	vld [tilespmem:s13+$0x4AF0];
	v11 =	vmul.f32 v11, v7;
	v12 =	vmul.f32 v12, v8  }
0x11c: {  	v21 =	vld [tilespmem:$0x1600];
	v52 =	vmul.f32 v13, v9;
	v53 =	vmul.f32 v14, v10  }
0x11d: {  	v32 =	vld [tilespmem:s13+$0x5AC0];
	v23 =	vmul.f32 v23, v19;
	v24 =	vmul.f32 v24, v20  }
0x11e: {  	v13 =	vld [tilespmem:$0x1500];
	v7 =	vmul.f32 v15, v7;
	v8 =	vmul.f32 v16, v8  }
0x11f: {  	v57 =	vmul.f32 v25, v54;
	v59 =	vmul.f32 v18, v10;
	v10 =	vld [tilespmem:s13+$0x4AE0]  }
0x120: {  	v58 =	vmul.f32 v17, v9;
	v61 =	vmul.f32 v27, v19;
	v19 =	vld [tilespmem:s13+$0x4A90]  }
0x121: {  	v60 =	vmul.f32 v26, v55;
	v62 =	vmul.f32 v28, v20;
	v20 =	vld [tilespmem:s13+$0x4AB0]  }
0x122: {  	v14 =	vmul.f32 v29, v54;
	v51 =	vmul.f32 v35, v63;
	v28 =	vld [tilespmem:$0x1680]  }
0x123: {  	v15 =	vld [tilespmem:$0x1700];
	v54 =	vmul.f32 v37, v48;
	v11 =	vadd.f32 v12, v11;
	v56 =	vadd.f32 v24, v23  }
0x124: {  	v29 =	vld [tilespmem:$0x1780];
	v7 =	vadd.f32 v8, v7;
	v8 =	vadd.f32 v62, v61;
	v61 =	vmul.f32 v41, v48  }
0x125: {  	v37 =	vld [tilespmem:s13+$0x52C0];
	v62 =	vperm.xlane v44, v6;
	v21 =	vperm.xlane v21, v6;
	v11 =	vadd.f32 v52, v11  }
0x126: {  	v12 =	vld [tilespmem:s13+$0x4AA0];
	v16 =	vadd.f32 v57, v56;
	v52 =	vmul.f32 v36, v46;
	v56 =	vmul.f32 v39, v63  }
0x127: {  	v23 =	vld [tilespmem:s13+$0x4AC0];
	v57 =	vmul.f32 v40, v46;
	v39 =	vmul.f32 v42, v49  }
0x128: {  	v41 =	vld [tilespmem:s13+$0x5290];
	v7 =	vadd.f32 v58, v7;
	v42 =	vmul.f32 v47, v62;
	v13 =	vperm.xlane v13, v6  }
0x129: {  	v48 =	vld [tilespmem:$0x1880];
	v8 =	vadd.f32 v14, v8;
	v10 =	vmul.f32 v10, v21;
	v46 =	vmul.f32 v50, v21  }
0x12a: {  	v58 =	vld [tilespmem:$0x1800];
	v15 =	vperm.xlane v15, v6;
	v11 =	vadd.f32 v53, v11;
	v16 =	vadd.f32 v60, v16  }
0x12b: {  	v63 =	vld [tilespmem:s13+$0x52A0];
	v7 =	vadd.f32 v59, v7;
	v53 =	vmul.f32 v30, v55;
	v55 =	vmul.f32 v38, v49  }
0x12c: {  	v47 =	vld [tilespmem:s13+$0x52F0];
	v59 =	vperm.xlane v43, v6;
	v14 =	vadd.f32 v57, v56;
	v56 =	vperm.xlane v29, v6  }
0x12d: {  	v9 =	vadd.f32 v52, v51;
	v60 =	vld [tilespmem:s13+$0x5280];
	v12 =	vmul.f32 v12, v13;
	v13 =	vmul.f32 v20, v13  }
0x12e: {  	v38 =	vld [tilespmem:s13+$0x52E0];
	v40 =	vmul.f32 v23, v62;
	v11 =	vmul.f32 v16, v11  }
0x12f: {  	v43 =	vld [tilespmem:s13+$0x52B0];
	v8 =	vadd.f32 v53, v8;
	v9 =	vadd.f32 v54, v9;
	v36 =	vmul.f32 v45, v59  }
0x130: {  	v51 =	vld [tilespmem:$0x1900];
	v14 =	vadd.f32 v61, v14;
	v16 =	vmul.f32 v19, v59;
	v54 =	vperm.xlane v28, v6  }
0x131: {  	v52 =	vld [tilespmem:$0x1980];
	v62 =	vmul.f32 v37, v56;
	v57 =	vperm.xlane v58, v6;
	v9 =	vadd.f32 v55, v9  }
0x132: {  	v45 =	vld [tilespmem:s13+$0x52D0];
	v12 =	vadd.f32 v12, v36;
	v13 =	vadd.f32 v13, v16;
	v7 =	vmul.f32 v8, v7  }
0x133: {  	v61 =	vld [tilespmem:s13+$0x5A90];
	v44 =	vadd.f32 v39, v14;
	v59 =	vmul.f32 v60, v54;
	v60 =	vmul.f32 v63, v15  }
0x134: {  	v55 =	vld [tilespmem:s13+$0x5A80];
	v17 =	vmul.f32 v38, v57;
	v15 =	vmul.f32 v43, v15;
	v12 =	vadd.f32 v40, v12  }
0x135: {  	v58 =	vld [tilespmem:s13+$0x5AA0];
	v13 =	vadd.f32 v42, v13;
	v9 =	vmul.f32 v9, v11;
	v7 =	vmul.f32 v44, v7  }
0x136: {  	v63 =	vld [tilespmem:s13+$0x5AB0];
	v11 =	vperm.xlane v48, v6;
	v40 =	vmul.f32 v47, v57;
	v33 =	vadd.f32 v60, v59  }
0x137: {  	v53 =	vld [tilespmem:$0x1A00];
	v14 =	vmul.f32 v45, v56;
	v49 =	vadd.f32 v10, v12;
	v10 =	vmul.f32 v41, v54  }
0x138: {  	v34 =	vld [tilespmem:s13+$0x5AD0];
	v50 =	vadd.f32 v46, v13;
	v12 =	vperm.xlane v51, v6;
	v13 =	vperm.xlane v52, v6  }
0x139: {  	v35 =	vld [tilespmem:s13+$0x5AE0];
	v16 =	vmul.f32 v55, v11;
	v11 =	vmul.f32 v61, v11  }
0x13a: {  	v37 =	vld [tilespmem:s13+$0x5AF0];
	v36 =	vadd.f32 v62, v33;
	v8 =	vmul.f32 v49, v9;
	v22 =	vmul.f32 v58, v12  }
0x13b: {  	v7 =	vmul.f32 v50, v7;
	v10 =	vadd.f32 v15, v10;
	v12 =	vmul.f32 v63, v12  }
0x13c: {  	v9 =	vperm.xlane v53, v6;
	v39 =	vmul.f32 v32, v13;
	v38 =	vadd.f32 v22, v16  }
0x13d: {  	v41 =	vmul.f32 v34, v13;
	v10 =	vadd.f32 v14, v10;
	v11 =	vadd.f32 v12, v11  }
0x13e: {  	v42 =	vadd.f32 v17, v36;
	v15 =	vmul.f32 v35, v9;
	v14 =	vadd.f32 v39, v38  }
0x13f: {  	v9 =	vmul.f32 v37, v9;
	v10 =	vadd.f32 v40, v10;
	v11 =	vadd.f32 v41, v11  }
0x140: {  	v8 =	vmul.f32 v42, v8;
	v43 =	vadd.f32 v15, v14  }
0x141: {  	v7 =	vmul.f32 v10, v7;
	v9 =	vadd.f32 v9, v11  }
0x142: {  	v8 =	vmul.f32 v43, v8  }
0x143: {  	v7 =	vmul.f32 v9, v7  }
0x144: {  	[tilespmem:s1+$0xFFFFFFD0] =	vst v8  }
0x145: {  	[tilespmem:s1+$0xFFFFFFE0] =	vst v7  }
0x146: {  	v7 =	vld [tilespmem:$0x1A80]  }
0x147: {  	v8 =	vld [tilespmem:$0x1B00]  }
0x148: {  	v44 =	vld [tilespmem:$0x1B80]  }
0x149: {  	v45 =	vld [tilespmem:$0x1C00]  }
0x14a: {  	v46 =	vld [tilespmem:s13+$0x6280]  }
0x14b: {  	v47 =	vld [tilespmem:s13+$0x62A0]  }
0x14c: {  	v52 =	vld [tilespmem:s13+$0x62C0]  }
0x14d: {  	v14 =	vld [tilespmem:s13+$0x62E0]  }
0x14e: {  	v15 =	vld [tilespmem:s13+$0x6290]  }
0x14f: {  	v16 =	vld [tilespmem:s13+$0x62B0]  }
0x150: {  	v17 =	vld [tilespmem:s13+$0x62D0]  }
0x151: {  	v18 =	vld [tilespmem:s13+$0x62F0]  }
0x152: {  	v53 =	vld [tilespmem:$0x1C80]  }
0x153: {  	v54 =	vld [tilespmem:$0x1D00]  }
0x154: {  	v55 =	vld [tilespmem:$0x1D80]  }
0x155: {  	v56 =	vld [tilespmem:$0x1E00]  }
0x156: {  	v57 =	vld [tilespmem:s13+$0x6A80]  }
0x157: {  	v58 =	vld [tilespmem:s13+$0x6AA0]  }
0x158: {  	v59 =	vld [tilespmem:s13+$0x6AC0]  }
0x159: {  	v60 =	vld [tilespmem:s13+$0x6AE0]  }
0x15a: {  	v61 =	vld [tilespmem:s13+$0x6A90]  }
0x15b: {  	v62 =	vld [tilespmem:s13+$0x6AB0]  }
0x15c: {  	v29 =	vld [tilespmem:s13+$0x6AD0]  }
0x15d: {  	v30 =	vld [tilespmem:s13+$0x6AF0]  }
0x15e: {  	v63 =	vld [tilespmem:$0x1E80]  }
0x15f: {  	v48 =	vld [tilespmem:$0x1F00]  }
0x160: {  	v49 =	vld [tilespmem:$0x1F80]  }
0x161: {  	v50 =	vld [tilespmem:$0x2000]  }
0x162: {  	v51 =	vld [tilespmem:s13+$0x7280]  }
0x163: {  	v36 =	vld [tilespmem:s13+$0x72A0]  }
0x164: {  	v37 =	vld [tilespmem:s13+$0x72C0]  }
0x165: {  	v38 =	vld [tilespmem:s13+$0x72E0]  }
0x166: {  	v39 =	vld [tilespmem:s13+$0x7290]  }
0x167: {  	v13 =	vld [tilespmem:$0x2100]  }
0x168: {  	v21 =	vld [tilespmem:$0x2200];
	v7 =	vperm.xlane v7, v6  }
0x169: {  	v40 =	vld [tilespmem:s13+$0x72B0];
	v8 =	vperm.xlane v8, v6;
	v9 =	vperm.xlane v44, v6  }
0x16a: {  	v41 =	vld [tilespmem:s13+$0x72D0];
	v10 =	vperm.xlane v45, v6;
	v19 =	vperm.xlane v53, v6  }
0x16b: {  	v42 =	vld [tilespmem:s13+$0x72F0];
	v20 =	vperm.xlane v54, v6;
	v54 =	vperm.xlane v55, v6  }
0x16c: {  	v43 =	vld [tilespmem:$0x2080];
	v55 =	vperm.xlane v56, v6;
	v63 =	vperm.xlane v63, v6  }
0x16d: {  	v28 =	vld [tilespmem:$0x2280];
	v13 =	vperm.xlane v13, v6;
	v21 =	vperm.xlane v21, v6  }
0x16e: {  	v32 =	vld [tilespmem:s13+$0x8AC0];
	v11 =	vmul.f32 v46, v7;
	v12 =	vmul.f32 v47, v8  }
0x16f: {  	v44 =	vld [tilespmem:$0x2180];
	v52 =	vmul.f32 v52, v9;
	v53 =	vmul.f32 v14, v10  }
0x170: {  	v45 =	vld [tilespmem:s13+$0x7A80];
	v23 =	vmul.f32 v57, v19;
	v24 =	vmul.f32 v58, v20  }
0x171: {  	v57 =	vmul.f32 v59, v54;
	v59 =	vmul.f32 v18, v10;
	v10 =	vld [tilespmem:s13+$0x7AE0]  }
0x172: {  	v7 =	vmul.f32 v15, v7;
	v61 =	vmul.f32 v61, v19;
	v19 =	vld [tilespmem:s13+$0x7A90]  }
0x173: {  	v8 =	vmul.f32 v16, v8;
	v62 =	vmul.f32 v62, v20;
	v20 =	vld [tilespmem:s13+$0x7AB0]  }
0x174: {  	v58 =	vmul.f32 v17, v9;
	v46 =	vperm.xlane v48, v6;
	v47 =	vld [tilespmem:s13+$0x7AD0]  }
0x175: {  	v48 =	vperm.xlane v49, v6;
	v49 =	vperm.xlane v50, v6;
	v50 =	vld [tilespmem:s13+$0x7AF0]  }
0x176: {  	v60 =	vmul.f32 v60, v55;
	v14 =	vmul.f32 v29, v54;
	v15 =	vld [tilespmem:$0x2300];
	v11 =	vadd.f32 v12, v11  }
0x177: {  	v51 =	vmul.f32 v51, v63;
	v29 =	vld [tilespmem:$0x2380];
	v56 =	vadd.f32 v24, v23;
	v7 =	vadd.f32 v8, v7  }
0x178: {  	v12 =	vld [tilespmem:s13+$0x7AA0];
	v8 =	vadd.f32 v62, v61;
	v54 =	vmul.f32 v37, v48;
	v61 =	vmul.f32 v41, v48  }
0x179: {  	v23 =	vld [tilespmem:s13+$0x7AC0];
	v62 =	vperm.xlane v44, v6;
	v11 =	vadd.f32 v52, v11;
	v52 =	vmul.f32 v36, v46  }
0x17a: {  	v37 =	vld [tilespmem:s13+$0x82C0];
	v16 =	vadd.f32 v57, v56;
	v56 =	vmul.f32 v39, v63;
	v57 =	vmul.f32 v40, v46  }
0x17b: {  	v41 =	vld [tilespmem:s13+$0x8290];
	v7 =	vadd.f32 v58, v7;
	v39 =	vmul.f32 v42, v49;
	v42 =	vmul.f32 v47, v62  }
0x17c: {  	v48 =	vld [tilespmem:$0x2480];
	v8 =	vadd.f32 v14, v8;
	v10 =	vmul.f32 v10, v21;
	v46 =	vmul.f32 v50, v21  }
0x17d: {  	v58 =	vld [tilespmem:$0x2400];
	v15 =	vperm.xlane v15, v6;
	v11 =	vadd.f32 v53, v11;
	v16 =	vadd.f32 v60, v16  }
0x17e: {  	v63 =	vld [tilespmem:s13+$0x82A0];
	v7 =	vadd.f32 v59, v7;
	v53 =	vmul.f32 v30, v55;
	v55 =	vmul.f32 v38, v49  }
0x17f: {  	v47 =	vld [tilespmem:s13+$0x82F0];
	v59 =	vperm.xlane v43, v6;
	v14 =	vadd.f32 v57, v56;
	v56 =	vperm.xlane v29, v6  }
0x180: {  	v9 =	vadd.f32 v52, v51;
	v60 =	vld [tilespmem:s13+$0x8280];
	v12 =	vmul.f32 v12, v13;
	v13 =	vmul.f32 v20, v13  }
0x181: {  	v38 =	vld [tilespmem:s13+$0x82E0];
	v40 =	vmul.f32 v23, v62;
	v11 =	vmul.f32 v16, v11  }
0x182: {  	v43 =	vld [tilespmem:s13+$0x82B0];
	v8 =	vadd.f32 v53, v8;
	v9 =	vadd.f32 v54, v9;
	v36 =	vmul.f32 v45, v59  }
0x183: {  	v51 =	vld [tilespmem:$0x2500];
	v14 =	vadd.f32 v61, v14;
	v16 =	vmul.f32 v19, v59;
	v54 =	vperm.xlane v28, v6  }
0x184: {  	v52 =	vld [tilespmem:$0x2580];
	v62 =	vmul.f32 v37, v56;
	v57 =	vperm.xlane v58, v6;
	v9 =	vadd.f32 v55, v9  }
0x185: {  	v45 =	vld [tilespmem:s13+$0x82D0];
	v12 =	vadd.f32 v12, v36;
	v13 =	vadd.f32 v13, v16;
	v7 =	vmul.f32 v8, v7  }
0x186: {  	v61 =	vld [tilespmem:s13+$0x8A90];
	v44 =	vadd.f32 v39, v14;
	v59 =	vmul.f32 v60, v54;
	v60 =	vmul.f32 v63, v15  }
0x187: {  	v55 =	vld [tilespmem:s13+$0x8A80];
	v17 =	vmul.f32 v38, v57;
	v15 =	vmul.f32 v43, v15;
	v12 =	vadd.f32 v40, v12  }
0x188: {  	v58 =	vld [tilespmem:s13+$0x8AA0];
	v13 =	vadd.f32 v42, v13;
	v9 =	vmul.f32 v9, v11;
	v7 =	vmul.f32 v44, v7  }
0x189: {  	v63 =	vld [tilespmem:s13+$0x8AB0];
	v11 =	vperm.xlane v48, v6;
	v40 =	vmul.f32 v47, v57;
	v33 =	vadd.f32 v60, v59  }
0x18a: {  	v53 =	vld [tilespmem:$0x2600];
	v14 =	vmul.f32 v45, v56;
	v49 =	vadd.f32 v10, v12;
	v10 =	vmul.f32 v41, v54  }
0x18b: {  	v34 =	vld [tilespmem:s13+$0x8AD0];
	v50 =	vadd.f32 v46, v13;
	v12 =	vperm.xlane v51, v6;
	v13 =	vperm.xlane v52, v6  }
0x18c: {  	v35 =	vld [tilespmem:s13+$0x8AE0];
	v16 =	vmul.f32 v55, v11;
	v11 =	vmul.f32 v61, v11  }
0x18d: {  	v37 =	vld [tilespmem:s13+$0x8AF0];
	v36 =	vadd.f32 v62, v33;
	v8 =	vmul.f32 v49, v9;
	v22 =	vmul.f32 v58, v12  }
0x18e: {  	v7 =	vmul.f32 v50, v7;
	v10 =	vadd.f32 v15, v10;
	v12 =	vmul.f32 v63, v12  }
0x18f: {  	v9 =	vperm.xlane v53, v6;
	v39 =	vmul.f32 v32, v13;
	v38 =	vadd.f32 v22, v16  }
0x190: {  	v41 =	vmul.f32 v34, v13;
	v10 =	vadd.f32 v14, v10;
	v11 =	vadd.f32 v12, v11  }
0x191: {  	v42 =	vadd.f32 v17, v36;
	v15 =	vmul.f32 v35, v9;
	v14 =	vadd.f32 v39, v38  }
0x192: {  	v9 =	vmul.f32 v37, v9;
	v10 =	vadd.f32 v40, v10;
	v11 =	vadd.f32 v41, v11  }
0x193: {  	v8 =	vmul.f32 v42, v8;
	v43 =	vadd.f32 v15, v14  }
0x194: {  	v7 =	vmul.f32 v10, v7;
	v9 =	vadd.f32 v9, v11  }
0x195: {  	v8 =	vmul.f32 v43, v8  }
0x196: {  	v7 =	vmul.f32 v9, v7  }
0x197: {  	[tilespmem:s1+$0xFFFFFFF0] =	vst v8  }
0x198: {  	[tilespmem:s1+$0x0] =	vst v7  }
0x199: {  	v7 =	vld [tilespmem:$0x2680]  }
0x19a: {  	v8 =	vld [tilespmem:$0x2700]  }
0x19b: {  	v44 =	vld [tilespmem:$0x2780]  }
0x19c: {  	v45 =	vld [tilespmem:$0x2800]  }
0x19d: {  	v46 =	vld [tilespmem:s13+$0x9280]  }
0x19e: {  	v47 =	vld [tilespmem:s13+$0x92A0]  }
0x19f: {  	v51 =	vld [tilespmem:s13+$0x92C0]  }
0x1a0: {  	v52 =	vld [tilespmem:s13+$0x92E0]  }
0x1a1: {  	v15 =	vld [tilespmem:s13+$0x9290]  }
0x1a2: {  	v16 =	vld [tilespmem:s13+$0x92B0]  }
0x1a3: {  	v17 =	vld [tilespmem:s13+$0x92D0]  }
0x1a4: {  	v18 =	vld [tilespmem:s13+$0x92F0]  }
0x1a5: {  	v53 =	vld [tilespmem:$0x2880]  }
0x1a6: {  	v54 =	vld [tilespmem:$0x2900]  }
0x1a7: {  	v55 =	vld [tilespmem:$0x2980]  }
0x1a8: {  	v56 =	vld [tilespmem:$0x2A00]  }
0x1a9: {  	v57 =	vld [tilespmem:s13+$0x9A80]  }
0x1aa: {  	v58 =	vld [tilespmem:s13+$0x9AA0]  }
0x1ab: {  	v59 =	vld [tilespmem:s13+$0x9AC0]  }
0x1ac: {  	v60 =	vld [tilespmem:s13+$0x9AE0]  }
0x1ad: {  	v61 =	vld [tilespmem:s13+$0x9A90]  }
0x1ae: {  	v62 =	vld [tilespmem:s13+$0x9AB0]  }
0x1af: {  	v63 =	vld [tilespmem:s13+$0x9AD0]  }
0x1b0: {  	v30 =	vld [tilespmem:s13+$0x9AF0]  }
0x1b1: {  	v31 =	vld [tilespmem:$0x2A80]  }
0x1b2: {  	v32 =	vld [tilespmem:$0x2B00]  }
0x1b3: {  	v33 =	vld [tilespmem:$0x2B80]  }
0x1b4: {  	v34 =	vld [tilespmem:$0x2C00]  }
0x1b5: {  	v48 =	vld [tilespmem:s13+$0xA280]  }
0x1b6: {  	v49 =	vld [tilespmem:s13+$0xA2A0]  }
0x1b7: {  	v50 =	vld [tilespmem:s13+$0xA2C0]  }
0x1b8: {  	v38 =	vld [tilespmem:s13+$0xA2E0]  }
0x1b9: {  	v39 =	vld [tilespmem:s13+$0xA290]  }
0x1ba: {  	v40 =	vld [tilespmem:s13+$0xA2B0]  }
0x1bb: {  	v41 =	vld [tilespmem:s13+$0xA2D0];
	v7 =	vperm.xlane v7, v6;
	v8 =	vperm.xlane v8, v6  }
0x1bc: {  	v42 =	vld [tilespmem:s13+$0xA2F0];
	v9 =	vperm.xlane v44, v6;
	v10 =	vperm.xlane v45, v6  }
0x1bd: {  	v43 =	vld [tilespmem:$0x2C80];
	v19 =	vperm.xlane v53, v6;
	v20 =	vperm.xlane v54, v6  }
0x1be: {  	v13 =	vld [tilespmem:$0x2D00];
	v53 =	vperm.xlane v55, v6;
	v54 =	vperm.xlane v56, v6  }
0x1bf: {  	v21 =	vld [tilespmem:$0x2E00];
	v31 =	vperm.xlane v31, v6;
	v32 =	vperm.xlane v32, v6  }
0x1c0: {  	v25 =	vld [tilespmem:s13+$0xAAF0];
	v33 =	vperm.xlane v33, v6;
	v11 =	vmul.f32 v46, v7  }
0x1c1: {  	v37 =	vld [tilespmem:s13+$0xB2F0];
	v12 =	vmul.f32 v47, v8;
	v51 =	vmul.f32 v51, v9  }
0x1c2: {  	v44 =	vld [tilespmem:$0x2D80];
	v52 =	vmul.f32 v52, v10;
	v23 =	vmul.f32 v57, v19  }
0x1c3: {  	v45 =	vld [tilespmem:s13+$0xAA80];
	v24 =	vmul.f32 v58, v20;
	v7 =	vmul.f32 v15, v7  }
0x1c4: {  	v56 =	vmul.f32 v59, v53;
	v58 =	vmul.f32 v18, v10;
	v10 =	vld [tilespmem:s13+$0xAAE0]  }
0x1c5: {  	v59 =	vmul.f32 v60, v54;
	v60 =	vmul.f32 v61, v19;
	v61 =	vld [tilespmem:s13+$0xAA90]  }
0x1c6: {  	v8 =	vmul.f32 v16, v8;
	v14 =	vmul.f32 v63, v53;
	v63 =	vld [tilespmem:s13+$0xAAB0]  }
0x1c7: {  	v57 =	vmul.f32 v17, v9;
	v62 =	vmul.f32 v62, v20;
	v47 =	vld [tilespmem:$0x2E80]  }
0x1c8: {  	v15 =	vmul.f32 v30, v54;
	v46 =	vmul.f32 v49, v32;
	v49 =	vld [tilespmem:$0x2F00]  }
0x1c9: {  	v35 =	vmul.f32 v48, v31;
	v50 =	vmul.f32 v50, v33;
	v53 =	vld [tilespmem:$0x3000]  }
0x1ca: {  	v17 =	vmul.f32 v39, v31;
	v22 =	vmul.f32 v40, v32;
	v19 =	vld [tilespmem:s13+$0xB2E0];
	v11 =	vadd.f32 v12, v11  }
0x1cb: {  	v18 =	vmul.f32 v41, v33;
	v33 =	vld [tilespmem:s13+$0xB2B0];
	v55 =	vadd.f32 v24, v23;
	v7 =	vadd.f32 v8, v7  }
0x1cc: {  	v48 =	vperm.xlane v34, v6;
	v41 =	vld [tilespmem:$0x3100];
	v8 =	vadd.f32 v62, v60;
	v9 =	vadd.f32 v46, v35  }
0x1cd: {  	v54 =	vperm.xlane v43, v6;
	v43 =	vld [tilespmem:$0x3200];
	v17 =	vadd.f32 v22, v17;
	v11 =	vadd.f32 v51, v11  }
0x1ce: {  	v13 =	vperm.xlane v13, v6;
	v12 =	vld [tilespmem:s13+$0xAAA0];
	v16 =	vadd.f32 v56, v55;
	v7 =	vadd.f32 v57, v7  }
0x1cf: {  	v23 =	vld [tilespmem:s13+$0xAAC0];
	v8 =	vadd.f32 v14, v8;
	v56 =	vperm.xlane v44, v6;
	v14 =	vmul.f32 v42, v48  }
0x1d0: {  	v24 =	vld [tilespmem:s13+$0xAAD0];
	v60 =	vmul.f32 v61, v54;
	v44 =	vperm.xlane v47, v6;
	v11 =	vadd.f32 v52, v11  }
0x1d1: {  	v62 =	vld [tilespmem:s13+$0xB290];
	v7 =	vadd.f32 v58, v7;
	v52 =	vmul.f32 v38, v48;
	v58 =	vmul.f32 v45, v54  }
0x1d2: {  	v51 =	vld [tilespmem:$0x2F80];
	v17 =	vadd.f32 v18, v17;
	v45 =	vperm.xlane v49, v6;
	v48 =	vperm.xlane v53, v6  }
0x1d3: {  	v55 =	vld [tilespmem:s13+$0xB280];
	v16 =	vadd.f32 v59, v16;
	v12 =	vmul.f32 v12, v13;
	v13 =	vmul.f32 v63, v13  }
0x1d4: {  	v57 =	vld [tilespmem:s13+$0xB2A0];
	v8 =	vadd.f32 v15, v8;
	v61 =	vmul.f32 v23, v56;
	v63 =	vperm.xlane v21, v6  }
0x1d5: {  	v35 =	vld [tilespmem:s13+$0xB2D0];
	v9 =	vadd.f32 v50, v9;
	v26 =	vmul.f32 v24, v56;
	v11 =	vmul.f32 v16, v11  }
0x1d6: {  	v59 =	vld [tilespmem:s13+$0xB2C0];
	v34 =	vadd.f32 v14, v17;
	v7 =	vmul.f32 v8, v7;
	v15 =	vmul.f32 v33, v45  }
0x1d7: {  	v38 =	vld [tilespmem:$0x3080];
	v9 =	vadd.f32 v52, v9;
	v17 =	vmul.f32 v37, v48;
	v10 =	vmul.f32 v10, v63  }
0x1d8: {  	v46 =	vld [tilespmem:s13+$0xBA80];
	v12 =	vadd.f32 v12, v58;
	v36 =	vmul.f32 v25, v63;
	v47 =	vperm.xlane v51, v6  }
0x1d9: {  	v42 =	vld [tilespmem:$0x3180];
	v13 =	vadd.f32 v13, v60;
	v50 =	vmul.f32 v55, v44;
	v52 =	vmul.f32 v57, v45  }
0x1da: {  	v49 =	vld [tilespmem:s13+$0xBAA0];
	v9 =	vmul.f32 v9, v11;
	v7 =	vmul.f32 v34, v7  }
0x1db: {  	v51 =	vld [tilespmem:s13+$0xBA90];
	v12 =	vadd.f32 v61, v12;
	v13 =	vadd.f32 v26, v13;
	v54 =	vmul.f32 v59, v47  }
0x1dc: {  	v53 =	vld [tilespmem:s13+$0xBAB0];
	v14 =	vmul.f32 v35, v47;
	v24 =	vadd.f32 v52, v50;
	v11 =	vperm.xlane v38, v6  }
0x1dd: {  	v55 =	vld [tilespmem:s13+$0xBAC0];
	v61 =	vmul.f32 v19, v48;
	v39 =	vadd.f32 v10, v12;
	v10 =	vmul.f32 v62, v44  }
0x1de: {  	v56 =	vld [tilespmem:s13+$0xBAD0];
	v40 =	vadd.f32 v36, v13;
	v12 =	vperm.xlane v41, v6;
	v13 =	vperm.xlane v42, v6  }
0x1df: {  	v57 =	vld [tilespmem:s13+$0xBAE0];
	v6 =	vperm.xlane v43, v6;
	v16 =	vmul.f32 v46, v11  }
0x1e0: {  	v59 =	vld [tilespmem:s13+$0xBAF0];
	v58 =	vadd.f32 v54, v24;
	v11 =	vmul.f32 v51, v11;
	v23 =	vmul.f32 v49, v12  }
0x1e1: {  	v8 =	vmul.f32 v39, v9;
	v10 =	vadd.f32 v15, v10;
	v12 =	vmul.f32 v53, v12  }
0x1e2: {  	v7 =	vmul.f32 v40, v7;
	v18 =	vmul.f32 v55, v13;
	v60 =	vadd.f32 v23, v16  }
0x1e3: {  	v62 =	vmul.f32 v56, v13;
	v10 =	vadd.f32 v14, v10;
	v11 =	vadd.f32 v12, v11  }
0x1e4: {  	v63 =	vadd.f32 v61, v58;
	v9 =	vmul.f32 v57, v6;
	v14 =	vadd.f32 v18, v60  }
0x1e5: {  	v6 =	vmul.f32 v59, v6;
	v10 =	vadd.f32 v17, v10;
	v11 =	vadd.f32 v62, v11  }
0x1e6: {  	p0 =	sne.s32 s11, $0x1E00;
	v8 =	vmul.f32 v63, v8;
	v9 =	vadd.f32 v9, v14  }
.Ltmp0:
0x1e7: {  	v7 =	vmul.f32 v10, v7;
	v6 =	vadd.f32 v6, v11;
	(pc) =	sbr.rel @p0 .LBB2_3-.Ltmp0, $4  }
0x1e8: {  	v8 =	vmul.f32 v9, v8  }
0x1e9: {  	v6 =	vmul.f32 v6, v7  }
0x1ea: {  	[tilespmem:s1+$0x10] =	vst v8  }
0x1eb: {  	s2 =	sadd.s32 $0x1, s2;
	s11 =	sadd.s32 $0x200, s11;
	[tilespmem:s1+$0x20] =	vst v6;
	s1 =	sadd.s32 $0x60, s1  }
0x1ec: {  	s1 =	smul.u32 $0xC, s9;
	s5 =	sadd.s32 $0x1, s5  }
0x1ed: {  	s2 =	rddreg [dreg:$0x2];
	p0 =	sne.s32 s5, $0x400  }
.Ltmp1:
0x1ee: {  	s13 =	simm.s32 $0x0;
	s1 =	sadd.s32 s2, s1;
	(pc) =	sbr.rel @p0 .LBB2_2-.Ltmp1, $4  }
0x1ef: {  	[hbm4b:s1+s13] =	stream.linear.scatter [tilespmem:s0], [sflag:$0x2], $0x600, $0x38;
	[tilespmem:$0xC880] =	vst v63  }
0x1f0: {  	_ =	swait.ge [sflag:s12], $0x600  }
0x1f1: {  	[sflag:s12] =	ssyncset.done $0x0  }
0x1f2: {  	[sflag:s12] =	ssyncadd.s32 $0xFFFFFA00  }
0x1f3: {  	s2 =	rddreg [dreg:$0x6]  }
0x1f4: {  	s1 =	rddreg [dreg:$0x5];
	s2 =	sadd.s32 $0x1, s2  }
0x1f5: {  	p0 =	sne.s32 s2, s1  }
.Ltmp2:
0x1f6: {  	_ = 	snop;
	(pc) =	sbr.rel @p0 .LBB2_1-.Ltmp2, $1  }
0x1f7: {  	_ =	sdelay $0x3  }
0x1f8: {  	_ =	sfence.sel $0x180000  }
0x1f9: {  	[bflag:$0x0] =	sbarrier.arrive $0xFFFF  }
0x1fa: {  	_ =	strace $0x90000053  }
0x1fb: {  	s0 =	stileid.u32;
	[bflag:$0x2] =	sbarrier.arrive $0xFFFF  }
0x1fc: {  	p0 =	sne.s32 s0, $0x0;
	s0 =	rddreg [dreg:$0x3]  }
0x1fd: {  	s0 =	sadd.s32 @!p0 $0x100000, s0  }
0x1fe: {  	[sflag:s0] =	ssyncadd.tile.s32 @!p0 $0x1;
	_ =	shalt  }
.Lfunc_end2:
_tile_overlayer_lowered:
.L_overlay_start_2:
0x1ff: {  	(tag) =	ssettag $0x2  }
0x200: {  	s0 =	rddreg [dreg:$0x0];
	s2 =	stileid.u32  }
0x201: {  	s1 =	rddreg [dreg:$0x1];
	p0 =	sne.s32 s2, $0x0  }
0x202: {  	s3 =	rddreg [dreg:$0x2];
	[bflag:$0x3] =	sbarrier.arrive $0xFFFF;
	s2 =	simm.s32 @!p0 $0x1C02  }
0x203: {  	[timem:s3], [sflag:s2] =	dma.local @!p0 [hbm:s0], s1  }
0x204: {  	s0 =	simm.s32 @!p0 $0x2  }
0x205: {  	_ =	swait.ge @!p0 [sflag:s0], s1  }
0x206: {  	s1 =	ssub.s32 @!p0 $0x0, s1;
	[sflag:s0] =	ssyncset.done @!p0 $0x0  }
0x207: {  	[sflag:s0] =	ssyncadd.s32 @!p0 s1  }
0x208: {  	[bflag:$0x3] =	sbarrier.arrive $0xFFFF  }
0x209: {  	_ =	shalt  }

// kernel: sparse-core-data-format-call.1.cloned.1.call-start
scs
called_computation.1_lowered:
.L_overlay_start_0:
0x0: {  	s2 =	sld [smem:$0x3FD9]  }
0x1: {  	s3 =	sld [smem:$0x3FFE];
	_ =	sdelay $0x1  }
0x2: {  	s1 =	srdreg.scid  }
0x3: {  	s0 =	sand.u32 $0x1, s1  }
0x4: {  	s18 =	sshll.u32 s0, $0xA;
	s2 =	sadd.s32 s3, s2  }
0x5: {  	s2 =	sadd.s32 s2, s18  }
0x6: {  	[smem:$0x3FBF] =	sst s2  }
0x7: {  	_ = 	snop  }
0x8: {  	(tm) =	ssettm $0x1  }
0x9: {  	s19 =	sld [smem:$0x3FFB];
	_ =	sdelay $0x3  }
0xa: {  	_ =	strace s19  }
0xb: {  	s2 =	sld [smem:$0x3FFC];
	_ =	sdelay $0x3  }
0xc: {  	_ =	strace s2  }
0xd: {  	s2 =	sld [smem:$0x3FFD];
	_ =	sdelay $0x3  }
0xe: {  	_ =	strace s2  }
0xf: {  	_ =	strace $0x8FFFFFFF  }
0x10: {  	s20 =	sld [smem:$0x3FDB];
	_ =	sdelay $0x1  }
0x11: {  	s21 =	simm.s32 $_scs_section_size  }
0x12: {  	s4 =	simm.s32 $_size__tile_overlayer_lowered;
	s5 =	simm.s32 $_tile_overlayer_lowered  }
0x13: {  	s6 =	simm.s32 $0x1BFF;
	s22 =	sshll.u32 s5, $0x1;
	s3 =	sadd.s32 s21, s20  }
0x14: {  	s23 =	simm.s32 $0x0;
	s4 =	sshll.u32 s4, $0x1;
	s5 =	sadd.s32 s22, s3  }
0x15: {  	[timem:s23], [sflag:s6] =	dma.local [hbm:s5], s4  }
0x16: {  	_ =	swait.ge [sflag:s6], s4  }
0x17: {  	s4 =	ssub.s32 $0x0, s4;
	[sflag:s6] =	ssyncset.done $0x0  }
0x18: {  	[sflag:s6] =	ssyncadd.s32 s4;
	_ =	sdelay $0x1  }
0x19: {  	s24 =	simm.s32 $0x1B8B  }
0x1a: {  	_ =	swait.ge [sflag:s24], $0x1  }
0x1b: {  	[sflag:s24] =	ssyncset.done $0x0  }
0x1c: {  	[sflag:s24] =	ssyncadd.s32 $0xFFFFFFFF  }
0x1d: {  	s4 =	sld [smem:$0x0]  }
0x1e: {  	s5 =	sand.u32 $0xFFFFFFFE, s1  }
0x1f: {  	p0 =	sne.s32 s1, s5  }
0x20: {  	s5 =	sshll.u32 @p0 s5, $0xE  }
0x21: {  	s5 =	sadd.s32 @p0 $0x11B8D, s5;
	s6 =	sshll.u32 @p0 s4, $0x11  }
0x22: {  	s5 =	sor.u32 @p0 s6, s5  }
0x23: {  	[sflag:s5] =	ssyncadd.remote.s32 @p0 $0x1;
	_ =	sdelay $0x1  }
0x24: {  	s5 =	simm.s32 @p0 $0x1B8D  }
0x25: {  	_ =	swait.eq @p0 [sflag:s5], $0x1  }
0x26: {  	[sflag:s5] =	ssyncadd.s32 @p0 $0xFFFFFFFF  }
0x27: {  	s6 =	sshll.u32 @!p0 s1, $0xE  }
0x28: {  	s6 =	sor.u32 @!p0 $0x4000, s6;
	s5 =	simm.s32 @!p0 $0x1B8D  }
0x29: {  	s4 =	sshll.u32 @!p0 s4, $0x11;
	s6 =	sadd.s32 @!p0 $0x11B8D, s6;
	_ =	swait.eq @!p0 [sflag:s5], $0x1  }
0x2a: {  	s4 =	sor.u32 @!p0 s4, s6;
	[sflag:s5] =	ssyncadd.s32 @!p0 $0xFFFFFFFF  }
0x2b: {  	s26 =	simm.s32 $0x1B8E;
	s25 =	sld [smem:$0x3FFE];
	[sflag:s4] =	ssyncadd.remote.s32 @!p0 $0x1  }
0x2c: {  	s27 =	simm.s32 $execute0_lowered;
	[smem:$0x3FD2] =	sst s26  }
0x2d: {  	s5 =	sshll.u32 s27, $0x1;
	_ =	strace $0x8000004F;
	[dreg:$0x1] =	wrdreg $0xFFFFFFFF  }
0x2e: {  	s28 =	simm.s32 $_size_execute0_lowered;
	s3 =	sadd.s32 s3, s5;
	[dreg:$0x0] =	wrdreg $0x0  }
0x2f: {  	s5 =	sshll.u32 s28, $0x1;
	[dreg:$0x2] =	wrdreg s3  }
0x30: {  	[dreg:$0x3] =	wrdreg s5  }
0x31: {  	[dreg:$0x4] =	wrdreg $0xC0  }
0x32: {  	_ =	task [dreg:s23], $0x5FFFF  }
0x33: {  	[dreg:$0x1] =	wrdreg $0xFFFFFFFF  }
0x34: {  	[dreg:$0x0] =	wrdreg $0x60  }
0x35: {  	[dreg:$0x2] =	wrdreg s25  }
0x36: {  	[dreg:$0x3] =	wrdreg $0x9  }
0x37: {  	_ =	task.clear_ibuf [dreg:s23], $0x4FFFF;
	_ =	strace $0x9000004F  }
0x38: {  	s29 =	simm.s32 $0x9;
	_ =	strace $0x80000051  }
0x39: {  	_ =	swait.ge [sflag:s29], $0x1  }
0x3a: {  	[sflag:s29] =	ssyncadd.s32 $0xFFFFFFFF  }
0x3b: {  	_ =	strace $0x90000051  }
0x3c: {  	_ =	sfence  }
0x3d: {  	s30 =	sld [smem:$0x0];
	_ =	sdelay $0x2  }
0x3e: {  	s31 =	sshll.u32 s1, $0xD;
	s1 =	sshrl.u32 s1, $0x2  }
0x3f: {  	s4 =	sand.u32 $0x4000, s31;
	s1 =	sadd.s32 s1, s30  }
0x40: {  	s0 =	sor.u32 s4, s0;
	s1 =	sshll.u32 s1, $0x11  }
0x41: {  	s0 =	sor.u32 s1, s0  }
0x42: {  	s0 =	sadd.s32 $0x8F2B, s0  }
0x43: {  	[sflag:s0] =	ssyncadd.remote.s32 $0x1  }
0x44: {  	_ =	sfence.sel $0xFFFF  }
0x45: {  	[dreg:$0x0] =	wrdreg $0xFFFFFFFF;
	(pc) =	sbr.abs _section_cstart, $3  }
0x46: {  	[dreg:$0x1] =	wrdreg $0xFFFFFFFF  }
0x47: {  	_ =	task.clear_ibuf [dreg:s23], $0x2FFFF;
	_ =	strace $0x9FFFFFFF  }
0x48: {  	(tm) =	ssettm $0x7FFFFFFF  }
0x49: {  	_ =	shalt  }
tec
execute0_lowered:
.L_overlay_start_1:
0x0: {  	(tag) =	ssettag $0x1  }
0x1: {  	s0 =	srdreg.scid  }
0x2: {  	s5 =	rddreg [dreg:$0x0];
	s1 =	sshll.u32 s0, $0x4  }
0x3: {  	s4 =	simm.s32 $0x1;
	s0 =	stileid.u32;
	s1 =	sand.u32 $0x10, s1  }
0x4: {  	s8 =	simm.s32 $0x2;
	s12 =	simm.s32 $0x0;
	s2 =	sor.u32 s0, s1  }
0x5: {  	s11 =	simm.s32 $0x0;
	s9 =	simm.s32 $0x0;
	s2 =	sshll.u32 s2, $0x7  }
0x6: {  	s10 =	simm.s32 $0x0;
	s3 =	sadd.s32 $0x4AE800, s5;
	s6 =	ssub.s32 $0x18000, s2  }
.Ltmp0:
0x7: {  	s1 =	rddreg [dreg:$0x1];
	s7 =	sand.u32 $0xF80, s6;
	(pc) =	sbr.rel .LBB1_1-.Ltmp0, $4  }
0x8: {  	_ =	strace $0x80000050;
	p0 =	sne.s32 s7, $0x0;
	s7 =	simm.s32 $0x1  }
0x9: {  	[sflag:s4] =	ssyncpa.u1 $0x0;
	s6 =	sshrl.u32 s6, $0xC;
	s7 =	simm.s32 @!p0 $0x0  }
0xa: {  	s5 =	sadd.s32 $0x306600, s5;
	[sflag:s8] =	ssyncpa.u1 $0x0;
	s6 =	sadd.s32 s7, s6  }
0xb: {  	s8 =	smov.u32 s2;
	p0 =	por $0x0, $0x0;
	s7 =	sadd.s32 $0x1, s6  }
.LBB1_4:
0xc: {  	s12 =	sshll.u32 s12, $0x7;
	s18 =	sshll.u32 s11, $0x3  }
0xd: {  	v5 =	vld [tilespmem:s16+$0xFFFFFFD0];
	[tilespmem:s15+$0x2040 ss:$0x81] =	vst.msk $0xffff, v4;
	s19 =	sand.u32 $0xFFFFFC00, s12;
	s18 =	sand.u32 $0xFFFFFC00, s18  }
0xe: {  	v58 =	vld [tilespmem:s16+$0xFFFFFFE0];
	[tilespmem:s15+$0x2850 ss:$0x81] =	vst.msk $0xffff, v3;
	s12 =	sand.u32 $0x380, s12;
	s18 =	sadd.s32 s18, s19  }
0xf: {  	s17 =	sshra.s32 s17, $0x2;
	v59 =	vld [tilespmem:s16+$0xFFFFFFF0];
	[tilespmem:s15+$0x3060 ss:$0x81] =	vst.msk $0xffff, v2;
	s12 =	sor.u32 s12, s18  }
0x10: {  	v60 =	vld [tilespmem:s16+$0x0];
	[tilespmem:s15+$0x0 ss:$0x81] =	vst.msk $0xffff, v0;
	s14 =	sadd.s32 s17, s14;
	s12 =	sshrl.u32 s12, $0x7  }
0x11: {  	v61 =	vld [tilespmem:s16+$0x10];
	[tilespmem:s14+$0x3870 ss:$0x81] =	vst.msk $0xffff, v1;
	s28 =	smulhi.u32 $0xAAAAAB, s12  }
0x12: {  	v62 =	vld [tilespmem:s16+$0x20];
	[tilespmem:s14+$0x810 ss:$0x81] =	vst.msk $0xffff, v5  }
0x13: {  	v63 =	vld [tilespmem:s16+$0xFFFFFFC0];
	[tilespmem:s14+$0x1020 ss:$0x81] =	vst.msk $0xffff, v58;
	s15 =	sshrl.u32 s28, $0x8  }
0x14: {  	[tilespmem:s14+$0x1830 ss:$0x81] =	vst.msk $0xffff, v59;
	s15 =	smul.u32 $0x18000, s15  }
0x15: {  	s29 =	sshrl.u32 s11, $0x3;
	[tilespmem:s14+$0x2040 ss:$0x81] =	vst.msk $0xffff, v60  }
0x16: {  	s30 =	sand.u32 $0xF, s29;
	[tilespmem:s14+$0x2850 ss:$0x81] =	vst.msk $0xffff, v61;
	s12 =	ssub.s32 s12, s15  }
0x17: {  	[tilespmem:s14+$0x3060 ss:$0x81] =	vst.msk $0xffff, v62;
	s15 =	sadd.s32 s5, s30;
	s12 =	sshll.u32 s12, $0x4  }
0x18: {  	s31 =	sand.u32 $0x7, s11;
	[tilespmem:s14+$0x0 ss:$0x81] =	vst.msk $0xffff, v63;
	s12 =	sadd.s32 s12, s15  }
0x19: {  	[hbm4b:s12+s31] =	stream.linear.scatter [tilespmem:s13], [sflag:$0x2], $0x4000, $0x20;
	[tilespmem:$0x10100] =	vst v63  }
.LBB1_5:
0x1a: {  	s13 =	sadd.s32 $0x1000, s8  }
0x1b: {  	s11 =	sadd.s32 $0x80, s9;
	s15 =	smov.u32 s9;
	p2 =	sgt.s32 s13, $0x17FFF  }
0x1c: {  	s15 =	smov.u32 @p2 s11  }
0x1d: {  	s13 =	smov.u32 @p2 s2;
	p2 =	sgt.s32 s15, $0x7F  }
0x1e: {  	s15 =	simm.s32 @p2 $0x0;
	p2 =	sne.s32 s10, s7  }
.Ltmp1:
0x1f: {  	p1 =	slt.u32 s10, $0x2;
	(pc) =	sbr.rel @!p2 .LBB1_6-.Ltmp1, $4  }
0x20: {  	s14 =	simm.s32 @!p1 $0x2  }
0x21: {  	s12 =	smov.u32 s8;
	p0 =	por !p0, !p0;
	_ =	swait.ge @!p1 [sflag:s14], $0x4000  }
0x22: {  	s11 =	smov.u32 s9;
	[sflag:s14] =	ssyncset.done @!p1 $0x0;
	s8 =	smov.u32 s13  }
0x23: {  	s10 =	sadd.s32 $0x1, s10;
	[sflag:s14] =	ssyncadd.s32 @!p1 $0xFFFFC000;
	s9 =	smov.u32 s15  }
.LBB1_1:
0x24: {  	p1 =	sge.u32 s10, s6  }
0x25: {  	s13 =	sshrl.u32 @!p1 s9, $0x3  }
0x26: {  	s14 =	sshll.u32 @!p1 s8, $0x3;
	s15 =	sshll.u32 @!p1 s9, $0x7;
	s13 =	smul.u32 @!p1 $0xC0000, s13  }
0x27: {  	s16 =	sand.u32 @!p1 $0x7F, s8;
	s14 =	sand.u32 @!p1 $0xFFFFFC00, s14;
	s15 =	sand.u32 @!p1 $0x380, s15  }
0x28: {  	s13 =	sadd.s32 @!p1 s13, s14;
	s14 =	sor.u32 @!p1 s16, s15  }
0x29: {  	s14 =	sor.u32 @!p1 s13, s14  }
0x2a: {  	s15 =	smulhi.u32 @!p1 $0xAAAAAAAB, s14;
	_ =	sdelay $0x1  }
0x2b: {  	s13 =	smulhi.u32 @!p1 $0xAAAAAAAB, s13;
	s15 =	sshrl.u32 @!p1 s15, $0x10  }
0x2c: {  	s15 =	smul.u32 @!p1 $0x18000, s15  }
0x2d: {  	s31 =	sadd.s32 $0xFFFFFFFF, s10;
	s16 =	sxor.u32 @!p1 $0xFFFFFFFF, s10;
	s13 =	sshrl.u32 @!p1 s13, $0x10  }
0x2e: {  	s16 =	sshll.u32 @!p1 s16, $0xE;
	s13 =	sand.u32 @!p1 $0x7F, s13;
	s14 =	ssub.s32 @!p1 s14, s15  }
0x2f: {  	s13 =	smul.u32 @!p1 $0x3000, s13;
	s15 =	sshrl.u32 @!p1 s14, $0x3;
	s14 =	sand.u32 @!p1 $0x7, s14  }
0x30: {  	s16 =	sand.u32 @!p1 $0x4000, s16;
	s15 =	sadd.s32 @!p1 s3, s15;
	s14 =	sshll.u32 @!p1 s14, $0x12  }
0x31: {  	s13 =	sadd.s32 @!p1 s13, s15;
	s14 =	sor.u32 @!p1 $0x400, s14;
	s15 =	simm.s32 @!p1 $0xC0000  }
0x32: {  	[tilespmem:s16], [sflag:$0x1] =	stream.strided.gather @!p1 [hbm4b:s13+s14], $0x4000, s15, s14, $0x38;
	[tilespmem:$0x10100] =	vst v63  }
0x33: {  	p1 =	sge.u32 s31, s6  }
.Ltmp2:
0x34: {  	_ = 	snop;
	(pc) =	sbr.rel @p1 .LBB1_5-.Ltmp2, $1  }
0x35: {  	_ =	sdelay $0x3  }
0x36: {  	s13 =	simm.s32 $0x1  }
0x37: {  	_ =	swait.ge [sflag:s4], $0x4000;
	s13 =	simm.s32 @!p0 $0x0  }
0x38: {  	[sflag:s4] =	ssyncset.done $0x0;
	s14 =	sshll.u32 s13, $0xE  }
0x39: {  	[sflag:s4] =	ssyncadd.s32 $0xFFFFC000;
	s16 =	sor.u32 $0x40, s14  }
0x3a: {  	s13 =	smul.u32 $0x10200, s13;
	v0 =	vld [tilespmem:s16+$0x30]  }
0x3b: {  	v1 =	vld [tilespmem:s16+$0xFFFFFFD0]  }
0x3c: {  	s13 =	sshrl.u32 s13, $0x2;
	v5 =	vld [tilespmem:s16+$0xFFFFFFE0]  }
0x3d: {  	v6 =	vld [tilespmem:s16+$0xFFFFFFF0];
	s14 =	sor.u32 $0x8000, s13  }
0x3e: {  	s31 =	sand.u32 $0x1, s10;
	v4 =	vld [tilespmem:s16+$0x0];
	s15 =	sadd.s32 $0x0, s14  }
0x3f: {  	v3 =	vld [tilespmem:s16+$0x10];
	s13 =	smul.u32 $0x10200, s31;
	[tilespmem:s15+$0x3870 ss:$0x81] =	vst.msk $0xffff, v0  }
0x40: {  	v2 =	vld [tilespmem:s16+$0x20];
	[tilespmem:s15+$0x810 ss:$0x81] =	vst.msk $0xffff, v1  }
0x41: {  	s13 =	sshrl.u32 s13, $0x2;
	v0 =	vld [tilespmem:s16+$0xFFFFFFC0];
	[tilespmem:s15+$0x1020 ss:$0x81] =	vst.msk $0xffff, v5;
	s16 =	sadd.s32 $0x80, s16  }
0x42: {  	s17 =	simm.s32 $0x4;
	s18 =	simm.s32 $0x8;
	s13 =	sor.u32 $0x8000, s13;
	[tilespmem:s15+$0x1830 ss:$0x81] =	vst.msk $0xffff, v6;
	v1 =	vld [tilespmem:s16+$0x30]  }
.LBB1_3:
0x43: {  	p1 =	sne.s32 s18, $0x1FC;
	v5 =	vld [tilespmem:s16+$0xFFFFFFD0];
	[tilespmem:s15+$0x2040 ss:$0x81] =	vst.msk $0xffff, v4  }
0x44: {  	v6 =	vld [tilespmem:s16+$0xFFFFFFE0];
	[tilespmem:s15+$0x2850 ss:$0x81] =	vst.msk $0xffff, v3  }
0x45: {  	s19 =	sshra.s32 s17, $0x2;
	s17 =	smov.u32 s18;
	v7 =	vld [tilespmem:s16+$0xFFFFFFF0];
	[tilespmem:s15+$0x3060 ss:$0x81] =	vst.msk $0xffff, v2  }
.Ltmp3:
0x46: {  	v4 =	vld [tilespmem:s16+$0x0];
	[tilespmem:s15+$0x0 ss:$0x81] =	vst.msk $0xffff, v0;
	s15 =	sadd.s32 s19, s14;
	(pc) =	sbr.rel @p1 .LBB1_3-.Ltmp3, $4  }
0x47: {  	v3 =	vld [tilespmem:s16+$0x10];
	[tilespmem:s15+$0x3870 ss:$0x81] =	vst.msk $0xffff, v1  }
0x48: {  	[tilespmem:s15+$0x810 ss:$0x81] =	vst.msk $0xffff, v5;
	v2 =	vld [tilespmem:s16+$0x20]  }
0x49: {  	v0 =	vld [tilespmem:s16+$0xFFFFFFC0];
	[tilespmem:s15+$0x1020 ss:$0x81] =	vst.msk $0xffff, v6;
	s16 =	sadd.s32 $0x80, s16  }
0x4a: {  	s18 =	sadd.s32 $0x4, s18;
	v1 =	vld [tilespmem:s16+$0x30];
	[tilespmem:s15+$0x1830 ss:$0x81] =	vst.msk $0xffff, v7  }
.Ltmp4:
0x4b: {  	_ = 	snop;
	(pc) =	sbr.rel .LBB1_4-.Ltmp4, $1  }
0x4c: {  	_ =	sdelay $0x3  }
.LBB1_6:
0x4d: {  	_ =	sfence.sel $0x180000  }
0x4e: {  	s2 =	simm.s32 $0x1;
	[bflag:$0x0] =	sbarrier.arrive $0xFFFF  }
0x4f: {  	s31 =	simm.s32 $0x2;
	[sflag:s2] =	ssyncpa.u1 $0x1  }
0x50: {  	[sflag:s31] =	ssyncpa.u1 $0x1  }
0x51: {  	p0 =	sne.s32 s0, $0x0;
	_ =	strace $0x90000050  }
0x52: {  	s0 =	sadd.s32 @!p0 $0x100000, s1;
	[bflag:$0x2] =	sbarrier.arrive $0xFFFF  }
0x53: {  	[sflag:s0] =	ssyncadd.tile.s32 @!p0 $0x1;
	_ =	shalt  }
.Lfunc_end1:
_tile_overlayer_lowered:
.L_overlay_start_2:
0x54: {  	(tag) =	ssettag $0x2  }
0x55: {  	s0 =	rddreg [dreg:$0x0];
	s2 =	stileid.u32  }
0x56: {  	s1 =	rddreg [dreg:$0x1];
	p0 =	sne.s32 s2, $0x0  }
0x57: {  	s3 =	rddreg [dreg:$0x2];
	[bflag:$0x3] =	sbarrier.arrive $0xFFFF;
	s2 =	simm.s32 @!p0 $0x1C01  }
0x58: {  	[timem:s3], [sflag:s2] =	dma.local @!p0 [hbm:s0], s1  }
0x59: {  	s0 =	simm.s32 @!p0 $0x1  }
0x5a: {  	_ =	swait.ge @!p0 [sflag:s0], s1  }
0x5b: {  	s1 =	ssub.s32 @!p0 $0x0, s1;
	[sflag:s0] =	ssyncset.done @!p0 $0x0  }
0x5c: {  	[sflag:s0] =	ssyncadd.s32 @!p0 s1  }
0x5d: {  	[bflag:$0x3] =	sbarrier.arrive $0xFFFF  }
0x5e: {  	_ =	shalt  }

// kernel: sparse-core-data-format-call.2.cloned.1.call-start
scs
called_computation.2_lowered:
.L_overlay_start_0:
0x0: {  	s2 =	sld [smem:$0x3FD9]  }
0x1: {  	s3 =	sld [smem:$0x3FFE];
	_ =	sdelay $0x1  }
0x2: {  	s1 =	srdreg.scid  }
0x3: {  	s0 =	sand.u32 $0x1, s1  }
0x4: {  	s18 =	sshll.u32 s0, $0xA;
	s2 =	sadd.s32 s3, s2  }
0x5: {  	s2 =	sadd.s32 s2, s18  }
0x6: {  	[smem:$0x3FBF] =	sst s2  }
0x7: {  	_ = 	snop  }
0x8: {  	(tm) =	ssettm $0x1  }
0x9: {  	s19 =	sld [smem:$0x3FFB];
	_ =	sdelay $0x3  }
0xa: {  	_ =	strace s19  }
0xb: {  	s2 =	sld [smem:$0x3FFC];
	_ =	sdelay $0x3  }
0xc: {  	_ =	strace s2  }
0xd: {  	s2 =	sld [smem:$0x3FFD];
	_ =	sdelay $0x3  }
0xe: {  	_ =	strace s2  }
0xf: {  	_ =	strace $0x8FFFFFFF  }
0x10: {  	s20 =	sld [smem:$0x3FDB];
	_ =	sdelay $0x1  }
0x11: {  	s21 =	simm.s32 $_scs_section_size  }
0x12: {  	s4 =	simm.s32 $_size__tile_overlayer_lowered;
	s5 =	simm.s32 $_tile_overlayer_lowered  }
0x13: {  	s6 =	simm.s32 $0x1BFF;
	s22 =	sshll.u32 s5, $0x1;
	s3 =	sadd.s32 s21, s20  }
0x14: {  	s23 =	simm.s32 $0x0;
	s4 =	sshll.u32 s4, $0x1;
	s5 =	sadd.s32 s22, s3  }
0x15: {  	[timem:s23], [sflag:s6] =	dma.local [hbm:s5], s4  }
0x16: {  	_ =	swait.ge [sflag:s6], s4  }
0x17: {  	s4 =	ssub.s32 $0x0, s4;
	[sflag:s6] =	ssyncset.done $0x0  }
0x18: {  	[sflag:s6] =	ssyncadd.s32 s4;
	_ =	sdelay $0x1  }
0x19: {  	s24 =	simm.s32 $0x1B8B  }
0x1a: {  	_ =	swait.ge [sflag:s24], $0x1  }
0x1b: {  	[sflag:s24] =	ssyncset.done $0x0  }
0x1c: {  	[sflag:s24] =	ssyncadd.s32 $0xFFFFFFFF  }
0x1d: {  	s4 =	sld [smem:$0x0]  }
0x1e: {  	s5 =	sand.u32 $0xFFFFFFFE, s1  }
0x1f: {  	p0 =	sne.s32 s1, s5  }
0x20: {  	s5 =	sshll.u32 @p0 s5, $0xE  }
0x21: {  	s5 =	sadd.s32 @p0 $0x11B8D, s5;
	s6 =	sshll.u32 @p0 s4, $0x11  }
0x22: {  	s5 =	sor.u32 @p0 s6, s5  }
0x23: {  	[sflag:s5] =	ssyncadd.remote.s32 @p0 $0x1;
	_ =	sdelay $0x1  }
0x24: {  	s5 =	simm.s32 @p0 $0x1B8D  }
0x25: {  	_ =	swait.eq @p0 [sflag:s5], $0x1  }
0x26: {  	[sflag:s5] =	ssyncadd.s32 @p0 $0xFFFFFFFF  }
0x27: {  	s6 =	sshll.u32 @!p0 s1, $0xE  }
0x28: {  	s6 =	sor.u32 @!p0 $0x4000, s6;
	s5 =	simm.s32 @!p0 $0x1B8D  }
0x29: {  	s4 =	sshll.u32 @!p0 s4, $0x11;
	s6 =	sadd.s32 @!p0 $0x11B8D, s6;
	_ =	swait.eq @!p0 [sflag:s5], $0x1  }
0x2a: {  	s4 =	sor.u32 @!p0 s4, s6;
	[sflag:s5] =	ssyncadd.s32 @!p0 $0xFFFFFFFF  }
0x2b: {  	s26 =	simm.s32 $0x1B8E;
	s25 =	sld [smem:$0x3FFE];
	[sflag:s4] =	ssyncadd.remote.s32 @!p0 $0x1  }
0x2c: {  	s27 =	simm.s32 $execute0_lowered;
	[smem:$0x3FD2] =	sst s26  }
0x2d: {  	s5 =	sshll.u32 s27, $0x1;
	_ =	strace $0x80000049;
	[dreg:$0x1] =	wrdreg $0xFFFFFFFF  }
0x2e: {  	s28 =	simm.s32 $_size_execute0_lowered;
	s3 =	sadd.s32 s3, s5;
	[dreg:$0x0] =	wrdreg $0x0  }
0x2f: {  	s5 =	sshll.u32 s28, $0x1;
	[dreg:$0x2] =	wrdreg s3  }
0x30: {  	[dreg:$0x3] =	wrdreg s5  }
0x31: {  	[dreg:$0x4] =	wrdreg $0xC0  }
0x32: {  	_ =	task [dreg:s23], $0x5FFFF  }
0x33: {  	[dreg:$0x1] =	wrdreg $0xFFFFFFFF  }
0x34: {  	[dreg:$0x0] =	wrdreg $0x60  }
0x35: {  	[dreg:$0x2] =	wrdreg s25  }
0x36: {  	[dreg:$0x3] =	wrdreg $0x9  }
0x37: {  	_ =	task.clear_ibuf [dreg:s23], $0x4FFFF;
	_ =	strace $0x90000049  }
0x38: {  	s29 =	simm.s32 $0x9;
	_ =	strace $0x8000004B  }
0x39: {  	_ =	swait.ge [sflag:s29], $0x1  }
0x3a: {  	[sflag:s29] =	ssyncadd.s32 $0xFFFFFFFF  }
0x3b: {  	_ =	strace $0x9000004B  }
0x3c: {  	_ =	sfence  }
0x3d: {  	s30 =	sld [smem:$0x0];
	_ =	sdelay $0x2  }
0x3e: {  	s31 =	sshll.u32 s1, $0xD;
	s1 =	sshrl.u32 s1, $0x2  }
0x3f: {  	s4 =	sand.u32 $0x4000, s31;
	s1 =	sadd.s32 s1, s30  }
0x40: {  	s0 =	sor.u32 s4, s0;
	s1 =	sshll.u32 s1, $0x11  }
0x41: {  	s0 =	sor.u32 s1, s0  }
0x42: {  	s0 =	sadd.s32 $0x8F2B, s0  }
0x43: {  	[sflag:s0] =	ssyncadd.remote.s32 $0x1  }
0x44: {  	_ =	sfence.sel $0xFFFF  }
0x45: {  	[dreg:$0x0] =	wrdreg $0xFFFFFFFF;
	(pc) =	sbr.abs _section_cstart, $3  }
0x46: {  	[dreg:$0x1] =	wrdreg $0xFFFFFFFF  }
0x47: {  	_ =	task.clear_ibuf [dreg:s23], $0x2FFFF;
	_ =	strace $0x9FFFFFFF  }
0x48: {  	(tm) =	ssettm $0x7FFFFFFF  }
0x49: {  	_ =	shalt  }
tec
execute0_lowered:
.L_overlay_start_1:
0x0: {  	(tag) =	ssettag $0x1  }
0x1: {  	s1 =	rddreg [dreg:$0x0]  }
0x2: {  	s3 =	srdreg.scid;
	_ =	strace $0x8000004A;
	s30 =	stileid.u32  }
0x3: {  	s31 =	simm.s32 $0x1;
	s7 =	simm.s32 $0x2;
	s13 =	simm.s32 $0x0  }
0x4: {  	s14 =	simm.s32 $0x0;
	s15 =	simm.s32 $0x0;
	s16 =	simm.s32 $0x0  }
0x5: {  	s9 =	simm.s32 $0x0;
	s11 =	simm.s32 $0x0;
	s8 =	simm.s32 $0x0  }
.Ltmp0:
0x6: {  	s5 =	sadd.s32 $0x4B6600, s1;
	s4 =	sshll.u32 s3, $0x4;
	(pc) =	sbr.rel .LBB1_1-.Ltmp0, $4  }
0x7: {  	s0 =	sadd.s32 $0x306600, s1;
	s23 =	sand.u32 $0x3, s30;
	s4 =	sand.u32 $0x10, s4  }
0x8: {  	[sflag:s31] =	ssyncpa.u1 $0x0;
	[dreg:$0x2] =	wrdreg s0;
	s6 =	sor.u32 s30, s4  }
0x9: {  	[sflag:s7] =	ssyncpa.u1 $0x0;
	[dreg:$0x3] =	wrdreg s23;
	s6 =	sshrl.u32 s6, $0x2  }
0xa: {  	s12 =	smov.u32 s23;
	s10 =	smov.u32 s6;
	[dreg:$0x4] =	wrdreg s6  }
.LBB1_5:
0xb: {  	s0 =	sadd.s32 $0x40, s9  }
0xc: {  	s1 =	sadd.s32 $0x8, s10;
	s2 =	smov.u32 s10;
	p1 =	sgt.s32 s0, $0x7F  }
0xd: {  	s2 =	smov.u32 @p1 s1  }
0xe: {  	s1 =	simm.s32 $0x1;
	p2 =	sgt.s32 s2, $0x1F  }
0xf: {  	s1 =	simm.s32 @!p2 $0x0  }
0x10: {  	s1 =	sadd.s32 s1, s11  }
0x11: {  	s3 =	sadd.s32 $0x4, s12;
	s4 =	smov.u32 s12;
	p3 =	sgt.s32 s1, $0x2  }
0x12: {  	p0 =	slt.u32 s8, $0x2;
	s4 =	smov.u32 @p3 s3  }
0x13: {  	s8 =	sadd.s32 $0x1, s8;
	s0 =	simm.s32 @p1 $0x0;
	p1 =	sgt.s32 s4, $0x3  }
0x14: {  	s4 =	smov.u32 @p1 s23;
	p1 =	sne.s32 s8, $0x1A  }
.Ltmp1:
0x15: {  	s13 =	smov.u32 s9;
	s14 =	smov.u32 s10;
	(pc) =	sbr.rel @!p1 .LBB1_6-.Ltmp1, $4  }
0x16: {  	s15 =	smov.u32 s11;
	s16 =	smov.u32 s12;
	s3 =	simm.s32 @!p0 $0x2  }
0x17: {  	s9 =	smov.u32 s0;
	s2 =	smov.u32 @p2 s6;
	_ =	swait.ge @!p0 [sflag:s3], $0x4000  }
0x18: {  	s10 =	smov.u32 s2;
	s1 =	simm.s32 @p3 $0x0;
	[sflag:s3] =	ssyncset.done @!p0 $0x0  }
0x19: {  	s11 =	smov.u32 s1;
	[sflag:s3] =	ssyncadd.s32 @!p0 $0xFFFFC000;
	s12 =	smov.u32 s4  }
.LBB1_1:
0x1a: {  	p0 =	sgt.u32 s8, $0x17  }
0x1b: {  	s17 =	sshll.u32 @!p0 s9, $0x8;
	s18 =	smul.u32 @!p0 $0x60000, s12  }
0x1c: {  	s19 =	sxor.u32 @!p0 $0xFFFFFFFF, s8;
	s20 =	sshll.u32 @!p0 s9, $0x7;
	s21 =	sshll.u32 @!p0 s11, $0x11  }
0x1d: {  	s17 =	sand.u32 @!p0 $0x7800, s17;
	s20 =	sand.u32 @!p0 $0x380, s20;
	s18 =	sadd.s32 @!p0 s5, s18  }
0x1e: {  	s22 =	sshll.u32 @!p0 s10, $0xC;
	s17 =	sor.u32 @!p0 s20, s17;
	s18 =	sadd.s32 @!p0 s21, s18  }
0x1f: {  	s19 =	sshll.u32 @!p0 s19, $0xE;
	s17 =	sshrl.u32 @!p0 s17, $0x3;
	s18 =	sadd.s32 @!p0 s22, s18  }
0x20: {  	s19 =	sand.u32 @!p0 $0x4000, s19;
	s17 =	sadd.s32 @!p0 s17, s18;
	s18 =	simm.s32 @!p0 $0x0  }
0x21: {  	[tilespmem:s19], [sflag:$0x1] =	stream.linear.gather @!p0 [hbm4b:s17+s18], $0x4000, $0x38;
	[tilespmem:$0x10000] =	vst v63  }
0x22: {  	p0 =	seq.s32 s8, $0x0  }
0x23: {  	p1 =	seq.s32 @!p0 s8, $0x19  }
0x24: {  	p0 =	por p0, p1  }
.Ltmp2:
0x25: {  	_ = 	snop;
	(pc) =	sbr.rel @p0 .LBB1_5-.Ltmp2, $1  }
0x26: {  	_ =	sdelay $0x3  }
0x27: {  	s17 =	sshll.u32 s8, $0xE  }
0x28: {  	s17 =	sand.u32 $0x4000, s17  }
0x29: {  	v1 =	vmov s17  }
0x2a: {  	s0 =	simm.s32 $0x1;
	s18 =	simm.s32 $0x0  }
0x2b: {  	_ =	swait.ge [sflag:s0], $0x4000;
	s19 =	sand.u32 $0x3800, s18;
	s20 =	sand.u32 $0x380, s18  }
0x2c: {  	s18 =	sand.u32 $0x80, s18;
	[sflag:s0] =	ssyncset.done $0x0;
	s23 =	sor.u32 s20, s19  }
0x2d: {  	[sflag:s0] =	ssyncadd.s32 $0xFFFFC000;
	s19 =	sand.u32 $0x3B00, s23;
	s20 =	sor.u32 $0x410, s23  }
0x2e: {  	s17 =	sor.u32 $0x8000, s17;
	s18 =	sor.u32 s18, s19;
	v2 =	vld.idx.msk [tilespmem:v1+s20+$0x0 ss:$0x1], $0xffff  }
0x2f: {  	v0 =	vmov s17;
	s19 =	sor.u32 $0x400, s18;
	v3 =	vld.idx.msk [tilespmem:v1+s18+$0x0 ss:$0x1], $0xffff  }
0x30: {  	s21 =	sor.u32 $0x10, s18;
	v4 =	vld.idx.msk [tilespmem:v1+s19+$0x0 ss:$0x1], $0xffff  }
0x31: {  	s22 =	sor.u32 $0x20, s18;
	v5 =	vld.idx.msk [tilespmem:v1+s21+$0x0 ss:$0x1], $0xffff  }
0x32: {  	s26 =	sor.u32 $0x30, s18;
	v8 =	vld.idx.msk [tilespmem:v1+s22+$0x0 ss:$0x1], $0xffff  }
0x33: {  	s28 =	sor.u32 $0x40, s18;
	v9 =	vld.idx.msk [tilespmem:v1+s26+$0x0 ss:$0x1], $0xffff  }
0x34: {  	s30 =	sor.u32 $0x50, s18;
	v10 =	vld.idx.msk [tilespmem:v1+s28+$0x0 ss:$0x1], $0xffff;
	[tilespmem:v0+s20+$0x0 ss:$0x1] =	vst.idx.msk $0xffff, v2  }
0x35: {  	s27 =	sor.u32 $0x60, s18;
	v11 =	vld.idx.msk [tilespmem:v1+s30+$0x0 ss:$0x1], $0xffff;
	[tilespmem:v0+s18+$0x0 ss:$0x1] =	vst.idx.msk $0xffff, v3  }
0x36: {  	s25 =	sor.u32 $0x70, s18;
	v7 =	vld.idx.msk [tilespmem:v1+s27+$0x0 ss:$0x1], $0xffff;
	[tilespmem:v0+s19+$0x0 ss:$0x1] =	vst.idx.msk $0xffff, v4  }
0x37: {  	s24 =	sor.u32 $0x430, s23;
	v6 =	vld.idx.msk [tilespmem:v1+s25+$0x0 ss:$0x1], $0xffff;
	[tilespmem:v0+s21+$0x0 ss:$0x1] =	vst.idx.msk $0xffff, v5  }
0x38: {  	s6 =	smov.u32 s5;
	s20 =	sor.u32 $0x420, s23;
	[tilespmem:v0+s22+$0x0 ss:$0x1] =	vst.idx.msk $0xffff, v8;
	v3 =	vld.idx.msk [tilespmem:v1+s24+$0x0 ss:$0x1], $0xffff  }
0x39: {  	s29 =	simm.s32 $0x100;
	s22 =	sor.u32 $0x440, s23;
	s21 =	sor.u32 $0x450, s23;
	[tilespmem:v0+s26+$0x0 ss:$0x1] =	vst.idx.msk $0xffff, v9;
	v4 =	vld.idx.msk [tilespmem:v1+s20+$0x0 ss:$0x1], $0xffff  }
0x3a: {  	s19 =	sor.u32 $0x460, s23;
	s18 =	sor.u32 $0x470, s23;
	[tilespmem:v0+s28+$0x0 ss:$0x1] =	vst.idx.msk $0xffff, v10;
	s23 =	simm.s32 $0x80;
	v2 =	vld.idx.msk [tilespmem:v1+s22+$0x0 ss:$0x1], $0xffff  }
0x3b: {  	s28 =	sand.u32 $0x3800, s29;
	s26 =	simm.s32 $0x200;
	[tilespmem:v0+s30+$0x0 ss:$0x1] =	vst.idx.msk $0xffff, v11;
	s29 =	sand.u32 $0x380, s23;
	v5 =	vld.idx.msk [tilespmem:v1+s21+$0x0 ss:$0x1], $0xffff  }
.LBB1_3:
0x3c: {  	p0 =	sne.s32 s26, $0x3F00;
	s28 =	sor.u32 s29, s28;
	[tilespmem:v0+s27+$0x0 ss:$0x1] =	vst.idx.msk $0xffff, v7;
	v7 =	vld.idx.msk [tilespmem:v1+s19+$0x0 ss:$0x1], $0xffff  }
0x3d: {  	s27 =	sand.u32 $0x80, s23;
	s29 =	sand.u32 $0x3B00, s28;
	s30 =	sor.u32 $0x410, s28;
	[tilespmem:v0+s25+$0x0 ss:$0x1] =	vst.idx.msk $0xffff, v6;
	v6 =	vld.idx.msk [tilespmem:v1+s18+$0x0 ss:$0x1], $0xffff  }
0x3e: {  	s31 =	sor.u32 $0x430, s28;
	s29 =	sor.u32 s27, s29;
	v8 =	vld.idx.msk [tilespmem:v1+s30+$0x0 ss:$0x1], $0xffff;
	[tilespmem:v0+s20+$0x0 ss:$0x1] =	vst.idx.msk $0xffff, v4;
	s20 =	sor.u32 $0x420, s28  }
0x3f: {  	v4 =	vld.idx.msk [tilespmem:v1+s29+$0x0 ss:$0x1], $0xffff;
	s0 =	sor.u32 $0x10, s29;
	s1 =	sor.u32 $0x20, s29;
	s7 =	sor.u32 $0x400, s29;
	[tilespmem:v0+s24+$0x0 ss:$0x1] =	vst.idx.msk $0xffff, v3  }
0x40: {  	s3 =	sor.u32 $0x30, s29;
	s5 =	sor.u32 $0x40, s29;
	s2 =	sor.u32 $0x50, s29;
	v3 =	vld.idx.msk [tilespmem:v1+s7+$0x0 ss:$0x1], $0xffff;
	[tilespmem:v0+s22+$0x0 ss:$0x1] =	vst.idx.msk $0xffff, v2  }
0x41: {  	s27 =	sor.u32 $0x60, s29;
	s25 =	sor.u32 $0x70, s29;
	s22 =	sor.u32 $0x440, s28;
	v2 =	vld.idx.msk [tilespmem:v1+s0+$0x0 ss:$0x1], $0xffff;
	[tilespmem:v0+s21+$0x0 ss:$0x1] =	vst.idx.msk $0xffff, v5  }
0x42: {  	s4 =	sor.u32 $0x470, s28;
	s21 =	sor.u32 $0x450, s28;
	v5 =	vld.idx.msk [tilespmem:v1+s1+$0x0 ss:$0x1], $0xffff;
	[tilespmem:v0+s19+$0x0 ss:$0x1] =	vst.idx.msk $0xffff, v7;
	s19 =	sor.u32 $0x460, s28  }
0x43: {  	s24 =	smov.u32 s31;
	v9 =	vld.idx.msk [tilespmem:v1+s3+$0x0 ss:$0x1], $0xffff;
	[tilespmem:v0+s18+$0x0 ss:$0x1] =	vst.idx.msk $0xffff, v6;
	s18 =	smov.u32 s4  }
0x44: {  	v10 =	vld.idx.msk [tilespmem:v1+s5+$0x0 ss:$0x1], $0xffff;
	[tilespmem:v0+s30+$0x0 ss:$0x1] =	vst.idx.msk $0xffff, v8  }
0x45: {  	[tilespmem:v0+s29+$0x0 ss:$0x1] =	vst.idx.msk $0xffff, v4;
	v8 =	vld.idx.msk [tilespmem:v1+s2+$0x0 ss:$0x1], $0xffff  }
0x46: {  	v7 =	vld.idx.msk [tilespmem:v1+s27+$0x0 ss:$0x1], $0xffff;
	[tilespmem:v0+s7+$0x0 ss:$0x1] =	vst.idx.msk $0xffff, v3  }
.Ltmp3:
0x47: {  	[tilespmem:v0+s0+$0x0 ss:$0x1] =	vst.idx.msk $0xffff, v2;
	v6 =	vld.idx.msk [tilespmem:v1+s25+$0x0 ss:$0x1], $0xffff;
	(pc) =	sbr.rel @p0 .LBB1_3-.Ltmp3, $4  }
0x48: {  	[tilespmem:v0+s1+$0x0 ss:$0x1] =	vst.idx.msk $0xffff, v5;
	v4 =	vld.idx.msk [tilespmem:v1+s20+$0x0 ss:$0x1], $0xffff  }
0x49: {  	[tilespmem:v0+s3+$0x0 ss:$0x1] =	vst.idx.msk $0xffff, v9;
	v3 =	vld.idx.msk [tilespmem:v1+s24+$0x0 ss:$0x1], $0xffff  }
0x4a: {  	s23 =	sadd.s32 $0x80, s23;
	[tilespmem:v0+s5+$0x0 ss:$0x1] =	vst.idx.msk $0xffff, v10;
	v2 =	vld.idx.msk [tilespmem:v1+s22+$0x0 ss:$0x1], $0xffff  }
0x4b: {  	s28 =	sand.u32 $0x3800, s26;
	s26 =	sadd.s32 $0x100, s26;
	s29 =	sand.u32 $0x380, s23;
	[tilespmem:v0+s2+$0x0 ss:$0x1] =	vst.idx.msk $0xffff, v8;
	v5 =	vld.idx.msk [tilespmem:v1+s21+$0x0 ss:$0x1], $0xffff  }
0x4c: {  	_ =	sdelay $0x3  }
0x4d: {  	[tilespmem:v0+s27+$0x0 ss:$0x1] =	vst.idx.msk $0xffff, v7  }
0x4e: {  	s0 =	sor.u32 s29, s28;
	v46 =	vld.idx.msk [tilespmem:v1+s19+$0x0 ss:$0x1], $0xffff;
	[tilespmem:v0+s25+$0x0 ss:$0x1] =	vst.idx.msk $0xffff, v6  }
0x4f: {  	v47 =	vld.idx.msk [tilespmem:v1+s18+$0x0 ss:$0x1], $0xffff;
	s3 =	sor.u32 $0x410, s0;
	[tilespmem:v0+s20+$0x0 ss:$0x1] =	vst.idx.msk $0xffff, v4  }
0x50: {  	s1 =	sand.u32 $0x80, s23;
	s2 =	sand.u32 $0x3B00, s0;
	s20 =	sor.u32 $0x430, s0;
	v48 =	vld.idx.msk [tilespmem:v1+s3+$0x0 ss:$0x1], $0xffff;
	[tilespmem:v0+s24+$0x0 ss:$0x1] =	vst.idx.msk $0xffff, v3  }
0x51: {  	s1 =	sor.u32 s1, s2;
	v59 =	vld.idx.msk [tilespmem:v1+s20+$0x0 ss:$0x1], $0xffff;
	[tilespmem:v0+s22+$0x0 ss:$0x1] =	vst.idx.msk $0xffff, v2  }
0x52: {  	v49 =	vld.idx.msk [tilespmem:v1+s1+$0x0 ss:$0x1], $0xffff;
	s2 =	sor.u32 $0x400, s1;
	[tilespmem:v0+s21+$0x0 ss:$0x1] =	vst.idx.msk $0xffff, v5  }
0x53: {  	s4 =	sor.u32 $0x10, s1;
	v50 =	vld.idx.msk [tilespmem:v1+s2+$0x0 ss:$0x1], $0xffff;
	[tilespmem:v0+s19+$0x0 ss:$0x1] =	vst.idx.msk $0xffff, v46  }
0x54: {  	s5 =	sor.u32 $0x20, s1;
	v51 =	vld.idx.msk [tilespmem:v1+s4+$0x0 ss:$0x1], $0xffff;
	[tilespmem:v0+s18+$0x0 ss:$0x1] =	vst.idx.msk $0xffff, v47  }
0x55: {  	s7 =	sor.u32 $0x30, s1;
	v52 =	vld.idx.msk [tilespmem:v1+s5+$0x0 ss:$0x1], $0xffff;
	[tilespmem:v0+s3+$0x0 ss:$0x1] =	vst.idx.msk $0xffff, v48  }
0x56: {  	s29 =	sor.u32 $0x40, s1;
	v53 =	vld.idx.msk [tilespmem:v1+s7+$0x0 ss:$0x1], $0xffff;
	[tilespmem:v0+s20+$0x0 ss:$0x1] =	vst.idx.msk $0xffff, v59  }
0x57: {  	s30 =	sor.u32 $0x50, s1;
	v54 =	vld.idx.msk [tilespmem:v1+s29+$0x0 ss:$0x1], $0xffff;
	[tilespmem:v0+s1+$0x0 ss:$0x1] =	vst.idx.msk $0xffff, v49  }
0x58: {  	s31 =	sor.u32 $0x60, s1;
	v55 =	vld.idx.msk [tilespmem:v1+s30+$0x0 ss:$0x1], $0xffff;
	[tilespmem:v0+s2+$0x0 ss:$0x1] =	vst.idx.msk $0xffff, v50  }
0x59: {  	v56 =	vld.idx.msk [tilespmem:v1+s31+$0x0 ss:$0x1], $0xffff;
	s21 =	sor.u32 $0x440, s0;
	[tilespmem:v0+s4+$0x0 ss:$0x1] =	vst.idx.msk $0xffff, v51  }
0x5a: {  	v60 =	vld.idx.msk [tilespmem:v1+s21+$0x0 ss:$0x1], $0xffff;
	s1 =	sor.u32 $0x70, s1;
	[tilespmem:v0+s5+$0x0 ss:$0x1] =	vst.idx.msk $0xffff, v52  }
0x5b: {  	s4 =	sor.u32 $0x420, s0;
	v57 =	vld.idx.msk [tilespmem:v1+s1+$0x0 ss:$0x1], $0xffff;
	[tilespmem:v0+s7+$0x0 ss:$0x1] =	vst.idx.msk $0xffff, v53  }
0x5c: {  	s22 =	sor.u32 $0x450, s0;
	[tilespmem:v0+s29+$0x0 ss:$0x1] =	vst.idx.msk $0xffff, v54;
	v58 =	vld.idx.msk [tilespmem:v1+s4+$0x0 ss:$0x1], $0xffff  }
0x5d: {  	s23 =	sor.u32 $0x460, s0;
	v61 =	vld.idx.msk [tilespmem:v1+s22+$0x0 ss:$0x1], $0xffff;
	[tilespmem:v0+s30+$0x0 ss:$0x1] =	vst.idx.msk $0xffff, v55  }
0x5e: {  	v62 =	vld.idx.msk [tilespmem:v1+s23+$0x0 ss:$0x1], $0xffff;
	[tilespmem:v0+s31+$0x0 ss:$0x1] =	vst.idx.msk $0xffff, v56;
	s0 =	sor.u32 $0x470, s0  }
0x5f: {  	v63 =	vld.idx.msk [tilespmem:v1+s0+$0x0 ss:$0x1], $0xffff;
	[tilespmem:v0+s21+$0x0 ss:$0x1] =	vst.idx.msk $0xffff, v60  }
0x60: {  	s25 =	smul.u32 $0x60000, s16;
	[tilespmem:v0+s1+$0x0 ss:$0x1] =	vst.idx.msk $0xffff, v57  }
0x61: {  	s26 =	sshll.u32 s13, $0x7;
	s27 =	smul.u32 $0x3000, s14;
	s24 =	sshll.u32 s13, $0x8;
	[tilespmem:v0+s4+$0x0 ss:$0x1] =	vst.idx.msk $0xffff, v58  }
0x62: {  	s28 =	sshll.u32 s15, $0xC;
	s1 =	sand.u32 $0x7800, s24;
	s29 =	rddreg [dreg:$0x2];
	[tilespmem:v0+s22+$0x0 ss:$0x1] =	vst.idx.msk $0xffff, v61  }
.Ltmp4:
0x63: {  	s4 =	sand.u32 $0x380, s26;
	[tilespmem:v0+s23+$0x0 ss:$0x1] =	vst.idx.msk $0xffff, v62;
	s2 =	sadd.s32 s29, s25;
	(pc) =	sbr.rel .LBB1_5-.Ltmp4, $4  }
0x64: {  	s31 =	simm.s32 $0x0;
	s1 =	sor.u32 s4, s1;
	[tilespmem:v0+s0+$0x0 ss:$0x1] =	vst.idx.msk $0xffff, v63;
	s2 =	sadd.s32 s28, s2  }
0x65: {  	s1 =	sshrl.u32 s1, $0x3;
	s23 =	rddreg [dreg:$0x3];
	s2 =	sadd.s32 s27, s2  }
0x66: {  	s5 =	smov.u32 s6;
	s6 =	rddreg [dreg:$0x4];
	s30 =	sadd.s32 s1, s2  }
0x67: {  	[hbm4b:s30+s31] =	stream.linear.scatter [tilespmem:s17], [sflag:$0x2], $0x4000, $0x38;
	[tilespmem:$0x10000] =	vst v63  }
.LBB1_6:
0x68: {  	_ =	sfence.sel $0x180000  }
0x69: {  	s0 =	simm.s32 $0x1;
	[bflag:$0x0] =	sbarrier.arrive $0xFFFF  }
0x6a: {  	s30 =	simm.s32 $0x2;
	[sflag:s0] =	ssyncpa.u1 $0x1  }
0x6b: {  	[sflag:s30] =	ssyncpa.u1 $0x1  }
0x6c: {  	_ =	strace $0x9000004A  }
0x6d: {  	s31 =	stileid.u32;
	[bflag:$0x2] =	sbarrier.arrive $0xFFFF  }
0x6e: {  	p0 =	sne.s32 s31, $0x0;
	s0 =	rddreg [dreg:$0x1]  }
0x6f: {  	s0 =	sadd.s32 @!p0 $0x100000, s0  }
0x70: {  	[sflag:s0] =	ssyncadd.tile.s32 @!p0 $0x1;
	_ =	shalt  }
.Lfunc_end1:
_tile_overlayer_lowered:
.L_overlay_start_2:
0x71: {  	(tag) =	ssettag $0x2  }
0x72: {  	s0 =	rddreg [dreg:$0x0];
	s2 =	stileid.u32  }
0x73: {  	s1 =	rddreg [dreg:$0x1];
	p0 =	sne.s32 s2, $0x0  }
0x74: {  	s3 =	rddreg [dreg:$0x2];
	[bflag:$0x3] =	sbarrier.arrive $0xFFFF;
	s2 =	simm.s32 @!p0 $0x1C01  }
0x75: {  	[timem:s3], [sflag:s2] =	dma.local @!p0 [hbm:s0], s1  }
0x76: {  	s0 =	simm.s32 @!p0 $0x1  }
0x77: {  	_ =	swait.ge @!p0 [sflag:s0], s1  }
0x78: {  	s1 =	ssub.s32 @!p0 $0x0, s1;
	[sflag:s0] =	ssyncset.done @!p0 $0x0  }
0x79: {  	[sflag:s0] =	ssyncadd.s32 @!p0 s1  }
0x7a: {  	[bflag:$0x3] =	sbarrier.arrive $0xFFFF  }
0x7b: {  	_ =	shalt  }

// kernel: sparse-core-data-format-call.3.cloned.1.call-start
scs
called_computation.3_lowered:
.L_overlay_start_0:
0x0: {  	s2 =	sld [smem:$0x3FD9]  }
0x1: {  	s3 =	sld [smem:$0x3FFE];
	_ =	sdelay $0x1  }
0x2: {  	s1 =	srdreg.scid  }
0x3: {  	s0 =	sand.u32 $0x1, s1  }
0x4: {  	s18 =	sshll.u32 s0, $0xA;
	s2 =	sadd.s32 s3, s2  }
0x5: {  	s2 =	sadd.s32 s2, s18  }
0x6: {  	[smem:$0x3FBF] =	sst s2  }
0x7: {  	_ = 	snop  }
0x8: {  	s19 =	sld [smem:$0x3FD0];
	(tm) =	ssettm $0x1  }
0x9: {  	s20 =	sld [smem:$0x3FFB];
	_ =	sdelay $0x3  }
0xa: {  	_ =	strace s20  }
0xb: {  	s2 =	sld [smem:$0x3FFC];
	_ =	sdelay $0x3  }
0xc: {  	_ =	strace s2  }
0xd: {  	s2 =	sld [smem:$0x3FFD];
	_ =	sdelay $0x3  }
0xe: {  	_ =	strace s2  }
0xf: {  	_ =	strace $0x8FFFFFFF  }
0x10: {  	s21 =	sld [smem:$0x3FDB];
	_ =	sdelay $0x1  }
0x11: {  	s4 =	simm.s32 $_scs_section_size  }
0x12: {  	s5 =	simm.s32 $_size__tile_overlayer_lowered;
	s6 =	simm.s32 $_tile_overlayer_lowered  }
0x13: {  	s7 =	simm.s32 $0x1BFF;
	s22 =	sshll.u32 s6, $0x1;
	s4 =	sadd.s32 s4, s21  }
0x14: {  	s23 =	simm.s32 $0x0;
	s5 =	sshll.u32 s5, $0x1;
	s6 =	sadd.s32 s22, s4  }
0x15: {  	[timem:s23], [sflag:s7] =	dma.local [hbm:s6], s5  }
0x16: {  	_ =	swait.ge [sflag:s7], s5  }
0x17: {  	s5 =	ssub.s32 $0x0, s5;
	[sflag:s7] =	ssyncset.done $0x0  }
0x18: {  	[sflag:s7] =	ssyncadd.s32 s5;
	_ =	sdelay $0x1  }
0x19: {  	s24 =	simm.s32 $0x1B8B  }
0x1a: {  	_ =	swait.ge [sflag:s24], $0x1  }
0x1b: {  	[sflag:s24] =	ssyncset.done $0x0  }
0x1c: {  	[sflag:s24] =	ssyncadd.s32 $0xFFFFFFFF  }
0x1d: {  	s5 =	sld [smem:$0x0]  }
0x1e: {  	s6 =	sand.u32 $0xFFFFFFFE, s1  }
0x1f: {  	p0 =	sne.s32 s1, s6  }
0x20: {  	s6 =	sshll.u32 @p0 s6, $0xE  }
0x21: {  	s6 =	sadd.s32 @p0 $0x11B8D, s6;
	s7 =	sshll.u32 @p0 s5, $0x11  }
0x22: {  	s6 =	sor.u32 @p0 s7, s6  }
0x23: {  	[sflag:s6] =	ssyncadd.remote.s32 @p0 $0x1;
	_ =	sdelay $0x1  }
0x24: {  	s6 =	simm.s32 @p0 $0x1B8D  }
0x25: {  	_ =	swait.eq @p0 [sflag:s6], $0x1  }
0x26: {  	[sflag:s6] =	ssyncadd.s32 @p0 $0xFFFFFFFF  }
0x27: {  	s7 =	sshll.u32 @!p0 s1, $0xE  }
0x28: {  	s7 =	sor.u32 @!p0 $0x4000, s7;
	s6 =	simm.s32 @!p0 $0x1B8D  }
0x29: {  	s5 =	sshll.u32 @!p0 s5, $0x11;
	s7 =	sadd.s32 @!p0 $0x11B8D, s7;
	_ =	swait.eq @!p0 [sflag:s6], $0x1  }
0x2a: {  	s5 =	sor.u32 @!p0 s5, s7;
	[sflag:s6] =	ssyncadd.s32 @!p0 $0xFFFFFFFF  }
0x2b: {  	s26 =	simm.s32 $0x1B8E;
	s25 =	sld [smem:$0x3FFE];
	[sflag:s5] =	ssyncadd.remote.s32 @!p0 $0x1  }
0x2c: {  	s27 =	simm.s32 $execute0_lowered;
	[smem:$0x3FD2] =	sst s26  }
0x2d: {  	s6 =	sshll.u32 s27, $0x1;
	_ =	strace $0x8000004C;
	[dreg:$0x1] =	wrdreg $0xFFFFFFFF  }
0x2e: {  	s28 =	simm.s32 $_size_execute0_lowered;
	s4 =	sadd.s32 s4, s6;
	[dreg:$0x0] =	wrdreg $0x0  }
0x2f: {  	s6 =	sshll.u32 s28, $0x1;
	[dreg:$0x2] =	wrdreg s4  }
0x30: {  	[dreg:$0x3] =	wrdreg s6  }
0x31: {  	[dreg:$0x4] =	wrdreg $0xC0  }
0x32: {  	_ =	task [dreg:s23], $0x5FFFF  }
0x33: {  	[dreg:$0x1] =	wrdreg $0xFFFFFFFF  }
0x34: {  	[dreg:$0x0] =	wrdreg $0x60  }
0x35: {  	[dreg:$0x2] =	wrdreg s19  }
0x36: {  	[dreg:$0x3] =	wrdreg s25  }
0x37: {  	[dreg:$0x4] =	wrdreg $0xA  }
0x38: {  	_ =	task.clear_ibuf [dreg:s23], $0x5FFFF;
	_ =	strace $0x9000004C  }
0x39: {  	s29 =	simm.s32 $0xA;
	_ =	strace $0x8000004E  }
0x3a: {  	_ =	swait.ge [sflag:s29], $0x1  }
0x3b: {  	[sflag:s29] =	ssyncadd.s32 $0xFFFFFFFF  }
0x3c: {  	_ =	strace $0x9000004E  }
0x3d: {  	_ =	sfence  }
0x3e: {  	s30 =	sld [smem:$0x0];
	_ =	sdelay $0x2  }
0x3f: {  	s31 =	sshll.u32 s1, $0xD;
	s1 =	sshrl.u32 s1, $0x2  }
0x40: {  	s4 =	sand.u32 $0x4000, s31;
	s1 =	sadd.s32 s1, s30  }
0x41: {  	s0 =	sor.u32 s4, s0;
	s1 =	sshll.u32 s1, $0x11  }
0x42: {  	s0 =	sor.u32 s1, s0  }
0x43: {  	s0 =	sadd.s32 $0x8F2B, s0  }
0x44: {  	[sflag:s0] =	ssyncadd.remote.s32 $0x1  }
0x45: {  	_ =	sfence.sel $0xFFFF  }
0x46: {  	[dreg:$0x0] =	wrdreg $0xFFFFFFFF;
	(pc) =	sbr.abs _section_cstart, $3  }
0x47: {  	[dreg:$0x1] =	wrdreg $0xFFFFFFFF  }
0x48: {  	_ =	task.clear_ibuf [dreg:s23], $0x2FFFF;
	_ =	strace $0x9FFFFFFF  }
0x49: {  	(tm) =	ssettm $0x7FFFFFFF  }
tec
execute0_lowered:
.L_overlay_start_1:
0x0: {  	(tag) =	ssettag $0x1  }
0x1: {  	s0 =	srdreg.scid  }
0x2: {  	s2 =	rddreg [dreg:$0x0];
	s1 =	sshll.u32 s0, $0x4  }
0x3: {  	s5 =	rddreg [dreg:$0x1];
	s0 =	stileid.u32;
	s1 =	sand.u32 $0x10, s1  }
0x4: {  	s4 =	simm.s32 $0x1;
	s8 =	simm.s32 $0x2;
	s1 =	sor.u32 s0, s1  }
0x5: {  	s12 =	simm.s32 $0x0;
	s11 =	simm.s32 $0x0;
	s3 =	sshll.u32 s1, $0x7  }
0x6: {  	s9 =	simm.s32 $0x0;
	s10 =	simm.s32 $0x0;
	s6 =	ssub.s32 $0x30000, s3  }
.Ltmp0:
0x7: {  	s1 =	rddreg [dreg:$0x2];
	s7 =	sand.u32 $0xF80, s6;
	(pc) =	sbr.rel .LBB1_1-.Ltmp0, $4  }
0x8: {  	_ =	strace $0x8000004D;
	p0 =	sne.s32 s7, $0x0;
	s7 =	simm.s32 $0x1  }
0x9: {  	[sflag:s4] =	ssyncpa.u1 $0x0;
	s6 =	sshrl.u32 s6, $0xC;
	s7 =	simm.s32 @!p0 $0x0  }
0xa: {  	s5 =	sadd.s32 $0x6600, s5;
	[sflag:s8] =	ssyncpa.u1 $0x0;
	s6 =	sadd.s32 s7, s6  }
0xb: {  	s8 =	smov.u32 s3;
	p0 =	por $0x0, $0x0;
	s7 =	sadd.s32 $0x1, s6  }
.LBB1_4:
0xc: {  	s12 =	sshll.u32 s12, $0x7;
	s18 =	sshll.u32 s11, $0x3  }
0xd: {  	v5 =	vld [tilespmem:s16+$0xFFFFFFD0];
	[tilespmem:s15+$0x2040 ss:$0x81] =	vst.msk $0xffff, v4;
	s19 =	sand.u32 $0xFFFFFC00, s12;
	s18 =	sand.u32 $0xFFFFFC00, s18  }
0xe: {  	v58 =	vld [tilespmem:s16+$0xFFFFFFE0];
	[tilespmem:s15+$0x2850 ss:$0x81] =	vst.msk $0xffff, v3;
	s12 =	sand.u32 $0x380, s12;
	s18 =	sadd.s32 s18, s19  }
0xf: {  	s17 =	sshra.s32 s17, $0x2;
	v59 =	vld [tilespmem:s16+$0xFFFFFFF0];
	[tilespmem:s15+$0x3060 ss:$0x81] =	vst.msk $0xffff, v2;
	s12 =	sor.u32 s12, s18  }
0x10: {  	v60 =	vld [tilespmem:s16+$0x0];
	[tilespmem:s15+$0x0 ss:$0x81] =	vst.msk $0xffff, v0;
	s14 =	sadd.s32 s17, s14;
	s12 =	sshrl.u32 s12, $0x7  }
0x11: {  	v61 =	vld [tilespmem:s16+$0x10];
	[tilespmem:s14+$0x3870 ss:$0x81] =	vst.msk $0xffff, v1;
	s28 =	smulhi.u32 $0xAAAAAB, s12  }
0x12: {  	v62 =	vld [tilespmem:s16+$0x20];
	[tilespmem:s14+$0x810 ss:$0x81] =	vst.msk $0xffff, v5  }
0x13: {  	v63 =	vld [tilespmem:s16+$0xFFFFFFC0];
	[tilespmem:s14+$0x1020 ss:$0x81] =	vst.msk $0xffff, v58;
	s15 =	sshrl.u32 s28, $0x9  }
0x14: {  	[tilespmem:s14+$0x1830 ss:$0x81] =	vst.msk $0xffff, v59;
	s15 =	smul.u32 $0x30000, s15  }
0x15: {  	s29 =	sshrl.u32 s11, $0x3;
	[tilespmem:s14+$0x2040 ss:$0x81] =	vst.msk $0xffff, v60  }
0x16: {  	s30 =	sand.u32 $0xF, s29;
	[tilespmem:s14+$0x2850 ss:$0x81] =	vst.msk $0xffff, v61;
	s12 =	ssub.s32 s12, s15  }
0x17: {  	[tilespmem:s14+$0x3060 ss:$0x81] =	vst.msk $0xffff, v62;
	s15 =	sadd.s32 s5, s30;
	s12 =	sshll.u32 s12, $0x4  }
0x18: {  	s31 =	sand.u32 $0x7, s11;
	[tilespmem:s14+$0x0 ss:$0x81] =	vst.msk $0xffff, v63;
	s12 =	sadd.s32 s12, s15  }
0x19: {  	[hbm4b:s12+s31] =	stream.linear.scatter [tilespmem:s13], [sflag:$0x2], $0x4000, $0x20;
	[tilespmem:$0x10100] =	vst v63  }
.LBB1_5:
0x1a: {  	s13 =	sadd.s32 $0x1000, s8  }
0x1b: {  	s11 =	sadd.s32 $0x80, s9;
	s15 =	smov.u32 s9;
	p2 =	sgt.s32 s13, $0x2FFFF  }
0x1c: {  	s15 =	smov.u32 @p2 s11  }
0x1d: {  	s13 =	smov.u32 @p2 s3;
	p2 =	sgt.s32 s15, $0x7F  }
0x1e: {  	s15 =	simm.s32 @p2 $0x0;
	p2 =	sne.s32 s10, s7  }
.Ltmp1:
0x1f: {  	p1 =	slt.u32 s10, $0x2;
	(pc) =	sbr.rel @!p2 .LBB1_6-.Ltmp1, $4  }
0x20: {  	s14 =	simm.s32 @!p1 $0x2  }
0x21: {  	s12 =	smov.u32 s8;
	p0 =	por !p0, !p0;
	_ =	swait.ge @!p1 [sflag:s14], $0x4000  }
0x22: {  	s11 =	smov.u32 s9;
	[sflag:s14] =	ssyncset.done @!p1 $0x0;
	s8 =	smov.u32 s13  }
0x23: {  	s10 =	sadd.s32 $0x1, s10;
	[sflag:s14] =	ssyncadd.s32 @!p1 $0xFFFFC000;
	s9 =	smov.u32 s15  }
.LBB1_1:
0x24: {  	p1 =	sge.u32 s10, s6  }
0x25: {  	s13 =	sshrl.u32 @!p1 s9, $0x3  }
0x26: {  	s14 =	sshll.u32 @!p1 s8, $0x3;
	s15 =	sshll.u32 @!p1 s9, $0x7;
	s13 =	smul.u32 @!p1 $0x180000, s13  }
0x27: {  	s16 =	sand.u32 @!p1 $0x7F, s8;
	s14 =	sand.u32 @!p1 $0xFFFFFC00, s14;
	s15 =	sand.u32 @!p1 $0x380, s15  }
0x28: {  	s13 =	sadd.s32 @!p1 s13, s14;
	s14 =	sor.u32 @!p1 s16, s15  }
0x29: {  	s14 =	sor.u32 @!p1 s13, s14  }
0x2a: {  	s15 =	smulhi.u32 @!p1 $0xAAAAAAAB, s14;
	_ =	sdelay $0x1  }
0x2b: {  	s13 =	smulhi.u32 @!p1 $0xAAAAAAAB, s13;
	s15 =	sshrl.u32 @!p1 s15, $0x11  }
0x2c: {  	s15 =	smul.u32 @!p1 $0x30000, s15  }
0x2d: {  	s31 =	sadd.s32 $0xFFFFFFFF, s10;
	s16 =	sxor.u32 @!p1 $0xFFFFFFFF, s10;
	s13 =	sshrl.u32 @!p1 s13, $0x11  }
0x2e: {  	s16 =	sshll.u32 @!p1 s16, $0xE;
	s13 =	sand.u32 @!p1 $0x7F, s13;
	s14 =	ssub.s32 @!p1 s14, s15  }
0x2f: {  	s13 =	smul.u32 @!p1 $0x6000, s13;
	s15 =	sshrl.u32 @!p1 s14, $0x3;
	s14 =	sand.u32 @!p1 $0x7, s14  }
0x30: {  	s16 =	sand.u32 @!p1 $0x4000, s16;
	s15 =	sadd.s32 @!p1 s2, s15;
	s14 =	sshll.u32 @!p1 s14, $0x12  }
0x31: {  	s13 =	sadd.s32 @!p1 s13, s15;
	s14 =	sor.u32 @!p1 $0x400, s14;
	s15 =	simm.s32 @!p1 $0x180000  }
0x32: {  	[tilespmem:s16], [sflag:$0x1] =	stream.strided.gather @!p1 [hbm4b:s13+s14], $0x4000, s15, s14, $0x38;
	[tilespmem:$0x10100] =	vst v63  }
0x33: {  	p1 =	sge.u32 s31, s6  }
.Ltmp2:
0x34: {  	_ = 	snop;
	(pc) =	sbr.rel @p1 .LBB1_5-.Ltmp2, $1  }
0x35: {  	_ =	sdelay $0x3  }
0x36: {  	s13 =	simm.s32 $0x1  }
0x37: {  	_ =	swait.ge [sflag:s4], $0x4000;
	s13 =	simm.s32 @!p0 $0x0  }
0x38: {  	[sflag:s4] =	ssyncset.done $0x0;
	s14 =	sshll.u32 s13, $0xE  }
0x39: {  	[sflag:s4] =	ssyncadd.s32 $0xFFFFC000;
	s16 =	sor.u32 $0x40, s14  }
0x3a: {  	s13 =	smul.u32 $0x10200, s13;
	v0 =	vld [tilespmem:s16+$0x30]  }
0x3b: {  	v1 =	vld [tilespmem:s16+$0xFFFFFFD0]  }
0x3c: {  	s13 =	sshrl.u32 s13, $0x2;
	v5 =	vld [tilespmem:s16+$0xFFFFFFE0]  }
0x3d: {  	v6 =	vld [tilespmem:s16+$0xFFFFFFF0];
	s14 =	sor.u32 $0x8000, s13  }
0x3e: {  	s31 =	sand.u32 $0x1, s10;
	v4 =	vld [tilespmem:s16+$0x0];
	s15 =	sadd.s32 $0x0, s14  }
0x3f: {  	v3 =	vld [tilespmem:s16+$0x10];
	s13 =	smul.u32 $0x10200, s31;
	[tilespmem:s15+$0x3870 ss:$0x81] =	vst.msk $0xffff, v0  }
0x40: {  	v2 =	vld [tilespmem:s16+$0x20];
	[tilespmem:s15+$0x810 ss:$0x81] =	vst.msk $0xffff, v1  }
0x41: {  	s13 =	sshrl.u32 s13, $0x2;
	v0 =	vld [tilespmem:s16+$0xFFFFFFC0];
	[tilespmem:s15+$0x1020 ss:$0x81] =	vst.msk $0xffff, v5;
	s16 =	sadd.s32 $0x80, s16  }
0x42: {  	s17 =	simm.s32 $0x4;
	s18 =	simm.s32 $0x8;
	s13 =	sor.u32 $0x8000, s13;
	[tilespmem:s15+$0x1830 ss:$0x81] =	vst.msk $0xffff, v6;
	v1 =	vld [tilespmem:s16+$0x30]  }
.LBB1_3:
0x43: {  	p1 =	sne.s32 s18, $0x1FC;
	v5 =	vld [tilespmem:s16+$0xFFFFFFD0];
	[tilespmem:s15+$0x2040 ss:$0x81] =	vst.msk $0xffff, v4  }
0x44: {  	v6 =	vld [tilespmem:s16+$0xFFFFFFE0];
	[tilespmem:s15+$0x2850 ss:$0x81] =	vst.msk $0xffff, v3  }
0x45: {  	s19 =	sshra.s32 s17, $0x2;
	s17 =	smov.u32 s18;
	v7 =	vld [tilespmem:s16+$0xFFFFFFF0];
	[tilespmem:s15+$0x3060 ss:$0x81] =	vst.msk $0xffff, v2  }
.Ltmp3:
0x46: {  	v4 =	vld [tilespmem:s16+$0x0];
	[tilespmem:s15+$0x0 ss:$0x81] =	vst.msk $0xffff, v0;
	s15 =	sadd.s32 s19, s14;
	(pc) =	sbr.rel @p1 .LBB1_3-.Ltmp3, $4  }
0x47: {  	v3 =	vld [tilespmem:s16+$0x10];
	[tilespmem:s15+$0x3870 ss:$0x81] =	vst.msk $0xffff, v1  }
0x48: {  	[tilespmem:s15+$0x810 ss:$0x81] =	vst.msk $0xffff, v5;
	v2 =	vld [tilespmem:s16+$0x20]  }
0x49: {  	v0 =	vld [tilespmem:s16+$0xFFFFFFC0];
	[tilespmem:s15+$0x1020 ss:$0x81] =	vst.msk $0xffff, v6;
	s16 =	sadd.s32 $0x80, s16  }
0x4a: {  	s18 =	sadd.s32 $0x4, s18;
	v1 =	vld [tilespmem:s16+$0x30];
	[tilespmem:s15+$0x1830 ss:$0x81] =	vst.msk $0xffff, v7  }
.Ltmp4:
0x4b: {  	_ = 	snop;
	(pc) =	sbr.rel .LBB1_4-.Ltmp4, $1  }
0x4c: {  	_ =	sdelay $0x3  }
.LBB1_6:
0x4d: {  	_ =	sfence.sel $0x180000  }
0x4e: {  	s2 =	simm.s32 $0x1;
	[bflag:$0x0] =	sbarrier.arrive $0xFFFF  }
0x4f: {  	s31 =	simm.s32 $0x2;
	[sflag:s2] =	ssyncpa.u1 $0x1  }
0x50: {  	[sflag:s31] =	ssyncpa.u1 $0x1  }
0x51: {  	p0 =	sne.s32 s0, $0x0;
	_ =	strace $0x9000004D  }
0x52: {  	s0 =	sadd.s32 @!p0 $0x100000, s1;
	[bflag:$0x2] =	sbarrier.arrive $0xFFFF  }
0x53: {  	[sflag:s0] =	ssyncadd.tile.s32 @!p0 $0x1;
	_ =	shalt  }
.Lfunc_end1:
_tile_overlayer_lowered:
.L_overlay_start_2:
0x54: {  	(tag) =	ssettag $0x2  }
0x55: {  	s0 =	rddreg [dreg:$0x0];
	s2 =	stileid.u32  }
0x56: {  	s1 =	rddreg [dreg:$0x1];
	p0 =	sne.s32 s2, $0x0  }
0x57: {  	s3 =	rddreg [dreg:$0x2];
	[bflag:$0x3] =	sbarrier.arrive $0xFFFF;
	s2 =	simm.s32 @!p0 $0x1C01  }
0x58: {  	[timem:s3], [sflag:s2] =	dma.local @!p0 [hbm:s0], s1  }
0x59: {  	s0 =	simm.s32 @!p0 $0x1  }
0x5a: {  	_ =	swait.ge @!p0 [sflag:s0], s1  }
0x5b: {  	s1 =	ssub.s32 @!p0 $0x0, s1;
	[sflag:s0] =	ssyncset.done @!p0 $0x0  }
0x5c: {  	[sflag:s0] =	ssyncadd.s32 @!p0 s1  }
0x5d: {  	[bflag:$0x3] =	sbarrier.arrive $0xFFFF  }
0x5e: {  	_ =	shalt  }

// kernel: sparse-core-data-format-call.4.cloned.1.call-start
scs
called_computation.4_lowered:
.L_overlay_start_0:
0x0: {  	s2 =	sld [smem:$0x3FD9]  }
0x1: {  	s3 =	sld [smem:$0x3FFE];
	_ =	sdelay $0x1  }
0x2: {  	s1 =	srdreg.scid  }
0x3: {  	s0 =	sand.u32 $0x1, s1  }
0x4: {  	s18 =	sshll.u32 s0, $0xA;
	s2 =	sadd.s32 s3, s2  }
0x5: {  	s2 =	sadd.s32 s2, s18  }
0x6: {  	[smem:$0x3FBF] =	sst s2  }
0x7: {  	_ = 	snop  }
0x8: {  	s2 =	sld [smem:$0x3FD0];
	(tm) =	ssettm $0x1  }
0x9: {  	s19 =	sld [smem:$0x3FFB];
	_ =	sdelay $0x3  }
0xa: {  	_ =	strace s19  }
0xb: {  	s3 =	sld [smem:$0x3FFC];
	_ =	sdelay $0x3  }
0xc: {  	_ =	strace s3  }
0xd: {  	s3 =	sld [smem:$0x3FFD];
	_ =	sdelay $0x3  }
0xe: {  	_ =	strace s3  }
0xf: {  	_ =	strace $0x8FFFFFFF  }
0x10: {  	s20 =	sld [smem:$0x3FDB];
	_ =	sdelay $0x1  }
0x11: {  	s4 =	simm.s32 $_scs_section_size  }
0x12: {  	s5 =	simm.s32 $_size__tile_overlayer_lowered;
	s6 =	simm.s32 $_tile_overlayer_lowered  }
0x13: {  	s23 =	simm.s32 $0x1BFF;
	s22 =	sshll.u32 s6, $0x1;
	s3 =	sadd.s32 s4, s20  }
0x14: {  	s7 =	simm.s32 $0x0;
	s21 =	sshll.u32 s5, $0x1;
	s5 =	sadd.s32 s22, s3  }
0x15: {  	[timem:s7], [sflag:s23] =	dma.local [hbm:s5], s21  }
0x16: {  	_ =	swait.ge [sflag:s23], s21  }
0x17: {  	s4 =	ssub.s32 $0x0, s21;
	[sflag:s23] =	ssyncset.done $0x0  }
0x18: {  	[sflag:s23] =	ssyncadd.s32 s4;
	_ =	sdelay $0x1  }
0x19: {  	s24 =	simm.s32 $0x1B8B  }
0x1a: {  	_ =	swait.ge [sflag:s24], $0x1  }
0x1b: {  	[sflag:s24] =	ssyncset.done $0x0  }
0x1c: {  	s26 =	simm.s32 $0x1B8E;
	s25 =	sld [smem:$0x3FFE];
	[sflag:s24] =	ssyncadd.s32 $0xFFFFFFFF  }
0x1d: {  	s27 =	simm.s32 $execute0_lowered;
	[smem:$0x3FD2] =	sst s26  }
0x1e: {  	s5 =	sshll.u32 s27, $0x1;
	_ =	strace $0x80000046;
	[dreg:$0x1] =	wrdreg $0xFFFFFFFF  }
0x1f: {  	s28 =	simm.s32 $_size_execute0_lowered;
	s3 =	sadd.s32 s3, s5;
	[dreg:$0x0] =	wrdreg $0x0  }
0x20: {  	s5 =	sshll.u32 s28, $0x1;
	[dreg:$0x2] =	wrdreg s3  }
0x21: {  	[dreg:$0x3] =	wrdreg s5  }
0x22: {  	[dreg:$0x4] =	wrdreg $0xC0  }
0x23: {  	_ =	task [dreg:s7], $0x5FFFF  }
0x24: {  	[dreg:$0x1] =	wrdreg $0xFFFFFFFF  }
0x25: {  	[dreg:$0x0] =	wrdreg $0x60  }
0x26: {  	[dreg:$0x2] =	wrdreg s2  }
0x27: {  	[dreg:$0x3] =	wrdreg s25  }
0x28: {  	[dreg:$0x4] =	wrdreg $0xA  }
0x29: {  	_ =	task.clear_ibuf [dreg:s7], $0x5FFFF;
	_ =	strace $0x90000046  }
0x2a: {  	s29 =	simm.s32 $0xA;
	_ =	strace $0x80000048  }
0x2b: {  	_ =	swait.ge [sflag:s29], $0x1  }
0x2c: {  	[sflag:s29] =	ssyncadd.s32 $0xFFFFFFFF  }
0x2d: {  	_ =	strace $0x90000048  }
0x2e: {  	_ =	sfence  }
0x2f: {  	s30 =	sld [smem:$0x0];
	_ =	sdelay $0x2  }
0x30: {  	s31 =	sshll.u32 s1, $0xD;
	s1 =	sshrl.u32 s1, $0x2  }
0x31: {  	s3 =	sand.u32 $0x4000, s31;
	s1 =	sadd.s32 s1, s30  }
0x32: {  	s0 =	sor.u32 s3, s0;
	s1 =	sshll.u32 s1, $0x11  }
0x33: {  	s0 =	sor.u32 s1, s0  }
0x34: {  	s0 =	sadd.s32 $0x8F2B, s0  }
0x35: {  	[sflag:s0] =	ssyncadd.remote.s32 $0x1  }
0x36: {  	_ =	sfence.sel $0xFFFF  }
0x37: {  	[dreg:$0x0] =	wrdreg $0xFFFFFFFF;
	(pc) =	sbr.abs _section_cstart, $3  }
0x38: {  	[dreg:$0x1] =	wrdreg $0xFFFFFFFF  }
0x39: {  	_ =	task.clear_ibuf [dreg:s7], $0x2FFFF;
	_ =	strace $0x9FFFFFFF  }
0x3a: {  	(tm) =	ssettm $0x7FFFFFFF  }
0x3b: {  	_ =	shalt  }
tec
execute0_lowered:
.L_overlay_start_1:
0x0: {  	(tag) =	ssettag $0x1  }
0x1: {  	s5 =	rddreg [dreg:$0x0]  }
0x2: {  	s1 =	rddreg [dreg:$0x1];
	s3 =	srdreg.scid;
	_ =	strace $0x80000047  }
0x3: {  	s30 =	stileid.u32;
	s31 =	simm.s32 $0x1;
	s7 =	simm.s32 $0x2  }
0x4: {  	s13 =	simm.s32 $0x0;
	s14 =	simm.s32 $0x0;
	s15 =	simm.s32 $0x0  }
0x5: {  	s16 =	simm.s32 $0x0;
	s9 =	simm.s32 $0x0;
	s11 =	simm.s32 $0x0  }
.Ltmp0:
0x6: {  	s8 =	simm.s32 $0x0;
	s4 =	sshll.u32 s3, $0x4;
	(pc) =	sbr.rel .LBB1_1-.Ltmp0, $4  }
0x7: {  	s0 =	sadd.s32 $0x6600, s1;
	s23 =	sand.u32 $0x3, s30;
	s4 =	sand.u32 $0x10, s4  }
0x8: {  	[sflag:s31] =	ssyncpa.u1 $0x0;
	[dreg:$0x3] =	wrdreg s0;
	s6 =	sor.u32 s30, s4  }
0x9: {  	[sflag:s7] =	ssyncpa.u1 $0x0;
	[dreg:$0x4] =	wrdreg s23;
	s6 =	sshrl.u32 s6, $0x2  }
0xa: {  	s12 =	smov.u32 s23;
	s10 =	smov.u32 s6;
	[dreg:$0x5] =	wrdreg s6  }
.LBB1_5:
0xb: {  	s0 =	sadd.s32 $0x40, s9  }
0xc: {  	s1 =	sadd.s32 $0x8, s10;
	s2 =	smov.u32 s10;
	p1 =	sgt.s32 s0, $0xFF  }
0xd: {  	s2 =	smov.u32 @p1 s1  }
0xe: {  	s1 =	simm.s32 $0x1;
	p2 =	sgt.s32 s2, $0x1F  }
0xf: {  	s1 =	simm.s32 @!p2 $0x0  }
0x10: {  	s1 =	sadd.s32 s1, s11  }
0x11: {  	s3 =	sadd.s32 $0x4, s12;
	s4 =	smov.u32 s12;
	p3 =	sgt.s32 s1, $0x2  }
0x12: {  	p0 =	slt.u32 s8, $0x2;
	s4 =	smov.u32 @p3 s3  }
0x13: {  	s8 =	sadd.s32 $0x1, s8;
	s0 =	simm.s32 @p1 $0x0;
	p1 =	sgt.s32 s4, $0x3  }
0x14: {  	s4 =	smov.u32 @p1 s23;
	p1 =	sne.s32 s8, $0x32  }
.Ltmp1:
0x15: {  	s13 =	smov.u32 s9;
	s14 =	smov.u32 s10;
	(pc) =	sbr.rel @!p1 .LBB1_6-.Ltmp1, $4  }
0x16: {  	s15 =	smov.u32 s11;
	s16 =	smov.u32 s12;
	s3 =	simm.s32 @!p0 $0x2  }
0x17: {  	s9 =	smov.u32 s0;
	s2 =	smov.u32 @p2 s6;
	_ =	swait.ge @!p0 [sflag:s3], $0x4000  }
0x18: {  	s10 =	smov.u32 s2;
	s1 =	simm.s32 @p3 $0x0;
	[sflag:s3] =	ssyncset.done @!p0 $0x0  }
0x19: {  	s11 =	smov.u32 s1;
	[sflag:s3] =	ssyncadd.s32 @!p0 $0xFFFFC000;
	s12 =	smov.u32 s4  }
.LBB1_1:
0x1a: {  	p0 =	sgt.u32 s8, $0x2F  }
0x1b: {  	s17 =	sshll.u32 @!p0 s9, $0x8;
	s18 =	smul.u32 @!p0 $0xC0000, s12  }
0x1c: {  	s19 =	sxor.u32 @!p0 $0xFFFFFFFF, s8;
	s20 =	sshll.u32 @!p0 s9, $0x7;
	s21 =	sshll.u32 @!p0 s11, $0x12  }
0x1d: {  	s17 =	sand.u32 @!p0 $0xF800, s17;
	s20 =	sand.u32 @!p0 $0x380, s20;
	s18 =	sadd.s32 @!p0 s5, s18  }
0x1e: {  	s22 =	sshll.u32 @!p0 s10, $0xD;
	s17 =	sor.u32 @!p0 s20, s17;
	s18 =	sadd.s32 @!p0 s21, s18  }
0x1f: {  	s19 =	sshll.u32 @!p0 s19, $0xE;
	s17 =	sshrl.u32 @!p0 s17, $0x3;
	s18 =	sadd.s32 @!p0 s22, s18  }
0x20: {  	s19 =	sand.u32 @!p0 $0x4000, s19;
	s17 =	sadd.s32 @!p0 s17, s18;
	s18 =	simm.s32 @!p0 $0x0  }
0x21: {  	[tilespmem:s19], [sflag:$0x1] =	stream.linear.gather @!p0 [hbm4b:s17+s18], $0x4000, $0x38;
	[tilespmem:$0x10000] =	vst v63  }
0x22: {  	p0 =	seq.s32 s8, $0x0  }
0x23: {  	p1 =	seq.s32 @!p0 s8, $0x31  }
0x24: {  	p0 =	por p0, p1  }
.Ltmp2:
0x25: {  	_ = 	snop;
	(pc) =	sbr.rel @p0 .LBB1_5-.Ltmp2, $1  }
0x26: {  	_ =	sdelay $0x3  }
0x27: {  	s17 =	sshll.u32 s8, $0xE  }
0x28: {  	s17 =	sand.u32 $0x4000, s17  }
0x29: {  	v1 =	vmov s17  }
0x2a: {  	s0 =	simm.s32 $0x1;
	s18 =	simm.s32 $0x0  }
0x2b: {  	_ =	swait.ge [sflag:s0], $0x4000;
	s19 =	sand.u32 $0x3800, s18;
	s20 =	sand.u32 $0x380, s18  }
0x2c: {  	s18 =	sand.u32 $0x80, s18;
	[sflag:s0] =	ssyncset.done $0x0;
	s23 =	sor.u32 s20, s19  }
0x2d: {  	[sflag:s0] =	ssyncadd.s32 $0xFFFFC000;
	s19 =	sand.u32 $0x3B00, s23;
	s20 =	sor.u32 $0x410, s23  }
0x2e: {  	s17 =	sor.u32 $0x8000, s17;
	s18 =	sor.u32 s18, s19;
	v2 =	vld.idx.msk [tilespmem:v1+s20+$0x0 ss:$0x1], $0xffff  }
0x2f: {  	v0 =	vmov s17;
	s19 =	sor.u32 $0x400, s18;
	v3 =	vld.idx.msk [tilespmem:v1+s18+$0x0 ss:$0x1], $0xffff  }
0x30: {  	s21 =	sor.u32 $0x10, s18;
	v4 =	vld.idx.msk [tilespmem:v1+s19+$0x0 ss:$0x1], $0xffff  }
0x31: {  	s22 =	sor.u32 $0x20, s18;
	v5 =	vld.idx.msk [tilespmem:v1+s21+$0x0 ss:$0x1], $0xffff  }
0x32: {  	s26 =	sor.u32 $0x30, s18;
	v8 =	vld.idx.msk [tilespmem:v1+s22+$0x0 ss:$0x1], $0xffff  }
0x33: {  	s28 =	sor.u32 $0x40, s18;
	v9 =	vld.idx.msk [tilespmem:v1+s26+$0x0 ss:$0x1], $0xffff  }
0x34: {  	s30 =	sor.u32 $0x50, s18;
	v10 =	vld.idx.msk [tilespmem:v1+s28+$0x0 ss:$0x1], $0xffff;
	[tilespmem:v0+s20+$0x0 ss:$0x1] =	vst.idx.msk $0xffff, v2  }
0x35: {  	s27 =	sor.u32 $0x60, s18;
	v11 =	vld.idx.msk [tilespmem:v1+s30+$0x0 ss:$0x1], $0xffff;
	[tilespmem:v0+s18+$0x0 ss:$0x1] =	vst.idx.msk $0xffff, v3  }
0x36: {  	s25 =	sor.u32 $0x70, s18;
	v7 =	vld.idx.msk [tilespmem:v1+s27+$0x0 ss:$0x1], $0xffff;
	[tilespmem:v0+s19+$0x0 ss:$0x1] =	vst.idx.msk $0xffff, v4  }
0x37: {  	s24 =	sor.u32 $0x430, s23;
	v6 =	vld.idx.msk [tilespmem:v1+s25+$0x0 ss:$0x1], $0xffff;
	[tilespmem:v0+s21+$0x0 ss:$0x1] =	vst.idx.msk $0xffff, v5  }
0x38: {  	s6 =	smov.u32 s5;
	s20 =	sor.u32 $0x420, s23;
	[tilespmem:v0+s22+$0x0 ss:$0x1] =	vst.idx.msk $0xffff, v8;
	v3 =	vld.idx.msk [tilespmem:v1+s24+$0x0 ss:$0x1], $0xffff  }
0x39: {  	s29 =	simm.s32 $0x100;
	s22 =	sor.u32 $0x440, s23;
	s21 =	sor.u32 $0x450, s23;
	[tilespmem:v0+s26+$0x0 ss:$0x1] =	vst.idx.msk $0xffff, v9;
	v4 =	vld.idx.msk [tilespmem:v1+s20+$0x0 ss:$0x1], $0xffff  }
0x3a: {  	s19 =	sor.u32 $0x460, s23;
	s18 =	sor.u32 $0x470, s23;
	[tilespmem:v0+s28+$0x0 ss:$0x1] =	vst.idx.msk $0xffff, v10;
	s23 =	simm.s32 $0x80;
	v2 =	vld.idx.msk [tilespmem:v1+s22+$0x0 ss:$0x1], $0xffff  }
0x3b: {  	s28 =	sand.u32 $0x3800, s29;
	s26 =	simm.s32 $0x200;
	[tilespmem:v0+s30+$0x0 ss:$0x1] =	vst.idx.msk $0xffff, v11;
	s29 =	sand.u32 $0x380, s23;
	v5 =	vld.idx.msk [tilespmem:v1+s21+$0x0 ss:$0x1], $0xffff  }
.LBB1_3:
0x3c: {  	p0 =	sne.s32 s26, $0x3F00;
	s28 =	sor.u32 s29, s28;
	[tilespmem:v0+s27+$0x0 ss:$0x1] =	vst.idx.msk $0xffff, v7;
	v7 =	vld.idx.msk [tilespmem:v1+s19+$0x0 ss:$0x1], $0xffff  }
0x3d: {  	s27 =	sand.u32 $0x80, s23;
	s29 =	sand.u32 $0x3B00, s28;
	s30 =	sor.u32 $0x410, s28;
	[tilespmem:v0+s25+$0x0 ss:$0x1] =	vst.idx.msk $0xffff, v6;
	v6 =	vld.idx.msk [tilespmem:v1+s18+$0x0 ss:$0x1], $0xffff  }
0x3e: {  	s31 =	sor.u32 $0x430, s28;
	s29 =	sor.u32 s27, s29;
	v8 =	vld.idx.msk [tilespmem:v1+s30+$0x0 ss:$0x1], $0xffff;
	[tilespmem:v0+s20+$0x0 ss:$0x1] =	vst.idx.msk $0xffff, v4;
	s20 =	sor.u32 $0x420, s28  }
0x3f: {  	v4 =	vld.idx.msk [tilespmem:v1+s29+$0x0 ss:$0x1], $0xffff;
	s0 =	sor.u32 $0x10, s29;
	s1 =	sor.u32 $0x20, s29;
	s7 =	sor.u32 $0x400, s29;
	[tilespmem:v0+s24+$0x0 ss:$0x1] =	vst.idx.msk $0xffff, v3  }
0x40: {  	s2 =	sor.u32 $0x30, s29;
	s3 =	sor.u32 $0x40, s29;
	s5 =	sor.u32 $0x50, s29;
	v3 =	vld.idx.msk [tilespmem:v1+s7+$0x0 ss:$0x1], $0xffff;
	[tilespmem:v0+s22+$0x0 ss:$0x1] =	vst.idx.msk $0xffff, v2  }
0x41: {  	s27 =	sor.u32 $0x60, s29;
	s25 =	sor.u32 $0x70, s29;
	s22 =	sor.u32 $0x440, s28;
	v2 =	vld.idx.msk [tilespmem:v1+s0+$0x0 ss:$0x1], $0xffff;
	[tilespmem:v0+s21+$0x0 ss:$0x1] =	vst.idx.msk $0xffff, v5  }
0x42: {  	s4 =	sor.u32 $0x470, s28;
	s21 =	sor.u32 $0x450, s28;
	v5 =	vld.idx.msk [tilespmem:v1+s1+$0x0 ss:$0x1], $0xffff;
	[tilespmem:v0+s19+$0x0 ss:$0x1] =	vst.idx.msk $0xffff, v7;
	s19 =	sor.u32 $0x460, s28  }
0x43: {  	s24 =	smov.u32 s31;
	v9 =	vld.idx.msk [tilespmem:v1+s2+$0x0 ss:$0x1], $0xffff;
	[tilespmem:v0+s18+$0x0 ss:$0x1] =	vst.idx.msk $0xffff, v6;
	s18 =	smov.u32 s4  }
0x44: {  	v10 =	vld.idx.msk [tilespmem:v1+s3+$0x0 ss:$0x1], $0xffff;
	[tilespmem:v0+s30+$0x0 ss:$0x1] =	vst.idx.msk $0xffff, v8  }
0x45: {  	[tilespmem:v0+s29+$0x0 ss:$0x1] =	vst.idx.msk $0xffff, v4;
	v8 =	vld.idx.msk [tilespmem:v1+s5+$0x0 ss:$0x1], $0xffff  }
0x46: {  	v7 =	vld.idx.msk [tilespmem:v1+s27+$0x0 ss:$0x1], $0xffff;
	[tilespmem:v0+s7+$0x0 ss:$0x1] =	vst.idx.msk $0xffff, v3  }
.Ltmp3:
0x47: {  	[tilespmem:v0+s0+$0x0 ss:$0x1] =	vst.idx.msk $0xffff, v2;
	v6 =	vld.idx.msk [tilespmem:v1+s25+$0x0 ss:$0x1], $0xffff;
	(pc) =	sbr.rel @p0 .LBB1_3-.Ltmp3, $4  }
0x48: {  	[tilespmem:v0+s1+$0x0 ss:$0x1] =	vst.idx.msk $0xffff, v5;
	v4 =	vld.idx.msk [tilespmem:v1+s20+$0x0 ss:$0x1], $0xffff  }
0x49: {  	[tilespmem:v0+s2+$0x0 ss:$0x1] =	vst.idx.msk $0xffff, v9;
	v3 =	vld.idx.msk [tilespmem:v1+s24+$0x0 ss:$0x1], $0xffff  }
0x4a: {  	s23 =	sadd.s32 $0x80, s23;
	[tilespmem:v0+s3+$0x0 ss:$0x1] =	vst.idx.msk $0xffff, v10;
	v2 =	vld.idx.msk [tilespmem:v1+s22+$0x0 ss:$0x1], $0xffff  }
0x4b: {  	s28 =	sand.u32 $0x3800, s26;
	s26 =	sadd.s32 $0x100, s26;
	s29 =	sand.u32 $0x380, s23;
	[tilespmem:v0+s5+$0x0 ss:$0x1] =	vst.idx.msk $0xffff, v8;
	v5 =	vld.idx.msk [tilespmem:v1+s21+$0x0 ss:$0x1], $0xffff  }
0x4c: {  	_ =	sdelay $0x3  }
0x4d: {  	[tilespmem:v0+s27+$0x0 ss:$0x1] =	vst.idx.msk $0xffff, v7  }
0x4e: {  	s0 =	sor.u32 s29, s28;
	v46 =	vld.idx.msk [tilespmem:v1+s19+$0x0 ss:$0x1], $0xffff;
	[tilespmem:v0+s25+$0x0 ss:$0x1] =	vst.idx.msk $0xffff, v6  }
0x4f: {  	v47 =	vld.idx.msk [tilespmem:v1+s18+$0x0 ss:$0x1], $0xffff;
	s3 =	sor.u32 $0x410, s0;
	[tilespmem:v0+s20+$0x0 ss:$0x1] =	vst.idx.msk $0xffff, v4  }
0x50: {  	s1 =	sand.u32 $0x80, s23;
	s2 =	sand.u32 $0x3B00, s0;
	s20 =	sor.u32 $0x430, s0;
	v48 =	vld.idx.msk [tilespmem:v1+s3+$0x0 ss:$0x1], $0xffff;
	[tilespmem:v0+s24+$0x0 ss:$0x1] =	vst.idx.msk $0xffff, v3  }
0x51: {  	s1 =	sor.u32 s1, s2;
	v59 =	vld.idx.msk [tilespmem:v1+s20+$0x0 ss:$0x1], $0xffff;
	[tilespmem:v0+s22+$0x0 ss:$0x1] =	vst.idx.msk $0xffff, v2  }
0x52: {  	v49 =	vld.idx.msk [tilespmem:v1+s1+$0x0 ss:$0x1], $0xffff;
	s2 =	sor.u32 $0x400, s1;
	[tilespmem:v0+s21+$0x0 ss:$0x1] =	vst.idx.msk $0xffff, v5  }
0x53: {  	s4 =	sor.u32 $0x10, s1;
	v50 =	vld.idx.msk [tilespmem:v1+s2+$0x0 ss:$0x1], $0xffff;
	[tilespmem:v0+s19+$0x0 ss:$0x1] =	vst.idx.msk $0xffff, v46  }
0x54: {  	s5 =	sor.u32 $0x20, s1;
	v51 =	vld.idx.msk [tilespmem:v1+s4+$0x0 ss:$0x1], $0xffff;
	[tilespmem:v0+s18+$0x0 ss:$0x1] =	vst.idx.msk $0xffff, v47  }
0x55: {  	s7 =	sor.u32 $0x30, s1;
	v52 =	vld.idx.msk [tilespmem:v1+s5+$0x0 ss:$0x1], $0xffff;
	[tilespmem:v0+s3+$0x0 ss:$0x1] =	vst.idx.msk $0xffff, v48  }
0x56: {  	s29 =	sor.u32 $0x40, s1;
	v53 =	vld.idx.msk [tilespmem:v1+s7+$0x0 ss:$0x1], $0xffff;
	[tilespmem:v0+s20+$0x0 ss:$0x1] =	vst.idx.msk $0xffff, v59  }
0x57: {  	s30 =	sor.u32 $0x50, s1;
	v54 =	vld.idx.msk [tilespmem:v1+s29+$0x0 ss:$0x1], $0xffff;
	[tilespmem:v0+s1+$0x0 ss:$0x1] =	vst.idx.msk $0xffff, v49  }
0x58: {  	s31 =	sor.u32 $0x60, s1;
	v55 =	vld.idx.msk [tilespmem:v1+s30+$0x0 ss:$0x1], $0xffff;
	[tilespmem:v0+s2+$0x0 ss:$0x1] =	vst.idx.msk $0xffff, v50  }
0x59: {  	v56 =	vld.idx.msk [tilespmem:v1+s31+$0x0 ss:$0x1], $0xffff;
	s21 =	sor.u32 $0x440, s0;
	[tilespmem:v0+s4+$0x0 ss:$0x1] =	vst.idx.msk $0xffff, v51  }
0x5a: {  	v60 =	vld.idx.msk [tilespmem:v1+s21+$0x0 ss:$0x1], $0xffff;
	s1 =	sor.u32 $0x70, s1;
	[tilespmem:v0+s5+$0x0 ss:$0x1] =	vst.idx.msk $0xffff, v52  }
0x5b: {  	s4 =	sor.u32 $0x420, s0;
	v57 =	vld.idx.msk [tilespmem:v1+s1+$0x0 ss:$0x1], $0xffff;
	[tilespmem:v0+s7+$0x0 ss:$0x1] =	vst.idx.msk $0xffff, v53  }
0x5c: {  	s22 =	sor.u32 $0x450, s0;
	[tilespmem:v0+s29+$0x0 ss:$0x1] =	vst.idx.msk $0xffff, v54;
	v58 =	vld.idx.msk [tilespmem:v1+s4+$0x0 ss:$0x1], $0xffff  }
0x5d: {  	s23 =	sor.u32 $0x460, s0;
	v61 =	vld.idx.msk [tilespmem:v1+s22+$0x0 ss:$0x1], $0xffff;
	[tilespmem:v0+s30+$0x0 ss:$0x1] =	vst.idx.msk $0xffff, v55  }
0x5e: {  	v62 =	vld.idx.msk [tilespmem:v1+s23+$0x0 ss:$0x1], $0xffff;
	[tilespmem:v0+s31+$0x0 ss:$0x1] =	vst.idx.msk $0xffff, v56;
	s0 =	sor.u32 $0x470, s0  }
0x5f: {  	v63 =	vld.idx.msk [tilespmem:v1+s0+$0x0 ss:$0x1], $0xffff;
	[tilespmem:v0+s21+$0x0 ss:$0x1] =	vst.idx.msk $0xffff, v60  }
0x60: {  	s25 =	smul.u32 $0xC0000, s16;
	[tilespmem:v0+s1+$0x0 ss:$0x1] =	vst.idx.msk $0xffff, v57  }
0x61: {  	s26 =	sshll.u32 s13, $0x7;
	s27 =	smul.u32 $0x6000, s14;
	s24 =	sshll.u32 s13, $0x8;
	[tilespmem:v0+s4+$0x0 ss:$0x1] =	vst.idx.msk $0xffff, v58  }
0x62: {  	s28 =	sshll.u32 s15, $0xD;
	s1 =	sand.u32 $0xF800, s24;
	s29 =	rddreg [dreg:$0x3];
	[tilespmem:v0+s22+$0x0 ss:$0x1] =	vst.idx.msk $0xffff, v61  }
.Ltmp4:
0x63: {  	s4 =	sand.u32 $0x380, s26;
	[tilespmem:v0+s23+$0x0 ss:$0x1] =	vst.idx.msk $0xffff, v62;
	s2 =	sadd.s32 s29, s25;
	(pc) =	sbr.rel .LBB1_5-.Ltmp4, $4  }
0x64: {  	s31 =	simm.s32 $0x0;
	s1 =	sor.u32 s4, s1;
	[tilespmem:v0+s0+$0x0 ss:$0x1] =	vst.idx.msk $0xffff, v63;
	s2 =	sadd.s32 s28, s2  }
0x65: {  	s1 =	sshrl.u32 s1, $0x3;
	s23 =	rddreg [dreg:$0x4];
	s2 =	sadd.s32 s27, s2  }
0x66: {  	s5 =	smov.u32 s6;
	s6 =	rddreg [dreg:$0x5];
	s30 =	sadd.s32 s1, s2  }
0x67: {  	[hbm4b:s30+s31] =	stream.linear.scatter [tilespmem:s17], [sflag:$0x2], $0x4000, $0x38;
	[tilespmem:$0x10000] =	vst v63  }
.LBB1_6:
0x68: {  	_ =	sfence.sel $0x180000  }
0x69: {  	s0 =	simm.s32 $0x1;
	[bflag:$0x0] =	sbarrier.arrive $0xFFFF  }
0x6a: {  	s30 =	simm.s32 $0x2;
	[sflag:s0] =	ssyncpa.u1 $0x1  }
0x6b: {  	[sflag:s30] =	ssyncpa.u1 $0x1  }
0x6c: {  	_ =	strace $0x90000047  }
0x6d: {  	s31 =	stileid.u32;
	[bflag:$0x2] =	sbarrier.arrive $0xFFFF  }
0x6e: {  	p0 =	sne.s32 s31, $0x0;
	s0 =	rddreg [dreg:$0x2]  }
0x6f: {  	s0 =	sadd.s32 @!p0 $0x100000, s0  }
0x70: {  	[sflag:s0] =	ssyncadd.tile.s32 @!p0 $0x1;
	_ =	shalt  }
.Lfunc_end1:
_tile_overlayer_lowered:
.L_overlay_start_2:
0x71: {  	(tag) =	ssettag $0x2  }
0x72: {  	s0 =	rddreg [dreg:$0x0];
	s2 =	stileid.u32  }
0x73: {  	s1 =	rddreg [dreg:$0x1];
	p0 =	sne.s32 s2, $0x0  }
0x74: {  	s3 =	rddreg [dreg:$0x2];
	[bflag:$0x3] =	sbarrier.arrive $0xFFFF;
	s2 =	simm.s32 @!p0 $0x1C01  }
0x75: {  	[timem:s3], [sflag:s2] =	dma.local @!p0 [hbm:s0], s1  }
0x76: {  	s0 =	simm.s32 @!p0 $0x1  }
0x77: {  	_ =	swait.ge @!p0 [sflag:s0], s1  }
0x78: {  	s1 =	ssub.s32 @!p0 $0x0, s1;
	[sflag:s0] =	ssyncset.done @!p0 $0x0  }
0x79: {  	[sflag:s0] =	ssyncadd.s32 @!p0 s1  }
0x7a: {  	[bflag:$0x3] =	sbarrier.arrive $0xFFFF  }
0x7b: {  	_ =	shalt  }

// kernel: sparse-core-data-format-call.cloned.1.call-start
scs
called_computation_lowered:
.L_overlay_start_0:
0x0: {  	s2 =	sld [smem:$0x3FD9]  }
0x1: {  	s3 =	sld [smem:$0x3FFE];
	_ =	sdelay $0x1  }
0x2: {  	s1 =	srdreg.scid  }
0x3: {  	s0 =	sand.u32 $0x1, s1  }
0x4: {  	s18 =	sshll.u32 s0, $0xA;
	s2 =	sadd.s32 s3, s2  }
0x5: {  	s2 =	sadd.s32 s2, s18  }
0x6: {  	[smem:$0x3FBF] =	sst s2  }
0x7: {  	_ = 	snop  }
0x8: {  	s2 =	sld [smem:$0x3FD0];
	(tm) =	ssettm $0x1  }
0x9: {  	s19 =	sld [smem:$0x3FFB];
	_ =	sdelay $0x3  }
0xa: {  	_ =	strace s19  }
0xb: {  	s3 =	sld [smem:$0x3FFC];
	_ =	sdelay $0x3  }
0xc: {  	_ =	strace s3  }
0xd: {  	s3 =	sld [smem:$0x3FFD];
	_ =	sdelay $0x3  }
0xe: {  	_ =	strace s3  }
0xf: {  	_ =	strace $0x8FFFFFFF  }
0x10: {  	s20 =	sld [smem:$0x3FDB];
	_ =	sdelay $0x1  }
0x11: {  	s4 =	simm.s32 $_scs_section_size  }
0x12: {  	s5 =	simm.s32 $_size__tile_overlayer_lowered;
	s6 =	simm.s32 $_tile_overlayer_lowered  }
0x13: {  	s23 =	simm.s32 $0x1BFF;
	s22 =	sshll.u32 s6, $0x1;
	s3 =	sadd.s32 s4, s20  }
0x14: {  	s7 =	simm.s32 $0x0;
	s21 =	sshll.u32 s5, $0x1;
	s5 =	sadd.s32 s22, s3  }
0x15: {  	[timem:s7], [sflag:s23] =	dma.local [hbm:s5], s21  }
0x16: {  	_ =	swait.ge [sflag:s23], s21  }
0x17: {  	s4 =	ssub.s32 $0x0, s21;
	[sflag:s23] =	ssyncset.done $0x0  }
0x18: {  	[sflag:s23] =	ssyncadd.s32 s4;
	_ =	sdelay $0x1  }
0x19: {  	s24 =	simm.s32 $0x1B8B  }
0x1a: {  	_ =	swait.ge [sflag:s24], $0x1  }
0x1b: {  	[sflag:s24] =	ssyncset.done $0x0  }
0x1c: {  	s26 =	simm.s32 $0x1B8E;
	s25 =	sld [smem:$0x3FFE];
	[sflag:s24] =	ssyncadd.s32 $0xFFFFFFFF  }
0x1d: {  	s27 =	simm.s32 $execute0_lowered;
	[smem:$0x3FD2] =	sst s26  }
0x1e: {  	s5 =	sshll.u32 s27, $0x1;
	_ =	strace $0x80000055;
	[dreg:$0x1] =	wrdreg $0xFFFFFFFF  }
0x1f: {  	s28 =	simm.s32 $_size_execute0_lowered;
	s3 =	sadd.s32 s3, s5;
	[dreg:$0x0] =	wrdreg $0x0  }
0x20: {  	s5 =	sshll.u32 s28, $0x1;
	[dreg:$0x2] =	wrdreg s3  }
0x21: {  	[dreg:$0x3] =	wrdreg s5  }
0x22: {  	[dreg:$0x4] =	wrdreg $0xC0  }
0x23: {  	_ =	task [dreg:s7], $0x5FFFF  }
0x24: {  	[dreg:$0x1] =	wrdreg $0xFFFFFFFF  }
0x25: {  	[dreg:$0x0] =	wrdreg $0x60  }
0x26: {  	[dreg:$0x2] =	wrdreg s25  }
0x27: {  	[dreg:$0x3] =	wrdreg s2  }
0x28: {  	[dreg:$0x4] =	wrdreg $0x9  }
0x29: {  	_ =	task.clear_ibuf [dreg:s7], $0x5FFFF;
	_ =	strace $0x90000055  }
0x2a: {  	s29 =	simm.s32 $0x9;
	_ =	strace $0x80000057  }
0x2b: {  	_ =	swait.ge [sflag:s29], $0x1  }
0x2c: {  	[sflag:s29] =	ssyncadd.s32 $0xFFFFFFFF  }
0x2d: {  	_ =	strace $0x90000057  }
0x2e: {  	_ =	sfence  }
0x2f: {  	s30 =	sld [smem:$0x0];
	_ =	sdelay $0x2  }
0x30: {  	s31 =	sshll.u32 s1, $0xD;
	s1 =	sshrl.u32 s1, $0x2  }
0x31: {  	s3 =	sand.u32 $0x4000, s31;
	s1 =	sadd.s32 s1, s30  }
0x32: {  	s0 =	sor.u32 s3, s0;
	s1 =	sshll.u32 s1, $0x11  }
0x33: {  	s0 =	sor.u32 s1, s0  }
0x34: {  	s0 =	sadd.s32 $0x8F2B, s0  }
0x35: {  	[sflag:s0] =	ssyncadd.remote.s32 $0x1  }
0x36: {  	_ =	sfence.sel $0xFFFF  }
0x37: {  	[dreg:$0x0] =	wrdreg $0xFFFFFFFF;
	(pc) =	sbr.abs _section_cstart, $3  }
0x38: {  	[dreg:$0x1] =	wrdreg $0xFFFFFFFF  }
0x39: {  	_ =	task.clear_ibuf [dreg:s7], $0x2FFFF;
	_ =	strace $0x9FFFFFFF  }
0x3a: {  	(tm) =	ssettm $0x7FFFFFFF  }
0x3b: {  	_ =	shalt  }
tec
execute0_lowered:
.L_overlay_start_1:
0x0: {  	(tag) =	ssettag $0x1  }
0x1: {  	s1 =	rddreg [dreg:$0x0]  }
0x2: {  	s2 =	rddreg [dreg:$0x1]  }
0x3: {  	s0 =	rddreg [dreg:$0x2]  }
0x4: {  	s4 =	srdreg.scid;
	_ =	strace $0x80000056;
	s6 =	simm.s32 $0x2  }
.Ltmp0:
0x5: {  	p0 =	por $0x0, $0x0;
	s10 =	simm.s32 $0x0;
	(pc) =	sbr.rel .LBB1_1-.Ltmp0, $4  }
0x6: {  	s8 =	simm.s32 $0x0;
	s3 =	sadd.s32 $0x6600, s1;
	s4 =	sshll.u32 s4, $0x4  }
0x7: {  	s1 =	stileid.u32;
	s5 =	sand.u32 $0x10, s4;
	s4 =	simm.s32 $0x1  }
0x8: {  	s7 =	simm.s32 $0x0;
	s5 =	sor.u32 s1, s5;
	[sflag:s4] =	ssyncpa.u1 $0x0  }
0x9: {  	[sflag:s6] =	ssyncpa.u1 $0x0;
	s6 =	simm.s32 $0x0;
	s9 =	smov.u32 s5  }
.LBB1_5:
0xa: {  	p1 =	slt.u32 s7, $0x2  }
0xb: {  	p2 =	sgt.s32 @!p1 s10, $0xFFF  }
0xc: {  	s11 =	smov.u32 s10;
	s12 =	sshra.s32 @!p1 s10, $0x1F;
	p2 =	por !p2, p1  }
0xd: {  	s10 =	sand.u32 @!p1 s12, s10;
	s11 =	simm.s32 @p2 $0xFFF  }
0xe: {  	s10 =	ssub.s32 @!p1 s11, s10  }
0xf: {  	s11 =	ssub.s32 @!p1 $0x1000, s10  }
0x10: {  	s10 =	sadd.s32 @!p1 $0xFFFFF001, s10;
	s11 =	smul.u32 @!p1 $0xC000, s11  }
0x11: {  	p2 =	sgt.s32 @!p1 s10, $0x0  }
0x12: {  	s12 =	sadd.s32 $0x20, s9;
	p2 =	por !p2, p1;
	s10 =	sshrl.u32 @!p1 s11, $0x2  }
0x13: {  	s7 =	sadd.s32 $0x1, s7;
	s10 =	simm.s32 @!p2 $0x0;
	p2 =	sgt.s32 s12, $0xFFF  }
0x14: {  	s12 =	smov.u32 @p2 s5;
	p2 =	sne.s32 s7, $0x82  }
.Ltmp1:
0x15: {  	_ = 	snop;
	(pc) =	sbr.rel @!p2 .LBB1_6-.Ltmp1, $4  }
0x16: {  	s11 =	simm.s32 @!p1 $0x2  }
0x17: {  	p0 =	por !p0, !p0;
	_ =	swait.ge @!p1 [sflag:s11], s10  }
0x18: {  	s13 =	ssub.s32 @!p1 $0x0, s10;
	s10 =	smov.u32 s8;
	[sflag:s11] =	ssyncset.done @!p1 $0x0  }
0x19: {  	s8 =	smov.u32 s9;
	s9 =	smov.u32 s12;
	[sflag:s11] =	ssyncadd.s32 @!p1 s13  }
.LBB1_1:
0x1a: {  	p1 =	sgt.u32 s7, $0x7F  }
0x1b: {  	s11 =	sxor.u32 @!p1 $0xFFFFFFFF, s7  }
0x1c: {  	s12 =	sshll.u32 @!p1 s9, $0xB;
	s11 =	sshll.u32 @!p1 s11, $0xE  }
0x1d: {  	s13 =	simm.s32 @!p1 $0x0;
	s12 =	sadd.s32 @!p1 s3, s12;
	s11 =	sand.u32 @!p1 $0x4000, s11  }
0x1e: {  	[tilespmem:s11], [sflag:$0x1] =	stream.linear.gather @!p1 [hbm4b:s12+s13], $0x4000, $0x38;
	[tilespmem:$0x10100] =	vst v63  }
0x1f: {  	p1 =	seq.s32 s7, $0x0  }
0x20: {  	p2 =	seq.s32 @!p1 s7, $0x81  }
0x21: {  	p1 =	por p1, p2  }
.Ltmp2:
0x22: {  	_ = 	snop;
	(pc) =	sbr.rel @p1 .LBB1_5-.Ltmp2, $1  }
0x23: {  	_ =	sdelay $0x3  }
0x24: {  	s11 =	simm.s32 $0x1  }
0x25: {  	_ =	swait.ge [sflag:s4], $0x4000;
	s11 =	simm.s32 @!p0 $0x0  }
0x26: {  	[sflag:s4] =	ssyncset.done $0x0;
	s12 =	sshll.u32 s11, $0xE  }
0x27: {  	[sflag:s4] =	ssyncadd.s32 $0xFFFFC000;
	s13 =	sor.u32 $0x40, s12  }
0x28: {  	s11 =	smul.u32 $0x10200, s11;
	v0 =	vld [tilespmem:s13+$0x30]  }
0x29: {  	v3 =	vld [tilespmem:s13+$0xFFFFFFD0]  }
0x2a: {  	s11 =	sshrl.u32 s11, $0x2;
	v4 =	vld [tilespmem:s13+$0xFFFFFFE0]  }
0x2b: {  	v5 =	vld [tilespmem:s13+$0xFFFFFFF0];
	s12 =	sor.u32 $0x8000, s11  }
0x2c: {  	s31 =	sand.u32 $0x1, s7;
	v1 =	vld [tilespmem:s13+$0x0];
	s14 =	sadd.s32 $0x0, s12  }
0x2d: {  	v2 =	vld [tilespmem:s13+$0x10];
	s11 =	smul.u32 $0x10200, s31;
	[tilespmem:s14+$0x3870 ss:$0x81] =	vst.msk $0xffff, v0  }
0x2e: {  	[tilespmem:s14+$0x810 ss:$0x81] =	vst.msk $0xffff, v3;
	v3 =	vld [tilespmem:s13+$0x20]  }
0x2f: {  	s11 =	sshrl.u32 s11, $0x2;
	v0 =	vld [tilespmem:s13+$0xFFFFFFC0];
	[tilespmem:s14+$0x1020 ss:$0x81] =	vst.msk $0xffff, v4;
	s13 =	sadd.s32 $0x80, s13  }
0x30: {  	s15 =	simm.s32 $0x4;
	s16 =	simm.s32 $0x8;
	s11 =	sor.u32 $0x8000, s11;
	[tilespmem:s14+$0x1830 ss:$0x81] =	vst.msk $0xffff, v5;
	v4 =	vld [tilespmem:s13+$0x30]  }
.LBB1_3:
0x31: {  	p1 =	sne.s32 s16, $0x1FC;
	v5 =	vld [tilespmem:s13+$0xFFFFFFD0];
	[tilespmem:s14+$0x2040 ss:$0x81] =	vst.msk $0xffff, v1  }
0x32: {  	v6 =	vld [tilespmem:s13+$0xFFFFFFE0];
	[tilespmem:s14+$0x2850 ss:$0x81] =	vst.msk $0xffff, v2  }
0x33: {  	s17 =	sshra.s32 s15, $0x2;
	s15 =	smov.u32 s16;
	v7 =	vld [tilespmem:s13+$0xFFFFFFF0];
	[tilespmem:s14+$0x3060 ss:$0x81] =	vst.msk $0xffff, v3  }
.Ltmp3:
0x34: {  	v1 =	vld [tilespmem:s13+$0x0];
	[tilespmem:s14+$0x0 ss:$0x81] =	vst.msk $0xffff, v0;
	s14 =	sadd.s32 s17, s12;
	(pc) =	sbr.rel @p1 .LBB1_3-.Ltmp3, $4  }
0x35: {  	v2 =	vld [tilespmem:s13+$0x10];
	[tilespmem:s14+$0x3870 ss:$0x81] =	vst.msk $0xffff, v4  }
0x36: {  	[tilespmem:s14+$0x810 ss:$0x81] =	vst.msk $0xffff, v5;
	v3 =	vld [tilespmem:s13+$0x20]  }
0x37: {  	v0 =	vld [tilespmem:s13+$0xFFFFFFC0];
	[tilespmem:s14+$0x1020 ss:$0x81] =	vst.msk $0xffff, v6;
	s13 =	sadd.s32 $0x80, s13  }
0x38: {  	s16 =	sadd.s32 $0x4, s16;
	v4 =	vld [tilespmem:s13+$0x30];
	[tilespmem:s14+$0x1830 ss:$0x81] =	vst.msk $0xffff, v7  }
0x39: {  	v5 =	vld [tilespmem:s13+$0xFFFFFFD0];
	[tilespmem:s14+$0x2040 ss:$0x81] =	vst.msk $0xffff, v1  }
0x3a: {  	v58 =	vld [tilespmem:s13+$0xFFFFFFE0];
	[tilespmem:s14+$0x2850 ss:$0x81] =	vst.msk $0xffff, v2  }
0x3b: {  	s15 =	sshra.s32 s15, $0x2;
	v59 =	vld [tilespmem:s13+$0xFFFFFFF0];
	p1 =	sgt.s32 s8, $0xFFF;
	[tilespmem:s14+$0x3060 ss:$0x81] =	vst.msk $0xffff, v3  }
0x3c: {  	v60 =	vld [tilespmem:s13+$0x0];
	s28 =	sshra.s32 s8, $0x1F;
	s12 =	sadd.s32 s15, s12;
	[tilespmem:s14+$0x0 ss:$0x81] =	vst.msk $0xffff, v0;
	s14 =	smov.u32 s8  }
0x3d: {  	v61 =	vld [tilespmem:s13+$0x10];
	s15 =	sand.u32 s28, s8;
	[tilespmem:s12+$0x3870 ss:$0x81] =	vst.msk $0xffff, v4;
	s14 =	simm.s32 @!p1 $0xFFF  }
0x3e: {  	v62 =	vld [tilespmem:s13+$0x20];
	[tilespmem:s12+$0x810 ss:$0x81] =	vst.msk $0xffff, v5;
	s29 =	ssub.s32 s14, s15  }
0x3f: {  	v63 =	vld [tilespmem:s13+$0xFFFFFFC0];
	[tilespmem:s12+$0x1020 ss:$0x81] =	vst.msk $0xffff, v58;
	s14 =	ssub.s32 $0x1000, s29  }
0x40: {  	[tilespmem:s12+$0x1830 ss:$0x81] =	vst.msk $0xffff, v59;
	s14 =	smul.u32 $0xC000, s14  }
.Ltmp4:
0x41: {  	[tilespmem:s12+$0x2040 ss:$0x81] =	vst.msk $0xffff, v60;
	(pc) =	sbr.rel .LBB1_5-.Ltmp4, $4  }
0x42: {  	s30 =	smul.u32 $0x600, s8;
	[tilespmem:s12+$0x2850 ss:$0x81] =	vst.msk $0xffff, v61;
	s13 =	sadd.s32 $0xFFFFF001, s29  }
0x43: {  	[tilespmem:s12+$0x3060 ss:$0x81] =	vst.msk $0xffff, v62;
	p1 =	sgt.s32 s13, $0x0;
	s13 =	sshrl.u32 s14, $0x2  }
0x44: {  	s31 =	sadd.s32 s2, s30;
	[tilespmem:s12+$0x0 ss:$0x81] =	vst.msk $0xffff, v63;
	s13 =	simm.s32 @p1 $0x0  }
0x45: {  	[hbm4b:s31+s6] =	stream.linear.scatter [tilespmem:s11], [sflag:$0x2], s13, $0x20;
	[tilespmem:$0x10100] =	vst v63  }
.LBB1_6:
0x46: {  	_ =	sfence.sel $0x180000  }
0x47: {  	s2 =	simm.s32 $0x1;
	[bflag:$0x0] =	sbarrier.arrive $0xFFFF  }
0x48: {  	s31 =	simm.s32 $0x2;
	[sflag:s2] =	ssyncpa.u1 $0x1  }
0x49: {  	[sflag:s31] =	ssyncpa.u1 $0x1  }
0x4a: {  	p0 =	sne.s32 s1, $0x0;
	_ =	strace $0x90000056  }
0x4b: {  	s0 =	sadd.s32 @!p0 $0x100000, s0;
	[bflag:$0x2] =	sbarrier.arrive $0xFFFF  }
0x4c: {  	[sflag:s0] =	ssyncadd.tile.s32 @!p0 $0x1;
	_ =	shalt  }
.Lfunc_end1:
_tile_overlayer_lowered:
.L_overlay_start_2:
0x4d: {  	(tag) =	ssettag $0x2  }
0x4e: {  	s0 =	rddreg [dreg:$0x0];
	s2 =	stileid.u32  }
0x4f: {  	s1 =	rddreg [dreg:$0x1];
	p0 =	sne.s32 s2, $0x0  }
0x50: {  	s3 =	rddreg [dreg:$0x2];
	[bflag:$0x3] =	sbarrier.arrive $0xFFFF;
	s2 =	simm.s32 @!p0 $0x1C01  }
0x51: {  	[timem:s3], [sflag:s2] =	dma.local @!p0 [hbm:s0], s1  }
0x52: {  	s0 =	simm.s32 @!p0 $0x1  }
0x53: {  	_ =	swait.ge @!p0 [sflag:s0], s1  }
0x54: {  	s1 =	ssub.s32 @!p0 $0x0, s1;
	[sflag:s0] =	ssyncset.done @!p0 $0x0  }
0x55: {  	[sflag:s0] =	ssyncadd.s32 @!p0 s1  }
0x56: {  	[bflag:$0x3] =	sbarrier.arrive $0xFFFF  }
0x57: {  	_ =	shalt  }

</sc_bundles>
